<compile_context>
chip_gen: v7x
topology: tpu7x:2x2x1
jax: 0.10.2.dev20260603
libtpu: 0.0.44.dev20260713+nightly
codegen_flags: <defaults>
</compile_context>

<pallas_src>
import functools
import jax
import jax.numpy as jnp
from jax import lax
from jax.experimental import pallas as pl
from jax.experimental.pallas import tpu as pltpu
from jax.experimental.pallas import tpu_sc as plsc


def kernel(x, spatial_emb):
    b, c, h, w = x.shape
    g = spatial_emb.shape[1]
    ch, cw = h // g, w // g
    band = ch * w
    k = 1
    while (k * band) % 128:
        k += 1
    lanes = k * band
    nrg = g // k
    kg = k * g
    tab_rows = c * nrg
    rows_total = b * tab_rows
    nct = lanes // 128
    ntile = rows_total // 8

    info = plsc.get_sparse_core_info()
    nc, ns = info.num_cores, info.num_subcores
    nw = nc * ns
    tpw = ntile // nw

    tab = jnp.transpose(spatial_emb[0], (2, 0, 1)).reshape(tab_rows * kg)
    l = jnp.arange(lanes, dtype=jnp.int32)
    code = (l // band) * g + (l % w) // cw
    xt = jnp.transpose(x.reshape(ntile, 8, nct, 128), (0, 2, 1, 3))

    mesh = plsc.VectorSubcoreMesh(core_axis_name="c", subcore_axis_name="s")

    @functools.partial(
        pl.kernel,
        out_type=jax.ShapeDtypeStruct((ntile, nct, 8, 128), jnp.float32),
        mesh=mesh,
        scratch_types=(
            [pltpu.VMEM((tpw * 8 * kg,), jnp.float32),
             pltpu.VMEM((lanes,), jnp.int32)]
            + [pltpu.VMEM((nct, 8, 128), jnp.float32) for _ in range(2)]
            + [pltpu.SemaphoreType.DMA for _ in range(4)]
        ),
        compiler_params=pltpu.CompilerParams(needs_layout_passes=False),
    )
    def sc_add(x_hbm, tab_hbm, code_hbm, out_hbm,
               tab_v, code_v, buf0, buf1, si0, si1, so0, so1):
        wid = lax.axis_index("s") * nc + lax.axis_index("c")
        pltpu.sync_copy(code_hbm, code_v)
        rpw = tpw * 8
        lrow0 = lax.rem(wid * rpw, tab_rows)
        pltpu.sync_copy(tab_hbm.at[pl.ds(lrow0 * kg, rpw * kg)], tab_v)
        rt0 = wid * tpw

        bufs = [buf0, buf1]
        sin = [si0, si1]
        sout = [so0, so1]

        def in_copy(gi, s):
            return pltpu.make_async_copy(
                x_hbm.at[rt0 + gi], bufs[s], sin[s])

        def out_copy(gi, s):
            return pltpu.make_async_copy(
                bufs[s], out_hbm.at[rt0 + gi], sout[s])

        def compute(buf, gi, j_lo, j_hi):
            rbase = gi * 8

            @plsc.parallel_loop(j_lo, j_hi, unroll=4)
            def _(j):
                ct = j // 64
                rsub = (j // 8) % 8
                cc = j % 8
                idx = code_v[pl.ds(ct * 128 + cc * 16, 16)] \
                    + (rbase + rsub) * kg
                ev = plsc.load_gather(tab_v, [idx])
                buf[ct, rsub, pl.ds(cc * 16, 16)] = \
                    buf[ct, rsub, pl.ds(cc * 16, 16)] + ev

        nj = nct * 8 * 8
        in_copy(0, 0).start()
        for gi in range(tpw):
            s = gi & 1
            in_copy(gi, s).wait()
            buf = bufs[s]
            compute(buf, gi, 0, nj // 2)
            if gi + 1 < tpw:
                if gi >= 1:
                    out_copy(gi - 1, 1 - s).wait()
                in_copy(gi + 1, 1 - s).start()
            compute(buf, gi, nj // 2, nj)
            out_copy(gi, s).start()

        for gi in (tpw - 2, tpw - 1):
            out_copy(gi, gi & 1).wait()

    out = sc_add(xt, tab, code)
    out = jnp.transpose(out, (0, 2, 1, 3)).reshape(rows_total, lanes)
    return out.reshape(b, c, h, w)

# --- scband reference (transcript-rebuilt; emitter-appended) ---
"""Pipeline reference for scband-spatial-embedding-64604898066679 (READ-ONLY COPY).

The authoritative reference and input builder live on the scoring server;
editing this copy changes nothing except your own understanding.
"""

import jax, jax.numpy as jnp
import numpy as np

B, C, H, W = 2, 192, 224, 224
GRID = 16
D_MODEL = 192

def setup_inputs(seed: int = 0) -> dict:
    key = jax.random.key(seed)
    k1, k2 = jax.random.split(key)
    x = jax.random.normal(k1, (B, C, H, W), dtype=jnp.float32)
    # nn.Parameter(torch.rand(1, grid_size, grid_size, d_model)) -> uniform [0,1)
    spatial_emb = jax.random.uniform(k2, (1, GRID, GRID, D_MODEL), dtype=jnp.float32)
    return {"x": x, "spatial_emb": spatial_emb}

def reference(x, spatial_emb):
    b, c, h, w = x.shape
    grid_size = spatial_emb.shape[1]
    # t_i = int(i / h * grid_size) == floor(i * grid_size / h) for i in [0, h)
    ti = (jnp.arange(h, dtype=jnp.int32) * grid_size) // h
    tj = (jnp.arange(w, dtype=jnp.int32) * grid_size) // w
    # gather: emb[i, j, :] = spatial_emb[0, ti[i], tj[j], :] -> [h, w, d_model]
    emb = spatial_emb[0][ti[:, None], tj[None, :], :]
    # original writes emb[:, :, i, j] = (1, d_model) vector, i.e. channel dim = d_model
    emb = jnp.transpose(emb, (2, 0, 1))  # [d_model, h, w] == [c, h, w]
    return x + emb[None, :, :, :]

if __name__ == "__main__":
    import jax
    _d = setup_inputs()
    print(jax.jit(kernel)(*tuple(_d.values())))

</pallas_src>

<mosaic_0001>
#map = affine_map<(d0, d1) -> (0, 0, 0, 0)>
#map1 = affine_map<(d0, d1) -> (0)>
module attributes {stable_mosaic.version = 14 : i64} {
  func.func @sc_add(%arg0: i32, %arg1: i32, %arg2: memref<384x49x8x128xf32, #tpu.memory_space<hbm>>, %arg3: memref<49152xf32, #tpu.memory_space<hbm>>, %arg4: memref<6272xi32, #tpu.memory_space<hbm>>, %arg5: memref<384x49x8x128xf32, #tpu.memory_space<hbm>>, %arg6: memref<3072xf32, #tpu.memory_space<vmem>>, %arg7: memref<6272xi32, #tpu.memory_space<vmem>>, %arg8: memref<49x8x128xf32, #tpu.memory_space<vmem>>, %arg9: memref<49x8x128xf32, #tpu.memory_space<vmem>>, %arg10: memref<!tpu.dma_semaphore, #tpu.memory_space<semaphore_mem>>, %arg11: memref<!tpu.dma_semaphore, #tpu.memory_space<semaphore_mem>>, %arg12: memref<!tpu.dma_semaphore, #tpu.memory_space<semaphore_mem>>, %arg13: memref<!tpu.dma_semaphore, #tpu.memory_space<semaphore_mem>>) attributes {dimension_semantics = [#tpu.dimension_semantics<core_parallel>, #tpu.dimension_semantics<subcore_parallel>], iteration_bounds = array<i64: 2, 16>, scalar_prefetch = 0 : i64, scratch_operands = 8 : i64, tpu.core_type = #tpu.core_type<sc_vector_subcore>, window_params = [{transform_indices = #map}, {transform_indices = #map1}, {transform_indices = #map1}, {transform_indices = #map}]} {
    %mul3A = arith.constant 2 : i32
    %mul3A_0 = arith.muli %arg1, %mul3A : i32
    %add3A = arith.addi %mul3A_0, %arg0 : i32
    "tpu.region"() ({
      %run_scoped3A = tpu.sem_alloc : memref<!tpu.dma_semaphore, #tpu.memory_space<semaphore_mem>>
      tpu.enqueue_dma source(%arg4 : memref<6272xi32, #tpu.memory_space<hbm>>) target(%arg7 : memref<6272xi32, #tpu.memory_space<vmem>>) target_semaphore(%run_scoped3A : memref<!tpu.dma_semaphore, #tpu.memory_space<semaphore_mem>>)
      tpu.wait_dma2 semaphore(%run_scoped3A : memref<!tpu.dma_semaphore, #tpu.memory_space<semaphore_mem>>) src(%arg4 : memref<6272xi32, #tpu.memory_space<hbm>>) dst(%arg7 : memref<6272xi32, #tpu.memory_space<vmem>>)
      tpu.yield
    }) : () -> ()
    %mul3A_1 = arith.constant 96 : i32
    %mul3A_2 = arith.muli %add3A, %mul3A_1 : i32
    %rem3A = arith.constant 1536 : i32
    %rem3A_3 = arith.remsi %mul3A_2, %rem3A : i32
    %mul3A_4 = arith.constant 32 : i32
    %mul3A_5 = arith.muli %rem3A_3, %mul3A_4 : i32
    "tpu.region"() ({
      %run_scoped3A = tpu.sem_alloc : memref<!tpu.dma_semaphore, #tpu.memory_space<semaphore_mem>>
      %dma_start3A_653 = tpu.memref_slice %arg3[%mul3A_5] : memref<49152xf32, #tpu.memory_space<hbm>> -> memref<3072xf32, #tpu.memory_space<hbm>>
      %dma_start3A_654 = tpu.memref_slice %arg3[%mul3A_5] : memref<49152xf32, #tpu.memory_space<hbm>> -> memref<3072xf32, #tpu.memory_space<hbm>>
      tpu.enqueue_dma source(%dma_start3A_654 : memref<3072xf32, #tpu.memory_space<hbm>>) target(%arg6 : memref<3072xf32, #tpu.memory_space<vmem>>) target_semaphore(%run_scoped3A : memref<!tpu.dma_semaphore, #tpu.memory_space<semaphore_mem>>)
      %dma_wait3A_655 = tpu.memref_slice %arg3[%mul3A_5] : memref<49152xf32, #tpu.memory_space<hbm>> -> memref<3072xf32, #tpu.memory_space<hbm>>
      %dma_wait3A_656 = tpu.memref_slice %arg3[%mul3A_5] : memref<49152xf32, #tpu.memory_space<hbm>> -> memref<3072xf32, #tpu.memory_space<hbm>>
      tpu.wait_dma2 semaphore(%run_scoped3A : memref<!tpu.dma_semaphore, #tpu.memory_space<semaphore_mem>>) src(%dma_wait3A_656 : memref<3072xf32, #tpu.memory_space<hbm>>) dst(%arg6 : memref<3072xf32, #tpu.memory_space<vmem>>)
      tpu.yield
    }) : () -> ()
    %mul3A_6 = arith.constant 12 : i32
    %mul3A_7 = arith.muli %add3A, %mul3A_6 : i32
    %add3A_8 = arith.constant 0 : i32
    %add3A_9 = arith.addi %mul3A_7, %add3A_8 : i32
    %dma_start3A = arith.constant 0 : i32
    %dma_start3A_10 = arith.constant 0 : i32
    %dma_start3A_11 = arith.constant 0 : i32
    %dma_start3A_12 = tpu.memref_slice %arg2[%add3A_9, %dma_start3A, %dma_start3A_10, %dma_start3A_11] : memref<384x49x8x128xf32, #tpu.memory_space<hbm>> -> memref<1x49x8x128xf32, #tpu.memory_space<hbm>>
    %dma_start3A_13 = tpu.memref_squeeze %dma_start3A_12 : memref<1x49x8x128xf32, #tpu.memory_space<hbm>> -> memref<49x8x128xf32, #tpu.memory_space<hbm>>
    %dma_start3A_14 = arith.constant 0 : i32
    %dma_start3A_15 = arith.constant 0 : i32
    %dma_start3A_16 = arith.constant 0 : i32
    %dma_start3A_17 = tpu.memref_slice %arg2[%add3A_9, %dma_start3A_14, %dma_start3A_15, %dma_start3A_16] : memref<384x49x8x128xf32, #tpu.memory_space<hbm>> -> memref<1x49x8x128xf32, #tpu.memory_space<hbm>>
    %dma_start3A_18 = tpu.memref_squeeze %dma_start3A_17 : memref<1x49x8x128xf32, #tpu.memory_space<hbm>> -> memref<49x8x128xf32, #tpu.memory_space<hbm>>
    tpu.enqueue_dma source(%dma_start3A_18 : memref<49x8x128xf32, #tpu.memory_space<hbm>>) target(%arg8 : memref<49x8x128xf32, #tpu.memory_space<vmem>>) target_semaphore(%arg10 : memref<!tpu.dma_semaphore, #tpu.memory_space<semaphore_mem>>)
    %add3A_19 = arith.constant 0 : i32
    %add3A_20 = arith.addi %mul3A_7, %add3A_19 : i32
    %dma_wait3A = arith.constant 0 : i32
    %dma_wait3A_21 = arith.constant 0 : i32
    %dma_wait3A_22 = arith.constant 0 : i32
    %dma_wait3A_23 = tpu.memref_slice %arg2[%add3A_20, %dma_wait3A, %dma_wait3A_21, %dma_wait3A_22] : memref<384x49x8x128xf32, #tpu.memory_space<hbm>> -> memref<1x49x8x128xf32, #tpu.memory_space<hbm>>
    %dma_wait3A_24 = tpu.memref_squeeze %dma_wait3A_23 : memref<1x49x8x128xf32, #tpu.memory_space<hbm>> -> memref<49x8x128xf32, #tpu.memory_space<hbm>>
    %dma_wait3A_25 = arith.constant 0 : i32
    %dma_wait3A_26 = arith.constant 0 : i32
    %dma_wait3A_27 = arith.constant 0 : i32
    %dma_wait3A_28 = tpu.memref_slice %arg2[%add3A_20, %dma_wait3A_25, %dma_wait3A_26, %dma_wait3A_27] : memref<384x49x8x128xf32, #tpu.memory_space<hbm>> -> memref<1x49x8x128xf32, #tpu.memory_space<hbm>>
    %dma_wait3A_29 = tpu.memref_squeeze %dma_wait3A_28 : memref<1x49x8x128xf32, #tpu.memory_space<hbm>> -> memref<49x8x128xf32, #tpu.memory_space<hbm>>
    tpu.wait_dma2 semaphore(%arg10 : memref<!tpu.dma_semaphore, #tpu.memory_space<semaphore_mem>>) src(%dma_wait3A_29 : memref<49x8x128xf32, #tpu.memory_space<hbm>>) dst(%arg8 : memref<49x8x128xf32, #tpu.memory_space<vmem>>)
    %parallel_loop3A = arith.constant 0 : i32
    %parallel_loop3A_30 = arith.constant 1568 : i32
    %parallel_loop3A_31 = arith.constant 1 : i32
    scf.for %parallel_loop3A_653 = %parallel_loop3A to %parallel_loop3A_30 step %parallel_loop3A_31  : i32 {
      %parallel_loop3A_654 = arith.constant 64 : i32
      %parallel_loop3A_655 = arith.divsi %parallel_loop3A_653, %parallel_loop3A_654 : i32
      %parallel_loop3A_656 = arith.constant 0 : i32
      %parallel_loop3A_657 = arith.cmpi sgt, %parallel_loop3A_653, %parallel_loop3A_656 : i32
      %parallel_loop3A_658 = arith.extui %parallel_loop3A_657 : i1 to i32
      %parallel_loop3A_659 = arith.constant 0 : i32
      %parallel_loop3A_660 = arith.cmpi slt, %parallel_loop3A_653, %parallel_loop3A_659 : i32
      %parallel_loop3A_661 = arith.extui %parallel_loop3A_660 : i1 to i32
      %parallel_loop3A_662 = arith.subi %parallel_loop3A_658, %parallel_loop3A_661 : i32
      %parallel_loop3A_663 = arith.constant 0 : i32
      %parallel_loop3A_664 = arith.cmpi sgt, %parallel_loop3A_654, %parallel_loop3A_663 : i32
      %parallel_loop3A_665 = arith.extui %parallel_loop3A_664 : i1 to i32
      %parallel_loop3A_666 = arith.constant 0 : i32
      %parallel_loop3A_667 = arith.cmpi slt, %parallel_loop3A_654, %parallel_loop3A_666 : i32
      %parallel_loop3A_668 = arith.extui %parallel_loop3A_667 : i1 to i32
      %parallel_loop3A_669 = arith.subi %parallel_loop3A_665, %parallel_loop3A_668 : i32
      %parallel_loop3A_670 = arith.cmpi ne, %parallel_loop3A_662, %parallel_loop3A_669 : i32
      %parallel_loop3A_671 = arith.remsi %parallel_loop3A_653, %parallel_loop3A_654 : i32
      %parallel_loop3A_672 = arith.constant 0 : i32
      %parallel_loop3A_673 = arith.cmpi ne, %parallel_loop3A_671, %parallel_loop3A_672 : i32
      %parallel_loop3A_674 = arith.andi %parallel_loop3A_670, %parallel_loop3A_673 : i1
      %parallel_loop3A_675 = arith.constant 1 : i32
      %parallel_loop3A_676 = arith.subi %parallel_loop3A_655, %parallel_loop3A_675 : i32
      %parallel_loop3A_677 = arith.select %parallel_loop3A_674, %parallel_loop3A_676, %parallel_loop3A_655 : i32
      %parallel_loop3A_678 = arith.constant 8 : i32
      %parallel_loop3A_679 = arith.divsi %parallel_loop3A_653, %parallel_loop3A_678 : i32
      %parallel_loop3A_680 = arith.constant 0 : i32
      %parallel_loop3A_681 = arith.cmpi sgt, %parallel_loop3A_653, %parallel_loop3A_680 : i32
      %parallel_loop3A_682 = arith.extui %parallel_loop3A_681 : i1 to i32
      %parallel_loop3A_683 = arith.constant 0 : i32
      %parallel_loop3A_684 = arith.cmpi slt, %parallel_loop3A_653, %parallel_loop3A_683 : i32
      %parallel_loop3A_685 = arith.extui %parallel_loop3A_684 : i1 to i32
      %parallel_loop3A_686 = arith.subi %parallel_loop3A_682, %parallel_loop3A_685 : i32
      %parallel_loop3A_687 = arith.constant 0 : i32
      %parallel_loop3A_688 = arith.cmpi sgt, %parallel_loop3A_678, %parallel_loop3A_687 : i32
      %parallel_loop3A_689 = arith.extui %parallel_loop3A_688 : i1 to i32
      %parallel_loop3A_690 = arith.constant 0 : i32
      %parallel_loop3A_691 = arith.cmpi slt, %parallel_loop3A_678, %parallel_loop3A_690 : i32
      %parallel_loop3A_692 = arith.extui %parallel_loop3A_691 : i1 to i32
      %parallel_loop3A_693 = arith.subi %parallel_loop3A_689, %parallel_loop3A_692 : i32
      %parallel_loop3A_694 = arith.cmpi ne, %parallel_loop3A_686, %parallel_loop3A_693 : i32
      %parallel_loop3A_695 = arith.remsi %parallel_loop3A_653, %parallel_loop3A_678 : i32
      %parallel_loop3A_696 = arith.constant 0 : i32
      %parallel_loop3A_697 = arith.cmpi ne, %parallel_loop3A_695, %parallel_loop3A_696 : i32
      %parallel_loop3A_698 = arith.andi %parallel_loop3A_694, %parallel_loop3A_697 : i1
      %parallel_loop3A_699 = arith.constant 1 : i32
      %parallel_loop3A_700 = arith.subi %parallel_loop3A_679, %parallel_loop3A_699 : i32
      %parallel_loop3A_701 = arith.select %parallel_loop3A_698, %parallel_loop3A_700, %parallel_loop3A_679 : i32
      %parallel_loop3A_702 = arith.constant 8 : i32
      %parallel_loop3A_703 = arith.constant 0 : i32
      %parallel_loop3A_704 = arith.cmpi eq, %parallel_loop3A_702, %parallel_loop3A_703 : i32
      %parallel_loop3A_705 = arith.constant 1 : i32
      %parallel_loop3A_706 = arith.select %parallel_loop3A_704, %parallel_loop3A_705, %parallel_loop3A_702 : i32
      %parallel_loop3A_707 = arith.remsi %parallel_loop3A_701, %parallel_loop3A_706 : i32
      %parallel_loop3A_708 = arith.constant 0 : i32
      %parallel_loop3A_709 = arith.cmpi ne, %parallel_loop3A_707, %parallel_loop3A_708 : i32
      %parallel_loop3A_710 = arith.constant 0 : i32
      %parallel_loop3A_711 = arith.cmpi slt, %parallel_loop3A_707, %parallel_loop3A_710 : i32
      %parallel_loop3A_712 = arith.constant 0 : i32
      %parallel_loop3A_713 = arith.cmpi slt, %parallel_loop3A_706, %parallel_loop3A_712 : i32
      %parallel_loop3A_714 = arith.xori %parallel_loop3A_711, %parallel_loop3A_713 : i1
      %parallel_loop3A_715 = arith.andi %parallel_loop3A_714, %parallel_loop3A_709 : i1
      %parallel_loop3A_716 = arith.addi %parallel_loop3A_707, %parallel_loop3A_706 : i32
      %parallel_loop3A_717 = arith.select %parallel_loop3A_715, %parallel_loop3A_716, %parallel_loop3A_707 : i32
      %parallel_loop3A_718 = arith.constant 8 : i32
      %parallel_loop3A_719 = arith.constant 0 : i32
      %parallel_loop3A_720 = arith.cmpi eq, %parallel_loop3A_718, %parallel_loop3A_719 : i32
      %parallel_loop3A_721 = arith.constant 1 : i32
      %parallel_loop3A_722 = arith.select %parallel_loop3A_720, %parallel_loop3A_721, %parallel_loop3A_718 : i32
      %parallel_loop3A_723 = arith.remsi %parallel_loop3A_653, %parallel_loop3A_722 : i32
      %parallel_loop3A_724 = arith.constant 0 : i32
      %parallel_loop3A_725 = arith.cmpi ne, %parallel_loop3A_723, %parallel_loop3A_724 : i32
      %parallel_loop3A_726 = arith.constant 0 : i32
      %parallel_loop3A_727 = arith.cmpi slt, %parallel_loop3A_723, %parallel_loop3A_726 : i32
      %parallel_loop3A_728 = arith.constant 0 : i32
      %parallel_loop3A_729 = arith.cmpi slt, %parallel_loop3A_722, %parallel_loop3A_728 : i32
      %parallel_loop3A_730 = arith.xori %parallel_loop3A_727, %parallel_loop3A_729 : i1
      %parallel_loop3A_731 = arith.andi %parallel_loop3A_730, %parallel_loop3A_725 : i1
      %parallel_loop3A_732 = arith.addi %parallel_loop3A_723, %parallel_loop3A_722 : i32
      %parallel_loop3A_733 = arith.select %parallel_loop3A_731, %parallel_loop3A_732, %parallel_loop3A_723 : i32
      %parallel_loop3A_734 = arith.constant 128 : i32
      %parallel_loop3A_735 = arith.muli %parallel_loop3A_677, %parallel_loop3A_734 : i32
      %parallel_loop3A_736 = arith.constant 16 : i32
      %parallel_loop3A_737 = arith.muli %parallel_loop3A_733, %parallel_loop3A_736 : i32
      %parallel_loop3A_738 = arith.addi %parallel_loop3A_735, %parallel_loop3A_737 : i32
      %parallel_loop3A_739 = arith.index_cast %parallel_loop3A_738 : i32 to index
      %parallel_loop3A_740 = tpu.vector_load %arg7[%parallel_loop3A_739] {strides = array<i32>} : memref<6272xi32, #tpu.memory_space<vmem>>, vector<16xi32>,
      %parallel_loop3A_741 = arith.constant 0 : i32
      %parallel_loop3A_742 = arith.addi %parallel_loop3A_741, %parallel_loop3A_717 : i32
      %parallel_loop3A_743 = arith.constant 32 : i32
      %parallel_loop3A_744 = arith.muli %parallel_loop3A_742, %parallel_loop3A_743 : i32
      %parallel_loop3A_745 = vector.broadcast %parallel_loop3A_744 : i32 to vector<16xi32>
      %parallel_loop3A_746 = arith.addi %parallel_loop3A_740, %parallel_loop3A_745 : vector<16xi32>
      %parallel_loop3A_747 = tpu.vector_load_idx %arg6[%parallel_loop3A_746] : memref<3072xf32, #tpu.memory_space<vmem>>[vector<16xi32>], vector<16xf32>,
      %parallel_loop3A_748 = arith.constant 16 : i32
      %parallel_loop3A_749 = arith.muli %parallel_loop3A_733, %parallel_loop3A_748 : i32
      %parallel_loop3A_750 = arith.index_cast %parallel_loop3A_677 : i32 to index
      %parallel_loop3A_751 = arith.index_cast %parallel_loop3A_717 : i32 to index
      %parallel_loop3A_752 = arith.index_cast %parallel_loop3A_749 : i32 to index
      %parallel_loop3A_753 = tpu.vector_load %arg8[%parallel_loop3A_750, %parallel_loop3A_751, %parallel_loop3A_752] {strides = array<i32>} : memref<49x8x128xf32, #tpu.memory_space<vmem>>, vector<16xf32>,
      %parallel_loop3A_754 = arith.addf %parallel_loop3A_753, %parallel_loop3A_747 : vector<16xf32>
      %parallel_loop3A_755 = arith.constant 16 : i32
      %parallel_loop3A_756 = arith.muli %parallel_loop3A_733, %parallel_loop3A_755 : i32
      %parallel_loop3A_757 = arith.index_cast %parallel_loop3A_677 : i32 to index
      %parallel_loop3A_758 = arith.index_cast %parallel_loop3A_717 : i32 to index
      %parallel_loop3A_759 = arith.index_cast %parallel_loop3A_756 : i32 to index
      %parallel_loop3A_760 = tpu.vector_load %arg8[%parallel_loop3A_757, %parallel_loop3A_758, %parallel_loop3A_759] {strides = array<i32>} : memref<49x8x128xf32, #tpu.memory_space<vmem>>, vector<16xf32>,
      tpu.vector_store %arg8[%parallel_loop3A_757, %parallel_loop3A_758, %parallel_loop3A_759], %parallel_loop3A_754 {strides = array<i32>} : memref<49x8x128xf32, #tpu.memory_space<vmem>>, vector<16xf32>,
    } {sc.loop_unroll_factor = 4 : i64, sc.parallel_access}
    %add3A_32 = arith.constant 1 : i32
    %add3A_33 = arith.addi %mul3A_7, %add3A_32 : i32
    %dma_start3A_34 = arith.constant 0 : i32
    %dma_start3A_35 = arith.constant 0 : i32
    %dma_start3A_36 = arith.constant 0 : i32
    %dma_start3A_37 = tpu.memref_slice %arg2[%add3A_33, %dma_start3A_34, %dma_start3A_35, %dma_start3A_36] : memref<384x49x8x128xf32, #tpu.memory_space<hbm>> -> memref<1x49x8x128xf32, #tpu.memory_space<hbm>>
    %dma_start3A_38 = tpu.memref_squeeze %dma_start3A_37 : memref<1x49x8x128xf32, #tpu.memory_space<hbm>> -> memref<49x8x128xf32, #tpu.memory_space<hbm>>
    %dma_start3A_39 = arith.constant 0 : i32
    %dma_start3A_40 = arith.constant 0 : i32
    %dma_start3A_41 = arith.constant 0 : i32
    %dma_start3A_42 = tpu.memref_slice %arg2[%add3A_33, %dma_start3A_39, %dma_start3A_40, %dma_start3A_41] : memref<384x49x8x128xf32, #tpu.memory_space<hbm>> -> memref<1x49x8x128xf32, #tpu.memory_space<hbm>>
    %dma_start3A_43 = tpu.memref_squeeze %dma_start3A_42 : memref<1x49x8x128xf32, #tpu.memory_space<hbm>> -> memref<49x8x128xf32, #tpu.memory_space<hbm>>
    tpu.enqueue_dma source(%dma_start3A_43 : memref<49x8x128xf32, #tpu.memory_space<hbm>>) target(%arg9 : memref<49x8x128xf32, #tpu.memory_space<vmem>>) target_semaphore(%arg11 : memref<!tpu.dma_semaphore, #tpu.memory_space<semaphore_mem>>)
    %parallel_loop3A_44 = arith.constant 1568 : i32
    %parallel_loop3A_45 = arith.constant 3136 : i32
    %parallel_loop3A_46 = arith.constant 1 : i32
    scf.for %parallel_loop3A_653 = %parallel_loop3A_44 to %parallel_loop3A_45 step %parallel_loop3A_46  : i32 {
      %parallel_loop3A_654 = arith.constant 64 : i32
      %parallel_loop3A_655 = arith.divsi %parallel_loop3A_653, %parallel_loop3A_654 : i32
      %parallel_loop3A_656 = arith.constant 0 : i32
      %parallel_loop3A_657 = arith.cmpi sgt, %parallel_loop3A_653, %parallel_loop3A_656 : i32
      %parallel_loop3A_658 = arith.extui %parallel_loop3A_657 : i1 to i32
      %parallel_loop3A_659 = arith.constant 0 : i32
      %parallel_loop3A_660 = arith.cmpi slt, %parallel_loop3A_653, %parallel_loop3A_659 : i32
      %parallel_loop3A_661 = arith.extui %parallel_loop3A_660 : i1 to i32
      %parallel_loop3A_662 = arith.subi %parallel_loop3A_658, %parallel_loop3A_661 : i32
      %parallel_loop3A_663 = arith.constant 0 : i32
      %parallel_loop3A_664 = arith.cmpi sgt, %parallel_loop3A_654, %parallel_loop3A_663 : i32
      %parallel_loop3A_665 = arith.extui %parallel_loop3A_664 : i1 to i32
      %parallel_loop3A_666 = arith.constant 0 : i32
      %parallel_loop3A_667 = arith.cmpi slt, %parallel_loop3A_654, %parallel_loop3A_666 : i32
      %parallel_loop3A_668 = arith.extui %parallel_loop3A_667 : i1 to i32
      %parallel_loop3A_669 = arith.subi %parallel_loop3A_665, %parallel_loop3A_668 : i32
      %parallel_loop3A_670 = arith.cmpi ne, %parallel_loop3A_662, %parallel_loop3A_669 : i32
      %parallel_loop3A_671 = arith.remsi %parallel_loop3A_653, %parallel_loop3A_654 : i32
      %parallel_loop3A_672 = arith.constant 0 : i32
      %parallel_loop3A_673 = arith.cmpi ne, %parallel_loop3A_671, %parallel_loop3A_672 : i32
      %parallel_loop3A_674 = arith.andi %parallel_loop3A_670, %parallel_loop3A_673 : i1
      %parallel_loop3A_675 = arith.constant 1 : i32
      %parallel_loop3A_676 = arith.subi %parallel_loop3A_655, %parallel_loop3A_675 : i32
      %parallel_loop3A_677 = arith.select %parallel_loop3A_674, %parallel_loop3A_676, %parallel_loop3A_655 : i32
      %parallel_loop3A_678 = arith.constant 8 : i32
      %parallel_loop3A_679 = arith.divsi %parallel_loop3A_653, %parallel_loop3A_678 : i32
      %parallel_loop3A_680 = arith.constant 0 : i32
      %parallel_loop3A_681 = arith.cmpi sgt, %parallel_loop3A_653, %parallel_loop3A_680 : i32
      %parallel_loop3A_682 = arith.extui %parallel_loop3A_681 : i1 to i32
      %parallel_loop3A_683 = arith.constant 0 : i32
      %parallel_loop3A_684 = arith.cmpi slt, %parallel_loop3A_653, %parallel_loop3A_683 : i32
      %parallel_loop3A_685 = arith.extui %parallel_loop3A_684 : i1 to i32
      %parallel_loop3A_686 = arith.subi %parallel_loop3A_682, %parallel_loop3A_685 : i32
      %parallel_loop3A_687 = arith.constant 0 : i32
      %parallel_loop3A_688 = arith.cmpi sgt, %parallel_loop3A_678, %parallel_loop3A_687 : i32
      %parallel_loop3A_689 = arith.extui %parallel_loop3A_688 : i1 to i32
      %parallel_loop3A_690 = arith.constant 0 : i32
      %parallel_loop3A_691 = arith.cmpi slt, %parallel_loop3A_678, %parallel_loop3A_690 : i32
      %parallel_loop3A_692 = arith.extui %parallel_loop3A_691 : i1 to i32
      %parallel_loop3A_693 = arith.subi %parallel_loop3A_689, %parallel_loop3A_692 : i32
      %parallel_loop3A_694 = arith.cmpi ne, %parallel_loop3A_686, %parallel_loop3A_693 : i32
      %parallel_loop3A_695 = arith.remsi %parallel_loop3A_653, %parallel_loop3A_678 : i32
      %parallel_loop3A_696 = arith.constant 0 : i32
      %parallel_loop3A_697 = arith.cmpi ne, %parallel_loop3A_695, %parallel_loop3A_696 : i32
      %parallel_loop3A_698 = arith.andi %parallel_loop3A_694, %parallel_loop3A_697 : i1
      %parallel_loop3A_699 = arith.constant 1 : i32
      %parallel_loop3A_700 = arith.subi %parallel_loop3A_679, %parallel_loop3A_699 : i32
      %parallel_loop3A_701 = arith.select %parallel_loop3A_698, %parallel_loop3A_700, %parallel_loop3A_679 : i32
      %parallel_loop3A_702 = arith.constant 8 : i32
      %parallel_loop3A_703 = arith.constant 0 : i32
      %parallel_loop3A_704 = arith.cmpi eq, %parallel_loop3A_702, %parallel_loop3A_703 : i32
      %parallel_loop3A_705 = arith.constant 1 : i32
      %parallel_loop3A_706 = arith.select %parallel_loop3A_704, %parallel_loop3A_705, %parallel_loop3A_702 : i32
      %parallel_loop3A_707 = arith.remsi %parallel_loop3A_701, %parallel_loop3A_706 : i32
      %parallel_loop3A_708 = arith.constant 0 : i32
      %parallel_loop3A_709 = arith.cmpi ne, %parallel_loop3A_707, %parallel_loop3A_708 : i32
      %parallel_loop3A_710 = arith.constant 0 : i32
      %parallel_loop3A_711 = arith.cmpi slt, %parallel_loop3A_707, %parallel_loop3A_710 : i32
      %parallel_loop3A_712 = arith.constant 0 : i32
      %parallel_loop3A_713 = arith.cmpi slt, %parallel_loop3A_706, %parallel_loop3A_712 : i32
      %parallel_loop3A_714 = arith.xori %parallel_loop3A_711, %parallel_loop3A_713 : i1
      %parallel_loop3A_715 = arith.andi %parallel_loop3A_714, %parallel_loop3A_709 : i1
      %parallel_loop3A_716 = arith.addi %parallel_loop3A_707, %parallel_loop3A_706 : i32
      %parallel_loop3A_717 = arith.select %parallel_loop3A_715, %parallel_loop3A_716, %parallel_loop3A_707 : i32
      %parallel_loop3A_718 = arith.constant 8 : i32
      %parallel_loop3A_719 = arith.constant 0 : i32
      %parallel_loop3A_720 = arith.cmpi eq, %parallel_loop3A_718, %parallel_loop3A_719 : i32
      %parallel_loop3A_721 = arith.constant 1 : i32
      %parallel_loop3A_722 = arith.select %parallel_loop3A_720, %parallel_loop3A_721, %parallel_loop3A_718 : i32
      %parallel_loop3A_723 = arith.remsi %parallel_loop3A_653, %parallel_loop3A_722 : i32
      %parallel_loop3A_724 = arith.constant 0 : i32
      %parallel_loop3A_725 = arith.cmpi ne, %parallel_loop3A_723, %parallel_loop3A_724 : i32
      %parallel_loop3A_726 = arith.constant 0 : i32
      %parallel_loop3A_727 = arith.cmpi slt, %parallel_loop3A_723, %parallel_loop3A_726 : i32
      %parallel_loop3A_728 = arith.constant 0 : i32
      %parallel_loop3A_729 = arith.cmpi slt, %parallel_loop3A_722, %parallel_loop3A_728 : i32
      %parallel_loop3A_730 = arith.xori %parallel_loop3A_727, %parallel_loop3A_729 : i1
      %parallel_loop3A_731 = arith.andi %parallel_loop3A_730, %parallel_loop3A_725 : i1
      %parallel_loop3A_732 = arith.addi %parallel_loop3A_723, %parallel_loop3A_722 : i32
      %parallel_loop3A_733 = arith.select %parallel_loop3A_731, %parallel_loop3A_732, %parallel_loop3A_723 : i32
      %parallel_loop3A_734 = arith.constant 128 : i32
      %parallel_loop3A_735 = arith.muli %parallel_loop3A_677, %parallel_loop3A_734 : i32
      %parallel_loop3A_736 = arith.constant 16 : i32
      %parallel_loop3A_737 = arith.muli %parallel_loop3A_733, %parallel_loop3A_736 : i32
      %parallel_loop3A_738 = arith.addi %parallel_loop3A_735, %parallel_loop3A_737 : i32
      %parallel_loop3A_739 = arith.index_cast %parallel_loop3A_738 : i32 to index
      %parallel_loop3A_740 = tpu.vector_load %arg7[%parallel_loop3A_739] {strides = array<i32>} : memref<6272xi32, #tpu.memory_space<vmem>>, vector<16xi32>,
      %parallel_loop3A_741 = arith.constant 0 : i32
      %parallel_loop3A_742 = arith.addi %parallel_loop3A_741, %parallel_loop3A_717 : i32
      %parallel_loop3A_743 = arith.constant 32 : i32
      %parallel_loop3A_744 = arith.muli %parallel_loop3A_742, %parallel_loop3A_743 : i32
      %parallel_loop3A_745 = vector.broadcast %parallel_loop3A_744 : i32 to vector<16xi32>
      %parallel_loop3A_746 = arith.addi %parallel_loop3A_740, %parallel_loop3A_745 : vector<16xi32>
      %parallel_loop3A_747 = tpu.vector_load_idx %arg6[%parallel_loop3A_746] : memref<3072xf32, #tpu.memory_space<vmem>>[vector<16xi32>], vector<16xf32>,
      %parallel_loop3A_748 = arith.constant 16 : i32
      %parallel_loop3A_749 = arith.muli %parallel_loop3A_733, %parallel_loop3A_748 : i32
      %parallel_loop3A_750 = arith.index_cast %parallel_loop3A_677 : i32 to index
      %parallel_loop3A_751 = arith.index_cast %parallel_loop3A_717 : i32 to index
      %parallel_loop3A_752 = arith.index_cast %parallel_loop3A_749 : i32 to index
      %parallel_loop3A_753 = tpu.vector_load %arg8[%parallel_loop3A_750, %parallel_loop3A_751, %parallel_loop3A_752] {strides = array<i32>} : memref<49x8x128xf32, #tpu.memory_space<vmem>>, vector<16xf32>,
      %parallel_loop3A_754 = arith.addf %parallel_loop3A_753, %parallel_loop3A_747 : vector<16xf32>
      %parallel_loop3A_755 = arith.constant 16 : i32
      %parallel_loop3A_756 = arith.muli %parallel_loop3A_733, %parallel_loop3A_755 : i32
      %parallel_loop3A_757 = arith.index_cast %parallel_loop3A_677 : i32 to index
      %parallel_loop3A_758 = arith.index_cast %parallel_loop3A_717 : i32 to index
      %parallel_loop3A_759 = arith.index_cast %parallel_loop3A_756 : i32 to index
      %parallel_loop3A_760 = tpu.vector_load %arg8[%parallel_loop3A_757, %parallel_loop3A_758, %parallel_loop3A_759] {strides = array<i32>} : memref<49x8x128xf32, #tpu.memory_space<vmem>>, vector<16xf32>,
      tpu.vector_store %arg8[%parallel_loop3A_757, %parallel_loop3A_758, %parallel_loop3A_759], %parallel_loop3A_754 {strides = array<i32>} : memref<49x8x128xf32, #tpu.memory_space<vmem>>, vector<16xf32>,
    } {sc.loop_unroll_factor = 4 : i64, sc.parallel_access}
    %add3A_47 = arith.constant 0 : i32
    %add3A_48 = arith.addi %mul3A_7, %add3A_47 : i32
    %dma_start3A_49 = arith.constant 0 : i32
    %dma_start3A_50 = arith.constant 0 : i32
    %dma_start3A_51 = arith.constant 0 : i32
    %dma_start3A_52 = tpu.memref_slice %arg5[%add3A_48, %dma_start3A_49, %dma_start3A_50, %dma_start3A_51] : memref<384x49x8x128xf32, #tpu.memory_space<hbm>> -> memref<1x49x8x128xf32, #tpu.memory_space<hbm>>
    %dma_start3A_53 = tpu.memref_squeeze %dma_start3A_52 : memref<1x49x8x128xf32, #tpu.memory_space<hbm>> -> memref<49x8x128xf32, #tpu.memory_space<hbm>>
    %dma_start3A_54 = arith.constant 0 : i32
    %dma_start3A_55 = arith.constant 0 : i32
    %dma_start3A_56 = arith.constant 0 : i32
    %dma_start3A_57 = tpu.memref_slice %arg5[%add3A_48, %dma_start3A_54, %dma_start3A_55, %dma_start3A_56] : memref<384x49x8x128xf32, #tpu.memory_space<hbm>> -> memref<1x49x8x128xf32, #tpu.memory_space<hbm>>
    %dma_start3A_58 = tpu.memref_squeeze %dma_start3A_57 : memref<1x49x8x128xf32, #tpu.memory_space<hbm>> -> memref<49x8x128xf32, #tpu.memory_space<hbm>>
    tpu.enqueue_dma source(%arg8 : memref<49x8x128xf32, #tpu.memory_space<vmem>>) target(%dma_start3A_58 : memref<49x8x128xf32, #tpu.memory_space<hbm>>) target_semaphore(%arg12 : memref<!tpu.dma_semaphore, #tpu.memory_space<semaphore_mem>>)
    %add3A_59 = arith.constant 1 : i32
    %add3A_60 = arith.addi %mul3A_7, %add3A_59 : i32
    %dma_wait3A_61 = arith.constant 0 : i32
    %dma_wait3A_62 = arith.constant 0 : i32
    %dma_wait3A_63 = arith.constant 0 : i32
    %dma_wait3A_64 = tpu.memref_slice %arg2[%add3A_60, %dma_wait3A_61, %dma_wait3A_62, %dma_wait3A_63] : memref<384x49x8x128xf32, #tpu.memory_space<hbm>> -> memref<1x49x8x128xf32, #tpu.memory_space<hbm>>
    %dma_wait3A_65 = tpu.memref_squeeze %dma_wait3A_64 : memref<1x49x8x128xf32, #tpu.memory_space<hbm>> -> memref<49x8x128xf32, #tpu.memory_space<hbm>>
    %dma_wait3A_66 = arith.constant 0 : i32
    %dma_wait3A_67 = arith.constant 0 : i32
    %dma_wait3A_68 = arith.constant 0 : i32
    %dma_wait3A_69 = tpu.memref_slice %arg2[%add3A_60, %dma_wait3A_66, %dma_wait3A_67, %dma_wait3A_68] : memref<384x49x8x128xf32, #tpu.memory_space<hbm>> -> memref<1x49x8x128xf32, #tpu.memory_space<hbm>>
    %dma_wait3A_70 = tpu.memref_squeeze %dma_wait3A_69 : memref<1x49x8x128xf32, #tpu.memory_space<hbm>> -> memref<49x8x128xf32, #tpu.memory_space<hbm>>
    tpu.wait_dma2 semaphore(%arg11 : memref<!tpu.dma_semaphore, #tpu.memory_space<semaphore_mem>>) src(%dma_wait3A_70 : memref<49x8x128xf32, #tpu.memory_space<hbm>>) dst(%arg9 : memref<49x8x128xf32, #tpu.memory_space<vmem>>)
    %parallel_loop3A_71 = arith.constant 0 : i32
    %parallel_loop3A_72 = arith.constant 1568 : i32
    %parallel_loop3A_73 = arith.constant 1 : i32
    scf.for %parallel_loop3A_653 = %parallel_loop3A_71 to %parallel_loop3A_72 step %parallel_loop3A_73  : i32 {
      %parallel_loop3A_654 = arith.constant 64 : i32
      %parallel_loop3A_655 = arith.divsi %parallel_loop3A_653, %parallel_loop3A_654 : i32
      %parallel_loop3A_656 = arith.constant 0 : i32
      %parallel_loop3A_657 = arith.cmpi sgt, %parallel_loop3A_653, %parallel_loop3A_656 : i32
      %parallel_loop3A_658 = arith.extui %parallel_loop3A_657 : i1 to i32
      %parallel_loop3A_659 = arith.constant 0 : i32
      %parallel_loop3A_660 = arith.cmpi slt, %parallel_loop3A_653, %parallel_loop3A_659 : i32
      %parallel_loop3A_661 = arith.extui %parallel_loop3A_660 : i1 to i32
      %parallel_loop3A_662 = arith.subi %parallel_loop3A_658, %parallel_loop3A_661 : i32
      %parallel_loop3A_663 = arith.constant 0 : i32
      %parallel_loop3A_664 = arith.cmpi sgt, %parallel_loop3A_654, %parallel_loop3A_663 : i32
      %parallel_loop3A_665 = arith.extui %parallel_loop3A_664 : i1 to i32
      %parallel_loop3A_666 = arith.constant 0 : i32
      %parallel_loop3A_667 = arith.cmpi slt, %parallel_loop3A_654, %parallel_loop3A_666 : i32
      %parallel_loop3A_668 = arith.extui %parallel_loop3A_667 : i1 to i32
      %parallel_loop3A_669 = arith.subi %parallel_loop3A_665, %parallel_loop3A_668 : i32
      %parallel_loop3A_670 = arith.cmpi ne, %parallel_loop3A_662, %parallel_loop3A_669 : i32
      %parallel_loop3A_671 = arith.remsi %parallel_loop3A_653, %parallel_loop3A_654 : i32
      %parallel_loop3A_672 = arith.constant 0 : i32
      %parallel_loop3A_673 = arith.cmpi ne, %parallel_loop3A_671, %parallel_loop3A_672 : i32
      %parallel_loop3A_674 = arith.andi %parallel_loop3A_670, %parallel_loop3A_673 : i1
      %parallel_loop3A_675 = arith.constant 1 : i32
      %parallel_loop3A_676 = arith.subi %parallel_loop3A_655, %parallel_loop3A_675 : i32
      %parallel_loop3A_677 = arith.select %parallel_loop3A_674, %parallel_loop3A_676, %parallel_loop3A_655 : i32
      %parallel_loop3A_678 = arith.constant 8 : i32
      %parallel_loop3A_679 = arith.divsi %parallel_loop3A_653, %parallel_loop3A_678 : i32
      %parallel_loop3A_680 = arith.constant 0 : i32
      %parallel_loop3A_681 = arith.cmpi sgt, %parallel_loop3A_653, %parallel_loop3A_680 : i32
      %parallel_loop3A_682 = arith.extui %parallel_loop3A_681 : i1 to i32
      %parallel_loop3A_683 = arith.constant 0 : i32
      %parallel_loop3A_684 = arith.cmpi slt, %parallel_loop3A_653, %parallel_loop3A_683 : i32
      %parallel_loop3A_685 = arith.extui %parallel_loop3A_684 : i1 to i32
      %parallel_loop3A_686 = arith.subi %parallel_loop3A_682, %parallel_loop3A_685 : i32
      %parallel_loop3A_687 = arith.constant 0 : i32
      %parallel_loop3A_688 = arith.cmpi sgt, %parallel_loop3A_678, %parallel_loop3A_687 : i32
      %parallel_loop3A_689 = arith.extui %parallel_loop3A_688 : i1 to i32
      %parallel_loop3A_690 = arith.constant 0 : i32
      %parallel_loop3A_691 = arith.cmpi slt, %parallel_loop3A_678, %parallel_loop3A_690 : i32
      %parallel_loop3A_692 = arith.extui %parallel_loop3A_691 : i1 to i32
      %parallel_loop3A_693 = arith.subi %parallel_loop3A_689, %parallel_loop3A_692 : i32
      %parallel_loop3A_694 = arith.cmpi ne, %parallel_loop3A_686, %parallel_loop3A_693 : i32
      %parallel_loop3A_695 = arith.remsi %parallel_loop3A_653, %parallel_loop3A_678 : i32
      %parallel_loop3A_696 = arith.constant 0 : i32
      %parallel_loop3A_697 = arith.cmpi ne, %parallel_loop3A_695, %parallel_loop3A_696 : i32
      %parallel_loop3A_698 = arith.andi %parallel_loop3A_694, %parallel_loop3A_697 : i1
      %parallel_loop3A_699 = arith.constant 1 : i32
      %parallel_loop3A_700 = arith.subi %parallel_loop3A_679, %parallel_loop3A_699 : i32
      %parallel_loop3A_701 = arith.select %parallel_loop3A_698, %parallel_loop3A_700, %parallel_loop3A_679 : i32
      %parallel_loop3A_702 = arith.constant 8 : i32
      %parallel_loop3A_703 = arith.constant 0 : i32
      %parallel_loop3A_704 = arith.cmpi eq, %parallel_loop3A_702, %parallel_loop3A_703 : i32
      %parallel_loop3A_705 = arith.constant 1 : i32
      %parallel_loop3A_706 = arith.select %parallel_loop3A_704, %parallel_loop3A_705, %parallel_loop3A_702 : i32
      %parallel_loop3A_707 = arith.remsi %parallel_loop3A_701, %parallel_loop3A_706 : i32
      %parallel_loop3A_708 = arith.constant 0 : i32
      %parallel_loop3A_709 = arith.cmpi ne, %parallel_loop3A_707, %parallel_loop3A_708 : i32
      %parallel_loop3A_710 = arith.constant 0 : i32
      %parallel_loop3A_711 = arith.cmpi slt, %parallel_loop3A_707, %parallel_loop3A_710 : i32
      %parallel_loop3A_712 = arith.constant 0 : i32
      %parallel_loop3A_713 = arith.cmpi slt, %parallel_loop3A_706, %parallel_loop3A_712 : i32
      %parallel_loop3A_714 = arith.xori %parallel_loop3A_711, %parallel_loop3A_713 : i1
      %parallel_loop3A_715 = arith.andi %parallel_loop3A_714, %parallel_loop3A_709 : i1
      %parallel_loop3A_716 = arith.addi %parallel_loop3A_707, %parallel_loop3A_706 : i32
      %parallel_loop3A_717 = arith.select %parallel_loop3A_715, %parallel_loop3A_716, %parallel_loop3A_707 : i32
      %parallel_loop3A_718 = arith.constant 8 : i32
      %parallel_loop3A_719 = arith.constant 0 : i32
      %parallel_loop3A_720 = arith.cmpi eq, %parallel_loop3A_718, %parallel_loop3A_719 : i32
      %parallel_loop3A_721 = arith.constant 1 : i32
      %parallel_loop3A_722 = arith.select %parallel_loop3A_720, %parallel_loop3A_721, %parallel_loop3A_718 : i32
      %parallel_loop3A_723 = arith.remsi %parallel_loop3A_653, %parallel_loop3A_722 : i32
      %parallel_loop3A_724 = arith.constant 0 : i32
      %parallel_loop3A_725 = arith.cmpi ne, %parallel_loop3A_723, %parallel_loop3A_724 : i32
      %parallel_loop3A_726 = arith.constant 0 : i32
      %parallel_loop3A_727 = arith.cmpi slt, %parallel_loop3A_723, %parallel_loop3A_726 : i32
      %parallel_loop3A_728 = arith.constant 0 : i32
      %parallel_loop3A_729 = arith.cmpi slt, %parallel_loop3A_722, %parallel_loop3A_728 : i32
      %parallel_loop3A_730 = arith.xori %parallel_loop3A_727, %parallel_loop3A_729 : i1
      %parallel_loop3A_731 = arith.andi %parallel_loop3A_730, %parallel_loop3A_725 : i1
      %parallel_loop3A_732 = arith.addi %parallel_loop3A_723, %parallel_loop3A_722 : i32
      %parallel_loop3A_733 = arith.select %parallel_loop3A_731, %parallel_loop3A_732, %parallel_loop3A_723 : i32
      %parallel_loop3A_734 = arith.constant 128 : i32
      %parallel_loop3A_735 = arith.muli %parallel_loop3A_677, %parallel_loop3A_734 : i32
      %parallel_loop3A_736 = arith.constant 16 : i32
      %parallel_loop3A_737 = arith.muli %parallel_loop3A_733, %parallel_loop3A_736 : i32
      %parallel_loop3A_738 = arith.addi %parallel_loop3A_735, %parallel_loop3A_737 : i32
      %parallel_loop3A_739 = arith.index_cast %parallel_loop3A_738 : i32 to index
      %parallel_loop3A_740 = tpu.vector_load %arg7[%parallel_loop3A_739] {strides = array<i32>} : memref<6272xi32, #tpu.memory_space<vmem>>, vector<16xi32>,
      %parallel_loop3A_741 = arith.constant 8 : i32
      %parallel_loop3A_742 = arith.addi %parallel_loop3A_741, %parallel_loop3A_717 : i32
      %parallel_loop3A_743 = arith.constant 32 : i32
      %parallel_loop3A_744 = arith.muli %parallel_loop3A_742, %parallel_loop3A_743 : i32
      %parallel_loop3A_745 = vector.broadcast %parallel_loop3A_744 : i32 to vector<16xi32>
      %parallel_loop3A_746 = arith.addi %parallel_loop3A_740, %parallel_loop3A_745 : vector<16xi32>
      %parallel_loop3A_747 = tpu.vector_load_idx %arg6[%parallel_loop3A_746] : memref<3072xf32, #tpu.memory_space<vmem>>[vector<16xi32>], vector<16xf32>,
      %parallel_loop3A_748 = arith.constant 16 : i32
      %parallel_loop3A_749 = arith.muli %parallel_loop3A_733, %parallel_loop3A_748 : i32
      %parallel_loop3A_750 = arith.index_cast %parallel_loop3A_677 : i32 to index
      %parallel_loop3A_751 = arith.index_cast %parallel_loop3A_717 : i32 to index
      %parallel_loop3A_752 = arith.index_cast %parallel_loop3A_749 : i32 to index
      %parallel_loop3A_753 = tpu.vector_load %arg9[%parallel_loop3A_750, %parallel_loop3A_751, %parallel_loop3A_752] {strides = array<i32>} : memref<49x8x128xf32, #tpu.memory_space<vmem>>, vector<16xf32>,
      %parallel_loop3A_754 = arith.addf %parallel_loop3A_753, %parallel_loop3A_747 : vector<16xf32>
      %parallel_loop3A_755 = arith.constant 16 : i32
      %parallel_loop3A_756 = arith.muli %parallel_loop3A_733, %parallel_loop3A_755 : i32
      %parallel_loop3A_757 = arith.index_cast %parallel_loop3A_677 : i32 to index
      %parallel_loop3A_758 = arith.index_cast %parallel_loop3A_717 : i32 to index
      %parallel_loop3A_759 = arith.index_cast %parallel_loop3A_756 : i32 to index
      %parallel_loop3A_760 = tpu.vector_load %arg9[%parallel_loop3A_757, %parallel_loop3A_758, %parallel_loop3A_759] {strides = array<i32>} : memref<49x8x128xf32, #tpu.memory_space<vmem>>, vector<16xf32>,
      tpu.vector_store %arg9[%parallel_loop3A_757, %parallel_loop3A_758, %parallel_loop3A_759], %parallel_loop3A_754 {strides = array<i32>} : memref<49x8x128xf32, #tpu.memory_space<vmem>>, vector<16xf32>,
    } {sc.loop_unroll_factor = 4 : i64, sc.parallel_access}
    %add3A_74 = arith.constant 0 : i32
    %add3A_75 = arith.addi %mul3A_7, %add3A_74 : i32
    %dma_wait3A_76 = arith.constant 0 : i32
    %dma_wait3A_77 = arith.constant 0 : i32
    %dma_wait3A_78 = arith.constant 0 : i32
    %dma_wait3A_79 = tpu.memref_slice %arg5[%add3A_75, %dma_wait3A_76, %dma_wait3A_77, %dma_wait3A_78] : memref<384x49x8x128xf32, #tpu.memory_space<hbm>> -> memref<1x49x8x128xf32, #tpu.memory_space<hbm>>
    %dma_wait3A_80 = tpu.memref_squeeze %dma_wait3A_79 : memref<1x49x8x128xf32, #tpu.memory_space<hbm>> -> memref<49x8x128xf32, #tpu.memory_space<hbm>>
    %dma_wait3A_81 = arith.constant 0 : i32
    %dma_wait3A_82 = arith.constant 0 : i32
    %dma_wait3A_83 = arith.constant 0 : i32
    %dma_wait3A_84 = tpu.memref_slice %arg5[%add3A_75, %dma_wait3A_81, %dma_wait3A_82, %dma_wait3A_83] : memref<384x49x8x128xf32, #tpu.memory_space<hbm>> -> memref<1x49x8x128xf32, #tpu.memory_space<hbm>>
    %dma_wait3A_85 = tpu.memref_squeeze %dma_wait3A_84 : memref<1x49x8x128xf32, #tpu.memory_space<hbm>> -> memref<49x8x128xf32, #tpu.memory_space<hbm>>
    tpu.wait_dma2 semaphore(%arg12 : memref<!tpu.dma_semaphore, #tpu.memory_space<semaphore_mem>>) src(%arg8 : memref<49x8x128xf32, #tpu.memory_space<vmem>>) dst(%dma_wait3A_85 : memref<49x8x128xf32, #tpu.memory_space<hbm>>)
    %add3A_86 = arith.constant 2 : i32
    %add3A_87 = arith.addi %mul3A_7, %add3A_86 : i32
    %dma_start3A_88 = arith.constant 0 : i32
    %dma_start3A_89 = arith.constant 0 : i32
    %dma_start3A_90 = arith.constant 0 : i32
    %dma_start3A_91 = tpu.memref_slice %arg2[%add3A_87, %dma_start3A_88, %dma_start3A_89, %dma_start3A_90] : memref<384x49x8x128xf32, #tpu.memory_space<hbm>> -> memref<1x49x8x128xf32, #tpu.memory_space<hbm>>
    %dma_start3A_92 = tpu.memref_squeeze %dma_start3A_91 : memref<1x49x8x128xf32, #tpu.memory_space<hbm>> -> memref<49x8x128xf32, #tpu.memory_space<hbm>>
    %dma_start3A_93 = arith.constant 0 : i32
    %dma_start3A_94 = arith.constant 0 : i32
    %dma_start3A_95 = arith.constant 0 : i32
    %dma_start3A_96 = tpu.memref_slice %arg2[%add3A_87, %dma_start3A_93, %dma_start3A_94, %dma_start3A_95] : memref<384x49x8x128xf32, #tpu.memory_space<hbm>> -> memref<1x49x8x128xf32, #tpu.memory_space<hbm>>
    %dma_start3A_97 = tpu.memref_squeeze %dma_start3A_96 : memref<1x49x8x128xf32, #tpu.memory_space<hbm>> -> memref<49x8x128xf32, #tpu.memory_space<hbm>>
    tpu.enqueue_dma source(%dma_start3A_97 : memref<49x8x128xf32, #tpu.memory_space<hbm>>) target(%arg8 : memref<49x8x128xf32, #tpu.memory_space<vmem>>) target_semaphore(%arg10 : memref<!tpu.dma_semaphore, #tpu.memory_space<semaphore_mem>>)
    %parallel_loop3A_98 = arith.constant 1568 : i32
    %parallel_loop3A_99 = arith.constant 3136 : i32
    %parallel_loop3A_100 = arith.constant 1 : i32
    scf.for %parallel_loop3A_653 = %parallel_loop3A_98 to %parallel_loop3A_99 step %parallel_loop3A_100  : i32 {
      %parallel_loop3A_654 = arith.constant 64 : i32
      %parallel_loop3A_655 = arith.divsi %parallel_loop3A_653, %parallel_loop3A_654 : i32
      %parallel_loop3A_656 = arith.constant 0 : i32
      %parallel_loop3A_657 = arith.cmpi sgt, %parallel_loop3A_653, %parallel_loop3A_656 : i32
      %parallel_loop3A_658 = arith.extui %parallel_loop3A_657 : i1 to i32
      %parallel_loop3A_659 = arith.constant 0 : i32
      %parallel_loop3A_660 = arith.cmpi slt, %parallel_loop3A_653, %parallel_loop3A_659 : i32
      %parallel_loop3A_661 = arith.extui %parallel_loop3A_660 : i1 to i32
      %parallel_loop3A_662 = arith.subi %parallel_loop3A_658, %parallel_loop3A_661 : i32
      %parallel_loop3A_663 = arith.constant 0 : i32
      %parallel_loop3A_664 = arith.cmpi sgt, %parallel_loop3A_654, %parallel_loop3A_663 : i32
      %parallel_loop3A_665 = arith.extui %parallel_loop3A_664 : i1 to i32
      %parallel_loop3A_666 = arith.constant 0 : i32
      %parallel_loop3A_667 = arith.cmpi slt, %parallel_loop3A_654, %parallel_loop3A_666 : i32
      %parallel_loop3A_668 = arith.extui %parallel_loop3A_667 : i1 to i32
      %parallel_loop3A_669 = arith.subi %parallel_loop3A_665, %parallel_loop3A_668 : i32
      %parallel_loop3A_670 = arith.cmpi ne, %parallel_loop3A_662, %parallel_loop3A_669 : i32
      %parallel_loop3A_671 = arith.remsi %parallel_loop3A_653, %parallel_loop3A_654 : i32
      %parallel_loop3A_672 = arith.constant 0 : i32
      %parallel_loop3A_673 = arith.cmpi ne, %parallel_loop3A_671, %parallel_loop3A_672 : i32
      %parallel_loop3A_674 = arith.andi %parallel_loop3A_670, %parallel_loop3A_673 : i1
      %parallel_loop3A_675 = arith.constant 1 : i32
      %parallel_loop3A_676 = arith.subi %parallel_loop3A_655, %parallel_loop3A_675 : i32
      %parallel_loop3A_677 = arith.select %parallel_loop3A_674, %parallel_loop3A_676, %parallel_loop3A_655 : i32
      %parallel_loop3A_678 = arith.constant 8 : i32
      %parallel_loop3A_679 = arith.divsi %parallel_loop3A_653, %parallel_loop3A_678 : i32
      %parallel_loop3A_680 = arith.constant 0 : i32
      %parallel_loop3A_681 = arith.cmpi sgt, %parallel_loop3A_653, %parallel_loop3A_680 : i32
      %parallel_loop3A_682 = arith.extui %parallel_loop3A_681 : i1 to i32
      %parallel_loop3A_683 = arith.constant 0 : i32
      %parallel_loop3A_684 = arith.cmpi slt, %parallel_loop3A_653, %parallel_loop3A_683 : i32
      %parallel_loop3A_685 = arith.extui %parallel_loop3A_684 : i1 to i32
      %parallel_loop3A_686 = arith.subi %parallel_loop3A_682, %parallel_loop3A_685 : i32
      %parallel_loop3A_687 = arith.constant 0 : i32
      %parallel_loop3A_688 = arith.cmpi sgt, %parallel_loop3A_678, %parallel_loop3A_687 : i32
      %parallel_loop3A_689 = arith.extui %parallel_loop3A_688 : i1 to i32
      %parallel_loop3A_690 = arith.constant 0 : i32
      %parallel_loop3A_691 = arith.cmpi slt, %parallel_loop3A_678, %parallel_loop3A_690 : i32
      %parallel_loop3A_692 = arith.extui %parallel_loop3A_691 : i1 to i32
      %parallel_loop3A_693 = arith.subi %parallel_loop3A_689, %parallel_loop3A_692 : i32
      %parallel_loop3A_694 = arith.cmpi ne, %parallel_loop3A_686, %parallel_loop3A_693 : i32
      %parallel_loop3A_695 = arith.remsi %parallel_loop3A_653, %parallel_loop3A_678 : i32
      %parallel_loop3A_696 = arith.constant 0 : i32
      %parallel_loop3A_697 = arith.cmpi ne, %parallel_loop3A_695, %parallel_loop3A_696 : i32
      %parallel_loop3A_698 = arith.andi %parallel_loop3A_694, %parallel_loop3A_697 : i1
      %parallel_loop3A_699 = arith.constant 1 : i32
      %parallel_loop3A_700 = arith.subi %parallel_loop3A_679, %parallel_loop3A_699 : i32
      %parallel_loop3A_701 = arith.select %parallel_loop3A_698, %parallel_loop3A_700, %parallel_loop3A_679 : i32
      %parallel_loop3A_702 = arith.constant 8 : i32
      %parallel_loop3A_703 = arith.constant 0 : i32
      %parallel_loop3A_704 = arith.cmpi eq, %parallel_loop3A_702, %parallel_loop3A_703 : i32
      %parallel_loop3A_705 = arith.constant 1 : i32
      %parallel_loop3A_706 = arith.select %parallel_loop3A_704, %parallel_loop3A_705, %parallel_loop3A_702 : i32
      %parallel_loop3A_707 = arith.remsi %parallel_loop3A_701, %parallel_loop3A_706 : i32
      %parallel_loop3A_708 = arith.constant 0 : i32
      %parallel_loop3A_709 = arith.cmpi ne, %parallel_loop3A_707, %parallel_loop3A_708 : i32
      %parallel_loop3A_710 = arith.constant 0 : i32
      %parallel_loop3A_711 = arith.cmpi slt, %parallel_loop3A_707, %parallel_loop3A_710 : i32
      %parallel_loop3A_712 = arith.constant 0 : i32
      %parallel_loop3A_713 = arith.cmpi slt, %parallel_loop3A_706, %parallel_loop3A_712 : i32
      %parallel_loop3A_714 = arith.xori %parallel_loop3A_711, %parallel_loop3A_713 : i1
      %parallel_loop3A_715 = arith.andi %parallel_loop3A_714, %parallel_loop3A_709 : i1
      %parallel_loop3A_716 = arith.addi %parallel_loop3A_707, %parallel_loop3A_706 : i32
      %parallel_loop3A_717 = arith.select %parallel_loop3A_715, %parallel_loop3A_716, %parallel_loop3A_707 : i32
      %parallel_loop3A_718 = arith.constant 8 : i32
      %parallel_loop3A_719 = arith.constant 0 : i32
      %parallel_loop3A_720 = arith.cmpi eq, %parallel_loop3A_718, %parallel_loop3A_719 : i32
      %parallel_loop3A_721 = arith.constant 1 : i32
      %parallel_loop3A_722 = arith.select %parallel_loop3A_720, %parallel_loop3A_721, %parallel_loop3A_718 : i32
      %parallel_loop3A_723 = arith.remsi %parallel_loop3A_653, %parallel_loop3A_722 : i32
      %parallel_loop3A_724 = arith.constant 0 : i32
      %parallel_loop3A_725 = arith.cmpi ne, %parallel_loop3A_723, %parallel_loop3A_724 : i32
      %parallel_loop3A_726 = arith.constant 0 : i32
      %parallel_loop3A_727 = arith.cmpi slt, %parallel_loop3A_723, %parallel_loop3A_726 : i32
      %parallel_loop3A_728 = arith.constant 0 : i32
      %parallel_loop3A_729 = arith.cmpi slt, %parallel_loop3A_722, %parallel_loop3A_728 : i32
      %parallel_loop3A_730 = arith.xori %parallel_loop3A_727, %parallel_loop3A_729 : i1
      %parallel_loop3A_731 = arith.andi %parallel_loop3A_730, %parallel_loop3A_725 : i1
      %parallel_loop3A_732 = arith.addi %parallel_loop3A_723, %parallel_loop3A_722 : i32
      %parallel_loop3A_733 = arith.select %parallel_loop3A_731, %parallel_loop3A_732, %parallel_loop3A_723 : i32
      %parallel_loop3A_734 = arith.constant 128 : i32
      %parallel_loop3A_735 = arith.muli %parallel_loop3A_677, %parallel_loop3A_734 : i32
      %parallel_loop3A_736 = arith.constant 16 : i32
      %parallel_loop3A_737 = arith.muli %parallel_loop3A_733, %parallel_loop3A_736 : i32
      %parallel_loop3A_738 = arith.addi %parallel_loop3A_735, %parallel_loop3A_737 : i32
      %parallel_loop3A_739 = arith.index_cast %parallel_loop3A_738 : i32 to index
      %parallel_loop3A_740 = tpu.vector_load %arg7[%parallel_loop3A_739] {strides = array<i32>} : memref<6272xi32, #tpu.memory_space<vmem>>, vector<16xi32>,
      %parallel_loop3A_741 = arith.constant 8 : i32
      %parallel_loop3A_742 = arith.addi %parallel_loop3A_741, %parallel_loop3A_717 : i32
      %parallel_loop3A_743 = arith.constant 32 : i32
      %parallel_loop3A_744 = arith.muli %parallel_loop3A_742, %parallel_loop3A_743 : i32
      %parallel_loop3A_745 = vector.broadcast %parallel_loop3A_744 : i32 to vector<16xi32>
      %parallel_loop3A_746 = arith.addi %parallel_loop3A_740, %parallel_loop3A_745 : vector<16xi32>
      %parallel_loop3A_747 = tpu.vector_load_idx %arg6[%parallel_loop3A_746] : memref<3072xf32, #tpu.memory_space<vmem>>[vector<16xi32>], vector<16xf32>,
      %parallel_loop3A_748 = arith.constant 16 : i32
      %parallel_loop3A_749 = arith.muli %parallel_loop3A_733, %parallel_loop3A_748 : i32
      %parallel_loop3A_750 = arith.index_cast %parallel_loop3A_677 : i32 to index
      %parallel_loop3A_751 = arith.index_cast %parallel_loop3A_717 : i32 to index
      %parallel_loop3A_752 = arith.index_cast %parallel_loop3A_749 : i32 to index
      %parallel_loop3A_753 = tpu.vector_load %arg9[%parallel_loop3A_750, %parallel_loop3A_751, %parallel_loop3A_752] {strides = array<i32>} : memref<49x8x128xf32, #tpu.memory_space<vmem>>, vector<16xf32>,
      %parallel_loop3A_754 = arith.addf %parallel_loop3A_753, %parallel_loop3A_747 : vector<16xf32>
      %parallel_loop3A_755 = arith.constant 16 : i32
      %parallel_loop3A_756 = arith.muli %parallel_loop3A_733, %parallel_loop3A_755 : i32
      %parallel_loop3A_757 = arith.index_cast %parallel_loop3A_677 : i32 to index
      %parallel_loop3A_758 = arith.index_cast %parallel_loop3A_717 : i32 to index
      %parallel_loop3A_759 = arith.index_cast %parallel_loop3A_756 : i32 to index
      %parallel_loop3A_760 = tpu.vector_load %arg9[%parallel_loop3A_757, %parallel_loop3A_758, %parallel_loop3A_759] {strides = array<i32>} : memref<49x8x128xf32, #tpu.memory_space<vmem>>, vector<16xf32>,
      tpu.vector_store %arg9[%parallel_loop3A_757, %parallel_loop3A_758, %parallel_loop3A_759], %parallel_loop3A_754 {strides = array<i32>} : memref<49x8x128xf32, #tpu.memory_space<vmem>>, vector<16xf32>,
    } {sc.loop_unroll_factor = 4 : i64, sc.parallel_access}
    %add3A_101 = arith.constant 1 : i32
    %add3A_102 = arith.addi %mul3A_7, %add3A_101 : i32
    %dma_start3A_103 = arith.constant 0 : i32
    %dma_start3A_104 = arith.constant 0 : i32
    %dma_start3A_105 = arith.constant 0 : i32
    %dma_start3A_106 = tpu.memref_slice %arg5[%add3A_102, %dma_start3A_103, %dma_start3A_104, %dma_start3A_105] : memref<384x49x8x128xf32, #tpu.memory_space<hbm>> -> memref<1x49x8x128xf32, #tpu.memory_space<hbm>>
    %dma_start3A_107 = tpu.memref_squeeze %dma_start3A_106 : memref<1x49x8x128xf32, #tpu.memory_space<hbm>> -> memref<49x8x128xf32, #tpu.memory_space<hbm>>
    %dma_start3A_108 = arith.constant 0 : i32
    %dma_start3A_109 = arith.constant 0 : i32
    %dma_start3A_110 = arith.constant 0 : i32
    %dma_start3A_111 = tpu.memref_slice %arg5[%add3A_102, %dma_start3A_108, %dma_start3A_109, %dma_start3A_110] : memref<384x49x8x128xf32, #tpu.memory_space<hbm>> -> memref<1x49x8x128xf32, #tpu.memory_space<hbm>>
    %dma_start3A_112 = tpu.memref_squeeze %dma_start3A_111 : memref<1x49x8x128xf32, #tpu.memory_space<hbm>> -> memref<49x8x128xf32, #tpu.memory_space<hbm>>
    tpu.enqueue_dma source(%arg9 : memref<49x8x128xf32, #tpu.memory_space<vmem>>) target(%dma_start3A_112 : memref<49x8x128xf32, #tpu.memory_space<hbm>>) target_semaphore(%arg13 : memref<!tpu.dma_semaphore, #tpu.memory_space<semaphore_mem>>)
    %add3A_113 = arith.constant 2 : i32
    %add3A_114 = arith.addi %mul3A_7, %add3A_113 : i32
    %dma_wait3A_115 = arith.constant 0 : i32
    %dma_wait3A_116 = arith.constant 0 : i32
    %dma_wait3A_117 = arith.constant 0 : i32
    %dma_wait3A_118 = tpu.memref_slice %arg2[%add3A_114, %dma_wait3A_115, %dma_wait3A_116, %dma_wait3A_117] : memref<384x49x8x128xf32, #tpu.memory_space<hbm>> -> memref<1x49x8x128xf32, #tpu.memory_space<hbm>>
    %dma_wait3A_119 = tpu.memref_squeeze %dma_wait3A_118 : memref<1x49x8x128xf32, #tpu.memory_space<hbm>> -> memref<49x8x128xf32, #tpu.memory_space<hbm>>
    %dma_wait3A_120 = arith.constant 0 : i32
    %dma_wait3A_121 = arith.constant 0 : i32
    %dma_wait3A_122 = arith.constant 0 : i32
    %dma_wait3A_123 = tpu.memref_slice %arg2[%add3A_114, %dma_wait3A_120, %dma_wait3A_121, %dma_wait3A_122] : memref<384x49x8x128xf32, #tpu.memory_space<hbm>> -> memref<1x49x8x128xf32, #tpu.memory_space<hbm>>
    %dma_wait3A_124 = tpu.memref_squeeze %dma_wait3A_123 : memref<1x49x8x128xf32, #tpu.memory_space<hbm>> -> memref<49x8x128xf32, #tpu.memory_space<hbm>>
    tpu.wait_dma2 semaphore(%arg10 : memref<!tpu.dma_semaphore, #tpu.memory_space<semaphore_mem>>) src(%dma_wait3A_124 : memref<49x8x128xf32, #tpu.memory_space<hbm>>) dst(%arg8 : memref<49x8x128xf32, #tpu.memory_space<vmem>>)
    %parallel_loop3A_125 = arith.constant 0 : i32
    %parallel_loop3A_126 = arith.constant 1568 : i32
    %parallel_loop3A_127 = arith.constant 1 : i32
    scf.for %parallel_loop3A_653 = %parallel_loop3A_125 to %parallel_loop3A_126 step %parallel_loop3A_127  : i32 {
      %parallel_loop3A_654 = arith.constant 64 : i32
      %parallel_loop3A_655 = arith.divsi %parallel_loop3A_653, %parallel_loop3A_654 : i32
      %parallel_loop3A_656 = arith.constant 0 : i32
      %parallel_loop3A_657 = arith.cmpi sgt, %parallel_loop3A_653, %parallel_loop3A_656 : i32
      %parallel_loop3A_658 = arith.extui %parallel_loop3A_657 : i1 to i32
      %parallel_loop3A_659 = arith.constant 0 : i32
      %parallel_loop3A_660 = arith.cmpi slt, %parallel_loop3A_653, %parallel_loop3A_659 : i32
      %parallel_loop3A_661 = arith.extui %parallel_loop3A_660 : i1 to i32
      %parallel_loop3A_662 = arith.subi %parallel_loop3A_658, %parallel_loop3A_661 : i32
      %parallel_loop3A_663 = arith.constant 0 : i32
      %parallel_loop3A_664 = arith.cmpi sgt, %parallel_loop3A_654, %parallel_loop3A_663 : i32
      %parallel_loop3A_665 = arith.extui %parallel_loop3A_664 : i1 to i32
      %parallel_loop3A_666 = arith.constant 0 : i32
      %parallel_loop3A_667 = arith.cmpi slt, %parallel_loop3A_654, %parallel_loop3A_666 : i32
      %parallel_loop3A_668 = arith.extui %parallel_loop3A_667 : i1 to i32
      %parallel_loop3A_669 = arith.subi %parallel_loop3A_665, %parallel_loop3A_668 : i32
      %parallel_loop3A_670 = arith.cmpi ne, %parallel_loop3A_662, %parallel_loop3A_669 : i32
      %parallel_loop3A_671 = arith.remsi %parallel_loop3A_653, %parallel_loop3A_654 : i32
      %parallel_loop3A_672 = arith.constant 0 : i32
      %parallel_loop3A_673 = arith.cmpi ne, %parallel_loop3A_671, %parallel_loop3A_672 : i32
      %parallel_loop3A_674 = arith.andi %parallel_loop3A_670, %parallel_loop3A_673 : i1
      %parallel_loop3A_675 = arith.constant 1 : i32
      %parallel_loop3A_676 = arith.subi %parallel_loop3A_655, %parallel_loop3A_675 : i32
      %parallel_loop3A_677 = arith.select %parallel_loop3A_674, %parallel_loop3A_676, %parallel_loop3A_655 : i32
      %parallel_loop3A_678 = arith.constant 8 : i32
      %parallel_loop3A_679 = arith.divsi %parallel_loop3A_653, %parallel_loop3A_678 : i32
      %parallel_loop3A_680 = arith.constant 0 : i32
      %parallel_loop3A_681 = arith.cmpi sgt, %parallel_loop3A_653, %parallel_loop3A_680 : i32
      %parallel_loop3A_682 = arith.extui %parallel_loop3A_681 : i1 to i32
      %parallel_loop3A_683 = arith.constant 0 : i32
      %parallel_loop3A_684 = arith.cmpi slt, %parallel_loop3A_653, %parallel_loop3A_683 : i32
      %parallel_loop3A_685 = arith.extui %parallel_loop3A_684 : i1 to i32
      %parallel_loop3A_686 = arith.subi %parallel_loop3A_682, %parallel_loop3A_685 : i32
      %parallel_loop3A_687 = arith.constant 0 : i32
      %parallel_loop3A_688 = arith.cmpi sgt, %parallel_loop3A_678, %parallel_loop3A_687 : i32
      %parallel_loop3A_689 = arith.extui %parallel_loop3A_688 : i1 to i32
      %parallel_loop3A_690 = arith.constant 0 : i32
      %parallel_loop3A_691 = arith.cmpi slt, %parallel_loop3A_678, %parallel_loop3A_690 : i32
      %parallel_loop3A_692 = arith.extui %parallel_loop3A_691 : i1 to i32
      %parallel_loop3A_693 = arith.subi %parallel_loop3A_689, %parallel_loop3A_692 : i32
      %parallel_loop3A_694 = arith.cmpi ne, %parallel_loop3A_686, %parallel_loop3A_693 : i32
      %parallel_loop3A_695 = arith.remsi %parallel_loop3A_653, %parallel_loop3A_678 : i32
      %parallel_loop3A_696 = arith.constant 0 : i32
      %parallel_loop3A_697 = arith.cmpi ne, %parallel_loop3A_695, %parallel_loop3A_696 : i32
      %parallel_loop3A_698 = arith.andi %parallel_loop3A_694, %parallel_loop3A_697 : i1
      %parallel_loop3A_699 = arith.constant 1 : i32
      %parallel_loop3A_700 = arith.subi %parallel_loop3A_679, %parallel_loop3A_699 : i32
      %parallel_loop3A_701 = arith.select %parallel_loop3A_698, %parallel_loop3A_700, %parallel_loop3A_679 : i32
      %parallel_loop3A_702 = arith.constant 8 : i32
      %parallel_loop3A_703 = arith.constant 0 : i32
      %parallel_loop3A_704 = arith.cmpi eq, %parallel_loop3A_702, %parallel_loop3A_703 : i32
      %parallel_loop3A_705 = arith.constant 1 : i32
      %parallel_loop3A_706 = arith.select %parallel_loop3A_704, %parallel_loop3A_705, %parallel_loop3A_702 : i32
      %parallel_loop3A_707 = arith.remsi %parallel_loop3A_701, %parallel_loop3A_706 : i32
      %parallel_loop3A_708 = arith.constant 0 : i32
      %parallel_loop3A_709 = arith.cmpi ne, %parallel_loop3A_707, %parallel_loop3A_708 : i32
      %parallel_loop3A_710 = arith.constant 0 : i32
      %parallel_loop3A_711 = arith.cmpi slt, %parallel_loop3A_707, %parallel_loop3A_710 : i32
      %parallel_loop3A_712 = arith.constant 0 : i32
      %parallel_loop3A_713 = arith.cmpi slt, %parallel_loop3A_706, %parallel_loop3A_712 : i32
      %parallel_loop3A_714 = arith.xori %parallel_loop3A_711, %parallel_loop3A_713 : i1
      %parallel_loop3A_715 = arith.andi %parallel_loop3A_714, %parallel_loop3A_709 : i1
      %parallel_loop3A_716 = arith.addi %parallel_loop3A_707, %parallel_loop3A_706 : i32
      %parallel_loop3A_717 = arith.select %parallel_loop3A_715, %parallel_loop3A_716, %parallel_loop3A_707 : i32
      %parallel_loop3A_718 = arith.constant 8 : i32
      %parallel_loop3A_719 = arith.constant 0 : i32
      %parallel_loop3A_720 = arith.cmpi eq, %parallel_loop3A_718, %parallel_loop3A_719 : i32
      %parallel_loop3A_721 = arith.constant 1 : i32
      %parallel_loop3A_722 = arith.select %parallel_loop3A_720, %parallel_loop3A_721, %parallel_loop3A_718 : i32
      %parallel_loop3A_723 = arith.remsi %parallel_loop3A_653, %parallel_loop3A_722 : i32
      %parallel_loop3A_724 = arith.constant 0 : i32
      %parallel_loop3A_725 = arith.cmpi ne, %parallel_loop3A_723, %parallel_loop3A_724 : i32
      %parallel_loop3A_726 = arith.constant 0 : i32
      %parallel_loop3A_727 = arith.cmpi slt, %parallel_loop3A_723, %parallel_loop3A_726 : i32
      %parallel_loop3A_728 = arith.constant 0 : i32
      %parallel_loop3A_729 = arith.cmpi slt, %parallel_loop3A_722, %parallel_loop3A_728 : i32
      %parallel_loop3A_730 = arith.xori %parallel_loop3A_727, %parallel_loop3A_729 : i1
      %parallel_loop3A_731 = arith.andi %parallel_loop3A_730, %parallel_loop3A_725 : i1
      %parallel_loop3A_732 = arith.addi %parallel_loop3A_723, %parallel_loop3A_722 : i32
      %parallel_loop3A_733 = arith.select %parallel_loop3A_731, %parallel_loop3A_732, %parallel_loop3A_723 : i32
      %parallel_loop3A_734 = arith.constant 128 : i32
      %parallel_loop3A_735 = arith.muli %parallel_loop3A_677, %parallel_loop3A_734 : i32
      %parallel_loop3A_736 = arith.constant 16 : i32
      %parallel_loop3A_737 = arith.muli %parallel_loop3A_733, %parallel_loop3A_736 : i32
      %parallel_loop3A_738 = arith.addi %parallel_loop3A_735, %parallel_loop3A_737 : i32
      %parallel_loop3A_739 = arith.index_cast %parallel_loop3A_738 : i32 to index
      %parallel_loop3A_740 = tpu.vector_load %arg7[%parallel_loop3A_739] {strides = array<i32>} : memref<6272xi32, #tpu.memory_space<vmem>>, vector<16xi32>,
      %parallel_loop3A_741 = arith.constant 16 : i32
      %parallel_loop3A_742 = arith.addi %parallel_loop3A_741, %parallel_loop3A_717 : i32
      %parallel_loop3A_743 = arith.constant 32 : i32
      %parallel_loop3A_744 = arith.muli %parallel_loop3A_742, %parallel_loop3A_743 : i32
      %parallel_loop3A_745 = vector.broadcast %parallel_loop3A_744 : i32 to vector<16xi32>
      %parallel_loop3A_746 = arith.addi %parallel_loop3A_740, %parallel_loop3A_745 : vector<16xi32>
      %parallel_loop3A_747 = tpu.vector_load_idx %arg6[%parallel_loop3A_746] : memref<3072xf32, #tpu.memory_space<vmem>>[vector<16xi32>], vector<16xf32>,
      %parallel_loop3A_748 = arith.constant 16 : i32
      %parallel_loop3A_749 = arith.muli %parallel_loop3A_733, %parallel_loop3A_748 : i32
      %parallel_loop3A_750 = arith.index_cast %parallel_loop3A_677 : i32 to index
      %parallel_loop3A_751 = arith.index_cast %parallel_loop3A_717 : i32 to index
      %parallel_loop3A_752 = arith.index_cast %parallel_loop3A_749 : i32 to index
      %parallel_loop3A_753 = tpu.vector_load %arg8[%parallel_loop3A_750, %parallel_loop3A_751, %parallel_loop3A_752] {strides = array<i32>} : memref<49x8x128xf32, #tpu.memory_space<vmem>>, vector<16xf32>,
      %parallel_loop3A_754 = arith.addf %parallel_loop3A_753, %parallel_loop3A_747 : vector<16xf32>
      %parallel_loop3A_755 = arith.constant 16 : i32
      %parallel_loop3A_756 = arith.muli %parallel_loop3A_733, %parallel_loop3A_755 : i32
      %parallel_loop3A_757 = arith.index_cast %parallel_loop3A_677 : i32 to index
      %parallel_loop3A_758 = arith.index_cast %parallel_loop3A_717 : i32 to index
      %parallel_loop3A_759 = arith.index_cast %parallel_loop3A_756 : i32 to index
      %parallel_loop3A_760 = tpu.vector_load %arg8[%parallel_loop3A_757, %parallel_loop3A_758, %parallel_loop3A_759] {strides = array<i32>} : memref<49x8x128xf32, #tpu.memory_space<vmem>>, vector<16xf32>,
      tpu.vector_store %arg8[%parallel_loop3A_757, %parallel_loop3A_758, %parallel_loop3A_759], %parallel_loop3A_754 {strides = array<i32>} : memref<49x8x128xf32, #tpu.memory_space<vmem>>, vector<16xf32>,
    } {sc.loop_unroll_factor = 4 : i64, sc.parallel_access}
    %add3A_128 = arith.constant 1 : i32
    %add3A_129 = arith.addi %mul3A_7, %add3A_128 : i32
    %dma_wait3A_130 = arith.constant 0 : i32
    %dma_wait3A_131 = arith.constant 0 : i32
    %dma_wait3A_132 = arith.constant 0 : i32
    %dma_wait3A_133 = tpu.memref_slice %arg5[%add3A_129, %dma_wait3A_130, %dma_wait3A_131, %dma_wait3A_132] : memref<384x49x8x128xf32, #tpu.memory_space<hbm>> -> memref<1x49x8x128xf32, #tpu.memory_space<hbm>>
    %dma_wait3A_134 = tpu.memref_squeeze %dma_wait3A_133 : memref<1x49x8x128xf32, #tpu.memory_space<hbm>> -> memref<49x8x128xf32, #tpu.memory_space<hbm>>
    %dma_wait3A_135 = arith.constant 0 : i32
    %dma_wait3A_136 = arith.constant 0 : i32
    %dma_wait3A_137 = arith.constant 0 : i32
    %dma_wait3A_138 = tpu.memref_slice %arg5[%add3A_129, %dma_wait3A_135, %dma_wait3A_136, %dma_wait3A_137] : memref<384x49x8x128xf32, #tpu.memory_space<hbm>> -> memref<1x49x8x128xf32, #tpu.memory_space<hbm>>
    %dma_wait3A_139 = tpu.memref_squeeze %dma_wait3A_138 : memref<1x49x8x128xf32, #tpu.memory_space<hbm>> -> memref<49x8x128xf32, #tpu.memory_space<hbm>>
    tpu.wait_dma2 semaphore(%arg13 : memref<!tpu.dma_semaphore, #tpu.memory_space<semaphore_mem>>) src(%arg9 : memref<49x8x128xf32, #tpu.memory_space<vmem>>) dst(%dma_wait3A_139 : memref<49x8x128xf32, #tpu.memory_space<hbm>>)
    %add3A_140 = arith.constant 3 : i32
    %add3A_141 = arith.addi %mul3A_7, %add3A_140 : i32
    %dma_start3A_142 = arith.constant 0 : i32
    %dma_start3A_143 = arith.constant 0 : i32
    %dma_start3A_144 = arith.constant 0 : i32
    %dma_start3A_145 = tpu.memref_slice %arg2[%add3A_141, %dma_start3A_142, %dma_start3A_143, %dma_start3A_144] : memref<384x49x8x128xf32, #tpu.memory_space<hbm>> -> memref<1x49x8x128xf32, #tpu.memory_space<hbm>>
    %dma_start3A_146 = tpu.memref_squeeze %dma_start3A_145 : memref<1x49x8x128xf32, #tpu.memory_space<hbm>> -> memref<49x8x128xf32, #tpu.memory_space<hbm>>
    %dma_start3A_147 = arith.constant 0 : i32
    %dma_start3A_148 = arith.constant 0 : i32
    %dma_start3A_149 = arith.constant 0 : i32
    %dma_start3A_150 = tpu.memref_slice %arg2[%add3A_141, %dma_start3A_147, %dma_start3A_148, %dma_start3A_149] : memref<384x49x8x128xf32, #tpu.memory_space<hbm>> -> memref<1x49x8x128xf32, #tpu.memory_space<hbm>>
    %dma_start3A_151 = tpu.memref_squeeze %dma_start3A_150 : memref<1x49x8x128xf32, #tpu.memory_space<hbm>> -> memref<49x8x128xf32, #tpu.memory_space<hbm>>
    tpu.enqueue_dma source(%dma_start3A_151 : memref<49x8x128xf32, #tpu.memory_space<hbm>>) target(%arg9 : memref<49x8x128xf32, #tpu.memory_space<vmem>>) target_semaphore(%arg11 : memref<!tpu.dma_semaphore, #tpu.memory_space<semaphore_mem>>)
    %parallel_loop3A_152 = arith.constant 1568 : i32
    %parallel_loop3A_153 = arith.constant 3136 : i32
    %parallel_loop3A_154 = arith.constant 1 : i32
    scf.for %parallel_loop3A_653 = %parallel_loop3A_152 to %parallel_loop3A_153 step %parallel_loop3A_154  : i32 {
      %parallel_loop3A_654 = arith.constant 64 : i32
      %parallel_loop3A_655 = arith.divsi %parallel_loop3A_653, %parallel_loop3A_654 : i32
      %parallel_loop3A_656 = arith.constant 0 : i32
      %parallel_loop3A_657 = arith.cmpi sgt, %parallel_loop3A_653, %parallel_loop3A_656 : i32
      %parallel_loop3A_658 = arith.extui %parallel_loop3A_657 : i1 to i32
      %parallel_loop3A_659 = arith.constant 0 : i32
      %parallel_loop3A_660 = arith.cmpi slt, %parallel_loop3A_653, %parallel_loop3A_659 : i32
      %parallel_loop3A_661 = arith.extui %parallel_loop3A_660 : i1 to i32
      %parallel_loop3A_662 = arith.subi %parallel_loop3A_658, %parallel_loop3A_661 : i32
      %parallel_loop3A_663 = arith.constant 0 : i32
      %parallel_loop3A_664 = arith.cmpi sgt, %parallel_loop3A_654, %parallel_loop3A_663 : i32
      %parallel_loop3A_665 = arith.extui %parallel_loop3A_664 : i1 to i32
      %parallel_loop3A_666 = arith.constant 0 : i32
      %parallel_loop3A_667 = arith.cmpi slt, %parallel_loop3A_654, %parallel_loop3A_666 : i32
      %parallel_loop3A_668 = arith.extui %parallel_loop3A_667 : i1 to i32
      %parallel_loop3A_669 = arith.subi %parallel_loop3A_665, %parallel_loop3A_668 : i32
      %parallel_loop3A_670 = arith.cmpi ne, %parallel_loop3A_662, %parallel_loop3A_669 : i32
      %parallel_loop3A_671 = arith.remsi %parallel_loop3A_653, %parallel_loop3A_654 : i32
      %parallel_loop3A_672 = arith.constant 0 : i32
      %parallel_loop3A_673 = arith.cmpi ne, %parallel_loop3A_671, %parallel_loop3A_672 : i32
      %parallel_loop3A_674 = arith.andi %parallel_loop3A_670, %parallel_loop3A_673 : i1
      %parallel_loop3A_675 = arith.constant 1 : i32
      %parallel_loop3A_676 = arith.subi %parallel_loop3A_655, %parallel_loop3A_675 : i32
      %parallel_loop3A_677 = arith.select %parallel_loop3A_674, %parallel_loop3A_676, %parallel_loop3A_655 : i32
      %parallel_loop3A_678 = arith.constant 8 : i32
      %parallel_loop3A_679 = arith.divsi %parallel_loop3A_653, %parallel_loop3A_678 : i32
      %parallel_loop3A_680 = arith.constant 0 : i32
      %parallel_loop3A_681 = arith.cmpi sgt, %parallel_loop3A_653, %parallel_loop3A_680 : i32
      %parallel_loop3A_682 = arith.extui %parallel_loop3A_681 : i1 to i32
      %parallel_loop3A_683 = arith.constant 0 : i32
      %parallel_loop3A_684 = arith.cmpi slt, %parallel_loop3A_653, %parallel_loop3A_683 : i32
      %parallel_loop3A_685 = arith.extui %parallel_loop3A_684 : i1 to i32
      %parallel_loop3A_686 = arith.subi %parallel_loop3A_682, %parallel_loop3A_685 : i32
      %parallel_loop3A_687 = arith.constant 0 : i32
      %parallel_loop3A_688 = arith.cmpi sgt, %parallel_loop3A_678, %parallel_loop3A_687 : i32
      %parallel_loop3A_689 = arith.extui %parallel_loop3A_688 : i1 to i32
      %parallel_loop3A_690 = arith.constant 0 : i32
      %parallel_loop3A_691 = arith.cmpi slt, %parallel_loop3A_678, %parallel_loop3A_690 : i32
      %parallel_loop3A_692 = arith.extui %parallel_loop3A_691 : i1 to i32
      %parallel_loop3A_693 = arith.subi %parallel_loop3A_689, %parallel_loop3A_692 : i32
      %parallel_loop3A_694 = arith.cmpi ne, %parallel_loop3A_686, %parallel_loop3A_693 : i32
      %parallel_loop3A_695 = arith.remsi %parallel_loop3A_653, %parallel_loop3A_678 : i32
      %parallel_loop3A_696 = arith.constant 0 : i32
      %parallel_loop3A_697 = arith.cmpi ne, %parallel_loop3A_695, %parallel_loop3A_696 : i32
      %parallel_loop3A_698 = arith.andi %parallel_loop3A_694, %parallel_loop3A_697 : i1
      %parallel_loop3A_699 = arith.constant 1 : i32
      %parallel_loop3A_700 = arith.subi %parallel_loop3A_679, %parallel_loop3A_699 : i32
      %parallel_loop3A_701 = arith.select %parallel_loop3A_698, %parallel_loop3A_700, %parallel_loop3A_679 : i32
      %parallel_loop3A_702 = arith.constant 8 : i32
      %parallel_loop3A_703 = arith.constant 0 : i32
      %parallel_loop3A_704 = arith.cmpi eq, %parallel_loop3A_702, %parallel_loop3A_703 : i32
      %parallel_loop3A_705 = arith.constant 1 : i32
      %parallel_loop3A_706 = arith.select %parallel_loop3A_704, %parallel_loop3A_705, %parallel_loop3A_702 : i32
      %parallel_loop3A_707 = arith.remsi %parallel_loop3A_701, %parallel_loop3A_706 : i32
      %parallel_loop3A_708 = arith.constant 0 : i32
      %parallel_loop3A_709 = arith.cmpi ne, %parallel_loop3A_707, %parallel_loop3A_708 : i32
      %parallel_loop3A_710 = arith.constant 0 : i32
      %parallel_loop3A_711 = arith.cmpi slt, %parallel_loop3A_707, %parallel_loop3A_710 : i32
      %parallel_loop3A_712 = arith.constant 0 : i32
      %parallel_loop3A_713 = arith.cmpi slt, %parallel_loop3A_706, %parallel_loop3A_712 : i32
      %parallel_loop3A_714 = arith.xori %parallel_loop3A_711, %parallel_loop3A_713 : i1
      %parallel_loop3A_715 = arith.andi %parallel_loop3A_714, %parallel_loop3A_709 : i1
      %parallel_loop3A_716 = arith.addi %parallel_loop3A_707, %parallel_loop3A_706 : i32
      %parallel_loop3A_717 = arith.select %parallel_loop3A_715, %parallel_loop3A_716, %parallel_loop3A_707 : i32
      %parallel_loop3A_718 = arith.constant 8 : i32
      %parallel_loop3A_719 = arith.constant 0 : i32
      %parallel_loop3A_720 = arith.cmpi eq, %parallel_loop3A_718, %parallel_loop3A_719 : i32
      %parallel_loop3A_721 = arith.constant 1 : i32
      %parallel_loop3A_722 = arith.select %parallel_loop3A_720, %parallel_loop3A_721, %parallel_loop3A_718 : i32
      %parallel_loop3A_723 = arith.remsi %parallel_loop3A_653, %parallel_loop3A_722 : i32
      %parallel_loop3A_724 = arith.constant 0 : i32
      %parallel_loop3A_725 = arith.cmpi ne, %parallel_loop3A_723, %parallel_loop3A_724 : i32
      %parallel_loop3A_726 = arith.constant 0 : i32
      %parallel_loop3A_727 = arith.cmpi slt, %parallel_loop3A_723, %parallel_loop3A_726 : i32
      %parallel_loop3A_728 = arith.constant 0 : i32
      %parallel_loop3A_729 = arith.cmpi slt, %parallel_loop3A_722, %parallel_loop3A_728 : i32
      %parallel_loop3A_730 = arith.xori %parallel_loop3A_727, %parallel_loop3A_729 : i1
      %parallel_loop3A_731 = arith.andi %parallel_loop3A_730, %parallel_loop3A_725 : i1
      %parallel_loop3A_732 = arith.addi %parallel_loop3A_723, %parallel_loop3A_722 : i32
      %parallel_loop3A_733 = arith.select %parallel_loop3A_731, %parallel_loop3A_732, %parallel_loop3A_723 : i32
      %parallel_loop3A_734 = arith.constant 128 : i32
      %parallel_loop3A_735 = arith.muli %parallel_loop3A_677, %parallel_loop3A_734 : i32
      %parallel_loop3A_736 = arith.constant 16 : i32
      %parallel_loop3A_737 = arith.muli %parallel_loop3A_733, %parallel_loop3A_736 : i32
      %parallel_loop3A_738 = arith.addi %parallel_loop3A_735, %parallel_loop3A_737 : i32
      %parallel_loop3A_739 = arith.index_cast %parallel_loop3A_738 : i32 to index
      %parallel_loop3A_740 = tpu.vector_load %arg7[%parallel_loop3A_739] {strides = array<i32>} : memref<6272xi32, #tpu.memory_space<vmem>>, vector<16xi32>,
      %parallel_loop3A_741 = arith.constant 16 : i32
      %parallel_loop3A_742 = arith.addi %parallel_loop3A_741, %parallel_loop3A_717 : i32
      %parallel_loop3A_743 = arith.constant 32 : i32
      %parallel_loop3A_744 = arith.muli %parallel_loop3A_742, %parallel_loop3A_743 : i32
      %parallel_loop3A_745 = vector.broadcast %parallel_loop3A_744 : i32 to vector<16xi32>
      %parallel_loop3A_746 = arith.addi %parallel_loop3A_740, %parallel_loop3A_745 : vector<16xi32>
      %parallel_loop3A_747 = tpu.vector_load_idx %arg6[%parallel_loop3A_746] : memref<3072xf32, #tpu.memory_space<vmem>>[vector<16xi32>], vector<16xf32>,
      %parallel_loop3A_748 = arith.constant 16 : i32
      %parallel_loop3A_749 = arith.muli %parallel_loop3A_733, %parallel_loop3A_748 : i32
      %parallel_loop3A_750 = arith.index_cast %parallel_loop3A_677 : i32 to index
      %parallel_loop3A_751 = arith.index_cast %parallel_loop3A_717 : i32 to index
      %parallel_loop3A_752 = arith.index_cast %parallel_loop3A_749 : i32 to index
      %parallel_loop3A_753 = tpu.vector_load %arg8[%parallel_loop3A_750, %parallel_loop3A_751, %parallel_loop3A_752] {strides = array<i32>} : memref<49x8x128xf32, #tpu.memory_space<vmem>>, vector<16xf32>,
      %parallel_loop3A_754 = arith.addf %parallel_loop3A_753, %parallel_loop3A_747 : vector<16xf32>
      %parallel_loop3A_755 = arith.constant 16 : i32
      %parallel_loop3A_756 = arith.muli %parallel_loop3A_733, %parallel_loop3A_755 : i32
      %parallel_loop3A_757 = arith.index_cast %parallel_loop3A_677 : i32 to index
      %parallel_loop3A_758 = arith.index_cast %parallel_loop3A_717 : i32 to index
      %parallel_loop3A_759 = arith.index_cast %parallel_loop3A_756 : i32 to index
      %parallel_loop3A_760 = tpu.vector_load %arg8[%parallel_loop3A_757, %parallel_loop3A_758, %parallel_loop3A_759] {strides = array<i32>} : memref<49x8x128xf32, #tpu.memory_space<vmem>>, vector<16xf32>,
      tpu.vector_store %arg8[%parallel_loop3A_757, %parallel_loop3A_758, %parallel_loop3A_759], %parallel_loop3A_754 {strides = array<i32>} : memref<49x8x128xf32, #tpu.memory_space<vmem>>, vector<16xf32>,
    } {sc.loop_unroll_factor = 4 : i64, sc.parallel_access}
    %add3A_155 = arith.constant 2 : i32
    %add3A_156 = arith.addi %mul3A_7, %add3A_155 : i32
    %dma_start3A_157 = arith.constant 0 : i32
    %dma_start3A_158 = arith.constant 0 : i32
    %dma_start3A_159 = arith.constant 0 : i32
    %dma_start3A_160 = tpu.memref_slice %arg5[%add3A_156, %dma_start3A_157, %dma_start3A_158, %dma_start3A_159] : memref<384x49x8x128xf32, #tpu.memory_space<hbm>> -> memref<1x49x8x128xf32, #tpu.memory_space<hbm>>
    %dma_start3A_161 = tpu.memref_squeeze %dma_start3A_160 : memref<1x49x8x128xf32, #tpu.memory_space<hbm>> -> memref<49x8x128xf32, #tpu.memory_space<hbm>>
    %dma_start3A_162 = arith.constant 0 : i32
    %dma_start3A_163 = arith.constant 0 : i32
    %dma_start3A_164 = arith.constant 0 : i32
    %dma_start3A_165 = tpu.memref_slice %arg5[%add3A_156, %dma_start3A_162, %dma_start3A_163, %dma_start3A_164] : memref<384x49x8x128xf32, #tpu.memory_space<hbm>> -> memref<1x49x8x128xf32, #tpu.memory_space<hbm>>
    %dma_start3A_166 = tpu.memref_squeeze %dma_start3A_165 : memref<1x49x8x128xf32, #tpu.memory_space<hbm>> -> memref<49x8x128xf32, #tpu.memory_space<hbm>>
    tpu.enqueue_dma source(%arg8 : memref<49x8x128xf32, #tpu.memory_space<vmem>>) target(%dma_start3A_166 : memref<49x8x128xf32, #tpu.memory_space<hbm>>) target_semaphore(%arg12 : memref<!tpu.dma_semaphore, #tpu.memory_space<semaphore_mem>>)
    %add3A_167 = arith.constant 3 : i32
    %add3A_168 = arith.addi %mul3A_7, %add3A_167 : i32
    %dma_wait3A_169 = arith.constant 0 : i32
    %dma_wait3A_170 = arith.constant 0 : i32
    %dma_wait3A_171 = arith.constant 0 : i32
    %dma_wait3A_172 = tpu.memref_slice %arg2[%add3A_168, %dma_wait3A_169, %dma_wait3A_170, %dma_wait3A_171] : memref<384x49x8x128xf32, #tpu.memory_space<hbm>> -> memref<1x49x8x128xf32, #tpu.memory_space<hbm>>
    %dma_wait3A_173 = tpu.memref_squeeze %dma_wait3A_172 : memref<1x49x8x128xf32, #tpu.memory_space<hbm>> -> memref<49x8x128xf32, #tpu.memory_space<hbm>>
    %dma_wait3A_174 = arith.constant 0 : i32
    %dma_wait3A_175 = arith.constant 0 : i32
    %dma_wait3A_176 = arith.constant 0 : i32
    %dma_wait3A_177 = tpu.memref_slice %arg2[%add3A_168, %dma_wait3A_174, %dma_wait3A_175, %dma_wait3A_176] : memref<384x49x8x128xf32, #tpu.memory_space<hbm>> -> memref<1x49x8x128xf32, #tpu.memory_space<hbm>>
    %dma_wait3A_178 = tpu.memref_squeeze %dma_wait3A_177 : memref<1x49x8x128xf32, #tpu.memory_space<hbm>> -> memref<49x8x128xf32, #tpu.memory_space<hbm>>
    tpu.wait_dma2 semaphore(%arg11 : memref<!tpu.dma_semaphore, #tpu.memory_space<semaphore_mem>>) src(%dma_wait3A_178 : memref<49x8x128xf32, #tpu.memory_space<hbm>>) dst(%arg9 : memref<49x8x128xf32, #tpu.memory_space<vmem>>)
    %parallel_loop3A_179 = arith.constant 0 : i32
    %parallel_loop3A_180 = arith.constant 1568 : i32
    %parallel_loop3A_181 = arith.constant 1 : i32
    scf.for %parallel_loop3A_653 = %parallel_loop3A_179 to %parallel_loop3A_180 step %parallel_loop3A_181  : i32 {
      %parallel_loop3A_654 = arith.constant 64 : i32
      %parallel_loop3A_655 = arith.divsi %parallel_loop3A_653, %parallel_loop3A_654 : i32
      %parallel_loop3A_656 = arith.constant 0 : i32
      %parallel_loop3A_657 = arith.cmpi sgt, %parallel_loop3A_653, %parallel_loop3A_656 : i32
      %parallel_loop3A_658 = arith.extui %parallel_loop3A_657 : i1 to i32
      %parallel_loop3A_659 = arith.constant 0 : i32
      %parallel_loop3A_660 = arith.cmpi slt, %parallel_loop3A_653, %parallel_loop3A_659 : i32
      %parallel_loop3A_661 = arith.extui %parallel_loop3A_660 : i1 to i32
      %parallel_loop3A_662 = arith.subi %parallel_loop3A_658, %parallel_loop3A_661 : i32
      %parallel_loop3A_663 = arith.constant 0 : i32
      %parallel_loop3A_664 = arith.cmpi sgt, %parallel_loop3A_654, %parallel_loop3A_663 : i32
      %parallel_loop3A_665 = arith.extui %parallel_loop3A_664 : i1 to i32
      %parallel_loop3A_666 = arith.constant 0 : i32
      %parallel_loop3A_667 = arith.cmpi slt, %parallel_loop3A_654, %parallel_loop3A_666 : i32
      %parallel_loop3A_668 = arith.extui %parallel_loop3A_667 : i1 to i32
      %parallel_loop3A_669 = arith.subi %parallel_loop3A_665, %parallel_loop3A_668 : i32
      %parallel_loop3A_670 = arith.cmpi ne, %parallel_loop3A_662, %parallel_loop3A_669 : i32
      %parallel_loop3A_671 = arith.remsi %parallel_loop3A_653, %parallel_loop3A_654 : i32
      %parallel_loop3A_672 = arith.constant 0 : i32
      %parallel_loop3A_673 = arith.cmpi ne, %parallel_loop3A_671, %parallel_loop3A_672 : i32
      %parallel_loop3A_674 = arith.andi %parallel_loop3A_670, %parallel_loop3A_673 : i1
      %parallel_loop3A_675 = arith.constant 1 : i32
      %parallel_loop3A_676 = arith.subi %parallel_loop3A_655, %parallel_loop3A_675 : i32
      %parallel_loop3A_677 = arith.select %parallel_loop3A_674, %parallel_loop3A_676, %parallel_loop3A_655 : i32
      %parallel_loop3A_678 = arith.constant 8 : i32
      %parallel_loop3A_679 = arith.divsi %parallel_loop3A_653, %parallel_loop3A_678 : i32
      %parallel_loop3A_680 = arith.constant 0 : i32
      %parallel_loop3A_681 = arith.cmpi sgt, %parallel_loop3A_653, %parallel_loop3A_680 : i32
      %parallel_loop3A_682 = arith.extui %parallel_loop3A_681 : i1 to i32
      %parallel_loop3A_683 = arith.constant 0 : i32
      %parallel_loop3A_684 = arith.cmpi slt, %parallel_loop3A_653, %parallel_loop3A_683 : i32
      %parallel_loop3A_685 = arith.extui %parallel_loop3A_684 : i1 to i32
      %parallel_loop3A_686 = arith.subi %parallel_loop3A_682, %parallel_loop3A_685 : i32
      %parallel_loop3A_687 = arith.constant 0 : i32
      %parallel_loop3A_688 = arith.cmpi sgt, %parallel_loop3A_678, %parallel_loop3A_687 : i32
      %parallel_loop3A_689 = arith.extui %parallel_loop3A_688 : i1 to i32
      %parallel_loop3A_690 = arith.constant 0 : i32
      %parallel_loop3A_691 = arith.cmpi slt, %parallel_loop3A_678, %parallel_loop3A_690 : i32
      %parallel_loop3A_692 = arith.extui %parallel_loop3A_691 : i1 to i32
      %parallel_loop3A_693 = arith.subi %parallel_loop3A_689, %parallel_loop3A_692 : i32
      %parallel_loop3A_694 = arith.cmpi ne, %parallel_loop3A_686, %parallel_loop3A_693 : i32
      %parallel_loop3A_695 = arith.remsi %parallel_loop3A_653, %parallel_loop3A_678 : i32
      %parallel_loop3A_696 = arith.constant 0 : i32
      %parallel_loop3A_697 = arith.cmpi ne, %parallel_loop3A_695, %parallel_loop3A_696 : i32
      %parallel_loop3A_698 = arith.andi %parallel_loop3A_694, %parallel_loop3A_697 : i1
      %parallel_loop3A_699 = arith.constant 1 : i32
      %parallel_loop3A_700 = arith.subi %parallel_loop3A_679, %parallel_loop3A_699 : i32
      %parallel_loop3A_701 = arith.select %parallel_loop3A_698, %parallel_loop3A_700, %parallel_loop3A_679 : i32
      %parallel_loop3A_702 = arith.constant 8 : i32
      %parallel_loop3A_703 = arith.constant 0 : i32
      %parallel_loop3A_704 = arith.cmpi eq, %parallel_loop3A_702, %parallel_loop3A_703 : i32
      %parallel_loop3A_705 = arith.constant 1 : i32
      %parallel_loop3A_706 = arith.select %parallel_loop3A_704, %parallel_loop3A_705, %parallel_loop3A_702 : i32
      %parallel_loop3A_707 = arith.remsi %parallel_loop3A_701, %parallel_loop3A_706 : i32
      %parallel_loop3A_708 = arith.constant 0 : i32
      %parallel_loop3A_709 = arith.cmpi ne, %parallel_loop3A_707, %parallel_loop3A_708 : i32
      %parallel_loop3A_710 = arith.constant 0 : i32
      %parallel_loop3A_711 = arith.cmpi slt, %parallel_loop3A_707, %parallel_loop3A_710 : i32
      %parallel_loop3A_712 = arith.constant 0 : i32
      %parallel_loop3A_713 = arith.cmpi slt, %parallel_loop3A_706, %parallel_loop3A_712 : i32
      %parallel_loop3A_714 = arith.xori %parallel_loop3A_711, %parallel_loop3A_713 : i1
      %parallel_loop3A_715 = arith.andi %parallel_loop3A_714, %parallel_loop3A_709 : i1
      %parallel_loop3A_716 = arith.addi %parallel_loop3A_707, %parallel_loop3A_706 : i32
      %parallel_loop3A_717 = arith.select %parallel_loop3A_715, %parallel_loop3A_716, %parallel_loop3A_707 : i32
      %parallel_loop3A_718 = arith.constant 8 : i32
      %parallel_loop3A_719 = arith.constant 0 : i32
      %parallel_loop3A_720 = arith.cmpi eq, %parallel_loop3A_718, %parallel_loop3A_719 : i32
      %parallel_loop3A_721 = arith.constant 1 : i32
      %parallel_loop3A_722 = arith.select %parallel_loop3A_720, %parallel_loop3A_721, %parallel_loop3A_718 : i32
      %parallel_loop3A_723 = arith.remsi %parallel_loop3A_653, %parallel_loop3A_722 : i32
      %parallel_loop3A_724 = arith.constant 0 : i32
      %parallel_loop3A_725 = arith.cmpi ne, %parallel_loop3A_723, %parallel_loop3A_724 : i32
      %parallel_loop3A_726 = arith.constant 0 : i32
      %parallel_loop3A_727 = arith.cmpi slt, %parallel_loop3A_723, %parallel_loop3A_726 : i32
      %parallel_loop3A_728 = arith.constant 0 : i32
      %parallel_loop3A_729 = arith.cmpi slt, %parallel_loop3A_722, %parallel_loop3A_728 : i32
      %parallel_loop3A_730 = arith.xori %parallel_loop3A_727, %parallel_loop3A_729 : i1
      %parallel_loop3A_731 = arith.andi %parallel_loop3A_730, %parallel_loop3A_725 : i1
      %parallel_loop3A_732 = arith.addi %parallel_loop3A_723, %parallel_loop3A_722 : i32
      %parallel_loop3A_733 = arith.select %parallel_loop3A_731, %parallel_loop3A_732, %parallel_loop3A_723 : i32
      %parallel_loop3A_734 = arith.constant 128 : i32
      %parallel_loop3A_735 = arith.muli %parallel_loop3A_677, %parallel_loop3A_734 : i32
      %parallel_loop3A_736 = arith.constant 16 : i32
      %parallel_loop3A_737 = arith.muli %parallel_loop3A_733, %parallel_loop3A_736 : i32
      %parallel_loop3A_738 = arith.addi %parallel_loop3A_735, %parallel_loop3A_737 : i32
      %parallel_loop3A_739 = arith.index_cast %parallel_loop3A_738 : i32 to index
      %parallel_loop3A_740 = tpu.vector_load %arg7[%parallel_loop3A_739] {strides = array<i32>} : memref<6272xi32, #tpu.memory_space<vmem>>, vector<16xi32>,
      %parallel_loop3A_741 = arith.constant 24 : i32
      %parallel_loop3A_742 = arith.addi %parallel_loop3A_741, %parallel_loop3A_717 : i32
      %parallel_loop3A_743 = arith.constant 32 : i32
      %parallel_loop3A_744 = arith.muli %parallel_loop3A_742, %parallel_loop3A_743 : i32
      %parallel_loop3A_745 = vector.broadcast %parallel_loop3A_744 : i32 to vector<16xi32>
      %parallel_loop3A_746 = arith.addi %parallel_loop3A_740, %parallel_loop3A_745 : vector<16xi32>
      %parallel_loop3A_747 = tpu.vector_load_idx %arg6[%parallel_loop3A_746] : memref<3072xf32, #tpu.memory_space<vmem>>[vector<16xi32>], vector<16xf32>,
      %parallel_loop3A_748 = arith.constant 16 : i32
      %parallel_loop3A_749 = arith.muli %parallel_loop3A_733, %parallel_loop3A_748 : i32
      %parallel_loop3A_750 = arith.index_cast %parallel_loop3A_677 : i32 to index
      %parallel_loop3A_751 = arith.index_cast %parallel_loop3A_717 : i32 to index
      %parallel_loop3A_752 = arith.index_cast %parallel_loop3A_749 : i32 to index
      %parallel_loop3A_753 = tpu.vector_load %arg9[%parallel_loop3A_750, %parallel_loop3A_751, %parallel_loop3A_752] {strides = array<i32>} : memref<49x8x128xf32, #tpu.memory_space<vmem>>, vector<16xf32>,
      %parallel_loop3A_754 = arith.addf %parallel_loop3A_753, %parallel_loop3A_747 : vector<16xf32>
      %parallel_loop3A_755 = arith.constant 16 : i32
      %parallel_loop3A_756 = arith.muli %parallel_loop3A_733, %parallel_loop3A_755 : i32
      %parallel_loop3A_757 = arith.index_cast %parallel_loop3A_677 : i32 to index
      %parallel_loop3A_758 = arith.index_cast %parallel_loop3A_717 : i32 to index
      %parallel_loop3A_759 = arith.index_cast %parallel_loop3A_756 : i32 to index
      %parallel_loop3A_760 = tpu.vector_load %arg9[%parallel_loop3A_757, %parallel_loop3A_758, %parallel_loop3A_759] {strides = array<i32>} : memref<49x8x128xf32, #tpu.memory_space<vmem>>, vector<16xf32>,
      tpu.vector_store %arg9[%parallel_loop3A_757, %parallel_loop3A_758, %parallel_loop3A_759], %parallel_loop3A_754 {strides = array<i32>} : memref<49x8x128xf32, #tpu.memory_space<vmem>>, vector<16xf32>,
    } {sc.loop_unroll_factor = 4 : i64, sc.parallel_access}
    %add3A_182 = arith.constant 2 : i32
    %add3A_183 = arith.addi %mul3A_7, %add3A_182 : i32
    %dma_wait3A_184 = arith.constant 0 : i32
    %dma_wait3A_185 = arith.constant 0 : i32
    %dma_wait3A_186 = arith.constant 0 : i32
    %dma_wait3A_187 = tpu.memref_slice %arg5[%add3A_183, %dma_wait3A_184, %dma_wait3A_185, %dma_wait3A_186] : memref<384x49x8x128xf32, #tpu.memory_space<hbm>> -> memref<1x49x8x128xf32, #tpu.memory_space<hbm>>
    %dma_wait3A_188 = tpu.memref_squeeze %dma_wait3A_187 : memref<1x49x8x128xf32, #tpu.memory_space<hbm>> -> memref<49x8x128xf32, #tpu.memory_space<hbm>>
    %dma_wait3A_189 = arith.constant 0 : i32
    %dma_wait3A_190 = arith.constant 0 : i32
    %dma_wait3A_191 = arith.constant 0 : i32
    %dma_wait3A_192 = tpu.memref_slice %arg5[%add3A_183, %dma_wait3A_189, %dma_wait3A_190, %dma_wait3A_191] : memref<384x49x8x128xf32, #tpu.memory_space<hbm>> -> memref<1x49x8x128xf32, #tpu.memory_space<hbm>>
    %dma_wait3A_193 = tpu.memref_squeeze %dma_wait3A_192 : memref<1x49x8x128xf32, #tpu.memory_space<hbm>> -> memref<49x8x128xf32, #tpu.memory_space<hbm>>
    tpu.wait_dma2 semaphore(%arg12 : memref<!tpu.dma_semaphore, #tpu.memory_space<semaphore_mem>>) src(%arg8 : memref<49x8x128xf32, #tpu.memory_space<vmem>>) dst(%dma_wait3A_193 : memref<49x8x128xf32, #tpu.memory_space<hbm>>)
    %add3A_194 = arith.constant 4 : i32
    %add3A_195 = arith.addi %mul3A_7, %add3A_194 : i32
    %dma_start3A_196 = arith.constant 0 : i32
    %dma_start3A_197 = arith.constant 0 : i32
    %dma_start3A_198 = arith.constant 0 : i32
    %dma_start3A_199 = tpu.memref_slice %arg2[%add3A_195, %dma_start3A_196, %dma_start3A_197, %dma_start3A_198] : memref<384x49x8x128xf32, #tpu.memory_space<hbm>> -> memref<1x49x8x128xf32, #tpu.memory_space<hbm>>
    %dma_start3A_200 = tpu.memref_squeeze %dma_start3A_199 : memref<1x49x8x128xf32, #tpu.memory_space<hbm>> -> memref<49x8x128xf32, #tpu.memory_space<hbm>>
    %dma_start3A_201 = arith.constant 0 : i32
    %dma_start3A_202 = arith.constant 0 : i32
    %dma_start3A_203 = arith.constant 0 : i32
    %dma_start3A_204 = tpu.memref_slice %arg2[%add3A_195, %dma_start3A_201, %dma_start3A_202, %dma_start3A_203] : memref<384x49x8x128xf32, #tpu.memory_space<hbm>> -> memref<1x49x8x128xf32, #tpu.memory_space<hbm>>
    %dma_start3A_205 = tpu.memref_squeeze %dma_start3A_204 : memref<1x49x8x128xf32, #tpu.memory_space<hbm>> -> memref<49x8x128xf32, #tpu.memory_space<hbm>>
    tpu.enqueue_dma source(%dma_start3A_205 : memref<49x8x128xf32, #tpu.memory_space<hbm>>) target(%arg8 : memref<49x8x128xf32, #tpu.memory_space<vmem>>) target_semaphore(%arg10 : memref<!tpu.dma_semaphore, #tpu.memory_space<semaphore_mem>>)
    %parallel_loop3A_206 = arith.constant 1568 : i32
    %parallel_loop3A_207 = arith.constant 3136 : i32
    %parallel_loop3A_208 = arith.constant 1 : i32
    scf.for %parallel_loop3A_653 = %parallel_loop3A_206 to %parallel_loop3A_207 step %parallel_loop3A_208  : i32 {
      %parallel_loop3A_654 = arith.constant 64 : i32
      %parallel_loop3A_655 = arith.divsi %parallel_loop3A_653, %parallel_loop3A_654 : i32
      %parallel_loop3A_656 = arith.constant 0 : i32
      %parallel_loop3A_657 = arith.cmpi sgt, %parallel_loop3A_653, %parallel_loop3A_656 : i32
      %parallel_loop3A_658 = arith.extui %parallel_loop3A_657 : i1 to i32
      %parallel_loop3A_659 = arith.constant 0 : i32
      %parallel_loop3A_660 = arith.cmpi slt, %parallel_loop3A_653, %parallel_loop3A_659 : i32
      %parallel_loop3A_661 = arith.extui %parallel_loop3A_660 : i1 to i32
      %parallel_loop3A_662 = arith.subi %parallel_loop3A_658, %parallel_loop3A_661 : i32
      %parallel_loop3A_663 = arith.constant 0 : i32
      %parallel_loop3A_664 = arith.cmpi sgt, %parallel_loop3A_654, %parallel_loop3A_663 : i32
      %parallel_loop3A_665 = arith.extui %parallel_loop3A_664 : i1 to i32
      %parallel_loop3A_666 = arith.constant 0 : i32
      %parallel_loop3A_667 = arith.cmpi slt, %parallel_loop3A_654, %parallel_loop3A_666 : i32
      %parallel_loop3A_668 = arith.extui %parallel_loop3A_667 : i1 to i32
      %parallel_loop3A_669 = arith.subi %parallel_loop3A_665, %parallel_loop3A_668 : i32
      %parallel_loop3A_670 = arith.cmpi ne, %parallel_loop3A_662, %parallel_loop3A_669 : i32
      %parallel_loop3A_671 = arith.remsi %parallel_loop3A_653, %parallel_loop3A_654 : i32
      %parallel_loop3A_672 = arith.constant 0 : i32
      %parallel_loop3A_673 = arith.cmpi ne, %parallel_loop3A_671, %parallel_loop3A_672 : i32
      %parallel_loop3A_674 = arith.andi %parallel_loop3A_670, %parallel_loop3A_673 : i1
      %parallel_loop3A_675 = arith.constant 1 : i32
      %parallel_loop3A_676 = arith.subi %parallel_loop3A_655, %parallel_loop3A_675 : i32
      %parallel_loop3A_677 = arith.select %parallel_loop3A_674, %parallel_loop3A_676, %parallel_loop3A_655 : i32
      %parallel_loop3A_678 = arith.constant 8 : i32
      %parallel_loop3A_679 = arith.divsi %parallel_loop3A_653, %parallel_loop3A_678 : i32
      %parallel_loop3A_680 = arith.constant 0 : i32
      %parallel_loop3A_681 = arith.cmpi sgt, %parallel_loop3A_653, %parallel_loop3A_680 : i32
      %parallel_loop3A_682 = arith.extui %parallel_loop3A_681 : i1 to i32
      %parallel_loop3A_683 = arith.constant 0 : i32
      %parallel_loop3A_684 = arith.cmpi slt, %parallel_loop3A_653, %parallel_loop3A_683 : i32
      %parallel_loop3A_685 = arith.extui %parallel_loop3A_684 : i1 to i32
      %parallel_loop3A_686 = arith.subi %parallel_loop3A_682, %parallel_loop3A_685 : i32
      %parallel_loop3A_687 = arith.constant 0 : i32
      %parallel_loop3A_688 = arith.cmpi sgt, %parallel_loop3A_678, %parallel_loop3A_687 : i32
      %parallel_loop3A_689 = arith.extui %parallel_loop3A_688 : i1 to i32
      %parallel_loop3A_690 = arith.constant 0 : i32
      %parallel_loop3A_691 = arith.cmpi slt, %parallel_loop3A_678, %parallel_loop3A_690 : i32
      %parallel_loop3A_692 = arith.extui %parallel_loop3A_691 : i1 to i32
      %parallel_loop3A_693 = arith.subi %parallel_loop3A_689, %parallel_loop3A_692 : i32
      %parallel_loop3A_694 = arith.cmpi ne, %parallel_loop3A_686, %parallel_loop3A_693 : i32
      %parallel_loop3A_695 = arith.remsi %parallel_loop3A_653, %parallel_loop3A_678 : i32
      %parallel_loop3A_696 = arith.constant 0 : i32
      %parallel_loop3A_697 = arith.cmpi ne, %parallel_loop3A_695, %parallel_loop3A_696 : i32
      %parallel_loop3A_698 = arith.andi %parallel_loop3A_694, %parallel_loop3A_697 : i1
      %parallel_loop3A_699 = arith.constant 1 : i32
      %parallel_loop3A_700 = arith.subi %parallel_loop3A_679, %parallel_loop3A_699 : i32
      %parallel_loop3A_701 = arith.select %parallel_loop3A_698, %parallel_loop3A_700, %parallel_loop3A_679 : i32
      %parallel_loop3A_702 = arith.constant 8 : i32
      %parallel_loop3A_703 = arith.constant 0 : i32
      %parallel_loop3A_704 = arith.cmpi eq, %parallel_loop3A_702, %parallel_loop3A_703 : i32
      %parallel_loop3A_705 = arith.constant 1 : i32
      %parallel_loop3A_706 = arith.select %parallel_loop3A_704, %parallel_loop3A_705, %parallel_loop3A_702 : i32
      %parallel_loop3A_707 = arith.remsi %parallel_loop3A_701, %parallel_loop3A_706 : i32
      %parallel_loop3A_708 = arith.constant 0 : i32
      %parallel_loop3A_709 = arith.cmpi ne, %parallel_loop3A_707, %parallel_loop3A_708 : i32
      %parallel_loop3A_710 = arith.constant 0 : i32
      %parallel_loop3A_711 = arith.cmpi slt, %parallel_loop3A_707, %parallel_loop3A_710 : i32
      %parallel_loop3A_712 = arith.constant 0 : i32
      %parallel_loop3A_713 = arith.cmpi slt, %parallel_loop3A_706, %parallel_loop3A_712 : i32
      %parallel_loop3A_714 = arith.xori %parallel_loop3A_711, %parallel_loop3A_713 : i1
      %parallel_loop3A_715 = arith.andi %parallel_loop3A_714, %parallel_loop3A_709 : i1
      %parallel_loop3A_716 = arith.addi %parallel_loop3A_707, %parallel_loop3A_706 : i32
      %parallel_loop3A_717 = arith.select %parallel_loop3A_715, %parallel_loop3A_716, %parallel_loop3A_707 : i32
      %parallel_loop3A_718 = arith.constant 8 : i32
      %parallel_loop3A_719 = arith.constant 0 : i32
      %parallel_loop3A_720 = arith.cmpi eq, %parallel_loop3A_718, %parallel_loop3A_719 : i32
      %parallel_loop3A_721 = arith.constant 1 : i32
      %parallel_loop3A_722 = arith.select %parallel_loop3A_720, %parallel_loop3A_721, %parallel_loop3A_718 : i32
      %parallel_loop3A_723 = arith.remsi %parallel_loop3A_653, %parallel_loop3A_722 : i32
      %parallel_loop3A_724 = arith.constant 0 : i32
      %parallel_loop3A_725 = arith.cmpi ne, %parallel_loop3A_723, %parallel_loop3A_724 : i32
      %parallel_loop3A_726 = arith.constant 0 : i32
      %parallel_loop3A_727 = arith.cmpi slt, %parallel_loop3A_723, %parallel_loop3A_726 : i32
      %parallel_loop3A_728 = arith.constant 0 : i32
      %parallel_loop3A_729 = arith.cmpi slt, %parallel_loop3A_722, %parallel_loop3A_728 : i32
      %parallel_loop3A_730 = arith.xori %parallel_loop3A_727, %parallel_loop3A_729 : i1
      %parallel_loop3A_731 = arith.andi %parallel_loop3A_730, %parallel_loop3A_725 : i1
      %parallel_loop3A_732 = arith.addi %parallel_loop3A_723, %parallel_loop3A_722 : i32
      %parallel_loop3A_733 = arith.select %parallel_loop3A_731, %parallel_loop3A_732, %parallel_loop3A_723 : i32
      %parallel_loop3A_734 = arith.constant 128 : i32
      %parallel_loop3A_735 = arith.muli %parallel_loop3A_677, %parallel_loop3A_734 : i32
      %parallel_loop3A_736 = arith.constant 16 : i32
      %parallel_loop3A_737 = arith.muli %parallel_loop3A_733, %parallel_loop3A_736 : i32
      %parallel_loop3A_738 = arith.addi %parallel_loop3A_735, %parallel_loop3A_737 : i32
      %parallel_loop3A_739 = arith.index_cast %parallel_loop3A_738 : i32 to index
      %parallel_loop3A_740 = tpu.vector_load %arg7[%parallel_loop3A_739] {strides = array<i32>} : memref<6272xi32, #tpu.memory_space<vmem>>, vector<16xi32>,
      %parallel_loop3A_741 = arith.constant 24 : i32
      %parallel_loop3A_742 = arith.addi %parallel_loop3A_741, %parallel_loop3A_717 : i32
      %parallel_loop3A_743 = arith.constant 32 : i32
      %parallel_loop3A_744 = arith.muli %parallel_loop3A_742, %parallel_loop3A_743 : i32
      %parallel_loop3A_745 = vector.broadcast %parallel_loop3A_744 : i32 to vector<16xi32>
      %parallel_loop3A_746 = arith.addi %parallel_loop3A_740, %parallel_loop3A_745 : vector<16xi32>
      %parallel_loop3A_747 = tpu.vector_load_idx %arg6[%parallel_loop3A_746] : memref<3072xf32, #tpu.memory_space<vmem>>[vector<16xi32>], vector<16xf32>,
      %parallel_loop3A_748 = arith.constant 16 : i32
      %parallel_loop3A_749 = arith.muli %parallel_loop3A_733, %parallel_loop3A_748 : i32
      %parallel_loop3A_750 = arith.index_cast %parallel_loop3A_677 : i32 to index
      %parallel_loop3A_751 = arith.index_cast %parallel_loop3A_717 : i32 to index
      %parallel_loop3A_752 = arith.index_cast %parallel_loop3A_749 : i32 to index
      %parallel_loop3A_753 = tpu.vector_load %arg9[%parallel_loop3A_750, %parallel_loop3A_751, %parallel_loop3A_752] {strides = array<i32>} : memref<49x8x128xf32, #tpu.memory_space<vmem>>, vector<16xf32>,
      %parallel_loop3A_754 = arith.addf %parallel_loop3A_753, %parallel_loop3A_747 : vector<16xf32>
      %parallel_loop3A_755 = arith.constant 16 : i32
      %parallel_loop3A_756 = arith.muli %parallel_loop3A_733, %parallel_loop3A_755 : i32
      %parallel_loop3A_757 = arith.index_cast %parallel_loop3A_677 : i32 to index
      %parallel_loop3A_758 = arith.index_cast %parallel_loop3A_717 : i32 to index
      %parallel_loop3A_759 = arith.index_cast %parallel_loop3A_756 : i32 to index
      %parallel_loop3A_760 = tpu.vector_load %arg9[%parallel_loop3A_757, %parallel_loop3A_758, %parallel_loop3A_759] {strides = array<i32>} : memref<49x8x128xf32, #tpu.memory_space<vmem>>, vector<16xf32>,
      tpu.vector_store %arg9[%parallel_loop3A_757, %parallel_loop3A_758, %parallel_loop3A_759], %parallel_loop3A_754 {strides = array<i32>} : memref<49x8x128xf32, #tpu.memory_space<vmem>>, vector<16xf32>,
    } {sc.loop_unroll_factor = 4 : i64, sc.parallel_access}
    %add3A_209 = arith.constant 3 : i32
    %add3A_210 = arith.addi %mul3A_7, %add3A_209 : i32
    %dma_start3A_211 = arith.constant 0 : i32
    %dma_start3A_212 = arith.constant 0 : i32
    %dma_start3A_213 = arith.constant 0 : i32
    %dma_start3A_214 = tpu.memref_slice %arg5[%add3A_210, %dma_start3A_211, %dma_start3A_212, %dma_start3A_213] : memref<384x49x8x128xf32, #tpu.memory_space<hbm>> -> memref<1x49x8x128xf32, #tpu.memory_space<hbm>>
    %dma_start3A_215 = tpu.memref_squeeze %dma_start3A_214 : memref<1x49x8x128xf32, #tpu.memory_space<hbm>> -> memref<49x8x128xf32, #tpu.memory_space<hbm>>
    %dma_start3A_216 = arith.constant 0 : i32
    %dma_start3A_217 = arith.constant 0 : i32
    %dma_start3A_218 = arith.constant 0 : i32
    %dma_start3A_219 = tpu.memref_slice %arg5[%add3A_210, %dma_start3A_216, %dma_start3A_217, %dma_start3A_218] : memref<384x49x8x128xf32, #tpu.memory_space<hbm>> -> memref<1x49x8x128xf32, #tpu.memory_space<hbm>>
    %dma_start3A_220 = tpu.memref_squeeze %dma_start3A_219 : memref<1x49x8x128xf32, #tpu.memory_space<hbm>> -> memref<49x8x128xf32, #tpu.memory_space<hbm>>
    tpu.enqueue_dma source(%arg9 : memref<49x8x128xf32, #tpu.memory_space<vmem>>) target(%dma_start3A_220 : memref<49x8x128xf32, #tpu.memory_space<hbm>>) target_semaphore(%arg13 : memref<!tpu.dma_semaphore, #tpu.memory_space<semaphore_mem>>)
    %add3A_221 = arith.constant 4 : i32
    %add3A_222 = arith.addi %mul3A_7, %add3A_221 : i32
    %dma_wait3A_223 = arith.constant 0 : i32
    %dma_wait3A_224 = arith.constant 0 : i32
    %dma_wait3A_225 = arith.constant 0 : i32
    %dma_wait3A_226 = tpu.memref_slice %arg2[%add3A_222, %dma_wait3A_223, %dma_wait3A_224, %dma_wait3A_225] : memref<384x49x8x128xf32, #tpu.memory_space<hbm>> -> memref<1x49x8x128xf32, #tpu.memory_space<hbm>>
    %dma_wait3A_227 = tpu.memref_squeeze %dma_wait3A_226 : memref<1x49x8x128xf32, #tpu.memory_space<hbm>> -> memref<49x8x128xf32, #tpu.memory_space<hbm>>
    %dma_wait3A_228 = arith.constant 0 : i32
    %dma_wait3A_229 = arith.constant 0 : i32
    %dma_wait3A_230 = arith.constant 0 : i32
    %dma_wait3A_231 = tpu.memref_slice %arg2[%add3A_222, %dma_wait3A_228, %dma_wait3A_229, %dma_wait3A_230] : memref<384x49x8x128xf32, #tpu.memory_space<hbm>> -> memref<1x49x8x128xf32, #tpu.memory_space<hbm>>
    %dma_wait3A_232 = tpu.memref_squeeze %dma_wait3A_231 : memref<1x49x8x128xf32, #tpu.memory_space<hbm>> -> memref<49x8x128xf32, #tpu.memory_space<hbm>>
    tpu.wait_dma2 semaphore(%arg10 : memref<!tpu.dma_semaphore, #tpu.memory_space<semaphore_mem>>) src(%dma_wait3A_232 : memref<49x8x128xf32, #tpu.memory_space<hbm>>) dst(%arg8 : memref<49x8x128xf32, #tpu.memory_space<vmem>>)
    %parallel_loop3A_233 = arith.constant 0 : i32
    %parallel_loop3A_234 = arith.constant 1568 : i32
    %parallel_loop3A_235 = arith.constant 1 : i32
    scf.for %parallel_loop3A_653 = %parallel_loop3A_233 to %parallel_loop3A_234 step %parallel_loop3A_235  : i32 {
      %parallel_loop3A_654 = arith.constant 64 : i32
      %parallel_loop3A_655 = arith.divsi %parallel_loop3A_653, %parallel_loop3A_654 : i32
      %parallel_loop3A_656 = arith.constant 0 : i32
      %parallel_loop3A_657 = arith.cmpi sgt, %parallel_loop3A_653, %parallel_loop3A_656 : i32
      %parallel_loop3A_658 = arith.extui %parallel_loop3A_657 : i1 to i32
      %parallel_loop3A_659 = arith.constant 0 : i32
      %parallel_loop3A_660 = arith.cmpi slt, %parallel_loop3A_653, %parallel_loop3A_659 : i32
      %parallel_loop3A_661 = arith.extui %parallel_loop3A_660 : i1 to i32
      %parallel_loop3A_662 = arith.subi %parallel_loop3A_658, %parallel_loop3A_661 : i32
      %parallel_loop3A_663 = arith.constant 0 : i32
      %parallel_loop3A_664 = arith.cmpi sgt, %parallel_loop3A_654, %parallel_loop3A_663 : i32
      %parallel_loop3A_665 = arith.extui %parallel_loop3A_664 : i1 to i32
      %parallel_loop3A_666 = arith.constant 0 : i32
      %parallel_loop3A_667 = arith.cmpi slt, %parallel_loop3A_654, %parallel_loop3A_666 : i32
      %parallel_loop3A_668 = arith.extui %parallel_loop3A_667 : i1 to i32
      %parallel_loop3A_669 = arith.subi %parallel_loop3A_665, %parallel_loop3A_668 : i32
      %parallel_loop3A_670 = arith.cmpi ne, %parallel_loop3A_662, %parallel_loop3A_669 : i32
      %parallel_loop3A_671 = arith.remsi %parallel_loop3A_653, %parallel_loop3A_654 : i32
      %parallel_loop3A_672 = arith.constant 0 : i32
      %parallel_loop3A_673 = arith.cmpi ne, %parallel_loop3A_671, %parallel_loop3A_672 : i32
      %parallel_loop3A_674 = arith.andi %parallel_loop3A_670, %parallel_loop3A_673 : i1
      %parallel_loop3A_675 = arith.constant 1 : i32
      %parallel_loop3A_676 = arith.subi %parallel_loop3A_655, %parallel_loop3A_675 : i32
      %parallel_loop3A_677 = arith.select %parallel_loop3A_674, %parallel_loop3A_676, %parallel_loop3A_655 : i32
      %parallel_loop3A_678 = arith.constant 8 : i32
      %parallel_loop3A_679 = arith.divsi %parallel_loop3A_653, %parallel_loop3A_678 : i32
      %parallel_loop3A_680 = arith.constant 0 : i32
      %parallel_loop3A_681 = arith.cmpi sgt, %parallel_loop3A_653, %parallel_loop3A_680 : i32
      %parallel_loop3A_682 = arith.extui %parallel_loop3A_681 : i1 to i32
      %parallel_loop3A_683 = arith.constant 0 : i32
      %parallel_loop3A_684 = arith.cmpi slt, %parallel_loop3A_653, %parallel_loop3A_683 : i32
      %parallel_loop3A_685 = arith.extui %parallel_loop3A_684 : i1 to i32
      %parallel_loop3A_686 = arith.subi %parallel_loop3A_682, %parallel_loop3A_685 : i32
      %parallel_loop3A_687 = arith.constant 0 : i32
      %parallel_loop3A_688 = arith.cmpi sgt, %parallel_loop3A_678, %parallel_loop3A_687 : i32
      %parallel_loop3A_689 = arith.extui %parallel_loop3A_688 : i1 to i32
      %parallel_loop3A_690 = arith.constant 0 : i32
      %parallel_loop3A_691 = arith.cmpi slt, %parallel_loop3A_678, %parallel_loop3A_690 : i32
      %parallel_loop3A_692 = arith.extui %parallel_loop3A_691 : i1 to i32
      %parallel_loop3A_693 = arith.subi %parallel_loop3A_689, %parallel_loop3A_692 : i32
      %parallel_loop3A_694 = arith.cmpi ne, %parallel_loop3A_686, %parallel_loop3A_693 : i32
      %parallel_loop3A_695 = arith.remsi %parallel_loop3A_653, %parallel_loop3A_678 : i32
      %parallel_loop3A_696 = arith.constant 0 : i32
      %parallel_loop3A_697 = arith.cmpi ne, %parallel_loop3A_695, %parallel_loop3A_696 : i32
      %parallel_loop3A_698 = arith.andi %parallel_loop3A_694, %parallel_loop3A_697 : i1
      %parallel_loop3A_699 = arith.constant 1 : i32
      %parallel_loop3A_700 = arith.subi %parallel_loop3A_679, %parallel_loop3A_699 : i32
      %parallel_loop3A_701 = arith.select %parallel_loop3A_698, %parallel_loop3A_700, %parallel_loop3A_679 : i32
      %parallel_loop3A_702 = arith.constant 8 : i32
      %parallel_loop3A_703 = arith.constant 0 : i32
      %parallel_loop3A_704 = arith.cmpi eq, %parallel_loop3A_702, %parallel_loop3A_703 : i32
      %parallel_loop3A_705 = arith.constant 1 : i32
      %parallel_loop3A_706 = arith.select %parallel_loop3A_704, %parallel_loop3A_705, %parallel_loop3A_702 : i32
      %parallel_loop3A_707 = arith.remsi %parallel_loop3A_701, %parallel_loop3A_706 : i32
      %parallel_loop3A_708 = arith.constant 0 : i32
      %parallel_loop3A_709 = arith.cmpi ne, %parallel_loop3A_707, %parallel_loop3A_708 : i32
      %parallel_loop3A_710 = arith.constant 0 : i32
      %parallel_loop3A_711 = arith.cmpi slt, %parallel_loop3A_707, %parallel_loop3A_710 : i32
      %parallel_loop3A_712 = arith.constant 0 : i32
      %parallel_loop3A_713 = arith.cmpi slt, %parallel_loop3A_706, %parallel_loop3A_712 : i32
      %parallel_loop3A_714 = arith.xori %parallel_loop3A_711, %parallel_loop3A_713 : i1
      %parallel_loop3A_715 = arith.andi %parallel_loop3A_714, %parallel_loop3A_709 : i1
      %parallel_loop3A_716 = arith.addi %parallel_loop3A_707, %parallel_loop3A_706 : i32
      %parallel_loop3A_717 = arith.select %parallel_loop3A_715, %parallel_loop3A_716, %parallel_loop3A_707 : i32
      %parallel_loop3A_718 = arith.constant 8 : i32
      %parallel_loop3A_719 = arith.constant 0 : i32
      %parallel_loop3A_720 = arith.cmpi eq, %parallel_loop3A_718, %parallel_loop3A_719 : i32
      %parallel_loop3A_721 = arith.constant 1 : i32
      %parallel_loop3A_722 = arith.select %parallel_loop3A_720, %parallel_loop3A_721, %parallel_loop3A_718 : i32
      %parallel_loop3A_723 = arith.remsi %parallel_loop3A_653, %parallel_loop3A_722 : i32
      %parallel_loop3A_724 = arith.constant 0 : i32
      %parallel_loop3A_725 = arith.cmpi ne, %parallel_loop3A_723, %parallel_loop3A_724 : i32
      %parallel_loop3A_726 = arith.constant 0 : i32
      %parallel_loop3A_727 = arith.cmpi slt, %parallel_loop3A_723, %parallel_loop3A_726 : i32
      %parallel_loop3A_728 = arith.constant 0 : i32
      %parallel_loop3A_729 = arith.cmpi slt, %parallel_loop3A_722, %parallel_loop3A_728 : i32
      %parallel_loop3A_730 = arith.xori %parallel_loop3A_727, %parallel_loop3A_729 : i1
      %parallel_loop3A_731 = arith.andi %parallel_loop3A_730, %parallel_loop3A_725 : i1
      %parallel_loop3A_732 = arith.addi %parallel_loop3A_723, %parallel_loop3A_722 : i32
      %parallel_loop3A_733 = arith.select %parallel_loop3A_731, %parallel_loop3A_732, %parallel_loop3A_723 : i32
      %parallel_loop3A_734 = arith.constant 128 : i32
      %parallel_loop3A_735 = arith.muli %parallel_loop3A_677, %parallel_loop3A_734 : i32
      %parallel_loop3A_736 = arith.constant 16 : i32
      %parallel_loop3A_737 = arith.muli %parallel_loop3A_733, %parallel_loop3A_736 : i32
      %parallel_loop3A_738 = arith.addi %parallel_loop3A_735, %parallel_loop3A_737 : i32
      %parallel_loop3A_739 = arith.index_cast %parallel_loop3A_738 : i32 to index
      %parallel_loop3A_740 = tpu.vector_load %arg7[%parallel_loop3A_739] {strides = array<i32>} : memref<6272xi32, #tpu.memory_space<vmem>>, vector<16xi32>,
      %parallel_loop3A_741 = arith.constant 32 : i32
      %parallel_loop3A_742 = arith.addi %parallel_loop3A_741, %parallel_loop3A_717 : i32
      %parallel_loop3A_743 = arith.constant 32 : i32
      %parallel_loop3A_744 = arith.muli %parallel_loop3A_742, %parallel_loop3A_743 : i32
      %parallel_loop3A_745 = vector.broadcast %parallel_loop3A_744 : i32 to vector<16xi32>
      %parallel_loop3A_746 = arith.addi %parallel_loop3A_740, %parallel_loop3A_745 : vector<16xi32>
      %parallel_loop3A_747 = tpu.vector_load_idx %arg6[%parallel_loop3A_746] : memref<3072xf32, #tpu.memory_space<vmem>>[vector<16xi32>], vector<16xf32>,
      %parallel_loop3A_748 = arith.constant 16 : i32
      %parallel_loop3A_749 = arith.muli %parallel_loop3A_733, %parallel_loop3A_748 : i32
      %parallel_loop3A_750 = arith.index_cast %parallel_loop3A_677 : i32 to index
      %parallel_loop3A_751 = arith.index_cast %parallel_loop3A_717 : i32 to index
      %parallel_loop3A_752 = arith.index_cast %parallel_loop3A_749 : i32 to index
      %parallel_loop3A_753 = tpu.vector_load %arg8[%parallel_loop3A_750, %parallel_loop3A_751, %parallel_loop3A_752] {strides = array<i32>} : memref<49x8x128xf32, #tpu.memory_space<vmem>>, vector<16xf32>,
      %parallel_loop3A_754 = arith.addf %parallel_loop3A_753, %parallel_loop3A_747 : vector<16xf32>
      %parallel_loop3A_755 = arith.constant 16 : i32
      %parallel_loop3A_756 = arith.muli %parallel_loop3A_733, %parallel_loop3A_755 : i32
      %parallel_loop3A_757 = arith.index_cast %parallel_loop3A_677 : i32 to index
      %parallel_loop3A_758 = arith.index_cast %parallel_loop3A_717 : i32 to index
      %parallel_loop3A_759 = arith.index_cast %parallel_loop3A_756 : i32 to index
      %parallel_loop3A_760 = tpu.vector_load %arg8[%parallel_loop3A_757, %parallel_loop3A_758, %parallel_loop3A_759] {strides = array<i32>} : memref<49x8x128xf32, #tpu.memory_space<vmem>>, vector<16xf32>,
      tpu.vector_store %arg8[%parallel_loop3A_757, %parallel_loop3A_758, %parallel_loop3A_759], %parallel_loop3A_754 {strides = array<i32>} : memref<49x8x128xf32, #tpu.memory_space<vmem>>, vector<16xf32>,
    } {sc.loop_unroll_factor = 4 : i64, sc.parallel_access}
    %add3A_236 = arith.constant 3 : i32
    %add3A_237 = arith.addi %mul3A_7, %add3A_236 : i32
    %dma_wait3A_238 = arith.constant 0 : i32
    %dma_wait3A_239 = arith.constant 0 : i32
    %dma_wait3A_240 = arith.constant 0 : i32
    %dma_wait3A_241 = tpu.memref_slice %arg5[%add3A_237, %dma_wait3A_238, %dma_wait3A_239, %dma_wait3A_240] : memref<384x49x8x128xf32, #tpu.memory_space<hbm>> -> memref<1x49x8x128xf32, #tpu.memory_space<hbm>>
    %dma_wait3A_242 = tpu.memref_squeeze %dma_wait3A_241 : memref<1x49x8x128xf32, #tpu.memory_space<hbm>> -> memref<49x8x128xf32, #tpu.memory_space<hbm>>
    %dma_wait3A_243 = arith.constant 0 : i32
    %dma_wait3A_244 = arith.constant 0 : i32
    %dma_wait3A_245 = arith.constant 0 : i32
    %dma_wait3A_246 = tpu.memref_slice %arg5[%add3A_237, %dma_wait3A_243, %dma_wait3A_244, %dma_wait3A_245] : memref<384x49x8x128xf32, #tpu.memory_space<hbm>> -> memref<1x49x8x128xf32, #tpu.memory_space<hbm>>
    %dma_wait3A_247 = tpu.memref_squeeze %dma_wait3A_246 : memref<1x49x8x128xf32, #tpu.memory_space<hbm>> -> memref<49x8x128xf32, #tpu.memory_space<hbm>>
    tpu.wait_dma2 semaphore(%arg13 : memref<!tpu.dma_semaphore, #tpu.memory_space<semaphore_mem>>) src(%arg9 : memref<49x8x128xf32, #tpu.memory_space<vmem>>) dst(%dma_wait3A_247 : memref<49x8x128xf32, #tpu.memory_space<hbm>>)
    %add3A_248 = arith.constant 5 : i32
    %add3A_249 = arith.addi %mul3A_7, %add3A_248 : i32
    %dma_start3A_250 = arith.constant 0 : i32
    %dma_start3A_251 = arith.constant 0 : i32
    %dma_start3A_252 = arith.constant 0 : i32
    %dma_start3A_253 = tpu.memref_slice %arg2[%add3A_249, %dma_start3A_250, %dma_start3A_251, %dma_start3A_252] : memref<384x49x8x128xf32, #tpu.memory_space<hbm>> -> memref<1x49x8x128xf32, #tpu.memory_space<hbm>>
    %dma_start3A_254 = tpu.memref_squeeze %dma_start3A_253 : memref<1x49x8x128xf32, #tpu.memory_space<hbm>> -> memref<49x8x128xf32, #tpu.memory_space<hbm>>
    %dma_start3A_255 = arith.constant 0 : i32
    %dma_start3A_256 = arith.constant 0 : i32
    %dma_start3A_257 = arith.constant 0 : i32
    %dma_start3A_258 = tpu.memref_slice %arg2[%add3A_249, %dma_start3A_255, %dma_start3A_256, %dma_start3A_257] : memref<384x49x8x128xf32, #tpu.memory_space<hbm>> -> memref<1x49x8x128xf32, #tpu.memory_space<hbm>>
    %dma_start3A_259 = tpu.memref_squeeze %dma_start3A_258 : memref<1x49x8x128xf32, #tpu.memory_space<hbm>> -> memref<49x8x128xf32, #tpu.memory_space<hbm>>
    tpu.enqueue_dma source(%dma_start3A_259 : memref<49x8x128xf32, #tpu.memory_space<hbm>>) target(%arg9 : memref<49x8x128xf32, #tpu.memory_space<vmem>>) target_semaphore(%arg11 : memref<!tpu.dma_semaphore, #tpu.memory_space<semaphore_mem>>)
    %parallel_loop3A_260 = arith.constant 1568 : i32
    %parallel_loop3A_261 = arith.constant 3136 : i32
    %parallel_loop3A_262 = arith.constant 1 : i32
    scf.for %parallel_loop3A_653 = %parallel_loop3A_260 to %parallel_loop3A_261 step %parallel_loop3A_262  : i32 {
      %parallel_loop3A_654 = arith.constant 64 : i32
      %parallel_loop3A_655 = arith.divsi %parallel_loop3A_653, %parallel_loop3A_654 : i32
      %parallel_loop3A_656 = arith.constant 0 : i32
      %parallel_loop3A_657 = arith.cmpi sgt, %parallel_loop3A_653, %parallel_loop3A_656 : i32
      %parallel_loop3A_658 = arith.extui %parallel_loop3A_657 : i1 to i32
      %parallel_loop3A_659 = arith.constant 0 : i32
      %parallel_loop3A_660 = arith.cmpi slt, %parallel_loop3A_653, %parallel_loop3A_659 : i32
      %parallel_loop3A_661 = arith.extui %parallel_loop3A_660 : i1 to i32
      %parallel_loop3A_662 = arith.subi %parallel_loop3A_658, %parallel_loop3A_661 : i32
      %parallel_loop3A_663 = arith.constant 0 : i32
      %parallel_loop3A_664 = arith.cmpi sgt, %parallel_loop3A_654, %parallel_loop3A_663 : i32
      %parallel_loop3A_665 = arith.extui %parallel_loop3A_664 : i1 to i32
      %parallel_loop3A_666 = arith.constant 0 : i32
      %parallel_loop3A_667 = arith.cmpi slt, %parallel_loop3A_654, %parallel_loop3A_666 : i32
      %parallel_loop3A_668 = arith.extui %parallel_loop3A_667 : i1 to i32
      %parallel_loop3A_669 = arith.subi %parallel_loop3A_665, %parallel_loop3A_668 : i32
      %parallel_loop3A_670 = arith.cmpi ne, %parallel_loop3A_662, %parallel_loop3A_669 : i32
      %parallel_loop3A_671 = arith.remsi %parallel_loop3A_653, %parallel_loop3A_654 : i32
      %parallel_loop3A_672 = arith.constant 0 : i32
      %parallel_loop3A_673 = arith.cmpi ne, %parallel_loop3A_671, %parallel_loop3A_672 : i32
      %parallel_loop3A_674 = arith.andi %parallel_loop3A_670, %parallel_loop3A_673 : i1
      %parallel_loop3A_675 = arith.constant 1 : i32
      %parallel_loop3A_676 = arith.subi %parallel_loop3A_655, %parallel_loop3A_675 : i32
      %parallel_loop3A_677 = arith.select %parallel_loop3A_674, %parallel_loop3A_676, %parallel_loop3A_655 : i32
      %parallel_loop3A_678 = arith.constant 8 : i32
      %parallel_loop3A_679 = arith.divsi %parallel_loop3A_653, %parallel_loop3A_678 : i32
      %parallel_loop3A_680 = arith.constant 0 : i32
      %parallel_loop3A_681 = arith.cmpi sgt, %parallel_loop3A_653, %parallel_loop3A_680 : i32
      %parallel_loop3A_682 = arith.extui %parallel_loop3A_681 : i1 to i32
      %parallel_loop3A_683 = arith.constant 0 : i32
      %parallel_loop3A_684 = arith.cmpi slt, %parallel_loop3A_653, %parallel_loop3A_683 : i32
      %parallel_loop3A_685 = arith.extui %parallel_loop3A_684 : i1 to i32
      %parallel_loop3A_686 = arith.subi %parallel_loop3A_682, %parallel_loop3A_685 : i32
      %parallel_loop3A_687 = arith.constant 0 : i32
      %parallel_loop3A_688 = arith.cmpi sgt, %parallel_loop3A_678, %parallel_loop3A_687 : i32
      %parallel_loop3A_689 = arith.extui %parallel_loop3A_688 : i1 to i32
      %parallel_loop3A_690 = arith.constant 0 : i32
      %parallel_loop3A_691 = arith.cmpi slt, %parallel_loop3A_678, %parallel_loop3A_690 : i32
      %parallel_loop3A_692 = arith.extui %parallel_loop3A_691 : i1 to i32
      %parallel_loop3A_693 = arith.subi %parallel_loop3A_689, %parallel_loop3A_692 : i32
      %parallel_loop3A_694 = arith.cmpi ne, %parallel_loop3A_686, %parallel_loop3A_693 : i32
      %parallel_loop3A_695 = arith.remsi %parallel_loop3A_653, %parallel_loop3A_678 : i32
      %parallel_loop3A_696 = arith.constant 0 : i32
      %parallel_loop3A_697 = arith.cmpi ne, %parallel_loop3A_695, %parallel_loop3A_696 : i32
      %parallel_loop3A_698 = arith.andi %parallel_loop3A_694, %parallel_loop3A_697 : i1
      %parallel_loop3A_699 = arith.constant 1 : i32
      %parallel_loop3A_700 = arith.subi %parallel_loop3A_679, %parallel_loop3A_699 : i32
      %parallel_loop3A_701 = arith.select %parallel_loop3A_698, %parallel_loop3A_700, %parallel_loop3A_679 : i32
      %parallel_loop3A_702 = arith.constant 8 : i32
      %parallel_loop3A_703 = arith.constant 0 : i32
      %parallel_loop3A_704 = arith.cmpi eq, %parallel_loop3A_702, %parallel_loop3A_703 : i32
      %parallel_loop3A_705 = arith.constant 1 : i32
      %parallel_loop3A_706 = arith.select %parallel_loop3A_704, %parallel_loop3A_705, %parallel_loop3A_702 : i32
      %parallel_loop3A_707 = arith.remsi %parallel_loop3A_701, %parallel_loop3A_706 : i32
      %parallel_loop3A_708 = arith.constant 0 : i32
      %parallel_loop3A_709 = arith.cmpi ne, %parallel_loop3A_707, %parallel_loop3A_708 : i32
      %parallel_loop3A_710 = arith.constant 0 : i32
      %parallel_loop3A_711 = arith.cmpi slt, %parallel_loop3A_707, %parallel_loop3A_710 : i32
      %parallel_loop3A_712 = arith.constant 0 : i32
      %parallel_loop3A_713 = arith.cmpi slt, %parallel_loop3A_706, %parallel_loop3A_712 : i32
      %parallel_loop3A_714 = arith.xori %parallel_loop3A_711, %parallel_loop3A_713 : i1
      %parallel_loop3A_715 = arith.andi %parallel_loop3A_714, %parallel_loop3A_709 : i1
      %parallel_loop3A_716 = arith.addi %parallel_loop3A_707, %parallel_loop3A_706 : i32
      %parallel_loop3A_717 = arith.select %parallel_loop3A_715, %parallel_loop3A_716, %parallel_loop3A_707 : i32
      %parallel_loop3A_718 = arith.constant 8 : i32
      %parallel_loop3A_719 = arith.constant 0 : i32
      %parallel_loop3A_720 = arith.cmpi eq, %parallel_loop3A_718, %parallel_loop3A_719 : i32
      %parallel_loop3A_721 = arith.constant 1 : i32
      %parallel_loop3A_722 = arith.select %parallel_loop3A_720, %parallel_loop3A_721, %parallel_loop3A_718 : i32
      %parallel_loop3A_723 = arith.remsi %parallel_loop3A_653, %parallel_loop3A_722 : i32
      %parallel_loop3A_724 = arith.constant 0 : i32
      %parallel_loop3A_725 = arith.cmpi ne, %parallel_loop3A_723, %parallel_loop3A_724 : i32
      %parallel_loop3A_726 = arith.constant 0 : i32
      %parallel_loop3A_727 = arith.cmpi slt, %parallel_loop3A_723, %parallel_loop3A_726 : i32
      %parallel_loop3A_728 = arith.constant 0 : i32
      %parallel_loop3A_729 = arith.cmpi slt, %parallel_loop3A_722, %parallel_loop3A_728 : i32
      %parallel_loop3A_730 = arith.xori %parallel_loop3A_727, %parallel_loop3A_729 : i1
      %parallel_loop3A_731 = arith.andi %parallel_loop3A_730, %parallel_loop3A_725 : i1
      %parallel_loop3A_732 = arith.addi %parallel_loop3A_723, %parallel_loop3A_722 : i32
      %parallel_loop3A_733 = arith.select %parallel_loop3A_731, %parallel_loop3A_732, %parallel_loop3A_723 : i32
      %parallel_loop3A_734 = arith.constant 128 : i32
      %parallel_loop3A_735 = arith.muli %parallel_loop3A_677, %parallel_loop3A_734 : i32
      %parallel_loop3A_736 = arith.constant 16 : i32
      %parallel_loop3A_737 = arith.muli %parallel_loop3A_733, %parallel_loop3A_736 : i32
      %parallel_loop3A_738 = arith.addi %parallel_loop3A_735, %parallel_loop3A_737 : i32
      %parallel_loop3A_739 = arith.index_cast %parallel_loop3A_738 : i32 to index
      %parallel_loop3A_740 = tpu.vector_load %arg7[%parallel_loop3A_739] {strides = array<i32>} : memref<6272xi32, #tpu.memory_space<vmem>>, vector<16xi32>,
      %parallel_loop3A_741 = arith.constant 32 : i32
      %parallel_loop3A_742 = arith.addi %parallel_loop3A_741, %parallel_loop3A_717 : i32
      %parallel_loop3A_743 = arith.constant 32 : i32
      %parallel_loop3A_744 = arith.muli %parallel_loop3A_742, %parallel_loop3A_743 : i32
      %parallel_loop3A_745 = vector.broadcast %parallel_loop3A_744 : i32 to vector<16xi32>
      %parallel_loop3A_746 = arith.addi %parallel_loop3A_740, %parallel_loop3A_745 : vector<16xi32>
      %parallel_loop3A_747 = tpu.vector_load_idx %arg6[%parallel_loop3A_746] : memref<3072xf32, #tpu.memory_space<vmem>>[vector<16xi32>], vector<16xf32>,
      %parallel_loop3A_748 = arith.constant 16 : i32
      %parallel_loop3A_749 = arith.muli %parallel_loop3A_733, %parallel_loop3A_748 : i32
      %parallel_loop3A_750 = arith.index_cast %parallel_loop3A_677 : i32 to index
      %parallel_loop3A_751 = arith.index_cast %parallel_loop3A_717 : i32 to index
      %parallel_loop3A_752 = arith.index_cast %parallel_loop3A_749 : i32 to index
      %parallel_loop3A_753 = tpu.vector_load %arg8[%parallel_loop3A_750, %parallel_loop3A_751, %parallel_loop3A_752] {strides = array<i32>} : memref<49x8x128xf32, #tpu.memory_space<vmem>>, vector<16xf32>,
      %parallel_loop3A_754 = arith.addf %parallel_loop3A_753, %parallel_loop3A_747 : vector<16xf32>
      %parallel_loop3A_755 = arith.constant 16 : i32
      %parallel_loop3A_756 = arith.muli %parallel_loop3A_733, %parallel_loop3A_755 : i32
      %parallel_loop3A_757 = arith.index_cast %parallel_loop3A_677 : i32 to index
      %parallel_loop3A_758 = arith.index_cast %parallel_loop3A_717 : i32 to index
      %parallel_loop3A_759 = arith.index_cast %parallel_loop3A_756 : i32 to index
      %parallel_loop3A_760 = tpu.vector_load %arg8[%parallel_loop3A_757, %parallel_loop3A_758, %parallel_loop3A_759] {strides = array<i32>} : memref<49x8x128xf32, #tpu.memory_space<vmem>>, vector<16xf32>,
      tpu.vector_store %arg8[%parallel_loop3A_757, %parallel_loop3A_758, %parallel_loop3A_759], %parallel_loop3A_754 {strides = array<i32>} : memref<49x8x128xf32, #tpu.memory_space<vmem>>, vector<16xf32>,
    } {sc.loop_unroll_factor = 4 : i64, sc.parallel_access}
    %add3A_263 = arith.constant 4 : i32
    %add3A_264 = arith.addi %mul3A_7, %add3A_263 : i32
    %dma_start3A_265 = arith.constant 0 : i32
    %dma_start3A_266 = arith.constant 0 : i32
    %dma_start3A_267 = arith.constant 0 : i32
    %dma_start3A_268 = tpu.memref_slice %arg5[%add3A_264, %dma_start3A_265, %dma_start3A_266, %dma_start3A_267] : memref<384x49x8x128xf32, #tpu.memory_space<hbm>> -> memref<1x49x8x128xf32, #tpu.memory_space<hbm>>
    %dma_start3A_269 = tpu.memref_squeeze %dma_start3A_268 : memref<1x49x8x128xf32, #tpu.memory_space<hbm>> -> memref<49x8x128xf32, #tpu.memory_space<hbm>>
    %dma_start3A_270 = arith.constant 0 : i32
    %dma_start3A_271 = arith.constant 0 : i32
    %dma_start3A_272 = arith.constant 0 : i32
    %dma_start3A_273 = tpu.memref_slice %arg5[%add3A_264, %dma_start3A_270, %dma_start3A_271, %dma_start3A_272] : memref<384x49x8x128xf32, #tpu.memory_space<hbm>> -> memref<1x49x8x128xf32, #tpu.memory_space<hbm>>
    %dma_start3A_274 = tpu.memref_squeeze %dma_start3A_273 : memref<1x49x8x128xf32, #tpu.memory_space<hbm>> -> memref<49x8x128xf32, #tpu.memory_space<hbm>>
    tpu.enqueue_dma source(%arg8 : memref<49x8x128xf32, #tpu.memory_space<vmem>>) target(%dma_start3A_274 : memref<49x8x128xf32, #tpu.memory_space<hbm>>) target_semaphore(%arg12 : memref<!tpu.dma_semaphore, #tpu.memory_space<semaphore_mem>>)
    %add3A_275 = arith.constant 5 : i32
    %add3A_276 = arith.addi %mul3A_7, %add3A_275 : i32
    %dma_wait3A_277 = arith.constant 0 : i32
    %dma_wait3A_278 = arith.constant 0 : i32
    %dma_wait3A_279 = arith.constant 0 : i32
    %dma_wait3A_280 = tpu.memref_slice %arg2[%add3A_276, %dma_wait3A_277, %dma_wait3A_278, %dma_wait3A_279] : memref<384x49x8x128xf32, #tpu.memory_space<hbm>> -> memref<1x49x8x128xf32, #tpu.memory_space<hbm>>
    %dma_wait3A_281 = tpu.memref_squeeze %dma_wait3A_280 : memref<1x49x8x128xf32, #tpu.memory_space<hbm>> -> memref<49x8x128xf32, #tpu.memory_space<hbm>>
    %dma_wait3A_282 = arith.constant 0 : i32
    %dma_wait3A_283 = arith.constant 0 : i32
    %dma_wait3A_284 = arith.constant 0 : i32
    %dma_wait3A_285 = tpu.memref_slice %arg2[%add3A_276, %dma_wait3A_282, %dma_wait3A_283, %dma_wait3A_284] : memref<384x49x8x128xf32, #tpu.memory_space<hbm>> -> memref<1x49x8x128xf32, #tpu.memory_space<hbm>>
    %dma_wait3A_286 = tpu.memref_squeeze %dma_wait3A_285 : memref<1x49x8x128xf32, #tpu.memory_space<hbm>> -> memref<49x8x128xf32, #tpu.memory_space<hbm>>
    tpu.wait_dma2 semaphore(%arg11 : memref<!tpu.dma_semaphore, #tpu.memory_space<semaphore_mem>>) src(%dma_wait3A_286 : memref<49x8x128xf32, #tpu.memory_space<hbm>>) dst(%arg9 : memref<49x8x128xf32, #tpu.memory_space<vmem>>)
    %parallel_loop3A_287 = arith.constant 0 : i32
    %parallel_loop3A_288 = arith.constant 1568 : i32
    %parallel_loop3A_289 = arith.constant 1 : i32
    scf.for %parallel_loop3A_653 = %parallel_loop3A_287 to %parallel_loop3A_288 step %parallel_loop3A_289  : i32 {
      %parallel_loop3A_654 = arith.constant 64 : i32
      %parallel_loop3A_655 = arith.divsi %parallel_loop3A_653, %parallel_loop3A_654 : i32
      %parallel_loop3A_656 = arith.constant 0 : i32
      %parallel_loop3A_657 = arith.cmpi sgt, %parallel_loop3A_653, %parallel_loop3A_656 : i32
      %parallel_loop3A_658 = arith.extui %parallel_loop3A_657 : i1 to i32
      %parallel_loop3A_659 = arith.constant 0 : i32
      %parallel_loop3A_660 = arith.cmpi slt, %parallel_loop3A_653, %parallel_loop3A_659 : i32
      %parallel_loop3A_661 = arith.extui %parallel_loop3A_660 : i1 to i32
      %parallel_loop3A_662 = arith.subi %parallel_loop3A_658, %parallel_loop3A_661 : i32
      %parallel_loop3A_663 = arith.constant 0 : i32
      %parallel_loop3A_664 = arith.cmpi sgt, %parallel_loop3A_654, %parallel_loop3A_663 : i32
      %parallel_loop3A_665 = arith.extui %parallel_loop3A_664 : i1 to i32
      %parallel_loop3A_666 = arith.constant 0 : i32
      %parallel_loop3A_667 = arith.cmpi slt, %parallel_loop3A_654, %parallel_loop3A_666 : i32
      %parallel_loop3A_668 = arith.extui %parallel_loop3A_667 : i1 to i32
      %parallel_loop3A_669 = arith.subi %parallel_loop3A_665, %parallel_loop3A_668 : i32
      %parallel_loop3A_670 = arith.cmpi ne, %parallel_loop3A_662, %parallel_loop3A_669 : i32
      %parallel_loop3A_671 = arith.remsi %parallel_loop3A_653, %parallel_loop3A_654 : i32
      %parallel_loop3A_672 = arith.constant 0 : i32
      %parallel_loop3A_673 = arith.cmpi ne, %parallel_loop3A_671, %parallel_loop3A_672 : i32
      %parallel_loop3A_674 = arith.andi %parallel_loop3A_670, %parallel_loop3A_673 : i1
      %parallel_loop3A_675 = arith.constant 1 : i32
      %parallel_loop3A_676 = arith.subi %parallel_loop3A_655, %parallel_loop3A_675 : i32
      %parallel_loop3A_677 = arith.select %parallel_loop3A_674, %parallel_loop3A_676, %parallel_loop3A_655 : i32
      %parallel_loop3A_678 = arith.constant 8 : i32
      %parallel_loop3A_679 = arith.divsi %parallel_loop3A_653, %parallel_loop3A_678 : i32
      %parallel_loop3A_680 = arith.constant 0 : i32
      %parallel_loop3A_681 = arith.cmpi sgt, %parallel_loop3A_653, %parallel_loop3A_680 : i32
      %parallel_loop3A_682 = arith.extui %parallel_loop3A_681 : i1 to i32
      %parallel_loop3A_683 = arith.constant 0 : i32
      %parallel_loop3A_684 = arith.cmpi slt, %parallel_loop3A_653, %parallel_loop3A_683 : i32
      %parallel_loop3A_685 = arith.extui %parallel_loop3A_684 : i1 to i32
      %parallel_loop3A_686 = arith.subi %parallel_loop3A_682, %parallel_loop3A_685 : i32
      %parallel_loop3A_687 = arith.constant 0 : i32
      %parallel_loop3A_688 = arith.cmpi sgt, %parallel_loop3A_678, %parallel_loop3A_687 : i32
      %parallel_loop3A_689 = arith.extui %parallel_loop3A_688 : i1 to i32
      %parallel_loop3A_690 = arith.constant 0 : i32
      %parallel_loop3A_691 = arith.cmpi slt, %parallel_loop3A_678, %parallel_loop3A_690 : i32
      %parallel_loop3A_692 = arith.extui %parallel_loop3A_691 : i1 to i32
      %parallel_loop3A_693 = arith.subi %parallel_loop3A_689, %parallel_loop3A_692 : i32
      %parallel_loop3A_694 = arith.cmpi ne, %parallel_loop3A_686, %parallel_loop3A_693 : i32
      %parallel_loop3A_695 = arith.remsi %parallel_loop3A_653, %parallel_loop3A_678 : i32
      %parallel_loop3A_696 = arith.constant 0 : i32
      %parallel_loop3A_697 = arith.cmpi ne, %parallel_loop3A_695, %parallel_loop3A_696 : i32
      %parallel_loop3A_698 = arith.andi %parallel_loop3A_694, %parallel_loop3A_697 : i1
      %parallel_loop3A_699 = arith.constant 1 : i32
      %parallel_loop3A_700 = arith.subi %parallel_loop3A_679, %parallel_loop3A_699 : i32
      %parallel_loop3A_701 = arith.select %parallel_loop3A_698, %parallel_loop3A_700, %parallel_loop3A_679 : i32
      %parallel_loop3A_702 = arith.constant 8 : i32
      %parallel_loop3A_703 = arith.constant 0 : i32
      %parallel_loop3A_704 = arith.cmpi eq, %parallel_loop3A_702, %parallel_loop3A_703 : i32
      %parallel_loop3A_705 = arith.constant 1 : i32
      %parallel_loop3A_706 = arith.select %parallel_loop3A_704, %parallel_loop3A_705, %parallel_loop3A_702 : i32
      %parallel_loop3A_707 = arith.remsi %parallel_loop3A_701, %parallel_loop3A_706 : i32
      %parallel_loop3A_708 = arith.constant 0 : i32
      %parallel_loop3A_709 = arith.cmpi ne, %parallel_loop3A_707, %parallel_loop3A_708 : i32
      %parallel_loop3A_710 = arith.constant 0 : i32
      %parallel_loop3A_711 = arith.cmpi slt, %parallel_loop3A_707, %parallel_loop3A_710 : i32
      %parallel_loop3A_712 = arith.constant 0 : i32
      %parallel_loop3A_713 = arith.cmpi slt, %parallel_loop3A_706, %parallel_loop3A_712 : i32
      %parallel_loop3A_714 = arith.xori %parallel_loop3A_711, %parallel_loop3A_713 : i1
      %parallel_loop3A_715 = arith.andi %parallel_loop3A_714, %parallel_loop3A_709 : i1
      %parallel_loop3A_716 = arith.addi %parallel_loop3A_707, %parallel_loop3A_706 : i32
      %parallel_loop3A_717 = arith.select %parallel_loop3A_715, %parallel_loop3A_716, %parallel_loop3A_707 : i32
      %parallel_loop3A_718 = arith.constant 8 : i32
      %parallel_loop3A_719 = arith.constant 0 : i32
      %parallel_loop3A_720 = arith.cmpi eq, %parallel_loop3A_718, %parallel_loop3A_719 : i32
      %parallel_loop3A_721 = arith.constant 1 : i32
      %parallel_loop3A_722 = arith.select %parallel_loop3A_720, %parallel_loop3A_721, %parallel_loop3A_718 : i32
      %parallel_loop3A_723 = arith.remsi %parallel_loop3A_653, %parallel_loop3A_722 : i32
      %parallel_loop3A_724 = arith.constant 0 : i32
      %parallel_loop3A_725 = arith.cmpi ne, %parallel_loop3A_723, %parallel_loop3A_724 : i32
      %parallel_loop3A_726 = arith.constant 0 : i32
      %parallel_loop3A_727 = arith.cmpi slt, %parallel_loop3A_723, %parallel_loop3A_726 : i32
      %parallel_loop3A_728 = arith.constant 0 : i32
      %parallel_loop3A_729 = arith.cmpi slt, %parallel_loop3A_722, %parallel_loop3A_728 : i32
      %parallel_loop3A_730 = arith.xori %parallel_loop3A_727, %parallel_loop3A_729 : i1
      %parallel_loop3A_731 = arith.andi %parallel_loop3A_730, %parallel_loop3A_725 : i1
      %parallel_loop3A_732 = arith.addi %parallel_loop3A_723, %parallel_loop3A_722 : i32
      %parallel_loop3A_733 = arith.select %parallel_loop3A_731, %parallel_loop3A_732, %parallel_loop3A_723 : i32
      %parallel_loop3A_734 = arith.constant 128 : i32
      %parallel_loop3A_735 = arith.muli %parallel_loop3A_677, %parallel_loop3A_734 : i32
      %parallel_loop3A_736 = arith.constant 16 : i32
      %parallel_loop3A_737 = arith.muli %parallel_loop3A_733, %parallel_loop3A_736 : i32
      %parallel_loop3A_738 = arith.addi %parallel_loop3A_735, %parallel_loop3A_737 : i32
      %parallel_loop3A_739 = arith.index_cast %parallel_loop3A_738 : i32 to index
      %parallel_loop3A_740 = tpu.vector_load %arg7[%parallel_loop3A_739] {strides = array<i32>} : memref<6272xi32, #tpu.memory_space<vmem>>, vector<16xi32>,
      %parallel_loop3A_741 = arith.constant 40 : i32
      %parallel_loop3A_742 = arith.addi %parallel_loop3A_741, %parallel_loop3A_717 : i32
      %parallel_loop3A_743 = arith.constant 32 : i32
      %parallel_loop3A_744 = arith.muli %parallel_loop3A_742, %parallel_loop3A_743 : i32
      %parallel_loop3A_745 = vector.broadcast %parallel_loop3A_744 : i32 to vector<16xi32>
      %parallel_loop3A_746 = arith.addi %parallel_loop3A_740, %parallel_loop3A_745 : vector<16xi32>
      %parallel_loop3A_747 = tpu.vector_load_idx %arg6[%parallel_loop3A_746] : memref<3072xf32, #tpu.memory_space<vmem>>[vector<16xi32>], vector<16xf32>,
      %parallel_loop3A_748 = arith.constant 16 : i32
      %parallel_loop3A_749 = arith.muli %parallel_loop3A_733, %parallel_loop3A_748 : i32
      %parallel_loop3A_750 = arith.index_cast %parallel_loop3A_677 : i32 to index
      %parallel_loop3A_751 = arith.index_cast %parallel_loop3A_717 : i32 to index
      %parallel_loop3A_752 = arith.index_cast %parallel_loop3A_749 : i32 to index
      %parallel_loop3A_753 = tpu.vector_load %arg9[%parallel_loop3A_750, %parallel_loop3A_751, %parallel_loop3A_752] {strides = array<i32>} : memref<49x8x128xf32, #tpu.memory_space<vmem>>, vector<16xf32>,
      %parallel_loop3A_754 = arith.addf %parallel_loop3A_753, %parallel_loop3A_747 : vector<16xf32>
      %parallel_loop3A_755 = arith.constant 16 : i32
      %parallel_loop3A_756 = arith.muli %parallel_loop3A_733, %parallel_loop3A_755 : i32
      %parallel_loop3A_757 = arith.index_cast %parallel_loop3A_677 : i32 to index
      %parallel_loop3A_758 = arith.index_cast %parallel_loop3A_717 : i32 to index
      %parallel_loop3A_759 = arith.index_cast %parallel_loop3A_756 : i32 to index
      %parallel_loop3A_760 = tpu.vector_load %arg9[%parallel_loop3A_757, %parallel_loop3A_758, %parallel_loop3A_759] {strides = array<i32>} : memref<49x8x128xf32, #tpu.memory_space<vmem>>, vector<16xf32>,
      tpu.vector_store %arg9[%parallel_loop3A_757, %parallel_loop3A_758, %parallel_loop3A_759], %parallel_loop3A_754 {strides = array<i32>} : memref<49x8x128xf32, #tpu.memory_space<vmem>>, vector<16xf32>,
    } {sc.loop_unroll_factor = 4 : i64, sc.parallel_access}
    %add3A_290 = arith.constant 4 : i32
    %add3A_291 = arith.addi %mul3A_7, %add3A_290 : i32
    %dma_wait3A_292 = arith.constant 0 : i32
    %dma_wait3A_293 = arith.constant 0 : i32
    %dma_wait3A_294 = arith.constant 0 : i32
    %dma_wait3A_295 = tpu.memref_slice %arg5[%add3A_291, %dma_wait3A_292, %dma_wait3A_293, %dma_wait3A_294] : memref<384x49x8x128xf32, #tpu.memory_space<hbm>> -> memref<1x49x8x128xf32, #tpu.memory_space<hbm>>
    %dma_wait3A_296 = tpu.memref_squeeze %dma_wait3A_295 : memref<1x49x8x128xf32, #tpu.memory_space<hbm>> -> memref<49x8x128xf32, #tpu.memory_space<hbm>>
    %dma_wait3A_297 = arith.constant 0 : i32
    %dma_wait3A_298 = arith.constant 0 : i32
    %dma_wait3A_299 = arith.constant 0 : i32
    %dma_wait3A_300 = tpu.memref_slice %arg5[%add3A_291, %dma_wait3A_297, %dma_wait3A_298, %dma_wait3A_299] : memref<384x49x8x128xf32, #tpu.memory_space<hbm>> -> memref<1x49x8x128xf32, #tpu.memory_space<hbm>>
    %dma_wait3A_301 = tpu.memref_squeeze %dma_wait3A_300 : memref<1x49x8x128xf32, #tpu.memory_space<hbm>> -> memref<49x8x128xf32, #tpu.memory_space<hbm>>
    tpu.wait_dma2 semaphore(%arg12 : memref<!tpu.dma_semaphore, #tpu.memory_space<semaphore_mem>>) src(%arg8 : memref<49x8x128xf32, #tpu.memory_space<vmem>>) dst(%dma_wait3A_301 : memref<49x8x128xf32, #tpu.memory_space<hbm>>)
    %add3A_302 = arith.constant 6 : i32
    %add3A_303 = arith.addi %mul3A_7, %add3A_302 : i32
    %dma_start3A_304 = arith.constant 0 : i32
    %dma_start3A_305 = arith.constant 0 : i32
    %dma_start3A_306 = arith.constant 0 : i32
    %dma_start3A_307 = tpu.memref_slice %arg2[%add3A_303, %dma_start3A_304, %dma_start3A_305, %dma_start3A_306] : memref<384x49x8x128xf32, #tpu.memory_space<hbm>> -> memref<1x49x8x128xf32, #tpu.memory_space<hbm>>
    %dma_start3A_308 = tpu.memref_squeeze %dma_start3A_307 : memref<1x49x8x128xf32, #tpu.memory_space<hbm>> -> memref<49x8x128xf32, #tpu.memory_space<hbm>>
    %dma_start3A_309 = arith.constant 0 : i32
    %dma_start3A_310 = arith.constant 0 : i32
    %dma_start3A_311 = arith.constant 0 : i32
    %dma_start3A_312 = tpu.memref_slice %arg2[%add3A_303, %dma_start3A_309, %dma_start3A_310, %dma_start3A_311] : memref<384x49x8x128xf32, #tpu.memory_space<hbm>> -> memref<1x49x8x128xf32, #tpu.memory_space<hbm>>
    %dma_start3A_313 = tpu.memref_squeeze %dma_start3A_312 : memref<1x49x8x128xf32, #tpu.memory_space<hbm>> -> memref<49x8x128xf32, #tpu.memory_space<hbm>>
    tpu.enqueue_dma source(%dma_start3A_313 : memref<49x8x128xf32, #tpu.memory_space<hbm>>) target(%arg8 : memref<49x8x128xf32, #tpu.memory_space<vmem>>) target_semaphore(%arg10 : memref<!tpu.dma_semaphore, #tpu.memory_space<semaphore_mem>>)
    %parallel_loop3A_314 = arith.constant 1568 : i32
    %parallel_loop3A_315 = arith.constant 3136 : i32
    %parallel_loop3A_316 = arith.constant 1 : i32
    scf.for %parallel_loop3A_653 = %parallel_loop3A_314 to %parallel_loop3A_315 step %parallel_loop3A_316  : i32 {
      %parallel_loop3A_654 = arith.constant 64 : i32
      %parallel_loop3A_655 = arith.divsi %parallel_loop3A_653, %parallel_loop3A_654 : i32
      %parallel_loop3A_656 = arith.constant 0 : i32
      %parallel_loop3A_657 = arith.cmpi sgt, %parallel_loop3A_653, %parallel_loop3A_656 : i32
      %parallel_loop3A_658 = arith.extui %parallel_loop3A_657 : i1 to i32
      %parallel_loop3A_659 = arith.constant 0 : i32
      %parallel_loop3A_660 = arith.cmpi slt, %parallel_loop3A_653, %parallel_loop3A_659 : i32
      %parallel_loop3A_661 = arith.extui %parallel_loop3A_660 : i1 to i32
      %parallel_loop3A_662 = arith.subi %parallel_loop3A_658, %parallel_loop3A_661 : i32
      %parallel_loop3A_663 = arith.constant 0 : i32
      %parallel_loop3A_664 = arith.cmpi sgt, %parallel_loop3A_654, %parallel_loop3A_663 : i32
      %parallel_loop3A_665 = arith.extui %parallel_loop3A_664 : i1 to i32
      %parallel_loop3A_666 = arith.constant 0 : i32
      %parallel_loop3A_667 = arith.cmpi slt, %parallel_loop3A_654, %parallel_loop3A_666 : i32
      %parallel_loop3A_668 = arith.extui %parallel_loop3A_667 : i1 to i32
      %parallel_loop3A_669 = arith.subi %parallel_loop3A_665, %parallel_loop3A_668 : i32
      %parallel_loop3A_670 = arith.cmpi ne, %parallel_loop3A_662, %parallel_loop3A_669 : i32
      %parallel_loop3A_671 = arith.remsi %parallel_loop3A_653, %parallel_loop3A_654 : i32
      %parallel_loop3A_672 = arith.constant 0 : i32
      %parallel_loop3A_673 = arith.cmpi ne, %parallel_loop3A_671, %parallel_loop3A_672 : i32
      %parallel_loop3A_674 = arith.andi %parallel_loop3A_670, %parallel_loop3A_673 : i1
      %parallel_loop3A_675 = arith.constant 1 : i32
      %parallel_loop3A_676 = arith.subi %parallel_loop3A_655, %parallel_loop3A_675 : i32
      %parallel_loop3A_677 = arith.select %parallel_loop3A_674, %parallel_loop3A_676, %parallel_loop3A_655 : i32
      %parallel_loop3A_678 = arith.constant 8 : i32
      %parallel_loop3A_679 = arith.divsi %parallel_loop3A_653, %parallel_loop3A_678 : i32
      %parallel_loop3A_680 = arith.constant 0 : i32
      %parallel_loop3A_681 = arith.cmpi sgt, %parallel_loop3A_653, %parallel_loop3A_680 : i32
      %parallel_loop3A_682 = arith.extui %parallel_loop3A_681 : i1 to i32
      %parallel_loop3A_683 = arith.constant 0 : i32
      %parallel_loop3A_684 = arith.cmpi slt, %parallel_loop3A_653, %parallel_loop3A_683 : i32
      %parallel_loop3A_685 = arith.extui %parallel_loop3A_684 : i1 to i32
      %parallel_loop3A_686 = arith.subi %parallel_loop3A_682, %parallel_loop3A_685 : i32
      %parallel_loop3A_687 = arith.constant 0 : i32
      %parallel_loop3A_688 = arith.cmpi sgt, %parallel_loop3A_678, %parallel_loop3A_687 : i32
      %parallel_loop3A_689 = arith.extui %parallel_loop3A_688 : i1 to i32
      %parallel_loop3A_690 = arith.constant 0 : i32
      %parallel_loop3A_691 = arith.cmpi slt, %parallel_loop3A_678, %parallel_loop3A_690 : i32
      %parallel_loop3A_692 = arith.extui %parallel_loop3A_691 : i1 to i32
      %parallel_loop3A_693 = arith.subi %parallel_loop3A_689, %parallel_loop3A_692 : i32
      %parallel_loop3A_694 = arith.cmpi ne, %parallel_loop3A_686, %parallel_loop3A_693 : i32
      %parallel_loop3A_695 = arith.remsi %parallel_loop3A_653, %parallel_loop3A_678 : i32
      %parallel_loop3A_696 = arith.constant 0 : i32
      %parallel_loop3A_697 = arith.cmpi ne, %parallel_loop3A_695, %parallel_loop3A_696 : i32
      %parallel_loop3A_698 = arith.andi %parallel_loop3A_694, %parallel_loop3A_697 : i1
      %parallel_loop3A_699 = arith.constant 1 : i32
      %parallel_loop3A_700 = arith.subi %parallel_loop3A_679, %parallel_loop3A_699 : i32
      %parallel_loop3A_701 = arith.select %parallel_loop3A_698, %parallel_loop3A_700, %parallel_loop3A_679 : i32
      %parallel_loop3A_702 = arith.constant 8 : i32
      %parallel_loop3A_703 = arith.constant 0 : i32
      %parallel_loop3A_704 = arith.cmpi eq, %parallel_loop3A_702, %parallel_loop3A_703 : i32
      %parallel_loop3A_705 = arith.constant 1 : i32
      %parallel_loop3A_706 = arith.select %parallel_loop3A_704, %parallel_loop3A_705, %parallel_loop3A_702 : i32
      %parallel_loop3A_707 = arith.remsi %parallel_loop3A_701, %parallel_loop3A_706 : i32
      %parallel_loop3A_708 = arith.constant 0 : i32
      %parallel_loop3A_709 = arith.cmpi ne, %parallel_loop3A_707, %parallel_loop3A_708 : i32
      %parallel_loop3A_710 = arith.constant 0 : i32
      %parallel_loop3A_711 = arith.cmpi slt, %parallel_loop3A_707, %parallel_loop3A_710 : i32
      %parallel_loop3A_712 = arith.constant 0 : i32
      %parallel_loop3A_713 = arith.cmpi slt, %parallel_loop3A_706, %parallel_loop3A_712 : i32
      %parallel_loop3A_714 = arith.xori %parallel_loop3A_711, %parallel_loop3A_713 : i1
      %parallel_loop3A_715 = arith.andi %parallel_loop3A_714, %parallel_loop3A_709 : i1
      %parallel_loop3A_716 = arith.addi %parallel_loop3A_707, %parallel_loop3A_706 : i32
      %parallel_loop3A_717 = arith.select %parallel_loop3A_715, %parallel_loop3A_716, %parallel_loop3A_707 : i32
      %parallel_loop3A_718 = arith.constant 8 : i32
      %parallel_loop3A_719 = arith.constant 0 : i32
      %parallel_loop3A_720 = arith.cmpi eq, %parallel_loop3A_718, %parallel_loop3A_719 : i32
      %parallel_loop3A_721 = arith.constant 1 : i32
      %parallel_loop3A_722 = arith.select %parallel_loop3A_720, %parallel_loop3A_721, %parallel_loop3A_718 : i32
      %parallel_loop3A_723 = arith.remsi %parallel_loop3A_653, %parallel_loop3A_722 : i32
      %parallel_loop3A_724 = arith.constant 0 : i32
      %parallel_loop3A_725 = arith.cmpi ne, %parallel_loop3A_723, %parallel_loop3A_724 : i32
      %parallel_loop3A_726 = arith.constant 0 : i32
      %parallel_loop3A_727 = arith.cmpi slt, %parallel_loop3A_723, %parallel_loop3A_726 : i32
      %parallel_loop3A_728 = arith.constant 0 : i32
      %parallel_loop3A_729 = arith.cmpi slt, %parallel_loop3A_722, %parallel_loop3A_728 : i32
      %parallel_loop3A_730 = arith.xori %parallel_loop3A_727, %parallel_loop3A_729 : i1
      %parallel_loop3A_731 = arith.andi %parallel_loop3A_730, %parallel_loop3A_725 : i1
      %parallel_loop3A_732 = arith.addi %parallel_loop3A_723, %parallel_loop3A_722 : i32
      %parallel_loop3A_733 = arith.select %parallel_loop3A_731, %parallel_loop3A_732, %parallel_loop3A_723 : i32
      %parallel_loop3A_734 = arith.constant 128 : i32
      %parallel_loop3A_735 = arith.muli %parallel_loop3A_677, %parallel_loop3A_734 : i32
      %parallel_loop3A_736 = arith.constant 16 : i32
      %parallel_loop3A_737 = arith.muli %parallel_loop3A_733, %parallel_loop3A_736 : i32
      %parallel_loop3A_738 = arith.addi %parallel_loop3A_735, %parallel_loop3A_737 : i32
      %parallel_loop3A_739 = arith.index_cast %parallel_loop3A_738 : i32 to index
      %parallel_loop3A_740 = tpu.vector_load %arg7[%parallel_loop3A_739] {strides = array<i32>} : memref<6272xi32, #tpu.memory_space<vmem>>, vector<16xi32>,
      %parallel_loop3A_741 = arith.constant 40 : i32
      %parallel_loop3A_742 = arith.addi %parallel_loop3A_741, %parallel_loop3A_717 : i32
      %parallel_loop3A_743 = arith.constant 32 : i32
      %parallel_loop3A_744 = arith.muli %parallel_loop3A_742, %parallel_loop3A_743 : i32
      %parallel_loop3A_745 = vector.broadcast %parallel_loop3A_744 : i32 to vector<16xi32>
      %parallel_loop3A_746 = arith.addi %parallel_loop3A_740, %parallel_loop3A_745 : vector<16xi32>
      %parallel_loop3A_747 = tpu.vector_load_idx %arg6[%parallel_loop3A_746] : memref<3072xf32, #tpu.memory_space<vmem>>[vector<16xi32>], vector<16xf32>,
      %parallel_loop3A_748 = arith.constant 16 : i32
      %parallel_loop3A_749 = arith.muli %parallel_loop3A_733, %parallel_loop3A_748 : i32
      %parallel_loop3A_750 = arith.index_cast %parallel_loop3A_677 : i32 to index
      %parallel_loop3A_751 = arith.index_cast %parallel_loop3A_717 : i32 to index
      %parallel_loop3A_752 = arith.index_cast %parallel_loop3A_749 : i32 to index
      %parallel_loop3A_753 = tpu.vector_load %arg9[%parallel_loop3A_750, %parallel_loop3A_751, %parallel_loop3A_752] {strides = array<i32>} : memref<49x8x128xf32, #tpu.memory_space<vmem>>, vector<16xf32>,
      %parallel_loop3A_754 = arith.addf %parallel_loop3A_753, %parallel_loop3A_747 : vector<16xf32>
      %parallel_loop3A_755 = arith.constant 16 : i32
      %parallel_loop3A_756 = arith.muli %parallel_loop3A_733, %parallel_loop3A_755 : i32
      %parallel_loop3A_757 = arith.index_cast %parallel_loop3A_677 : i32 to index
      %parallel_loop3A_758 = arith.index_cast %parallel_loop3A_717 : i32 to index
      %parallel_loop3A_759 = arith.index_cast %parallel_loop3A_756 : i32 to index
      %parallel_loop3A_760 = tpu.vector_load %arg9[%parallel_loop3A_757, %parallel_loop3A_758, %parallel_loop3A_759] {strides = array<i32>} : memref<49x8x128xf32, #tpu.memory_space<vmem>>, vector<16xf32>,
      tpu.vector_store %arg9[%parallel_loop3A_757, %parallel_loop3A_758, %parallel_loop3A_759], %parallel_loop3A_754 {strides = array<i32>} : memref<49x8x128xf32, #tpu.memory_space<vmem>>, vector<16xf32>,
    } {sc.loop_unroll_factor = 4 : i64, sc.parallel_access}
    %add3A_317 = arith.constant 5 : i32
    %add3A_318 = arith.addi %mul3A_7, %add3A_317 : i32
    %dma_start3A_319 = arith.constant 0 : i32
    %dma_start3A_320 = arith.constant 0 : i32
    %dma_start3A_321 = arith.constant 0 : i32
    %dma_start3A_322 = tpu.memref_slice %arg5[%add3A_318, %dma_start3A_319, %dma_start3A_320, %dma_start3A_321] : memref<384x49x8x128xf32, #tpu.memory_space<hbm>> -> memref<1x49x8x128xf32, #tpu.memory_space<hbm>>
    %dma_start3A_323 = tpu.memref_squeeze %dma_start3A_322 : memref<1x49x8x128xf32, #tpu.memory_space<hbm>> -> memref<49x8x128xf32, #tpu.memory_space<hbm>>
    %dma_start3A_324 = arith.constant 0 : i32
    %dma_start3A_325 = arith.constant 0 : i32
    %dma_start3A_326 = arith.constant 0 : i32
    %dma_start3A_327 = tpu.memref_slice %arg5[%add3A_318, %dma_start3A_324, %dma_start3A_325, %dma_start3A_326] : memref<384x49x8x128xf32, #tpu.memory_space<hbm>> -> memref<1x49x8x128xf32, #tpu.memory_space<hbm>>
    %dma_start3A_328 = tpu.memref_squeeze %dma_start3A_327 : memref<1x49x8x128xf32, #tpu.memory_space<hbm>> -> memref<49x8x128xf32, #tpu.memory_space<hbm>>
    tpu.enqueue_dma source(%arg9 : memref<49x8x128xf32, #tpu.memory_space<vmem>>) target(%dma_start3A_328 : memref<49x8x128xf32, #tpu.memory_space<hbm>>) target_semaphore(%arg13 : memref<!tpu.dma_semaphore, #tpu.memory_space<semaphore_mem>>)
    %add3A_329 = arith.constant 6 : i32
    %add3A_330 = arith.addi %mul3A_7, %add3A_329 : i32
    %dma_wait3A_331 = arith.constant 0 : i32
    %dma_wait3A_332 = arith.constant 0 : i32
    %dma_wait3A_333 = arith.constant 0 : i32
    %dma_wait3A_334 = tpu.memref_slice %arg2[%add3A_330, %dma_wait3A_331, %dma_wait3A_332, %dma_wait3A_333] : memref<384x49x8x128xf32, #tpu.memory_space<hbm>> -> memref<1x49x8x128xf32, #tpu.memory_space<hbm>>
    %dma_wait3A_335 = tpu.memref_squeeze %dma_wait3A_334 : memref<1x49x8x128xf32, #tpu.memory_space<hbm>> -> memref<49x8x128xf32, #tpu.memory_space<hbm>>
    %dma_wait3A_336 = arith.constant 0 : i32
    %dma_wait3A_337 = arith.constant 0 : i32
    %dma_wait3A_338 = arith.constant 0 : i32
    %dma_wait3A_339 = tpu.memref_slice %arg2[%add3A_330, %dma_wait3A_336, %dma_wait3A_337, %dma_wait3A_338] : memref<384x49x8x128xf32, #tpu.memory_space<hbm>> -> memref<1x49x8x128xf32, #tpu.memory_space<hbm>>
    %dma_wait3A_340 = tpu.memref_squeeze %dma_wait3A_339 : memref<1x49x8x128xf32, #tpu.memory_space<hbm>> -> memref<49x8x128xf32, #tpu.memory_space<hbm>>
    tpu.wait_dma2 semaphore(%arg10 : memref<!tpu.dma_semaphore, #tpu.memory_space<semaphore_mem>>) src(%dma_wait3A_340 : memref<49x8x128xf32, #tpu.memory_space<hbm>>) dst(%arg8 : memref<49x8x128xf32, #tpu.memory_space<vmem>>)
    %parallel_loop3A_341 = arith.constant 0 : i32
    %parallel_loop3A_342 = arith.constant 1568 : i32
    %parallel_loop3A_343 = arith.constant 1 : i32
    scf.for %parallel_loop3A_653 = %parallel_loop3A_341 to %parallel_loop3A_342 step %parallel_loop3A_343  : i32 {
      %parallel_loop3A_654 = arith.constant 64 : i32
      %parallel_loop3A_655 = arith.divsi %parallel_loop3A_653, %parallel_loop3A_654 : i32
      %parallel_loop3A_656 = arith.constant 0 : i32
      %parallel_loop3A_657 = arith.cmpi sgt, %parallel_loop3A_653, %parallel_loop3A_656 : i32
      %parallel_loop3A_658 = arith.extui %parallel_loop3A_657 : i1 to i32
      %parallel_loop3A_659 = arith.constant 0 : i32
      %parallel_loop3A_660 = arith.cmpi slt, %parallel_loop3A_653, %parallel_loop3A_659 : i32
      %parallel_loop3A_661 = arith.extui %parallel_loop3A_660 : i1 to i32
      %parallel_loop3A_662 = arith.subi %parallel_loop3A_658, %parallel_loop3A_661 : i32
      %parallel_loop3A_663 = arith.constant 0 : i32
      %parallel_loop3A_664 = arith.cmpi sgt, %parallel_loop3A_654, %parallel_loop3A_663 : i32
      %parallel_loop3A_665 = arith.extui %parallel_loop3A_664 : i1 to i32
      %parallel_loop3A_666 = arith.constant 0 : i32
      %parallel_loop3A_667 = arith.cmpi slt, %parallel_loop3A_654, %parallel_loop3A_666 : i32
      %parallel_loop3A_668 = arith.extui %parallel_loop3A_667 : i1 to i32
      %parallel_loop3A_669 = arith.subi %parallel_loop3A_665, %parallel_loop3A_668 : i32
      %parallel_loop3A_670 = arith.cmpi ne, %parallel_loop3A_662, %parallel_loop3A_669 : i32
      %parallel_loop3A_671 = arith.remsi %parallel_loop3A_653, %parallel_loop3A_654 : i32
      %parallel_loop3A_672 = arith.constant 0 : i32
      %parallel_loop3A_673 = arith.cmpi ne, %parallel_loop3A_671, %parallel_loop3A_672 : i32
      %parallel_loop3A_674 = arith.andi %parallel_loop3A_670, %parallel_loop3A_673 : i1
      %parallel_loop3A_675 = arith.constant 1 : i32
      %parallel_loop3A_676 = arith.subi %parallel_loop3A_655, %parallel_loop3A_675 : i32
      %parallel_loop3A_677 = arith.select %parallel_loop3A_674, %parallel_loop3A_676, %parallel_loop3A_655 : i32
      %parallel_loop3A_678 = arith.constant 8 : i32
      %parallel_loop3A_679 = arith.divsi %parallel_loop3A_653, %parallel_loop3A_678 : i32
      %parallel_loop3A_680 = arith.constant 0 : i32
      %parallel_loop3A_681 = arith.cmpi sgt, %parallel_loop3A_653, %parallel_loop3A_680 : i32
      %parallel_loop3A_682 = arith.extui %parallel_loop3A_681 : i1 to i32
      %parallel_loop3A_683 = arith.constant 0 : i32
      %parallel_loop3A_684 = arith.cmpi slt, %parallel_loop3A_653, %parallel_loop3A_683 : i32
      %parallel_loop3A_685 = arith.extui %parallel_loop3A_684 : i1 to i32
      %parallel_loop3A_686 = arith.subi %parallel_loop3A_682, %parallel_loop3A_685 : i32
      %parallel_loop3A_687 = arith.constant 0 : i32
      %parallel_loop3A_688 = arith.cmpi sgt, %parallel_loop3A_678, %parallel_loop3A_687 : i32
      %parallel_loop3A_689 = arith.extui %parallel_loop3A_688 : i1 to i32
      %parallel_loop3A_690 = arith.constant 0 : i32
      %parallel_loop3A_691 = arith.cmpi slt, %parallel_loop3A_678, %parallel_loop3A_690 : i32
      %parallel_loop3A_692 = arith.extui %parallel_loop3A_691 : i1 to i32
      %parallel_loop3A_693 = arith.subi %parallel_loop3A_689, %parallel_loop3A_692 : i32
      %parallel_loop3A_694 = arith.cmpi ne, %parallel_loop3A_686, %parallel_loop3A_693 : i32
      %parallel_loop3A_695 = arith.remsi %parallel_loop3A_653, %parallel_loop3A_678 : i32
      %parallel_loop3A_696 = arith.constant 0 : i32
      %parallel_loop3A_697 = arith.cmpi ne, %parallel_loop3A_695, %parallel_loop3A_696 : i32
      %parallel_loop3A_698 = arith.andi %parallel_loop3A_694, %parallel_loop3A_697 : i1
      %parallel_loop3A_699 = arith.constant 1 : i32
      %parallel_loop3A_700 = arith.subi %parallel_loop3A_679, %parallel_loop3A_699 : i32
      %parallel_loop3A_701 = arith.select %parallel_loop3A_698, %parallel_loop3A_700, %parallel_loop3A_679 : i32
      %parallel_loop3A_702 = arith.constant 8 : i32
      %parallel_loop3A_703 = arith.constant 0 : i32
      %parallel_loop3A_704 = arith.cmpi eq, %parallel_loop3A_702, %parallel_loop3A_703 : i32
      %parallel_loop3A_705 = arith.constant 1 : i32
      %parallel_loop3A_706 = arith.select %parallel_loop3A_704, %parallel_loop3A_705, %parallel_loop3A_702 : i32
      %parallel_loop3A_707 = arith.remsi %parallel_loop3A_701, %parallel_loop3A_706 : i32
      %parallel_loop3A_708 = arith.constant 0 : i32
      %parallel_loop3A_709 = arith.cmpi ne, %parallel_loop3A_707, %parallel_loop3A_708 : i32
      %parallel_loop3A_710 = arith.constant 0 : i32
      %parallel_loop3A_711 = arith.cmpi slt, %parallel_loop3A_707, %parallel_loop3A_710 : i32
      %parallel_loop3A_712 = arith.constant 0 : i32
      %parallel_loop3A_713 = arith.cmpi slt, %parallel_loop3A_706, %parallel_loop3A_712 : i32
      %parallel_loop3A_714 = arith.xori %parallel_loop3A_711, %parallel_loop3A_713 : i1
      %parallel_loop3A_715 = arith.andi %parallel_loop3A_714, %parallel_loop3A_709 : i1
      %parallel_loop3A_716 = arith.addi %parallel_loop3A_707, %parallel_loop3A_706 : i32
      %parallel_loop3A_717 = arith.select %parallel_loop3A_715, %parallel_loop3A_716, %parallel_loop3A_707 : i32
      %parallel_loop3A_718 = arith.constant 8 : i32
      %parallel_loop3A_719 = arith.constant 0 : i32
      %parallel_loop3A_720 = arith.cmpi eq, %parallel_loop3A_718, %parallel_loop3A_719 : i32
      %parallel_loop3A_721 = arith.constant 1 : i32
      %parallel_loop3A_722 = arith.select %parallel_loop3A_720, %parallel_loop3A_721, %parallel_loop3A_718 : i32
      %parallel_loop3A_723 = arith.remsi %parallel_loop3A_653, %parallel_loop3A_722 : i32
      %parallel_loop3A_724 = arith.constant 0 : i32
      %parallel_loop3A_725 = arith.cmpi ne, %parallel_loop3A_723, %parallel_loop3A_724 : i32
      %parallel_loop3A_726 = arith.constant 0 : i32
      %parallel_loop3A_727 = arith.cmpi slt, %parallel_loop3A_723, %parallel_loop3A_726 : i32
      %parallel_loop3A_728 = arith.constant 0 : i32
      %parallel_loop3A_729 = arith.cmpi slt, %parallel_loop3A_722, %parallel_loop3A_728 : i32
      %parallel_loop3A_730 = arith.xori %parallel_loop3A_727, %parallel_loop3A_729 : i1
      %parallel_loop3A_731 = arith.andi %parallel_loop3A_730, %parallel_loop3A_725 : i1
      %parallel_loop3A_732 = arith.addi %parallel_loop3A_723, %parallel_loop3A_722 : i32
      %parallel_loop3A_733 = arith.select %parallel_loop3A_731, %parallel_loop3A_732, %parallel_loop3A_723 : i32
      %parallel_loop3A_734 = arith.constant 128 : i32
      %parallel_loop3A_735 = arith.muli %parallel_loop3A_677, %parallel_loop3A_734 : i32
      %parallel_loop3A_736 = arith.constant 16 : i32
      %parallel_loop3A_737 = arith.muli %parallel_loop3A_733, %parallel_loop3A_736 : i32
      %parallel_loop3A_738 = arith.addi %parallel_loop3A_735, %parallel_loop3A_737 : i32
      %parallel_loop3A_739 = arith.index_cast %parallel_loop3A_738 : i32 to index
      %parallel_loop3A_740 = tpu.vector_load %arg7[%parallel_loop3A_739] {strides = array<i32>} : memref<6272xi32, #tpu.memory_space<vmem>>, vector<16xi32>,
      %parallel_loop3A_741 = arith.constant 48 : i32
      %parallel_loop3A_742 = arith.addi %parallel_loop3A_741, %parallel_loop3A_717 : i32
      %parallel_loop3A_743 = arith.constant 32 : i32
      %parallel_loop3A_744 = arith.muli %parallel_loop3A_742, %parallel_loop3A_743 : i32
      %parallel_loop3A_745 = vector.broadcast %parallel_loop3A_744 : i32 to vector<16xi32>
      %parallel_loop3A_746 = arith.addi %parallel_loop3A_740, %parallel_loop3A_745 : vector<16xi32>
      %parallel_loop3A_747 = tpu.vector_load_idx %arg6[%parallel_loop3A_746] : memref<3072xf32, #tpu.memory_space<vmem>>[vector<16xi32>], vector<16xf32>,
      %parallel_loop3A_748 = arith.constant 16 : i32
      %parallel_loop3A_749 = arith.muli %parallel_loop3A_733, %parallel_loop3A_748 : i32
      %parallel_loop3A_750 = arith.index_cast %parallel_loop3A_677 : i32 to index
      %parallel_loop3A_751 = arith.index_cast %parallel_loop3A_717 : i32 to index
      %parallel_loop3A_752 = arith.index_cast %parallel_loop3A_749 : i32 to index
      %parallel_loop3A_753 = tpu.vector_load %arg8[%parallel_loop3A_750, %parallel_loop3A_751, %parallel_loop3A_752] {strides = array<i32>} : memref<49x8x128xf32, #tpu.memory_space<vmem>>, vector<16xf32>,
      %parallel_loop3A_754 = arith.addf %parallel_loop3A_753, %parallel_loop3A_747 : vector<16xf32>
      %parallel_loop3A_755 = arith.constant 16 : i32
      %parallel_loop3A_756 = arith.muli %parallel_loop3A_733, %parallel_loop3A_755 : i32
      %parallel_loop3A_757 = arith.index_cast %parallel_loop3A_677 : i32 to index
      %parallel_loop3A_758 = arith.index_cast %parallel_loop3A_717 : i32 to index
      %parallel_loop3A_759 = arith.index_cast %parallel_loop3A_756 : i32 to index
      %parallel_loop3A_760 = tpu.vector_load %arg8[%parallel_loop3A_757, %parallel_loop3A_758, %parallel_loop3A_759] {strides = array<i32>} : memref<49x8x128xf32, #tpu.memory_space<vmem>>, vector<16xf32>,
      tpu.vector_store %arg8[%parallel_loop3A_757, %parallel_loop3A_758, %parallel_loop3A_759], %parallel_loop3A_754 {strides = array<i32>} : memref<49x8x128xf32, #tpu.memory_space<vmem>>, vector<16xf32>,
    } {sc.loop_unroll_factor = 4 : i64, sc.parallel_access}
    %add3A_344 = arith.constant 5 : i32
    %add3A_345 = arith.addi %mul3A_7, %add3A_344 : i32
    %dma_wait3A_346 = arith.constant 0 : i32
    %dma_wait3A_347 = arith.constant 0 : i32
    %dma_wait3A_348 = arith.constant 0 : i32
    %dma_wait3A_349 = tpu.memref_slice %arg5[%add3A_345, %dma_wait3A_346, %dma_wait3A_347, %dma_wait3A_348] : memref<384x49x8x128xf32, #tpu.memory_space<hbm>> -> memref<1x49x8x128xf32, #tpu.memory_space<hbm>>
    %dma_wait3A_350 = tpu.memref_squeeze %dma_wait3A_349 : memref<1x49x8x128xf32, #tpu.memory_space<hbm>> -> memref<49x8x128xf32, #tpu.memory_space<hbm>>
    %dma_wait3A_351 = arith.constant 0 : i32
    %dma_wait3A_352 = arith.constant 0 : i32
    %dma_wait3A_353 = arith.constant 0 : i32
    %dma_wait3A_354 = tpu.memref_slice %arg5[%add3A_345, %dma_wait3A_351, %dma_wait3A_352, %dma_wait3A_353] : memref<384x49x8x128xf32, #tpu.memory_space<hbm>> -> memref<1x49x8x128xf32, #tpu.memory_space<hbm>>
    %dma_wait3A_355 = tpu.memref_squeeze %dma_wait3A_354 : memref<1x49x8x128xf32, #tpu.memory_space<hbm>> -> memref<49x8x128xf32, #tpu.memory_space<hbm>>
    tpu.wait_dma2 semaphore(%arg13 : memref<!tpu.dma_semaphore, #tpu.memory_space<semaphore_mem>>) src(%arg9 : memref<49x8x128xf32, #tpu.memory_space<vmem>>) dst(%dma_wait3A_355 : memref<49x8x128xf32, #tpu.memory_space<hbm>>)
    %add3A_356 = arith.constant 7 : i32
    %add3A_357 = arith.addi %mul3A_7, %add3A_356 : i32
    %dma_start3A_358 = arith.constant 0 : i32
    %dma_start3A_359 = arith.constant 0 : i32
    %dma_start3A_360 = arith.constant 0 : i32
    %dma_start3A_361 = tpu.memref_slice %arg2[%add3A_357, %dma_start3A_358, %dma_start3A_359, %dma_start3A_360] : memref<384x49x8x128xf32, #tpu.memory_space<hbm>> -> memref<1x49x8x128xf32, #tpu.memory_space<hbm>>
    %dma_start3A_362 = tpu.memref_squeeze %dma_start3A_361 : memref<1x49x8x128xf32, #tpu.memory_space<hbm>> -> memref<49x8x128xf32, #tpu.memory_space<hbm>>
    %dma_start3A_363 = arith.constant 0 : i32
    %dma_start3A_364 = arith.constant 0 : i32
    %dma_start3A_365 = arith.constant 0 : i32
    %dma_start3A_366 = tpu.memref_slice %arg2[%add3A_357, %dma_start3A_363, %dma_start3A_364, %dma_start3A_365] : memref<384x49x8x128xf32, #tpu.memory_space<hbm>> -> memref<1x49x8x128xf32, #tpu.memory_space<hbm>>
    %dma_start3A_367 = tpu.memref_squeeze %dma_start3A_366 : memref<1x49x8x128xf32, #tpu.memory_space<hbm>> -> memref<49x8x128xf32, #tpu.memory_space<hbm>>
    tpu.enqueue_dma source(%dma_start3A_367 : memref<49x8x128xf32, #tpu.memory_space<hbm>>) target(%arg9 : memref<49x8x128xf32, #tpu.memory_space<vmem>>) target_semaphore(%arg11 : memref<!tpu.dma_semaphore, #tpu.memory_space<semaphore_mem>>)
    %parallel_loop3A_368 = arith.constant 1568 : i32
    %parallel_loop3A_369 = arith.constant 3136 : i32
    %parallel_loop3A_370 = arith.constant 1 : i32
    scf.for %parallel_loop3A_653 = %parallel_loop3A_368 to %parallel_loop3A_369 step %parallel_loop3A_370  : i32 {
      %parallel_loop3A_654 = arith.constant 64 : i32
      %parallel_loop3A_655 = arith.divsi %parallel_loop3A_653, %parallel_loop3A_654 : i32
      %parallel_loop3A_656 = arith.constant 0 : i32
      %parallel_loop3A_657 = arith.cmpi sgt, %parallel_loop3A_653, %parallel_loop3A_656 : i32
      %parallel_loop3A_658 = arith.extui %parallel_loop3A_657 : i1 to i32
      %parallel_loop3A_659 = arith.constant 0 : i32
      %parallel_loop3A_660 = arith.cmpi slt, %parallel_loop3A_653, %parallel_loop3A_659 : i32
      %parallel_loop3A_661 = arith.extui %parallel_loop3A_660 : i1 to i32
      %parallel_loop3A_662 = arith.subi %parallel_loop3A_658, %parallel_loop3A_661 : i32
      %parallel_loop3A_663 = arith.constant 0 : i32
      %parallel_loop3A_664 = arith.cmpi sgt, %parallel_loop3A_654, %parallel_loop3A_663 : i32
      %parallel_loop3A_665 = arith.extui %parallel_loop3A_664 : i1 to i32
      %parallel_loop3A_666 = arith.constant 0 : i32
      %parallel_loop3A_667 = arith.cmpi slt, %parallel_loop3A_654, %parallel_loop3A_666 : i32
      %parallel_loop3A_668 = arith.extui %parallel_loop3A_667 : i1 to i32
      %parallel_loop3A_669 = arith.subi %parallel_loop3A_665, %parallel_loop3A_668 : i32
      %parallel_loop3A_670 = arith.cmpi ne, %parallel_loop3A_662, %parallel_loop3A_669 : i32
      %parallel_loop3A_671 = arith.remsi %parallel_loop3A_653, %parallel_loop3A_654 : i32
      %parallel_loop3A_672 = arith.constant 0 : i32
      %parallel_loop3A_673 = arith.cmpi ne, %parallel_loop3A_671, %parallel_loop3A_672 : i32
      %parallel_loop3A_674 = arith.andi %parallel_loop3A_670, %parallel_loop3A_673 : i1
      %parallel_loop3A_675 = arith.constant 1 : i32
      %parallel_loop3A_676 = arith.subi %parallel_loop3A_655, %parallel_loop3A_675 : i32
      %parallel_loop3A_677 = arith.select %parallel_loop3A_674, %parallel_loop3A_676, %parallel_loop3A_655 : i32
      %parallel_loop3A_678 = arith.constant 8 : i32
      %parallel_loop3A_679 = arith.divsi %parallel_loop3A_653, %parallel_loop3A_678 : i32
      %parallel_loop3A_680 = arith.constant 0 : i32
      %parallel_loop3A_681 = arith.cmpi sgt, %parallel_loop3A_653, %parallel_loop3A_680 : i32
      %parallel_loop3A_682 = arith.extui %parallel_loop3A_681 : i1 to i32
      %parallel_loop3A_683 = arith.constant 0 : i32
      %parallel_loop3A_684 = arith.cmpi slt, %parallel_loop3A_653, %parallel_loop3A_683 : i32
      %parallel_loop3A_685 = arith.extui %parallel_loop3A_684 : i1 to i32
      %parallel_loop3A_686 = arith.subi %parallel_loop3A_682, %parallel_loop3A_685 : i32
      %parallel_loop3A_687 = arith.constant 0 : i32
      %parallel_loop3A_688 = arith.cmpi sgt, %parallel_loop3A_678, %parallel_loop3A_687 : i32
      %parallel_loop3A_689 = arith.extui %parallel_loop3A_688 : i1 to i32
      %parallel_loop3A_690 = arith.constant 0 : i32
      %parallel_loop3A_691 = arith.cmpi slt, %parallel_loop3A_678, %parallel_loop3A_690 : i32
      %parallel_loop3A_692 = arith.extui %parallel_loop3A_691 : i1 to i32
      %parallel_loop3A_693 = arith.subi %parallel_loop3A_689, %parallel_loop3A_692 : i32
      %parallel_loop3A_694 = arith.cmpi ne, %parallel_loop3A_686, %parallel_loop3A_693 : i32
      %parallel_loop3A_695 = arith.remsi %parallel_loop3A_653, %parallel_loop3A_678 : i32
      %parallel_loop3A_696 = arith.constant 0 : i32
      %parallel_loop3A_697 = arith.cmpi ne, %parallel_loop3A_695, %parallel_loop3A_696 : i32
      %parallel_loop3A_698 = arith.andi %parallel_loop3A_694, %parallel_loop3A_697 : i1
      %parallel_loop3A_699 = arith.constant 1 : i32
      %parallel_loop3A_700 = arith.subi %parallel_loop3A_679, %parallel_loop3A_699 : i32
      %parallel_loop3A_701 = arith.select %parallel_loop3A_698, %parallel_loop3A_700, %parallel_loop3A_679 : i32
      %parallel_loop3A_702 = arith.constant 8 : i32
      %parallel_loop3A_703 = arith.constant 0 : i32
      %parallel_loop3A_704 = arith.cmpi eq, %parallel_loop3A_702, %parallel_loop3A_703 : i32
      %parallel_loop3A_705 = arith.constant 1 : i32
      %parallel_loop3A_706 = arith.select %parallel_loop3A_704, %parallel_loop3A_705, %parallel_loop3A_702 : i32
      %parallel_loop3A_707 = arith.remsi %parallel_loop3A_701, %parallel_loop3A_706 : i32
      %parallel_loop3A_708 = arith.constant 0 : i32
      %parallel_loop3A_709 = arith.cmpi ne, %parallel_loop3A_707, %parallel_loop3A_708 : i32
      %parallel_loop3A_710 = arith.constant 0 : i32
      %parallel_loop3A_711 = arith.cmpi slt, %parallel_loop3A_707, %parallel_loop3A_710 : i32
      %parallel_loop3A_712 = arith.constant 0 : i32
      %parallel_loop3A_713 = arith.cmpi slt, %parallel_loop3A_706, %parallel_loop3A_712 : i32
      %parallel_loop3A_714 = arith.xori %parallel_loop3A_711, %parallel_loop3A_713 : i1
      %parallel_loop3A_715 = arith.andi %parallel_loop3A_714, %parallel_loop3A_709 : i1
      %parallel_loop3A_716 = arith.addi %parallel_loop3A_707, %parallel_loop3A_706 : i32
      %parallel_loop3A_717 = arith.select %parallel_loop3A_715, %parallel_loop3A_716, %parallel_loop3A_707 : i32
      %parallel_loop3A_718 = arith.constant 8 : i32
      %parallel_loop3A_719 = arith.constant 0 : i32
      %parallel_loop3A_720 = arith.cmpi eq, %parallel_loop3A_718, %parallel_loop3A_719 : i32
      %parallel_loop3A_721 = arith.constant 1 : i32
      %parallel_loop3A_722 = arith.select %parallel_loop3A_720, %parallel_loop3A_721, %parallel_loop3A_718 : i32
      %parallel_loop3A_723 = arith.remsi %parallel_loop3A_653, %parallel_loop3A_722 : i32
      %parallel_loop3A_724 = arith.constant 0 : i32
      %parallel_loop3A_725 = arith.cmpi ne, %parallel_loop3A_723, %parallel_loop3A_724 : i32
      %parallel_loop3A_726 = arith.constant 0 : i32
      %parallel_loop3A_727 = arith.cmpi slt, %parallel_loop3A_723, %parallel_loop3A_726 : i32
      %parallel_loop3A_728 = arith.constant 0 : i32
      %parallel_loop3A_729 = arith.cmpi slt, %parallel_loop3A_722, %parallel_loop3A_728 : i32
      %parallel_loop3A_730 = arith.xori %parallel_loop3A_727, %parallel_loop3A_729 : i1
      %parallel_loop3A_731 = arith.andi %parallel_loop3A_730, %parallel_loop3A_725 : i1
      %parallel_loop3A_732 = arith.addi %parallel_loop3A_723, %parallel_loop3A_722 : i32
      %parallel_loop3A_733 = arith.select %parallel_loop3A_731, %parallel_loop3A_732, %parallel_loop3A_723 : i32
      %parallel_loop3A_734 = arith.constant 128 : i32
      %parallel_loop3A_735 = arith.muli %parallel_loop3A_677, %parallel_loop3A_734 : i32
      %parallel_loop3A_736 = arith.constant 16 : i32
      %parallel_loop3A_737 = arith.muli %parallel_loop3A_733, %parallel_loop3A_736 : i32
      %parallel_loop3A_738 = arith.addi %parallel_loop3A_735, %parallel_loop3A_737 : i32
      %parallel_loop3A_739 = arith.index_cast %parallel_loop3A_738 : i32 to index
      %parallel_loop3A_740 = tpu.vector_load %arg7[%parallel_loop3A_739] {strides = array<i32>} : memref<6272xi32, #tpu.memory_space<vmem>>, vector<16xi32>,
      %parallel_loop3A_741 = arith.constant 48 : i32
      %parallel_loop3A_742 = arith.addi %parallel_loop3A_741, %parallel_loop3A_717 : i32
      %parallel_loop3A_743 = arith.constant 32 : i32
      %parallel_loop3A_744 = arith.muli %parallel_loop3A_742, %parallel_loop3A_743 : i32
      %parallel_loop3A_745 = vector.broadcast %parallel_loop3A_744 : i32 to vector<16xi32>
      %parallel_loop3A_746 = arith.addi %parallel_loop3A_740, %parallel_loop3A_745 : vector<16xi32>
      %parallel_loop3A_747 = tpu.vector_load_idx %arg6[%parallel_loop3A_746] : memref<3072xf32, #tpu.memory_space<vmem>>[vector<16xi32>], vector<16xf32>,
      %parallel_loop3A_748 = arith.constant 16 : i32
      %parallel_loop3A_749 = arith.muli %parallel_loop3A_733, %parallel_loop3A_748 : i32
      %parallel_loop3A_750 = arith.index_cast %parallel_loop3A_677 : i32 to index
      %parallel_loop3A_751 = arith.index_cast %parallel_loop3A_717 : i32 to index
      %parallel_loop3A_752 = arith.index_cast %parallel_loop3A_749 : i32 to index
      %parallel_loop3A_753 = tpu.vector_load %arg8[%parallel_loop3A_750, %parallel_loop3A_751, %parallel_loop3A_752] {strides = array<i32>} : memref<49x8x128xf32, #tpu.memory_space<vmem>>, vector<16xf32>,
      %parallel_loop3A_754 = arith.addf %parallel_loop3A_753, %parallel_loop3A_747 : vector<16xf32>
      %parallel_loop3A_755 = arith.constant 16 : i32
      %parallel_loop3A_756 = arith.muli %parallel_loop3A_733, %parallel_loop3A_755 : i32
      %parallel_loop3A_757 = arith.index_cast %parallel_loop3A_677 : i32 to index
      %parallel_loop3A_758 = arith.index_cast %parallel_loop3A_717 : i32 to index
      %parallel_loop3A_759 = arith.index_cast %parallel_loop3A_756 : i32 to index
      %parallel_loop3A_760 = tpu.vector_load %arg8[%parallel_loop3A_757, %parallel_loop3A_758, %parallel_loop3A_759] {strides = array<i32>} : memref<49x8x128xf32, #tpu.memory_space<vmem>>, vector<16xf32>,
      tpu.vector_store %arg8[%parallel_loop3A_757, %parallel_loop3A_758, %parallel_loop3A_759], %parallel_loop3A_754 {strides = array<i32>} : memref<49x8x128xf32, #tpu.memory_space<vmem>>, vector<16xf32>,
    } {sc.loop_unroll_factor = 4 : i64, sc.parallel_access}
    %add3A_371 = arith.constant 6 : i32
    %add3A_372 = arith.addi %mul3A_7, %add3A_371 : i32
    %dma_start3A_373 = arith.constant 0 : i32
    %dma_start3A_374 = arith.constant 0 : i32
    %dma_start3A_375 = arith.constant 0 : i32
    %dma_start3A_376 = tpu.memref_slice %arg5[%add3A_372, %dma_start3A_373, %dma_start3A_374, %dma_start3A_375] : memref<384x49x8x128xf32, #tpu.memory_space<hbm>> -> memref<1x49x8x128xf32, #tpu.memory_space<hbm>>
    %dma_start3A_377 = tpu.memref_squeeze %dma_start3A_376 : memref<1x49x8x128xf32, #tpu.memory_space<hbm>> -> memref<49x8x128xf32, #tpu.memory_space<hbm>>
    %dma_start3A_378 = arith.constant 0 : i32
    %dma_start3A_379 = arith.constant 0 : i32
    %dma_start3A_380 = arith.constant 0 : i32
    %dma_start3A_381 = tpu.memref_slice %arg5[%add3A_372, %dma_start3A_378, %dma_start3A_379, %dma_start3A_380] : memref<384x49x8x128xf32, #tpu.memory_space<hbm>> -> memref<1x49x8x128xf32, #tpu.memory_space<hbm>>
    %dma_start3A_382 = tpu.memref_squeeze %dma_start3A_381 : memref<1x49x8x128xf32, #tpu.memory_space<hbm>> -> memref<49x8x128xf32, #tpu.memory_space<hbm>>
    tpu.enqueue_dma source(%arg8 : memref<49x8x128xf32, #tpu.memory_space<vmem>>) target(%dma_start3A_382 : memref<49x8x128xf32, #tpu.memory_space<hbm>>) target_semaphore(%arg12 : memref<!tpu.dma_semaphore, #tpu.memory_space<semaphore_mem>>)
    %add3A_383 = arith.constant 7 : i32
    %add3A_384 = arith.addi %mul3A_7, %add3A_383 : i32
    %dma_wait3A_385 = arith.constant 0 : i32
    %dma_wait3A_386 = arith.constant 0 : i32
    %dma_wait3A_387 = arith.constant 0 : i32
    %dma_wait3A_388 = tpu.memref_slice %arg2[%add3A_384, %dma_wait3A_385, %dma_wait3A_386, %dma_wait3A_387] : memref<384x49x8x128xf32, #tpu.memory_space<hbm>> -> memref<1x49x8x128xf32, #tpu.memory_space<hbm>>
    %dma_wait3A_389 = tpu.memref_squeeze %dma_wait3A_388 : memref<1x49x8x128xf32, #tpu.memory_space<hbm>> -> memref<49x8x128xf32, #tpu.memory_space<hbm>>
    %dma_wait3A_390 = arith.constant 0 : i32
    %dma_wait3A_391 = arith.constant 0 : i32
    %dma_wait3A_392 = arith.constant 0 : i32
    %dma_wait3A_393 = tpu.memref_slice %arg2[%add3A_384, %dma_wait3A_390, %dma_wait3A_391, %dma_wait3A_392] : memref<384x49x8x128xf32, #tpu.memory_space<hbm>> -> memref<1x49x8x128xf32, #tpu.memory_space<hbm>>
    %dma_wait3A_394 = tpu.memref_squeeze %dma_wait3A_393 : memref<1x49x8x128xf32, #tpu.memory_space<hbm>> -> memref<49x8x128xf32, #tpu.memory_space<hbm>>
    tpu.wait_dma2 semaphore(%arg11 : memref<!tpu.dma_semaphore, #tpu.memory_space<semaphore_mem>>) src(%dma_wait3A_394 : memref<49x8x128xf32, #tpu.memory_space<hbm>>) dst(%arg9 : memref<49x8x128xf32, #tpu.memory_space<vmem>>)
    %parallel_loop3A_395 = arith.constant 0 : i32
    %parallel_loop3A_396 = arith.constant 1568 : i32
    %parallel_loop3A_397 = arith.constant 1 : i32
    scf.for %parallel_loop3A_653 = %parallel_loop3A_395 to %parallel_loop3A_396 step %parallel_loop3A_397  : i32 {
      %parallel_loop3A_654 = arith.constant 64 : i32
      %parallel_loop3A_655 = arith.divsi %parallel_loop3A_653, %parallel_loop3A_654 : i32
      %parallel_loop3A_656 = arith.constant 0 : i32
      %parallel_loop3A_657 = arith.cmpi sgt, %parallel_loop3A_653, %parallel_loop3A_656 : i32
      %parallel_loop3A_658 = arith.extui %parallel_loop3A_657 : i1 to i32
      %parallel_loop3A_659 = arith.constant 0 : i32
      %parallel_loop3A_660 = arith.cmpi slt, %parallel_loop3A_653, %parallel_loop3A_659 : i32
      %parallel_loop3A_661 = arith.extui %parallel_loop3A_660 : i1 to i32
      %parallel_loop3A_662 = arith.subi %parallel_loop3A_658, %parallel_loop3A_661 : i32
      %parallel_loop3A_663 = arith.constant 0 : i32
      %parallel_loop3A_664 = arith.cmpi sgt, %parallel_loop3A_654, %parallel_loop3A_663 : i32
      %parallel_loop3A_665 = arith.extui %parallel_loop3A_664 : i1 to i32
      %parallel_loop3A_666 = arith.constant 0 : i32
      %parallel_loop3A_667 = arith.cmpi slt, %parallel_loop3A_654, %parallel_loop3A_666 : i32
      %parallel_loop3A_668 = arith.extui %parallel_loop3A_667 : i1 to i32
      %parallel_loop3A_669 = arith.subi %parallel_loop3A_665, %parallel_loop3A_668 : i32
      %parallel_loop3A_670 = arith.cmpi ne, %parallel_loop3A_662, %parallel_loop3A_669 : i32
      %parallel_loop3A_671 = arith.remsi %parallel_loop3A_653, %parallel_loop3A_654 : i32
      %parallel_loop3A_672 = arith.constant 0 : i32
      %parallel_loop3A_673 = arith.cmpi ne, %parallel_loop3A_671, %parallel_loop3A_672 : i32
      %parallel_loop3A_674 = arith.andi %parallel_loop3A_670, %parallel_loop3A_673 : i1
      %parallel_loop3A_675 = arith.constant 1 : i32
      %parallel_loop3A_676 = arith.subi %parallel_loop3A_655, %parallel_loop3A_675 : i32
      %parallel_loop3A_677 = arith.select %parallel_loop3A_674, %parallel_loop3A_676, %parallel_loop3A_655 : i32
      %parallel_loop3A_678 = arith.constant 8 : i32
      %parallel_loop3A_679 = arith.divsi %parallel_loop3A_653, %parallel_loop3A_678 : i32
      %parallel_loop3A_680 = arith.constant 0 : i32
      %parallel_loop3A_681 = arith.cmpi sgt, %parallel_loop3A_653, %parallel_loop3A_680 : i32
      %parallel_loop3A_682 = arith.extui %parallel_loop3A_681 : i1 to i32
      %parallel_loop3A_683 = arith.constant 0 : i32
      %parallel_loop3A_684 = arith.cmpi slt, %parallel_loop3A_653, %parallel_loop3A_683 : i32
      %parallel_loop3A_685 = arith.extui %parallel_loop3A_684 : i1 to i32
      %parallel_loop3A_686 = arith.subi %parallel_loop3A_682, %parallel_loop3A_685 : i32
      %parallel_loop3A_687 = arith.constant 0 : i32
      %parallel_loop3A_688 = arith.cmpi sgt, %parallel_loop3A_678, %parallel_loop3A_687 : i32
      %parallel_loop3A_689 = arith.extui %parallel_loop3A_688 : i1 to i32
      %parallel_loop3A_690 = arith.constant 0 : i32
      %parallel_loop3A_691 = arith.cmpi slt, %parallel_loop3A_678, %parallel_loop3A_690 : i32
      %parallel_loop3A_692 = arith.extui %parallel_loop3A_691 : i1 to i32
      %parallel_loop3A_693 = arith.subi %parallel_loop3A_689, %parallel_loop3A_692 : i32
      %parallel_loop3A_694 = arith.cmpi ne, %parallel_loop3A_686, %parallel_loop3A_693 : i32
      %parallel_loop3A_695 = arith.remsi %parallel_loop3A_653, %parallel_loop3A_678 : i32
      %parallel_loop3A_696 = arith.constant 0 : i32
      %parallel_loop3A_697 = arith.cmpi ne, %parallel_loop3A_695, %parallel_loop3A_696 : i32
      %parallel_loop3A_698 = arith.andi %parallel_loop3A_694, %parallel_loop3A_697 : i1
      %parallel_loop3A_699 = arith.constant 1 : i32
      %parallel_loop3A_700 = arith.subi %parallel_loop3A_679, %parallel_loop3A_699 : i32
      %parallel_loop3A_701 = arith.select %parallel_loop3A_698, %parallel_loop3A_700, %parallel_loop3A_679 : i32
      %parallel_loop3A_702 = arith.constant 8 : i32
      %parallel_loop3A_703 = arith.constant 0 : i32
      %parallel_loop3A_704 = arith.cmpi eq, %parallel_loop3A_702, %parallel_loop3A_703 : i32
      %parallel_loop3A_705 = arith.constant 1 : i32
      %parallel_loop3A_706 = arith.select %parallel_loop3A_704, %parallel_loop3A_705, %parallel_loop3A_702 : i32
      %parallel_loop3A_707 = arith.remsi %parallel_loop3A_701, %parallel_loop3A_706 : i32
      %parallel_loop3A_708 = arith.constant 0 : i32
      %parallel_loop3A_709 = arith.cmpi ne, %parallel_loop3A_707, %parallel_loop3A_708 : i32
      %parallel_loop3A_710 = arith.constant 0 : i32
      %parallel_loop3A_711 = arith.cmpi slt, %parallel_loop3A_707, %parallel_loop3A_710 : i32
      %parallel_loop3A_712 = arith.constant 0 : i32
      %parallel_loop3A_713 = arith.cmpi slt, %parallel_loop3A_706, %parallel_loop3A_712 : i32
      %parallel_loop3A_714 = arith.xori %parallel_loop3A_711, %parallel_loop3A_713 : i1
      %parallel_loop3A_715 = arith.andi %parallel_loop3A_714, %parallel_loop3A_709 : i1
      %parallel_loop3A_716 = arith.addi %parallel_loop3A_707, %parallel_loop3A_706 : i32
      %parallel_loop3A_717 = arith.select %parallel_loop3A_715, %parallel_loop3A_716, %parallel_loop3A_707 : i32
      %parallel_loop3A_718 = arith.constant 8 : i32
      %parallel_loop3A_719 = arith.constant 0 : i32
      %parallel_loop3A_720 = arith.cmpi eq, %parallel_loop3A_718, %parallel_loop3A_719 : i32
      %parallel_loop3A_721 = arith.constant 1 : i32
      %parallel_loop3A_722 = arith.select %parallel_loop3A_720, %parallel_loop3A_721, %parallel_loop3A_718 : i32
      %parallel_loop3A_723 = arith.remsi %parallel_loop3A_653, %parallel_loop3A_722 : i32
      %parallel_loop3A_724 = arith.constant 0 : i32
      %parallel_loop3A_725 = arith.cmpi ne, %parallel_loop3A_723, %parallel_loop3A_724 : i32
      %parallel_loop3A_726 = arith.constant 0 : i32
      %parallel_loop3A_727 = arith.cmpi slt, %parallel_loop3A_723, %parallel_loop3A_726 : i32
      %parallel_loop3A_728 = arith.constant 0 : i32
      %parallel_loop3A_729 = arith.cmpi slt, %parallel_loop3A_722, %parallel_loop3A_728 : i32
      %parallel_loop3A_730 = arith.xori %parallel_loop3A_727, %parallel_loop3A_729 : i1
      %parallel_loop3A_731 = arith.andi %parallel_loop3A_730, %parallel_loop3A_725 : i1
      %parallel_loop3A_732 = arith.addi %parallel_loop3A_723, %parallel_loop3A_722 : i32
      %parallel_loop3A_733 = arith.select %parallel_loop3A_731, %parallel_loop3A_732, %parallel_loop3A_723 : i32
      %parallel_loop3A_734 = arith.constant 128 : i32
      %parallel_loop3A_735 = arith.muli %parallel_loop3A_677, %parallel_loop3A_734 : i32
      %parallel_loop3A_736 = arith.constant 16 : i32
      %parallel_loop3A_737 = arith.muli %parallel_loop3A_733, %parallel_loop3A_736 : i32
      %parallel_loop3A_738 = arith.addi %parallel_loop3A_735, %parallel_loop3A_737 : i32
      %parallel_loop3A_739 = arith.index_cast %parallel_loop3A_738 : i32 to index
      %parallel_loop3A_740 = tpu.vector_load %arg7[%parallel_loop3A_739] {strides = array<i32>} : memref<6272xi32, #tpu.memory_space<vmem>>, vector<16xi32>,
      %parallel_loop3A_741 = arith.constant 56 : i32
      %parallel_loop3A_742 = arith.addi %parallel_loop3A_741, %parallel_loop3A_717 : i32
      %parallel_loop3A_743 = arith.constant 32 : i32
      %parallel_loop3A_744 = arith.muli %parallel_loop3A_742, %parallel_loop3A_743 : i32
      %parallel_loop3A_745 = vector.broadcast %parallel_loop3A_744 : i32 to vector<16xi32>
      %parallel_loop3A_746 = arith.addi %parallel_loop3A_740, %parallel_loop3A_745 : vector<16xi32>
      %parallel_loop3A_747 = tpu.vector_load_idx %arg6[%parallel_loop3A_746] : memref<3072xf32, #tpu.memory_space<vmem>>[vector<16xi32>], vector<16xf32>,
      %parallel_loop3A_748 = arith.constant 16 : i32
      %parallel_loop3A_749 = arith.muli %parallel_loop3A_733, %parallel_loop3A_748 : i32
      %parallel_loop3A_750 = arith.index_cast %parallel_loop3A_677 : i32 to index
      %parallel_loop3A_751 = arith.index_cast %parallel_loop3A_717 : i32 to index
      %parallel_loop3A_752 = arith.index_cast %parallel_loop3A_749 : i32 to index
      %parallel_loop3A_753 = tpu.vector_load %arg9[%parallel_loop3A_750, %parallel_loop3A_751, %parallel_loop3A_752] {strides = array<i32>} : memref<49x8x128xf32, #tpu.memory_space<vmem>>, vector<16xf32>,
      %parallel_loop3A_754 = arith.addf %parallel_loop3A_753, %parallel_loop3A_747 : vector<16xf32>
      %parallel_loop3A_755 = arith.constant 16 : i32
      %parallel_loop3A_756 = arith.muli %parallel_loop3A_733, %parallel_loop3A_755 : i32
      %parallel_loop3A_757 = arith.index_cast %parallel_loop3A_677 : i32 to index
      %parallel_loop3A_758 = arith.index_cast %parallel_loop3A_717 : i32 to index
      %parallel_loop3A_759 = arith.index_cast %parallel_loop3A_756 : i32 to index
      %parallel_loop3A_760 = tpu.vector_load %arg9[%parallel_loop3A_757, %parallel_loop3A_758, %parallel_loop3A_759] {strides = array<i32>} : memref<49x8x128xf32, #tpu.memory_space<vmem>>, vector<16xf32>,
      tpu.vector_store %arg9[%parallel_loop3A_757, %parallel_loop3A_758, %parallel_loop3A_759], %parallel_loop3A_754 {strides = array<i32>} : memref<49x8x128xf32, #tpu.memory_space<vmem>>, vector<16xf32>,
    } {sc.loop_unroll_factor = 4 : i64, sc.parallel_access}
    %add3A_398 = arith.constant 6 : i32
    %add3A_399 = arith.addi %mul3A_7, %add3A_398 : i32
    %dma_wait3A_400 = arith.constant 0 : i32
    %dma_wait3A_401 = arith.constant 0 : i32
    %dma_wait3A_402 = arith.constant 0 : i32
    %dma_wait3A_403 = tpu.memref_slice %arg5[%add3A_399, %dma_wait3A_400, %dma_wait3A_401, %dma_wait3A_402] : memref<384x49x8x128xf32, #tpu.memory_space<hbm>> -> memref<1x49x8x128xf32, #tpu.memory_space<hbm>>
    %dma_wait3A_404 = tpu.memref_squeeze %dma_wait3A_403 : memref<1x49x8x128xf32, #tpu.memory_space<hbm>> -> memref<49x8x128xf32, #tpu.memory_space<hbm>>
    %dma_wait3A_405 = arith.constant 0 : i32
    %dma_wait3A_406 = arith.constant 0 : i32
    %dma_wait3A_407 = arith.constant 0 : i32
    %dma_wait3A_408 = tpu.memref_slice %arg5[%add3A_399, %dma_wait3A_405, %dma_wait3A_406, %dma_wait3A_407] : memref<384x49x8x128xf32, #tpu.memory_space<hbm>> -> memref<1x49x8x128xf32, #tpu.memory_space<hbm>>
    %dma_wait3A_409 = tpu.memref_squeeze %dma_wait3A_408 : memref<1x49x8x128xf32, #tpu.memory_space<hbm>> -> memref<49x8x128xf32, #tpu.memory_space<hbm>>
    tpu.wait_dma2 semaphore(%arg12 : memref<!tpu.dma_semaphore, #tpu.memory_space<semaphore_mem>>) src(%arg8 : memref<49x8x128xf32, #tpu.memory_space<vmem>>) dst(%dma_wait3A_409 : memref<49x8x128xf32, #tpu.memory_space<hbm>>)
    %add3A_410 = arith.constant 8 : i32
    %add3A_411 = arith.addi %mul3A_7, %add3A_410 : i32
    %dma_start3A_412 = arith.constant 0 : i32
    %dma_start3A_413 = arith.constant 0 : i32
    %dma_start3A_414 = arith.constant 0 : i32
    %dma_start3A_415 = tpu.memref_slice %arg2[%add3A_411, %dma_start3A_412, %dma_start3A_413, %dma_start3A_414] : memref<384x49x8x128xf32, #tpu.memory_space<hbm>> -> memref<1x49x8x128xf32, #tpu.memory_space<hbm>>
    %dma_start3A_416 = tpu.memref_squeeze %dma_start3A_415 : memref<1x49x8x128xf32, #tpu.memory_space<hbm>> -> memref<49x8x128xf32, #tpu.memory_space<hbm>>
    %dma_start3A_417 = arith.constant 0 : i32
    %dma_start3A_418 = arith.constant 0 : i32
    %dma_start3A_419 = arith.constant 0 : i32
    %dma_start3A_420 = tpu.memref_slice %arg2[%add3A_411, %dma_start3A_417, %dma_start3A_418, %dma_start3A_419] : memref<384x49x8x128xf32, #tpu.memory_space<hbm>> -> memref<1x49x8x128xf32, #tpu.memory_space<hbm>>
    %dma_start3A_421 = tpu.memref_squeeze %dma_start3A_420 : memref<1x49x8x128xf32, #tpu.memory_space<hbm>> -> memref<49x8x128xf32, #tpu.memory_space<hbm>>
    tpu.enqueue_dma source(%dma_start3A_421 : memref<49x8x128xf32, #tpu.memory_space<hbm>>) target(%arg8 : memref<49x8x128xf32, #tpu.memory_space<vmem>>) target_semaphore(%arg10 : memref<!tpu.dma_semaphore, #tpu.memory_space<semaphore_mem>>)
    %parallel_loop3A_422 = arith.constant 1568 : i32
    %parallel_loop3A_423 = arith.constant 3136 : i32
    %parallel_loop3A_424 = arith.constant 1 : i32
    scf.for %parallel_loop3A_653 = %parallel_loop3A_422 to %parallel_loop3A_423 step %parallel_loop3A_424  : i32 {
      %parallel_loop3A_654 = arith.constant 64 : i32
      %parallel_loop3A_655 = arith.divsi %parallel_loop3A_653, %parallel_loop3A_654 : i32
      %parallel_loop3A_656 = arith.constant 0 : i32
      %parallel_loop3A_657 = arith.cmpi sgt, %parallel_loop3A_653, %parallel_loop3A_656 : i32
      %parallel_loop3A_658 = arith.extui %parallel_loop3A_657 : i1 to i32
      %parallel_loop3A_659 = arith.constant 0 : i32
      %parallel_loop3A_660 = arith.cmpi slt, %parallel_loop3A_653, %parallel_loop3A_659 : i32
      %parallel_loop3A_661 = arith.extui %parallel_loop3A_660 : i1 to i32
      %parallel_loop3A_662 = arith.subi %parallel_loop3A_658, %parallel_loop3A_661 : i32
      %parallel_loop3A_663 = arith.constant 0 : i32
      %parallel_loop3A_664 = arith.cmpi sgt, %parallel_loop3A_654, %parallel_loop3A_663 : i32
      %parallel_loop3A_665 = arith.extui %parallel_loop3A_664 : i1 to i32
      %parallel_loop3A_666 = arith.constant 0 : i32
      %parallel_loop3A_667 = arith.cmpi slt, %parallel_loop3A_654, %parallel_loop3A_666 : i32
      %parallel_loop3A_668 = arith.extui %parallel_loop3A_667 : i1 to i32
      %parallel_loop3A_669 = arith.subi %parallel_loop3A_665, %parallel_loop3A_668 : i32
      %parallel_loop3A_670 = arith.cmpi ne, %parallel_loop3A_662, %parallel_loop3A_669 : i32
      %parallel_loop3A_671 = arith.remsi %parallel_loop3A_653, %parallel_loop3A_654 : i32
      %parallel_loop3A_672 = arith.constant 0 : i32
      %parallel_loop3A_673 = arith.cmpi ne, %parallel_loop3A_671, %parallel_loop3A_672 : i32
      %parallel_loop3A_674 = arith.andi %parallel_loop3A_670, %parallel_loop3A_673 : i1
      %parallel_loop3A_675 = arith.constant 1 : i32
      %parallel_loop3A_676 = arith.subi %parallel_loop3A_655, %parallel_loop3A_675 : i32
      %parallel_loop3A_677 = arith.select %parallel_loop3A_674, %parallel_loop3A_676, %parallel_loop3A_655 : i32
      %parallel_loop3A_678 = arith.constant 8 : i32
      %parallel_loop3A_679 = arith.divsi %parallel_loop3A_653, %parallel_loop3A_678 : i32
      %parallel_loop3A_680 = arith.constant 0 : i32
      %parallel_loop3A_681 = arith.cmpi sgt, %parallel_loop3A_653, %parallel_loop3A_680 : i32
      %parallel_loop3A_682 = arith.extui %parallel_loop3A_681 : i1 to i32
      %parallel_loop3A_683 = arith.constant 0 : i32
      %parallel_loop3A_684 = arith.cmpi slt, %parallel_loop3A_653, %parallel_loop3A_683 : i32
      %parallel_loop3A_685 = arith.extui %parallel_loop3A_684 : i1 to i32
      %parallel_loop3A_686 = arith.subi %parallel_loop3A_682, %parallel_loop3A_685 : i32
      %parallel_loop3A_687 = arith.constant 0 : i32
      %parallel_loop3A_688 = arith.cmpi sgt, %parallel_loop3A_678, %parallel_loop3A_687 : i32
      %parallel_loop3A_689 = arith.extui %parallel_loop3A_688 : i1 to i32
      %parallel_loop3A_690 = arith.constant 0 : i32
      %parallel_loop3A_691 = arith.cmpi slt, %parallel_loop3A_678, %parallel_loop3A_690 : i32
      %parallel_loop3A_692 = arith.extui %parallel_loop3A_691 : i1 to i32
      %parallel_loop3A_693 = arith.subi %parallel_loop3A_689, %parallel_loop3A_692 : i32
      %parallel_loop3A_694 = arith.cmpi ne, %parallel_loop3A_686, %parallel_loop3A_693 : i32
      %parallel_loop3A_695 = arith.remsi %parallel_loop3A_653, %parallel_loop3A_678 : i32
      %parallel_loop3A_696 = arith.constant 0 : i32
      %parallel_loop3A_697 = arith.cmpi ne, %parallel_loop3A_695, %parallel_loop3A_696 : i32
      %parallel_loop3A_698 = arith.andi %parallel_loop3A_694, %parallel_loop3A_697 : i1
      %parallel_loop3A_699 = arith.constant 1 : i32
      %parallel_loop3A_700 = arith.subi %parallel_loop3A_679, %parallel_loop3A_699 : i32
      %parallel_loop3A_701 = arith.select %parallel_loop3A_698, %parallel_loop3A_700, %parallel_loop3A_679 : i32
      %parallel_loop3A_702 = arith.constant 8 : i32
      %parallel_loop3A_703 = arith.constant 0 : i32
      %parallel_loop3A_704 = arith.cmpi eq, %parallel_loop3A_702, %parallel_loop3A_703 : i32
      %parallel_loop3A_705 = arith.constant 1 : i32
      %parallel_loop3A_706 = arith.select %parallel_loop3A_704, %parallel_loop3A_705, %parallel_loop3A_702 : i32
      %parallel_loop3A_707 = arith.remsi %parallel_loop3A_701, %parallel_loop3A_706 : i32
      %parallel_loop3A_708 = arith.constant 0 : i32
      %parallel_loop3A_709 = arith.cmpi ne, %parallel_loop3A_707, %parallel_loop3A_708 : i32
      %parallel_loop3A_710 = arith.constant 0 : i32
      %parallel_loop3A_711 = arith.cmpi slt, %parallel_loop3A_707, %parallel_loop3A_710 : i32
      %parallel_loop3A_712 = arith.constant 0 : i32
      %parallel_loop3A_713 = arith.cmpi slt, %parallel_loop3A_706, %parallel_loop3A_712 : i32
      %parallel_loop3A_714 = arith.xori %parallel_loop3A_711, %parallel_loop3A_713 : i1
      %parallel_loop3A_715 = arith.andi %parallel_loop3A_714, %parallel_loop3A_709 : i1
      %parallel_loop3A_716 = arith.addi %parallel_loop3A_707, %parallel_loop3A_706 : i32
      %parallel_loop3A_717 = arith.select %parallel_loop3A_715, %parallel_loop3A_716, %parallel_loop3A_707 : i32
      %parallel_loop3A_718 = arith.constant 8 : i32
      %parallel_loop3A_719 = arith.constant 0 : i32
      %parallel_loop3A_720 = arith.cmpi eq, %parallel_loop3A_718, %parallel_loop3A_719 : i32
      %parallel_loop3A_721 = arith.constant 1 : i32
      %parallel_loop3A_722 = arith.select %parallel_loop3A_720, %parallel_loop3A_721, %parallel_loop3A_718 : i32
      %parallel_loop3A_723 = arith.remsi %parallel_loop3A_653, %parallel_loop3A_722 : i32
      %parallel_loop3A_724 = arith.constant 0 : i32
      %parallel_loop3A_725 = arith.cmpi ne, %parallel_loop3A_723, %parallel_loop3A_724 : i32
      %parallel_loop3A_726 = arith.constant 0 : i32
      %parallel_loop3A_727 = arith.cmpi slt, %parallel_loop3A_723, %parallel_loop3A_726 : i32
      %parallel_loop3A_728 = arith.constant 0 : i32
      %parallel_loop3A_729 = arith.cmpi slt, %parallel_loop3A_722, %parallel_loop3A_728 : i32
      %parallel_loop3A_730 = arith.xori %parallel_loop3A_727, %parallel_loop3A_729 : i1
      %parallel_loop3A_731 = arith.andi %parallel_loop3A_730, %parallel_loop3A_725 : i1
      %parallel_loop3A_732 = arith.addi %parallel_loop3A_723, %parallel_loop3A_722 : i32
      %parallel_loop3A_733 = arith.select %parallel_loop3A_731, %parallel_loop3A_732, %parallel_loop3A_723 : i32
      %parallel_loop3A_734 = arith.constant 128 : i32
      %parallel_loop3A_735 = arith.muli %parallel_loop3A_677, %parallel_loop3A_734 : i32
      %parallel_loop3A_736 = arith.constant 16 : i32
      %parallel_loop3A_737 = arith.muli %parallel_loop3A_733, %parallel_loop3A_736 : i32
      %parallel_loop3A_738 = arith.addi %parallel_loop3A_735, %parallel_loop3A_737 : i32
      %parallel_loop3A_739 = arith.index_cast %parallel_loop3A_738 : i32 to index
      %parallel_loop3A_740 = tpu.vector_load %arg7[%parallel_loop3A_739] {strides = array<i32>} : memref<6272xi32, #tpu.memory_space<vmem>>, vector<16xi32>,
      %parallel_loop3A_741 = arith.constant 56 : i32
      %parallel_loop3A_742 = arith.addi %parallel_loop3A_741, %parallel_loop3A_717 : i32
      %parallel_loop3A_743 = arith.constant 32 : i32
      %parallel_loop3A_744 = arith.muli %parallel_loop3A_742, %parallel_loop3A_743 : i32
      %parallel_loop3A_745 = vector.broadcast %parallel_loop3A_744 : i32 to vector<16xi32>
      %parallel_loop3A_746 = arith.addi %parallel_loop3A_740, %parallel_loop3A_745 : vector<16xi32>
      %parallel_loop3A_747 = tpu.vector_load_idx %arg6[%parallel_loop3A_746] : memref<3072xf32, #tpu.memory_space<vmem>>[vector<16xi32>], vector<16xf32>,
      %parallel_loop3A_748 = arith.constant 16 : i32
      %parallel_loop3A_749 = arith.muli %parallel_loop3A_733, %parallel_loop3A_748 : i32
      %parallel_loop3A_750 = arith.index_cast %parallel_loop3A_677 : i32 to index
      %parallel_loop3A_751 = arith.index_cast %parallel_loop3A_717 : i32 to index
      %parallel_loop3A_752 = arith.index_cast %parallel_loop3A_749 : i32 to index
      %parallel_loop3A_753 = tpu.vector_load %arg9[%parallel_loop3A_750, %parallel_loop3A_751, %parallel_loop3A_752] {strides = array<i32>} : memref<49x8x128xf32, #tpu.memory_space<vmem>>, vector<16xf32>,
      %parallel_loop3A_754 = arith.addf %parallel_loop3A_753, %parallel_loop3A_747 : vector<16xf32>
      %parallel_loop3A_755 = arith.constant 16 : i32
      %parallel_loop3A_756 = arith.muli %parallel_loop3A_733, %parallel_loop3A_755 : i32
      %parallel_loop3A_757 = arith.index_cast %parallel_loop3A_677 : i32 to index
      %parallel_loop3A_758 = arith.index_cast %parallel_loop3A_717 : i32 to index
      %parallel_loop3A_759 = arith.index_cast %parallel_loop3A_756 : i32 to index
      %parallel_loop3A_760 = tpu.vector_load %arg9[%parallel_loop3A_757, %parallel_loop3A_758, %parallel_loop3A_759] {strides = array<i32>} : memref<49x8x128xf32, #tpu.memory_space<vmem>>, vector<16xf32>,
      tpu.vector_store %arg9[%parallel_loop3A_757, %parallel_loop3A_758, %parallel_loop3A_759], %parallel_loop3A_754 {strides = array<i32>} : memref<49x8x128xf32, #tpu.memory_space<vmem>>, vector<16xf32>,
    } {sc.loop_unroll_factor = 4 : i64, sc.parallel_access}
    %add3A_425 = arith.constant 7 : i32
    %add3A_426 = arith.addi %mul3A_7, %add3A_425 : i32
    %dma_start3A_427 = arith.constant 0 : i32
    %dma_start3A_428 = arith.constant 0 : i32
    %dma_start3A_429 = arith.constant 0 : i32
    %dma_start3A_430 = tpu.memref_slice %arg5[%add3A_426, %dma_start3A_427, %dma_start3A_428, %dma_start3A_429] : memref<384x49x8x128xf32, #tpu.memory_space<hbm>> -> memref<1x49x8x128xf32, #tpu.memory_space<hbm>>
    %dma_start3A_431 = tpu.memref_squeeze %dma_start3A_430 : memref<1x49x8x128xf32, #tpu.memory_space<hbm>> -> memref<49x8x128xf32, #tpu.memory_space<hbm>>
    %dma_start3A_432 = arith.constant 0 : i32
    %dma_start3A_433 = arith.constant 0 : i32
    %dma_start3A_434 = arith.constant 0 : i32
    %dma_start3A_435 = tpu.memref_slice %arg5[%add3A_426, %dma_start3A_432, %dma_start3A_433, %dma_start3A_434] : memref<384x49x8x128xf32, #tpu.memory_space<hbm>> -> memref<1x49x8x128xf32, #tpu.memory_space<hbm>>
    %dma_start3A_436 = tpu.memref_squeeze %dma_start3A_435 : memref<1x49x8x128xf32, #tpu.memory_space<hbm>> -> memref<49x8x128xf32, #tpu.memory_space<hbm>>
    tpu.enqueue_dma source(%arg9 : memref<49x8x128xf32, #tpu.memory_space<vmem>>) target(%dma_start3A_436 : memref<49x8x128xf32, #tpu.memory_space<hbm>>) target_semaphore(%arg13 : memref<!tpu.dma_semaphore, #tpu.memory_space<semaphore_mem>>)
    %add3A_437 = arith.constant 8 : i32
    %add3A_438 = arith.addi %mul3A_7, %add3A_437 : i32
    %dma_wait3A_439 = arith.constant 0 : i32
    %dma_wait3A_440 = arith.constant 0 : i32
    %dma_wait3A_441 = arith.constant 0 : i32
    %dma_wait3A_442 = tpu.memref_slice %arg2[%add3A_438, %dma_wait3A_439, %dma_wait3A_440, %dma_wait3A_441] : memref<384x49x8x128xf32, #tpu.memory_space<hbm>> -> memref<1x49x8x128xf32, #tpu.memory_space<hbm>>
    %dma_wait3A_443 = tpu.memref_squeeze %dma_wait3A_442 : memref<1x49x8x128xf32, #tpu.memory_space<hbm>> -> memref<49x8x128xf32, #tpu.memory_space<hbm>>
    %dma_wait3A_444 = arith.constant 0 : i32
    %dma_wait3A_445 = arith.constant 0 : i32
    %dma_wait3A_446 = arith.constant 0 : i32
    %dma_wait3A_447 = tpu.memref_slice %arg2[%add3A_438, %dma_wait3A_444, %dma_wait3A_445, %dma_wait3A_446] : memref<384x49x8x128xf32, #tpu.memory_space<hbm>> -> memref<1x49x8x128xf32, #tpu.memory_space<hbm>>
    %dma_wait3A_448 = tpu.memref_squeeze %dma_wait3A_447 : memref<1x49x8x128xf32, #tpu.memory_space<hbm>> -> memref<49x8x128xf32, #tpu.memory_space<hbm>>
    tpu.wait_dma2 semaphore(%arg10 : memref<!tpu.dma_semaphore, #tpu.memory_space<semaphore_mem>>) src(%dma_wait3A_448 : memref<49x8x128xf32, #tpu.memory_space<hbm>>) dst(%arg8 : memref<49x8x128xf32, #tpu.memory_space<vmem>>)
    %parallel_loop3A_449 = arith.constant 0 : i32
    %parallel_loop3A_450 = arith.constant 1568 : i32
    %parallel_loop3A_451 = arith.constant 1 : i32
    scf.for %parallel_loop3A_653 = %parallel_loop3A_449 to %parallel_loop3A_450 step %parallel_loop3A_451  : i32 {
      %parallel_loop3A_654 = arith.constant 64 : i32
      %parallel_loop3A_655 = arith.divsi %parallel_loop3A_653, %parallel_loop3A_654 : i32
      %parallel_loop3A_656 = arith.constant 0 : i32
      %parallel_loop3A_657 = arith.cmpi sgt, %parallel_loop3A_653, %parallel_loop3A_656 : i32
      %parallel_loop3A_658 = arith.extui %parallel_loop3A_657 : i1 to i32
      %parallel_loop3A_659 = arith.constant 0 : i32
      %parallel_loop3A_660 = arith.cmpi slt, %parallel_loop3A_653, %parallel_loop3A_659 : i32
      %parallel_loop3A_661 = arith.extui %parallel_loop3A_660 : i1 to i32
      %parallel_loop3A_662 = arith.subi %parallel_loop3A_658, %parallel_loop3A_661 : i32
      %parallel_loop3A_663 = arith.constant 0 : i32
      %parallel_loop3A_664 = arith.cmpi sgt, %parallel_loop3A_654, %parallel_loop3A_663 : i32
      %parallel_loop3A_665 = arith.extui %parallel_loop3A_664 : i1 to i32
      %parallel_loop3A_666 = arith.constant 0 : i32
      %parallel_loop3A_667 = arith.cmpi slt, %parallel_loop3A_654, %parallel_loop3A_666 : i32
      %parallel_loop3A_668 = arith.extui %parallel_loop3A_667 : i1 to i32
      %parallel_loop3A_669 = arith.subi %parallel_loop3A_665, %parallel_loop3A_668 : i32
      %parallel_loop3A_670 = arith.cmpi ne, %parallel_loop3A_662, %parallel_loop3A_669 : i32
      %parallel_loop3A_671 = arith.remsi %parallel_loop3A_653, %parallel_loop3A_654 : i32
      %parallel_loop3A_672 = arith.constant 0 : i32
      %parallel_loop3A_673 = arith.cmpi ne, %parallel_loop3A_671, %parallel_loop3A_672 : i32
      %parallel_loop3A_674 = arith.andi %parallel_loop3A_670, %parallel_loop3A_673 : i1
      %parallel_loop3A_675 = arith.constant 1 : i32
      %parallel_loop3A_676 = arith.subi %parallel_loop3A_655, %parallel_loop3A_675 : i32
      %parallel_loop3A_677 = arith.select %parallel_loop3A_674, %parallel_loop3A_676, %parallel_loop3A_655 : i32
      %parallel_loop3A_678 = arith.constant 8 : i32
      %parallel_loop3A_679 = arith.divsi %parallel_loop3A_653, %parallel_loop3A_678 : i32
      %parallel_loop3A_680 = arith.constant 0 : i32
      %parallel_loop3A_681 = arith.cmpi sgt, %parallel_loop3A_653, %parallel_loop3A_680 : i32
      %parallel_loop3A_682 = arith.extui %parallel_loop3A_681 : i1 to i32
      %parallel_loop3A_683 = arith.constant 0 : i32
      %parallel_loop3A_684 = arith.cmpi slt, %parallel_loop3A_653, %parallel_loop3A_683 : i32
      %parallel_loop3A_685 = arith.extui %parallel_loop3A_684 : i1 to i32
      %parallel_loop3A_686 = arith.subi %parallel_loop3A_682, %parallel_loop3A_685 : i32
      %parallel_loop3A_687 = arith.constant 0 : i32
      %parallel_loop3A_688 = arith.cmpi sgt, %parallel_loop3A_678, %parallel_loop3A_687 : i32
      %parallel_loop3A_689 = arith.extui %parallel_loop3A_688 : i1 to i32
      %parallel_loop3A_690 = arith.constant 0 : i32
      %parallel_loop3A_691 = arith.cmpi slt, %parallel_loop3A_678, %parallel_loop3A_690 : i32
      %parallel_loop3A_692 = arith.extui %parallel_loop3A_691 : i1 to i32
      %parallel_loop3A_693 = arith.subi %parallel_loop3A_689, %parallel_loop3A_692 : i32
      %parallel_loop3A_694 = arith.cmpi ne, %parallel_loop3A_686, %parallel_loop3A_693 : i32
      %parallel_loop3A_695 = arith.remsi %parallel_loop3A_653, %parallel_loop3A_678 : i32
      %parallel_loop3A_696 = arith.constant 0 : i32
      %parallel_loop3A_697 = arith.cmpi ne, %parallel_loop3A_695, %parallel_loop3A_696 : i32
      %parallel_loop3A_698 = arith.andi %parallel_loop3A_694, %parallel_loop3A_697 : i1
      %parallel_loop3A_699 = arith.constant 1 : i32
      %parallel_loop3A_700 = arith.subi %parallel_loop3A_679, %parallel_loop3A_699 : i32
      %parallel_loop3A_701 = arith.select %parallel_loop3A_698, %parallel_loop3A_700, %parallel_loop3A_679 : i32
      %parallel_loop3A_702 = arith.constant 8 : i32
      %parallel_loop3A_703 = arith.constant 0 : i32
      %parallel_loop3A_704 = arith.cmpi eq, %parallel_loop3A_702, %parallel_loop3A_703 : i32
      %parallel_loop3A_705 = arith.constant 1 : i32
      %parallel_loop3A_706 = arith.select %parallel_loop3A_704, %parallel_loop3A_705, %parallel_loop3A_702 : i32
      %parallel_loop3A_707 = arith.remsi %parallel_loop3A_701, %parallel_loop3A_706 : i32
      %parallel_loop3A_708 = arith.constant 0 : i32
      %parallel_loop3A_709 = arith.cmpi ne, %parallel_loop3A_707, %parallel_loop3A_708 : i32
      %parallel_loop3A_710 = arith.constant 0 : i32
      %parallel_loop3A_711 = arith.cmpi slt, %parallel_loop3A_707, %parallel_loop3A_710 : i32
      %parallel_loop3A_712 = arith.constant 0 : i32
      %parallel_loop3A_713 = arith.cmpi slt, %parallel_loop3A_706, %parallel_loop3A_712 : i32
      %parallel_loop3A_714 = arith.xori %parallel_loop3A_711, %parallel_loop3A_713 : i1
      %parallel_loop3A_715 = arith.andi %parallel_loop3A_714, %parallel_loop3A_709 : i1
      %parallel_loop3A_716 = arith.addi %parallel_loop3A_707, %parallel_loop3A_706 : i32
      %parallel_loop3A_717 = arith.select %parallel_loop3A_715, %parallel_loop3A_716, %parallel_loop3A_707 : i32
      %parallel_loop3A_718 = arith.constant 8 : i32
      %parallel_loop3A_719 = arith.constant 0 : i32
      %parallel_loop3A_720 = arith.cmpi eq, %parallel_loop3A_718, %parallel_loop3A_719 : i32
      %parallel_loop3A_721 = arith.constant 1 : i32
      %parallel_loop3A_722 = arith.select %parallel_loop3A_720, %parallel_loop3A_721, %parallel_loop3A_718 : i32
      %parallel_loop3A_723 = arith.remsi %parallel_loop3A_653, %parallel_loop3A_722 : i32
      %parallel_loop3A_724 = arith.constant 0 : i32
      %parallel_loop3A_725 = arith.cmpi ne, %parallel_loop3A_723, %parallel_loop3A_724 : i32
      %parallel_loop3A_726 = arith.constant 0 : i32
      %parallel_loop3A_727 = arith.cmpi slt, %parallel_loop3A_723, %parallel_loop3A_726 : i32
      %parallel_loop3A_728 = arith.constant 0 : i32
      %parallel_loop3A_729 = arith.cmpi slt, %parallel_loop3A_722, %parallel_loop3A_728 : i32
      %parallel_loop3A_730 = arith.xori %parallel_loop3A_727, %parallel_loop3A_729 : i1
      %parallel_loop3A_731 = arith.andi %parallel_loop3A_730, %parallel_loop3A_725 : i1
      %parallel_loop3A_732 = arith.addi %parallel_loop3A_723, %parallel_loop3A_722 : i32
      %parallel_loop3A_733 = arith.select %parallel_loop3A_731, %parallel_loop3A_732, %parallel_loop3A_723 : i32
      %parallel_loop3A_734 = arith.constant 128 : i32
      %parallel_loop3A_735 = arith.muli %parallel_loop3A_677, %parallel_loop3A_734 : i32
      %parallel_loop3A_736 = arith.constant 16 : i32
      %parallel_loop3A_737 = arith.muli %parallel_loop3A_733, %parallel_loop3A_736 : i32
      %parallel_loop3A_738 = arith.addi %parallel_loop3A_735, %parallel_loop3A_737 : i32
      %parallel_loop3A_739 = arith.index_cast %parallel_loop3A_738 : i32 to index
      %parallel_loop3A_740 = tpu.vector_load %arg7[%parallel_loop3A_739] {strides = array<i32>} : memref<6272xi32, #tpu.memory_space<vmem>>, vector<16xi32>,
      %parallel_loop3A_741 = arith.constant 64 : i32
      %parallel_loop3A_742 = arith.addi %parallel_loop3A_741, %parallel_loop3A_717 : i32
      %parallel_loop3A_743 = arith.constant 32 : i32
      %parallel_loop3A_744 = arith.muli %parallel_loop3A_742, %parallel_loop3A_743 : i32
      %parallel_loop3A_745 = vector.broadcast %parallel_loop3A_744 : i32 to vector<16xi32>
      %parallel_loop3A_746 = arith.addi %parallel_loop3A_740, %parallel_loop3A_745 : vector<16xi32>
      %parallel_loop3A_747 = tpu.vector_load_idx %arg6[%parallel_loop3A_746] : memref<3072xf32, #tpu.memory_space<vmem>>[vector<16xi32>], vector<16xf32>,
      %parallel_loop3A_748 = arith.constant 16 : i32
      %parallel_loop3A_749 = arith.muli %parallel_loop3A_733, %parallel_loop3A_748 : i32
      %parallel_loop3A_750 = arith.index_cast %parallel_loop3A_677 : i32 to index
      %parallel_loop3A_751 = arith.index_cast %parallel_loop3A_717 : i32 to index
      %parallel_loop3A_752 = arith.index_cast %parallel_loop3A_749 : i32 to index
      %parallel_loop3A_753 = tpu.vector_load %arg8[%parallel_loop3A_750, %parallel_loop3A_751, %parallel_loop3A_752] {strides = array<i32>} : memref<49x8x128xf32, #tpu.memory_space<vmem>>, vector<16xf32>,
      %parallel_loop3A_754 = arith.addf %parallel_loop3A_753, %parallel_loop3A_747 : vector<16xf32>
      %parallel_loop3A_755 = arith.constant 16 : i32
      %parallel_loop3A_756 = arith.muli %parallel_loop3A_733, %parallel_loop3A_755 : i32
      %parallel_loop3A_757 = arith.index_cast %parallel_loop3A_677 : i32 to index
      %parallel_loop3A_758 = arith.index_cast %parallel_loop3A_717 : i32 to index
      %parallel_loop3A_759 = arith.index_cast %parallel_loop3A_756 : i32 to index
      %parallel_loop3A_760 = tpu.vector_load %arg8[%parallel_loop3A_757, %parallel_loop3A_758, %parallel_loop3A_759] {strides = array<i32>} : memref<49x8x128xf32, #tpu.memory_space<vmem>>, vector<16xf32>,
      tpu.vector_store %arg8[%parallel_loop3A_757, %parallel_loop3A_758, %parallel_loop3A_759], %parallel_loop3A_754 {strides = array<i32>} : memref<49x8x128xf32, #tpu.memory_space<vmem>>, vector<16xf32>,
    } {sc.loop_unroll_factor = 4 : i64, sc.parallel_access}
    %add3A_452 = arith.constant 7 : i32
    %add3A_453 = arith.addi %mul3A_7, %add3A_452 : i32
    %dma_wait3A_454 = arith.constant 0 : i32
    %dma_wait3A_455 = arith.constant 0 : i32
    %dma_wait3A_456 = arith.constant 0 : i32
    %dma_wait3A_457 = tpu.memref_slice %arg5[%add3A_453, %dma_wait3A_454, %dma_wait3A_455, %dma_wait3A_456] : memref<384x49x8x128xf32, #tpu.memory_space<hbm>> -> memref<1x49x8x128xf32, #tpu.memory_space<hbm>>
    %dma_wait3A_458 = tpu.memref_squeeze %dma_wait3A_457 : memref<1x49x8x128xf32, #tpu.memory_space<hbm>> -> memref<49x8x128xf32, #tpu.memory_space<hbm>>
    %dma_wait3A_459 = arith.constant 0 : i32
    %dma_wait3A_460 = arith.constant 0 : i32
    %dma_wait3A_461 = arith.constant 0 : i32
    %dma_wait3A_462 = tpu.memref_slice %arg5[%add3A_453, %dma_wait3A_459, %dma_wait3A_460, %dma_wait3A_461] : memref<384x49x8x128xf32, #tpu.memory_space<hbm>> -> memref<1x49x8x128xf32, #tpu.memory_space<hbm>>
    %dma_wait3A_463 = tpu.memref_squeeze %dma_wait3A_462 : memref<1x49x8x128xf32, #tpu.memory_space<hbm>> -> memref<49x8x128xf32, #tpu.memory_space<hbm>>
    tpu.wait_dma2 semaphore(%arg13 : memref<!tpu.dma_semaphore, #tpu.memory_space<semaphore_mem>>) src(%arg9 : memref<49x8x128xf32, #tpu.memory_space<vmem>>) dst(%dma_wait3A_463 : memref<49x8x128xf32, #tpu.memory_space<hbm>>)
    %add3A_464 = arith.constant 9 : i32
    %add3A_465 = arith.addi %mul3A_7, %add3A_464 : i32
    %dma_start3A_466 = arith.constant 0 : i32
    %dma_start3A_467 = arith.constant 0 : i32
    %dma_start3A_468 = arith.constant 0 : i32
    %dma_start3A_469 = tpu.memref_slice %arg2[%add3A_465, %dma_start3A_466, %dma_start3A_467, %dma_start3A_468] : memref<384x49x8x128xf32, #tpu.memory_space<hbm>> -> memref<1x49x8x128xf32, #tpu.memory_space<hbm>>
    %dma_start3A_470 = tpu.memref_squeeze %dma_start3A_469 : memref<1x49x8x128xf32, #tpu.memory_space<hbm>> -> memref<49x8x128xf32, #tpu.memory_space<hbm>>
    %dma_start3A_471 = arith.constant 0 : i32
    %dma_start3A_472 = arith.constant 0 : i32
    %dma_start3A_473 = arith.constant 0 : i32
    %dma_start3A_474 = tpu.memref_slice %arg2[%add3A_465, %dma_start3A_471, %dma_start3A_472, %dma_start3A_473] : memref<384x49x8x128xf32, #tpu.memory_space<hbm>> -> memref<1x49x8x128xf32, #tpu.memory_space<hbm>>
    %dma_start3A_475 = tpu.memref_squeeze %dma_start3A_474 : memref<1x49x8x128xf32, #tpu.memory_space<hbm>> -> memref<49x8x128xf32, #tpu.memory_space<hbm>>
    tpu.enqueue_dma source(%dma_start3A_475 : memref<49x8x128xf32, #tpu.memory_space<hbm>>) target(%arg9 : memref<49x8x128xf32, #tpu.memory_space<vmem>>) target_semaphore(%arg11 : memref<!tpu.dma_semaphore, #tpu.memory_space<semaphore_mem>>)
    %parallel_loop3A_476 = arith.constant 1568 : i32
    %parallel_loop3A_477 = arith.constant 3136 : i32
    %parallel_loop3A_478 = arith.constant 1 : i32
    scf.for %parallel_loop3A_653 = %parallel_loop3A_476 to %parallel_loop3A_477 step %parallel_loop3A_478  : i32 {
      %parallel_loop3A_654 = arith.constant 64 : i32
      %parallel_loop3A_655 = arith.divsi %parallel_loop3A_653, %parallel_loop3A_654 : i32
      %parallel_loop3A_656 = arith.constant 0 : i32
      %parallel_loop3A_657 = arith.cmpi sgt, %parallel_loop3A_653, %parallel_loop3A_656 : i32
      %parallel_loop3A_658 = arith.extui %parallel_loop3A_657 : i1 to i32
      %parallel_loop3A_659 = arith.constant 0 : i32
      %parallel_loop3A_660 = arith.cmpi slt, %parallel_loop3A_653, %parallel_loop3A_659 : i32
      %parallel_loop3A_661 = arith.extui %parallel_loop3A_660 : i1 to i32
      %parallel_loop3A_662 = arith.subi %parallel_loop3A_658, %parallel_loop3A_661 : i32
      %parallel_loop3A_663 = arith.constant 0 : i32
      %parallel_loop3A_664 = arith.cmpi sgt, %parallel_loop3A_654, %parallel_loop3A_663 : i32
      %parallel_loop3A_665 = arith.extui %parallel_loop3A_664 : i1 to i32
      %parallel_loop3A_666 = arith.constant 0 : i32
      %parallel_loop3A_667 = arith.cmpi slt, %parallel_loop3A_654, %parallel_loop3A_666 : i32
      %parallel_loop3A_668 = arith.extui %parallel_loop3A_667 : i1 to i32
      %parallel_loop3A_669 = arith.subi %parallel_loop3A_665, %parallel_loop3A_668 : i32
      %parallel_loop3A_670 = arith.cmpi ne, %parallel_loop3A_662, %parallel_loop3A_669 : i32
      %parallel_loop3A_671 = arith.remsi %parallel_loop3A_653, %parallel_loop3A_654 : i32
      %parallel_loop3A_672 = arith.constant 0 : i32
      %parallel_loop3A_673 = arith.cmpi ne, %parallel_loop3A_671, %parallel_loop3A_672 : i32
      %parallel_loop3A_674 = arith.andi %parallel_loop3A_670, %parallel_loop3A_673 : i1
      %parallel_loop3A_675 = arith.constant 1 : i32
      %parallel_loop3A_676 = arith.subi %parallel_loop3A_655, %parallel_loop3A_675 : i32
      %parallel_loop3A_677 = arith.select %parallel_loop3A_674, %parallel_loop3A_676, %parallel_loop3A_655 : i32
      %parallel_loop3A_678 = arith.constant 8 : i32
      %parallel_loop3A_679 = arith.divsi %parallel_loop3A_653, %parallel_loop3A_678 : i32
      %parallel_loop3A_680 = arith.constant 0 : i32
      %parallel_loop3A_681 = arith.cmpi sgt, %parallel_loop3A_653, %parallel_loop3A_680 : i32
      %parallel_loop3A_682 = arith.extui %parallel_loop3A_681 : i1 to i32
      %parallel_loop3A_683 = arith.constant 0 : i32
      %parallel_loop3A_684 = arith.cmpi slt, %parallel_loop3A_653, %parallel_loop3A_683 : i32
      %parallel_loop3A_685 = arith.extui %parallel_loop3A_684 : i1 to i32
      %parallel_loop3A_686 = arith.subi %parallel_loop3A_682, %parallel_loop3A_685 : i32
      %parallel_loop3A_687 = arith.constant 0 : i32
      %parallel_loop3A_688 = arith.cmpi sgt, %parallel_loop3A_678, %parallel_loop3A_687 : i32
      %parallel_loop3A_689 = arith.extui %parallel_loop3A_688 : i1 to i32
      %parallel_loop3A_690 = arith.constant 0 : i32
      %parallel_loop3A_691 = arith.cmpi slt, %parallel_loop3A_678, %parallel_loop3A_690 : i32
      %parallel_loop3A_692 = arith.extui %parallel_loop3A_691 : i1 to i32
      %parallel_loop3A_693 = arith.subi %parallel_loop3A_689, %parallel_loop3A_692 : i32
      %parallel_loop3A_694 = arith.cmpi ne, %parallel_loop3A_686, %parallel_loop3A_693 : i32
      %parallel_loop3A_695 = arith.remsi %parallel_loop3A_653, %parallel_loop3A_678 : i32
      %parallel_loop3A_696 = arith.constant 0 : i32
      %parallel_loop3A_697 = arith.cmpi ne, %parallel_loop3A_695, %parallel_loop3A_696 : i32
      %parallel_loop3A_698 = arith.andi %parallel_loop3A_694, %parallel_loop3A_697 : i1
      %parallel_loop3A_699 = arith.constant 1 : i32
      %parallel_loop3A_700 = arith.subi %parallel_loop3A_679, %parallel_loop3A_699 : i32
      %parallel_loop3A_701 = arith.select %parallel_loop3A_698, %parallel_loop3A_700, %parallel_loop3A_679 : i32
      %parallel_loop3A_702 = arith.constant 8 : i32
      %parallel_loop3A_703 = arith.constant 0 : i32
      %parallel_loop3A_704 = arith.cmpi eq, %parallel_loop3A_702, %parallel_loop3A_703 : i32
      %parallel_loop3A_705 = arith.constant 1 : i32
      %parallel_loop3A_706 = arith.select %parallel_loop3A_704, %parallel_loop3A_705, %parallel_loop3A_702 : i32
      %parallel_loop3A_707 = arith.remsi %parallel_loop3A_701, %parallel_loop3A_706 : i32
      %parallel_loop3A_708 = arith.constant 0 : i32
      %parallel_loop3A_709 = arith.cmpi ne, %parallel_loop3A_707, %parallel_loop3A_708 : i32
      %parallel_loop3A_710 = arith.constant 0 : i32
      %parallel_loop3A_711 = arith.cmpi slt, %parallel_loop3A_707, %parallel_loop3A_710 : i32
      %parallel_loop3A_712 = arith.constant 0 : i32
      %parallel_loop3A_713 = arith.cmpi slt, %parallel_loop3A_706, %parallel_loop3A_712 : i32
      %parallel_loop3A_714 = arith.xori %parallel_loop3A_711, %parallel_loop3A_713 : i1
      %parallel_loop3A_715 = arith.andi %parallel_loop3A_714, %parallel_loop3A_709 : i1
      %parallel_loop3A_716 = arith.addi %parallel_loop3A_707, %parallel_loop3A_706 : i32
      %parallel_loop3A_717 = arith.select %parallel_loop3A_715, %parallel_loop3A_716, %parallel_loop3A_707 : i32
      %parallel_loop3A_718 = arith.constant 8 : i32
      %parallel_loop3A_719 = arith.constant 0 : i32
      %parallel_loop3A_720 = arith.cmpi eq, %parallel_loop3A_718, %parallel_loop3A_719 : i32
      %parallel_loop3A_721 = arith.constant 1 : i32
      %parallel_loop3A_722 = arith.select %parallel_loop3A_720, %parallel_loop3A_721, %parallel_loop3A_718 : i32
      %parallel_loop3A_723 = arith.remsi %parallel_loop3A_653, %parallel_loop3A_722 : i32
      %parallel_loop3A_724 = arith.constant 0 : i32
      %parallel_loop3A_725 = arith.cmpi ne, %parallel_loop3A_723, %parallel_loop3A_724 : i32
      %parallel_loop3A_726 = arith.constant 0 : i32
      %parallel_loop3A_727 = arith.cmpi slt, %parallel_loop3A_723, %parallel_loop3A_726 : i32
      %parallel_loop3A_728 = arith.constant 0 : i32
      %parallel_loop3A_729 = arith.cmpi slt, %parallel_loop3A_722, %parallel_loop3A_728 : i32
      %parallel_loop3A_730 = arith.xori %parallel_loop3A_727, %parallel_loop3A_729 : i1
      %parallel_loop3A_731 = arith.andi %parallel_loop3A_730, %parallel_loop3A_725 : i1
      %parallel_loop3A_732 = arith.addi %parallel_loop3A_723, %parallel_loop3A_722 : i32
      %parallel_loop3A_733 = arith.select %parallel_loop3A_731, %parallel_loop3A_732, %parallel_loop3A_723 : i32
      %parallel_loop3A_734 = arith.constant 128 : i32
      %parallel_loop3A_735 = arith.muli %parallel_loop3A_677, %parallel_loop3A_734 : i32
      %parallel_loop3A_736 = arith.constant 16 : i32
      %parallel_loop3A_737 = arith.muli %parallel_loop3A_733, %parallel_loop3A_736 : i32
      %parallel_loop3A_738 = arith.addi %parallel_loop3A_735, %parallel_loop3A_737 : i32
      %parallel_loop3A_739 = arith.index_cast %parallel_loop3A_738 : i32 to index
      %parallel_loop3A_740 = tpu.vector_load %arg7[%parallel_loop3A_739] {strides = array<i32>} : memref<6272xi32, #tpu.memory_space<vmem>>, vector<16xi32>,
      %parallel_loop3A_741 = arith.constant 64 : i32
      %parallel_loop3A_742 = arith.addi %parallel_loop3A_741, %parallel_loop3A_717 : i32
      %parallel_loop3A_743 = arith.constant 32 : i32
      %parallel_loop3A_744 = arith.muli %parallel_loop3A_742, %parallel_loop3A_743 : i32
      %parallel_loop3A_745 = vector.broadcast %parallel_loop3A_744 : i32 to vector<16xi32>
      %parallel_loop3A_746 = arith.addi %parallel_loop3A_740, %parallel_loop3A_745 : vector<16xi32>
      %parallel_loop3A_747 = tpu.vector_load_idx %arg6[%parallel_loop3A_746] : memref<3072xf32, #tpu.memory_space<vmem>>[vector<16xi32>], vector<16xf32>,
      %parallel_loop3A_748 = arith.constant 16 : i32
      %parallel_loop3A_749 = arith.muli %parallel_loop3A_733, %parallel_loop3A_748 : i32
      %parallel_loop3A_750 = arith.index_cast %parallel_loop3A_677 : i32 to index
      %parallel_loop3A_751 = arith.index_cast %parallel_loop3A_717 : i32 to index
      %parallel_loop3A_752 = arith.index_cast %parallel_loop3A_749 : i32 to index
      %parallel_loop3A_753 = tpu.vector_load %arg8[%parallel_loop3A_750, %parallel_loop3A_751, %parallel_loop3A_752] {strides = array<i32>} : memref<49x8x128xf32, #tpu.memory_space<vmem>>, vector<16xf32>,
      %parallel_loop3A_754 = arith.addf %parallel_loop3A_753, %parallel_loop3A_747 : vector<16xf32>
      %parallel_loop3A_755 = arith.constant 16 : i32
      %parallel_loop3A_756 = arith.muli %parallel_loop3A_733, %parallel_loop3A_755 : i32
      %parallel_loop3A_757 = arith.index_cast %parallel_loop3A_677 : i32 to index
      %parallel_loop3A_758 = arith.index_cast %parallel_loop3A_717 : i32 to index
      %parallel_loop3A_759 = arith.index_cast %parallel_loop3A_756 : i32 to index
      %parallel_loop3A_760 = tpu.vector_load %arg8[%parallel_loop3A_757, %parallel_loop3A_758, %parallel_loop3A_759] {strides = array<i32>} : memref<49x8x128xf32, #tpu.memory_space<vmem>>, vector<16xf32>,
      tpu.vector_store %arg8[%parallel_loop3A_757, %parallel_loop3A_758, %parallel_loop3A_759], %parallel_loop3A_754 {strides = array<i32>} : memref<49x8x128xf32, #tpu.memory_space<vmem>>, vector<16xf32>,
    } {sc.loop_unroll_factor = 4 : i64, sc.parallel_access}
    %add3A_479 = arith.constant 8 : i32
    %add3A_480 = arith.addi %mul3A_7, %add3A_479 : i32
    %dma_start3A_481 = arith.constant 0 : i32
    %dma_start3A_482 = arith.constant 0 : i32
    %dma_start3A_483 = arith.constant 0 : i32
    %dma_start3A_484 = tpu.memref_slice %arg5[%add3A_480, %dma_start3A_481, %dma_start3A_482, %dma_start3A_483] : memref<384x49x8x128xf32, #tpu.memory_space<hbm>> -> memref<1x49x8x128xf32, #tpu.memory_space<hbm>>
    %dma_start3A_485 = tpu.memref_squeeze %dma_start3A_484 : memref<1x49x8x128xf32, #tpu.memory_space<hbm>> -> memref<49x8x128xf32, #tpu.memory_space<hbm>>
    %dma_start3A_486 = arith.constant 0 : i32
    %dma_start3A_487 = arith.constant 0 : i32
    %dma_start3A_488 = arith.constant 0 : i32
    %dma_start3A_489 = tpu.memref_slice %arg5[%add3A_480, %dma_start3A_486, %dma_start3A_487, %dma_start3A_488] : memref<384x49x8x128xf32, #tpu.memory_space<hbm>> -> memref<1x49x8x128xf32, #tpu.memory_space<hbm>>
    %dma_start3A_490 = tpu.memref_squeeze %dma_start3A_489 : memref<1x49x8x128xf32, #tpu.memory_space<hbm>> -> memref<49x8x128xf32, #tpu.memory_space<hbm>>
    tpu.enqueue_dma source(%arg8 : memref<49x8x128xf32, #tpu.memory_space<vmem>>) target(%dma_start3A_490 : memref<49x8x128xf32, #tpu.memory_space<hbm>>) target_semaphore(%arg12 : memref<!tpu.dma_semaphore, #tpu.memory_space<semaphore_mem>>)
    %add3A_491 = arith.constant 9 : i32
    %add3A_492 = arith.addi %mul3A_7, %add3A_491 : i32
    %dma_wait3A_493 = arith.constant 0 : i32
    %dma_wait3A_494 = arith.constant 0 : i32
    %dma_wait3A_495 = arith.constant 0 : i32
    %dma_wait3A_496 = tpu.memref_slice %arg2[%add3A_492, %dma_wait3A_493, %dma_wait3A_494, %dma_wait3A_495] : memref<384x49x8x128xf32, #tpu.memory_space<hbm>> -> memref<1x49x8x128xf32, #tpu.memory_space<hbm>>
    %dma_wait3A_497 = tpu.memref_squeeze %dma_wait3A_496 : memref<1x49x8x128xf32, #tpu.memory_space<hbm>> -> memref<49x8x128xf32, #tpu.memory_space<hbm>>
    %dma_wait3A_498 = arith.constant 0 : i32
    %dma_wait3A_499 = arith.constant 0 : i32
    %dma_wait3A_500 = arith.constant 0 : i32
    %dma_wait3A_501 = tpu.memref_slice %arg2[%add3A_492, %dma_wait3A_498, %dma_wait3A_499, %dma_wait3A_500] : memref<384x49x8x128xf32, #tpu.memory_space<hbm>> -> memref<1x49x8x128xf32, #tpu.memory_space<hbm>>
    %dma_wait3A_502 = tpu.memref_squeeze %dma_wait3A_501 : memref<1x49x8x128xf32, #tpu.memory_space<hbm>> -> memref<49x8x128xf32, #tpu.memory_space<hbm>>
    tpu.wait_dma2 semaphore(%arg11 : memref<!tpu.dma_semaphore, #tpu.memory_space<semaphore_mem>>) src(%dma_wait3A_502 : memref<49x8x128xf32, #tpu.memory_space<hbm>>) dst(%arg9 : memref<49x8x128xf32, #tpu.memory_space<vmem>>)
    %parallel_loop3A_503 = arith.constant 0 : i32
    %parallel_loop3A_504 = arith.constant 1568 : i32
    %parallel_loop3A_505 = arith.constant 1 : i32
    scf.for %parallel_loop3A_653 = %parallel_loop3A_503 to %parallel_loop3A_504 step %parallel_loop3A_505  : i32 {
      %parallel_loop3A_654 = arith.constant 64 : i32
      %parallel_loop3A_655 = arith.divsi %parallel_loop3A_653, %parallel_loop3A_654 : i32
      %parallel_loop3A_656 = arith.constant 0 : i32
      %parallel_loop3A_657 = arith.cmpi sgt, %parallel_loop3A_653, %parallel_loop3A_656 : i32
      %parallel_loop3A_658 = arith.extui %parallel_loop3A_657 : i1 to i32
      %parallel_loop3A_659 = arith.constant 0 : i32
      %parallel_loop3A_660 = arith.cmpi slt, %parallel_loop3A_653, %parallel_loop3A_659 : i32
      %parallel_loop3A_661 = arith.extui %parallel_loop3A_660 : i1 to i32
      %parallel_loop3A_662 = arith.subi %parallel_loop3A_658, %parallel_loop3A_661 : i32
      %parallel_loop3A_663 = arith.constant 0 : i32
      %parallel_loop3A_664 = arith.cmpi sgt, %parallel_loop3A_654, %parallel_loop3A_663 : i32
      %parallel_loop3A_665 = arith.extui %parallel_loop3A_664 : i1 to i32
      %parallel_loop3A_666 = arith.constant 0 : i32
      %parallel_loop3A_667 = arith.cmpi slt, %parallel_loop3A_654, %parallel_loop3A_666 : i32
      %parallel_loop3A_668 = arith.extui %parallel_loop3A_667 : i1 to i32
      %parallel_loop3A_669 = arith.subi %parallel_loop3A_665, %parallel_loop3A_668 : i32
      %parallel_loop3A_670 = arith.cmpi ne, %parallel_loop3A_662, %parallel_loop3A_669 : i32
      %parallel_loop3A_671 = arith.remsi %parallel_loop3A_653, %parallel_loop3A_654 : i32
      %parallel_loop3A_672 = arith.constant 0 : i32
      %parallel_loop3A_673 = arith.cmpi ne, %parallel_loop3A_671, %parallel_loop3A_672 : i32
      %parallel_loop3A_674 = arith.andi %parallel_loop3A_670, %parallel_loop3A_673 : i1
      %parallel_loop3A_675 = arith.constant 1 : i32
      %parallel_loop3A_676 = arith.subi %parallel_loop3A_655, %parallel_loop3A_675 : i32
      %parallel_loop3A_677 = arith.select %parallel_loop3A_674, %parallel_loop3A_676, %parallel_loop3A_655 : i32
      %parallel_loop3A_678 = arith.constant 8 : i32
      %parallel_loop3A_679 = arith.divsi %parallel_loop3A_653, %parallel_loop3A_678 : i32
      %parallel_loop3A_680 = arith.constant 0 : i32
      %parallel_loop3A_681 = arith.cmpi sgt, %parallel_loop3A_653, %parallel_loop3A_680 : i32
      %parallel_loop3A_682 = arith.extui %parallel_loop3A_681 : i1 to i32
      %parallel_loop3A_683 = arith.constant 0 : i32
      %parallel_loop3A_684 = arith.cmpi slt, %parallel_loop3A_653, %parallel_loop3A_683 : i32
      %parallel_loop3A_685 = arith.extui %parallel_loop3A_684 : i1 to i32
      %parallel_loop3A_686 = arith.subi %parallel_loop3A_682, %parallel_loop3A_685 : i32
      %parallel_loop3A_687 = arith.constant 0 : i32
      %parallel_loop3A_688 = arith.cmpi sgt, %parallel_loop3A_678, %parallel_loop3A_687 : i32
      %parallel_loop3A_689 = arith.extui %parallel_loop3A_688 : i1 to i32
      %parallel_loop3A_690 = arith.constant 0 : i32
      %parallel_loop3A_691 = arith.cmpi slt, %parallel_loop3A_678, %parallel_loop3A_690 : i32
      %parallel_loop3A_692 = arith.extui %parallel_loop3A_691 : i1 to i32
      %parallel_loop3A_693 = arith.subi %parallel_loop3A_689, %parallel_loop3A_692 : i32
      %parallel_loop3A_694 = arith.cmpi ne, %parallel_loop3A_686, %parallel_loop3A_693 : i32
      %parallel_loop3A_695 = arith.remsi %parallel_loop3A_653, %parallel_loop3A_678 : i32
      %parallel_loop3A_696 = arith.constant 0 : i32
      %parallel_loop3A_697 = arith.cmpi ne, %parallel_loop3A_695, %parallel_loop3A_696 : i32
      %parallel_loop3A_698 = arith.andi %parallel_loop3A_694, %parallel_loop3A_697 : i1
      %parallel_loop3A_699 = arith.constant 1 : i32
      %parallel_loop3A_700 = arith.subi %parallel_loop3A_679, %parallel_loop3A_699 : i32
      %parallel_loop3A_701 = arith.select %parallel_loop3A_698, %parallel_loop3A_700, %parallel_loop3A_679 : i32
      %parallel_loop3A_702 = arith.constant 8 : i32
      %parallel_loop3A_703 = arith.constant 0 : i32
      %parallel_loop3A_704 = arith.cmpi eq, %parallel_loop3A_702, %parallel_loop3A_703 : i32
      %parallel_loop3A_705 = arith.constant 1 : i32
      %parallel_loop3A_706 = arith.select %parallel_loop3A_704, %parallel_loop3A_705, %parallel_loop3A_702 : i32
      %parallel_loop3A_707 = arith.remsi %parallel_loop3A_701, %parallel_loop3A_706 : i32
      %parallel_loop3A_708 = arith.constant 0 : i32
      %parallel_loop3A_709 = arith.cmpi ne, %parallel_loop3A_707, %parallel_loop3A_708 : i32
      %parallel_loop3A_710 = arith.constant 0 : i32
      %parallel_loop3A_711 = arith.cmpi slt, %parallel_loop3A_707, %parallel_loop3A_710 : i32
      %parallel_loop3A_712 = arith.constant 0 : i32
      %parallel_loop3A_713 = arith.cmpi slt, %parallel_loop3A_706, %parallel_loop3A_712 : i32
      %parallel_loop3A_714 = arith.xori %parallel_loop3A_711, %parallel_loop3A_713 : i1
      %parallel_loop3A_715 = arith.andi %parallel_loop3A_714, %parallel_loop3A_709 : i1
      %parallel_loop3A_716 = arith.addi %parallel_loop3A_707, %parallel_loop3A_706 : i32
      %parallel_loop3A_717 = arith.select %parallel_loop3A_715, %parallel_loop3A_716, %parallel_loop3A_707 : i32
      %parallel_loop3A_718 = arith.constant 8 : i32
      %parallel_loop3A_719 = arith.constant 0 : i32
      %parallel_loop3A_720 = arith.cmpi eq, %parallel_loop3A_718, %parallel_loop3A_719 : i32
      %parallel_loop3A_721 = arith.constant 1 : i32
      %parallel_loop3A_722 = arith.select %parallel_loop3A_720, %parallel_loop3A_721, %parallel_loop3A_718 : i32
      %parallel_loop3A_723 = arith.remsi %parallel_loop3A_653, %parallel_loop3A_722 : i32
      %parallel_loop3A_724 = arith.constant 0 : i32
      %parallel_loop3A_725 = arith.cmpi ne, %parallel_loop3A_723, %parallel_loop3A_724 : i32
      %parallel_loop3A_726 = arith.constant 0 : i32
      %parallel_loop3A_727 = arith.cmpi slt, %parallel_loop3A_723, %parallel_loop3A_726 : i32
      %parallel_loop3A_728 = arith.constant 0 : i32
      %parallel_loop3A_729 = arith.cmpi slt, %parallel_loop3A_722, %parallel_loop3A_728 : i32
      %parallel_loop3A_730 = arith.xori %parallel_loop3A_727, %parallel_loop3A_729 : i1
      %parallel_loop3A_731 = arith.andi %parallel_loop3A_730, %parallel_loop3A_725 : i1
      %parallel_loop3A_732 = arith.addi %parallel_loop3A_723, %parallel_loop3A_722 : i32
      %parallel_loop3A_733 = arith.select %parallel_loop3A_731, %parallel_loop3A_732, %parallel_loop3A_723 : i32
      %parallel_loop3A_734 = arith.constant 128 : i32
      %parallel_loop3A_735 = arith.muli %parallel_loop3A_677, %parallel_loop3A_734 : i32
      %parallel_loop3A_736 = arith.constant 16 : i32
      %parallel_loop3A_737 = arith.muli %parallel_loop3A_733, %parallel_loop3A_736 : i32
      %parallel_loop3A_738 = arith.addi %parallel_loop3A_735, %parallel_loop3A_737 : i32
      %parallel_loop3A_739 = arith.index_cast %parallel_loop3A_738 : i32 to index
      %parallel_loop3A_740 = tpu.vector_load %arg7[%parallel_loop3A_739] {strides = array<i32>} : memref<6272xi32, #tpu.memory_space<vmem>>, vector<16xi32>,
      %parallel_loop3A_741 = arith.constant 72 : i32
      %parallel_loop3A_742 = arith.addi %parallel_loop3A_741, %parallel_loop3A_717 : i32
      %parallel_loop3A_743 = arith.constant 32 : i32
      %parallel_loop3A_744 = arith.muli %parallel_loop3A_742, %parallel_loop3A_743 : i32
      %parallel_loop3A_745 = vector.broadcast %parallel_loop3A_744 : i32 to vector<16xi32>
      %parallel_loop3A_746 = arith.addi %parallel_loop3A_740, %parallel_loop3A_745 : vector<16xi32>
      %parallel_loop3A_747 = tpu.vector_load_idx %arg6[%parallel_loop3A_746] : memref<3072xf32, #tpu.memory_space<vmem>>[vector<16xi32>], vector<16xf32>,
      %parallel_loop3A_748 = arith.constant 16 : i32
      %parallel_loop3A_749 = arith.muli %parallel_loop3A_733, %parallel_loop3A_748 : i32
      %parallel_loop3A_750 = arith.index_cast %parallel_loop3A_677 : i32 to index
      %parallel_loop3A_751 = arith.index_cast %parallel_loop3A_717 : i32 to index
      %parallel_loop3A_752 = arith.index_cast %parallel_loop3A_749 : i32 to index
      %parallel_loop3A_753 = tpu.vector_load %arg9[%parallel_loop3A_750, %parallel_loop3A_751, %parallel_loop3A_752] {strides = array<i32>} : memref<49x8x128xf32, #tpu.memory_space<vmem>>, vector<16xf32>,
      %parallel_loop3A_754 = arith.addf %parallel_loop3A_753, %parallel_loop3A_747 : vector<16xf32>
      %parallel_loop3A_755 = arith.constant 16 : i32
      %parallel_loop3A_756 = arith.muli %parallel_loop3A_733, %parallel_loop3A_755 : i32
      %parallel_loop3A_757 = arith.index_cast %parallel_loop3A_677 : i32 to index
      %parallel_loop3A_758 = arith.index_cast %parallel_loop3A_717 : i32 to index
      %parallel_loop3A_759 = arith.index_cast %parallel_loop3A_756 : i32 to index
      %parallel_loop3A_760 = tpu.vector_load %arg9[%parallel_loop3A_757, %parallel_loop3A_758, %parallel_loop3A_759] {strides = array<i32>} : memref<49x8x128xf32, #tpu.memory_space<vmem>>, vector<16xf32>,
      tpu.vector_store %arg9[%parallel_loop3A_757, %parallel_loop3A_758, %parallel_loop3A_759], %parallel_loop3A_754 {strides = array<i32>} : memref<49x8x128xf32, #tpu.memory_space<vmem>>, vector<16xf32>,
    } {sc.loop_unroll_factor = 4 : i64, sc.parallel_access}
    %add3A_506 = arith.constant 8 : i32
    %add3A_507 = arith.addi %mul3A_7, %add3A_506 : i32
    %dma_wait3A_508 = arith.constant 0 : i32
    %dma_wait3A_509 = arith.constant 0 : i32
    %dma_wait3A_510 = arith.constant 0 : i32
    %dma_wait3A_511 = tpu.memref_slice %arg5[%add3A_507, %dma_wait3A_508, %dma_wait3A_509, %dma_wait3A_510] : memref<384x49x8x128xf32, #tpu.memory_space<hbm>> -> memref<1x49x8x128xf32, #tpu.memory_space<hbm>>
    %dma_wait3A_512 = tpu.memref_squeeze %dma_wait3A_511 : memref<1x49x8x128xf32, #tpu.memory_space<hbm>> -> memref<49x8x128xf32, #tpu.memory_space<hbm>>
    %dma_wait3A_513 = arith.constant 0 : i32
    %dma_wait3A_514 = arith.constant 0 : i32
    %dma_wait3A_515 = arith.constant 0 : i32
    %dma_wait3A_516 = tpu.memref_slice %arg5[%add3A_507, %dma_wait3A_513, %dma_wait3A_514, %dma_wait3A_515] : memref<384x49x8x128xf32, #tpu.memory_space<hbm>> -> memref<1x49x8x128xf32, #tpu.memory_space<hbm>>
    %dma_wait3A_517 = tpu.memref_squeeze %dma_wait3A_516 : memref<1x49x8x128xf32, #tpu.memory_space<hbm>> -> memref<49x8x128xf32, #tpu.memory_space<hbm>>
    tpu.wait_dma2 semaphore(%arg12 : memref<!tpu.dma_semaphore, #tpu.memory_space<semaphore_mem>>) src(%arg8 : memref<49x8x128xf32, #tpu.memory_space<vmem>>) dst(%dma_wait3A_517 : memref<49x8x128xf32, #tpu.memory_space<hbm>>)
    %add3A_518 = arith.constant 10 : i32
    %add3A_519 = arith.addi %mul3A_7, %add3A_518 : i32
    %dma_start3A_520 = arith.constant 0 : i32
    %dma_start3A_521 = arith.constant 0 : i32
    %dma_start3A_522 = arith.constant 0 : i32
    %dma_start3A_523 = tpu.memref_slice %arg2[%add3A_519, %dma_start3A_520, %dma_start3A_521, %dma_start3A_522] : memref<384x49x8x128xf32, #tpu.memory_space<hbm>> -> memref<1x49x8x128xf32, #tpu.memory_space<hbm>>
    %dma_start3A_524 = tpu.memref_squeeze %dma_start3A_523 : memref<1x49x8x128xf32, #tpu.memory_space<hbm>> -> memref<49x8x128xf32, #tpu.memory_space<hbm>>
    %dma_start3A_525 = arith.constant 0 : i32
    %dma_start3A_526 = arith.constant 0 : i32
    %dma_start3A_527 = arith.constant 0 : i32
    %dma_start3A_528 = tpu.memref_slice %arg2[%add3A_519, %dma_start3A_525, %dma_start3A_526, %dma_start3A_527] : memref<384x49x8x128xf32, #tpu.memory_space<hbm>> -> memref<1x49x8x128xf32, #tpu.memory_space<hbm>>
    %dma_start3A_529 = tpu.memref_squeeze %dma_start3A_528 : memref<1x49x8x128xf32, #tpu.memory_space<hbm>> -> memref<49x8x128xf32, #tpu.memory_space<hbm>>
    tpu.enqueue_dma source(%dma_start3A_529 : memref<49x8x128xf32, #tpu.memory_space<hbm>>) target(%arg8 : memref<49x8x128xf32, #tpu.memory_space<vmem>>) target_semaphore(%arg10 : memref<!tpu.dma_semaphore, #tpu.memory_space<semaphore_mem>>)
    %parallel_loop3A_530 = arith.constant 1568 : i32
    %parallel_loop3A_531 = arith.constant 3136 : i32
    %parallel_loop3A_532 = arith.constant 1 : i32
    scf.for %parallel_loop3A_653 = %parallel_loop3A_530 to %parallel_loop3A_531 step %parallel_loop3A_532  : i32 {
      %parallel_loop3A_654 = arith.constant 64 : i32
      %parallel_loop3A_655 = arith.divsi %parallel_loop3A_653, %parallel_loop3A_654 : i32
      %parallel_loop3A_656 = arith.constant 0 : i32
      %parallel_loop3A_657 = arith.cmpi sgt, %parallel_loop3A_653, %parallel_loop3A_656 : i32
      %parallel_loop3A_658 = arith.extui %parallel_loop3A_657 : i1 to i32
      %parallel_loop3A_659 = arith.constant 0 : i32
      %parallel_loop3A_660 = arith.cmpi slt, %parallel_loop3A_653, %parallel_loop3A_659 : i32
      %parallel_loop3A_661 = arith.extui %parallel_loop3A_660 : i1 to i32
      %parallel_loop3A_662 = arith.subi %parallel_loop3A_658, %parallel_loop3A_661 : i32
      %parallel_loop3A_663 = arith.constant 0 : i32
      %parallel_loop3A_664 = arith.cmpi sgt, %parallel_loop3A_654, %parallel_loop3A_663 : i32
      %parallel_loop3A_665 = arith.extui %parallel_loop3A_664 : i1 to i32
      %parallel_loop3A_666 = arith.constant 0 : i32
      %parallel_loop3A_667 = arith.cmpi slt, %parallel_loop3A_654, %parallel_loop3A_666 : i32
      %parallel_loop3A_668 = arith.extui %parallel_loop3A_667 : i1 to i32
      %parallel_loop3A_669 = arith.subi %parallel_loop3A_665, %parallel_loop3A_668 : i32
      %parallel_loop3A_670 = arith.cmpi ne, %parallel_loop3A_662, %parallel_loop3A_669 : i32
      %parallel_loop3A_671 = arith.remsi %parallel_loop3A_653, %parallel_loop3A_654 : i32
      %parallel_loop3A_672 = arith.constant 0 : i32
      %parallel_loop3A_673 = arith.cmpi ne, %parallel_loop3A_671, %parallel_loop3A_672 : i32
      %parallel_loop3A_674 = arith.andi %parallel_loop3A_670, %parallel_loop3A_673 : i1
      %parallel_loop3A_675 = arith.constant 1 : i32
      %parallel_loop3A_676 = arith.subi %parallel_loop3A_655, %parallel_loop3A_675 : i32
      %parallel_loop3A_677 = arith.select %parallel_loop3A_674, %parallel_loop3A_676, %parallel_loop3A_655 : i32
      %parallel_loop3A_678 = arith.constant 8 : i32
      %parallel_loop3A_679 = arith.divsi %parallel_loop3A_653, %parallel_loop3A_678 : i32
      %parallel_loop3A_680 = arith.constant 0 : i32
      %parallel_loop3A_681 = arith.cmpi sgt, %parallel_loop3A_653, %parallel_loop3A_680 : i32
      %parallel_loop3A_682 = arith.extui %parallel_loop3A_681 : i1 to i32
      %parallel_loop3A_683 = arith.constant 0 : i32
      %parallel_loop3A_684 = arith.cmpi slt, %parallel_loop3A_653, %parallel_loop3A_683 : i32
      %parallel_loop3A_685 = arith.extui %parallel_loop3A_684 : i1 to i32
      %parallel_loop3A_686 = arith.subi %parallel_loop3A_682, %parallel_loop3A_685 : i32
      %parallel_loop3A_687 = arith.constant 0 : i32
      %parallel_loop3A_688 = arith.cmpi sgt, %parallel_loop3A_678, %parallel_loop3A_687 : i32
      %parallel_loop3A_689 = arith.extui %parallel_loop3A_688 : i1 to i32
      %parallel_loop3A_690 = arith.constant 0 : i32
      %parallel_loop3A_691 = arith.cmpi slt, %parallel_loop3A_678, %parallel_loop3A_690 : i32
      %parallel_loop3A_692 = arith.extui %parallel_loop3A_691 : i1 to i32
      %parallel_loop3A_693 = arith.subi %parallel_loop3A_689, %parallel_loop3A_692 : i32
      %parallel_loop3A_694 = arith.cmpi ne, %parallel_loop3A_686, %parallel_loop3A_693 : i32
      %parallel_loop3A_695 = arith.remsi %parallel_loop3A_653, %parallel_loop3A_678 : i32
      %parallel_loop3A_696 = arith.constant 0 : i32
      %parallel_loop3A_697 = arith.cmpi ne, %parallel_loop3A_695, %parallel_loop3A_696 : i32
      %parallel_loop3A_698 = arith.andi %parallel_loop3A_694, %parallel_loop3A_697 : i1
      %parallel_loop3A_699 = arith.constant 1 : i32
      %parallel_loop3A_700 = arith.subi %parallel_loop3A_679, %parallel_loop3A_699 : i32
      %parallel_loop3A_701 = arith.select %parallel_loop3A_698, %parallel_loop3A_700, %parallel_loop3A_679 : i32
      %parallel_loop3A_702 = arith.constant 8 : i32
      %parallel_loop3A_703 = arith.constant 0 : i32
      %parallel_loop3A_704 = arith.cmpi eq, %parallel_loop3A_702, %parallel_loop3A_703 : i32
      %parallel_loop3A_705 = arith.constant 1 : i32
      %parallel_loop3A_706 = arith.select %parallel_loop3A_704, %parallel_loop3A_705, %parallel_loop3A_702 : i32
      %parallel_loop3A_707 = arith.remsi %parallel_loop3A_701, %parallel_loop3A_706 : i32
      %parallel_loop3A_708 = arith.constant 0 : i32
      %parallel_loop3A_709 = arith.cmpi ne, %parallel_loop3A_707, %parallel_loop3A_708 : i32
      %parallel_loop3A_710 = arith.constant 0 : i32
      %parallel_loop3A_711 = arith.cmpi slt, %parallel_loop3A_707, %parallel_loop3A_710 : i32
      %parallel_loop3A_712 = arith.constant 0 : i32
      %parallel_loop3A_713 = arith.cmpi slt, %parallel_loop3A_706, %parallel_loop3A_712 : i32
      %parallel_loop3A_714 = arith.xori %parallel_loop3A_711, %parallel_loop3A_713 : i1
      %parallel_loop3A_715 = arith.andi %parallel_loop3A_714, %parallel_loop3A_709 : i1
      %parallel_loop3A_716 = arith.addi %parallel_loop3A_707, %parallel_loop3A_706 : i32
      %parallel_loop3A_717 = arith.select %parallel_loop3A_715, %parallel_loop3A_716, %parallel_loop3A_707 : i32
      %parallel_loop3A_718 = arith.constant 8 : i32
      %parallel_loop3A_719 = arith.constant 0 : i32
      %parallel_loop3A_720 = arith.cmpi eq, %parallel_loop3A_718, %parallel_loop3A_719 : i32
      %parallel_loop3A_721 = arith.constant 1 : i32
      %parallel_loop3A_722 = arith.select %parallel_loop3A_720, %parallel_loop3A_721, %parallel_loop3A_718 : i32
      %parallel_loop3A_723 = arith.remsi %parallel_loop3A_653, %parallel_loop3A_722 : i32
      %parallel_loop3A_724 = arith.constant 0 : i32
      %parallel_loop3A_725 = arith.cmpi ne, %parallel_loop3A_723, %parallel_loop3A_724 : i32
      %parallel_loop3A_726 = arith.constant 0 : i32
      %parallel_loop3A_727 = arith.cmpi slt, %parallel_loop3A_723, %parallel_loop3A_726 : i32
      %parallel_loop3A_728 = arith.constant 0 : i32
      %parallel_loop3A_729 = arith.cmpi slt, %parallel_loop3A_722, %parallel_loop3A_728 : i32
      %parallel_loop3A_730 = arith.xori %parallel_loop3A_727, %parallel_loop3A_729 : i1
      %parallel_loop3A_731 = arith.andi %parallel_loop3A_730, %parallel_loop3A_725 : i1
      %parallel_loop3A_732 = arith.addi %parallel_loop3A_723, %parallel_loop3A_722 : i32
      %parallel_loop3A_733 = arith.select %parallel_loop3A_731, %parallel_loop3A_732, %parallel_loop3A_723 : i32
      %parallel_loop3A_734 = arith.constant 128 : i32
      %parallel_loop3A_735 = arith.muli %parallel_loop3A_677, %parallel_loop3A_734 : i32
      %parallel_loop3A_736 = arith.constant 16 : i32
      %parallel_loop3A_737 = arith.muli %parallel_loop3A_733, %parallel_loop3A_736 : i32
      %parallel_loop3A_738 = arith.addi %parallel_loop3A_735, %parallel_loop3A_737 : i32
      %parallel_loop3A_739 = arith.index_cast %parallel_loop3A_738 : i32 to index
      %parallel_loop3A_740 = tpu.vector_load %arg7[%parallel_loop3A_739] {strides = array<i32>} : memref<6272xi32, #tpu.memory_space<vmem>>, vector<16xi32>,
      %parallel_loop3A_741 = arith.constant 72 : i32
      %parallel_loop3A_742 = arith.addi %parallel_loop3A_741, %parallel_loop3A_717 : i32
      %parallel_loop3A_743 = arith.constant 32 : i32
      %parallel_loop3A_744 = arith.muli %parallel_loop3A_742, %parallel_loop3A_743 : i32
      %parallel_loop3A_745 = vector.broadcast %parallel_loop3A_744 : i32 to vector<16xi32>
      %parallel_loop3A_746 = arith.addi %parallel_loop3A_740, %parallel_loop3A_745 : vector<16xi32>
      %parallel_loop3A_747 = tpu.vector_load_idx %arg6[%parallel_loop3A_746] : memref<3072xf32, #tpu.memory_space<vmem>>[vector<16xi32>], vector<16xf32>,
      %parallel_loop3A_748 = arith.constant 16 : i32
      %parallel_loop3A_749 = arith.muli %parallel_loop3A_733, %parallel_loop3A_748 : i32
      %parallel_loop3A_750 = arith.index_cast %parallel_loop3A_677 : i32 to index
      %parallel_loop3A_751 = arith.index_cast %parallel_loop3A_717 : i32 to index
      %parallel_loop3A_752 = arith.index_cast %parallel_loop3A_749 : i32 to index
      %parallel_loop3A_753 = tpu.vector_load %arg9[%parallel_loop3A_750, %parallel_loop3A_751, %parallel_loop3A_752] {strides = array<i32>} : memref<49x8x128xf32, #tpu.memory_space<vmem>>, vector<16xf32>,
      %parallel_loop3A_754 = arith.addf %parallel_loop3A_753, %parallel_loop3A_747 : vector<16xf32>
      %parallel_loop3A_755 = arith.constant 16 : i32
      %parallel_loop3A_756 = arith.muli %parallel_loop3A_733, %parallel_loop3A_755 : i32
      %parallel_loop3A_757 = arith.index_cast %parallel_loop3A_677 : i32 to index
      %parallel_loop3A_758 = arith.index_cast %parallel_loop3A_717 : i32 to index
      %parallel_loop3A_759 = arith.index_cast %parallel_loop3A_756 : i32 to index
      %parallel_loop3A_760 = tpu.vector_load %arg9[%parallel_loop3A_757, %parallel_loop3A_758, %parallel_loop3A_759] {strides = array<i32>} : memref<49x8x128xf32, #tpu.memory_space<vmem>>, vector<16xf32>,
      tpu.vector_store %arg9[%parallel_loop3A_757, %parallel_loop3A_758, %parallel_loop3A_759], %parallel_loop3A_754 {strides = array<i32>} : memref<49x8x128xf32, #tpu.memory_space<vmem>>, vector<16xf32>,
    } {sc.loop_unroll_factor = 4 : i64, sc.parallel_access}
    %add3A_533 = arith.constant 9 : i32
    %add3A_534 = arith.addi %mul3A_7, %add3A_533 : i32
    %dma_start3A_535 = arith.constant 0 : i32
    %dma_start3A_536 = arith.constant 0 : i32
    %dma_start3A_537 = arith.constant 0 : i32
    %dma_start3A_538 = tpu.memref_slice %arg5[%add3A_534, %dma_start3A_535, %dma_start3A_536, %dma_start3A_537] : memref<384x49x8x128xf32, #tpu.memory_space<hbm>> -> memref<1x49x8x128xf32, #tpu.memory_space<hbm>>
    %dma_start3A_539 = tpu.memref_squeeze %dma_start3A_538 : memref<1x49x8x128xf32, #tpu.memory_space<hbm>> -> memref<49x8x128xf32, #tpu.memory_space<hbm>>
    %dma_start3A_540 = arith.constant 0 : i32
    %dma_start3A_541 = arith.constant 0 : i32
    %dma_start3A_542 = arith.constant 0 : i32
    %dma_start3A_543 = tpu.memref_slice %arg5[%add3A_534, %dma_start3A_540, %dma_start3A_541, %dma_start3A_542] : memref<384x49x8x128xf32, #tpu.memory_space<hbm>> -> memref<1x49x8x128xf32, #tpu.memory_space<hbm>>
    %dma_start3A_544 = tpu.memref_squeeze %dma_start3A_543 : memref<1x49x8x128xf32, #tpu.memory_space<hbm>> -> memref<49x8x128xf32, #tpu.memory_space<hbm>>
    tpu.enqueue_dma source(%arg9 : memref<49x8x128xf32, #tpu.memory_space<vmem>>) target(%dma_start3A_544 : memref<49x8x128xf32, #tpu.memory_space<hbm>>) target_semaphore(%arg13 : memref<!tpu.dma_semaphore, #tpu.memory_space<semaphore_mem>>)
    %add3A_545 = arith.constant 10 : i32
    %add3A_546 = arith.addi %mul3A_7, %add3A_545 : i32
    %dma_wait3A_547 = arith.constant 0 : i32
    %dma_wait3A_548 = arith.constant 0 : i32
    %dma_wait3A_549 = arith.constant 0 : i32
    %dma_wait3A_550 = tpu.memref_slice %arg2[%add3A_546, %dma_wait3A_547, %dma_wait3A_548, %dma_wait3A_549] : memref<384x49x8x128xf32, #tpu.memory_space<hbm>> -> memref<1x49x8x128xf32, #tpu.memory_space<hbm>>
    %dma_wait3A_551 = tpu.memref_squeeze %dma_wait3A_550 : memref<1x49x8x128xf32, #tpu.memory_space<hbm>> -> memref<49x8x128xf32, #tpu.memory_space<hbm>>
    %dma_wait3A_552 = arith.constant 0 : i32
    %dma_wait3A_553 = arith.constant 0 : i32
    %dma_wait3A_554 = arith.constant 0 : i32
    %dma_wait3A_555 = tpu.memref_slice %arg2[%add3A_546, %dma_wait3A_552, %dma_wait3A_553, %dma_wait3A_554] : memref<384x49x8x128xf32, #tpu.memory_space<hbm>> -> memref<1x49x8x128xf32, #tpu.memory_space<hbm>>
    %dma_wait3A_556 = tpu.memref_squeeze %dma_wait3A_555 : memref<1x49x8x128xf32, #tpu.memory_space<hbm>> -> memref<49x8x128xf32, #tpu.memory_space<hbm>>
    tpu.wait_dma2 semaphore(%arg10 : memref<!tpu.dma_semaphore, #tpu.memory_space<semaphore_mem>>) src(%dma_wait3A_556 : memref<49x8x128xf32, #tpu.memory_space<hbm>>) dst(%arg8 : memref<49x8x128xf32, #tpu.memory_space<vmem>>)
    %parallel_loop3A_557 = arith.constant 0 : i32
    %parallel_loop3A_558 = arith.constant 1568 : i32
    %parallel_loop3A_559 = arith.constant 1 : i32
    scf.for %parallel_loop3A_653 = %parallel_loop3A_557 to %parallel_loop3A_558 step %parallel_loop3A_559  : i32 {
      %parallel_loop3A_654 = arith.constant 64 : i32
      %parallel_loop3A_655 = arith.divsi %parallel_loop3A_653, %parallel_loop3A_654 : i32
      %parallel_loop3A_656 = arith.constant 0 : i32
      %parallel_loop3A_657 = arith.cmpi sgt, %parallel_loop3A_653, %parallel_loop3A_656 : i32
      %parallel_loop3A_658 = arith.extui %parallel_loop3A_657 : i1 to i32
      %parallel_loop3A_659 = arith.constant 0 : i32
      %parallel_loop3A_660 = arith.cmpi slt, %parallel_loop3A_653, %parallel_loop3A_659 : i32
      %parallel_loop3A_661 = arith.extui %parallel_loop3A_660 : i1 to i32
      %parallel_loop3A_662 = arith.subi %parallel_loop3A_658, %parallel_loop3A_661 : i32
      %parallel_loop3A_663 = arith.constant 0 : i32
      %parallel_loop3A_664 = arith.cmpi sgt, %parallel_loop3A_654, %parallel_loop3A_663 : i32
      %parallel_loop3A_665 = arith.extui %parallel_loop3A_664 : i1 to i32
      %parallel_loop3A_666 = arith.constant 0 : i32
      %parallel_loop3A_667 = arith.cmpi slt, %parallel_loop3A_654, %parallel_loop3A_666 : i32
      %parallel_loop3A_668 = arith.extui %parallel_loop3A_667 : i1 to i32
      %parallel_loop3A_669 = arith.subi %parallel_loop3A_665, %parallel_loop3A_668 : i32
      %parallel_loop3A_670 = arith.cmpi ne, %parallel_loop3A_662, %parallel_loop3A_669 : i32
      %parallel_loop3A_671 = arith.remsi %parallel_loop3A_653, %parallel_loop3A_654 : i32
      %parallel_loop3A_672 = arith.constant 0 : i32
      %parallel_loop3A_673 = arith.cmpi ne, %parallel_loop3A_671, %parallel_loop3A_672 : i32
      %parallel_loop3A_674 = arith.andi %parallel_loop3A_670, %parallel_loop3A_673 : i1
      %parallel_loop3A_675 = arith.constant 1 : i32
      %parallel_loop3A_676 = arith.subi %parallel_loop3A_655, %parallel_loop3A_675 : i32
      %parallel_loop3A_677 = arith.select %parallel_loop3A_674, %parallel_loop3A_676, %parallel_loop3A_655 : i32
      %parallel_loop3A_678 = arith.constant 8 : i32
      %parallel_loop3A_679 = arith.divsi %parallel_loop3A_653, %parallel_loop3A_678 : i32
      %parallel_loop3A_680 = arith.constant 0 : i32
      %parallel_loop3A_681 = arith.cmpi sgt, %parallel_loop3A_653, %parallel_loop3A_680 : i32
      %parallel_loop3A_682 = arith.extui %parallel_loop3A_681 : i1 to i32
      %parallel_loop3A_683 = arith.constant 0 : i32
      %parallel_loop3A_684 = arith.cmpi slt, %parallel_loop3A_653, %parallel_loop3A_683 : i32
      %parallel_loop3A_685 = arith.extui %parallel_loop3A_684 : i1 to i32
      %parallel_loop3A_686 = arith.subi %parallel_loop3A_682, %parallel_loop3A_685 : i32
      %parallel_loop3A_687 = arith.constant 0 : i32
      %parallel_loop3A_688 = arith.cmpi sgt, %parallel_loop3A_678, %parallel_loop3A_687 : i32
      %parallel_loop3A_689 = arith.extui %parallel_loop3A_688 : i1 to i32
      %parallel_loop3A_690 = arith.constant 0 : i32
      %parallel_loop3A_691 = arith.cmpi slt, %parallel_loop3A_678, %parallel_loop3A_690 : i32
      %parallel_loop3A_692 = arith.extui %parallel_loop3A_691 : i1 to i32
      %parallel_loop3A_693 = arith.subi %parallel_loop3A_689, %parallel_loop3A_692 : i32
      %parallel_loop3A_694 = arith.cmpi ne, %parallel_loop3A_686, %parallel_loop3A_693 : i32
      %parallel_loop3A_695 = arith.remsi %parallel_loop3A_653, %parallel_loop3A_678 : i32
      %parallel_loop3A_696 = arith.constant 0 : i32
      %parallel_loop3A_697 = arith.cmpi ne, %parallel_loop3A_695, %parallel_loop3A_696 : i32
      %parallel_loop3A_698 = arith.andi %parallel_loop3A_694, %parallel_loop3A_697 : i1
      %parallel_loop3A_699 = arith.constant 1 : i32
      %parallel_loop3A_700 = arith.subi %parallel_loop3A_679, %parallel_loop3A_699 : i32
      %parallel_loop3A_701 = arith.select %parallel_loop3A_698, %parallel_loop3A_700, %parallel_loop3A_679 : i32
      %parallel_loop3A_702 = arith.constant 8 : i32
      %parallel_loop3A_703 = arith.constant 0 : i32
      %parallel_loop3A_704 = arith.cmpi eq, %parallel_loop3A_702, %parallel_loop3A_703 : i32
      %parallel_loop3A_705 = arith.constant 1 : i32
      %parallel_loop3A_706 = arith.select %parallel_loop3A_704, %parallel_loop3A_705, %parallel_loop3A_702 : i32
      %parallel_loop3A_707 = arith.remsi %parallel_loop3A_701, %parallel_loop3A_706 : i32
      %parallel_loop3A_708 = arith.constant 0 : i32
      %parallel_loop3A_709 = arith.cmpi ne, %parallel_loop3A_707, %parallel_loop3A_708 : i32
      %parallel_loop3A_710 = arith.constant 0 : i32
      %parallel_loop3A_711 = arith.cmpi slt, %parallel_loop3A_707, %parallel_loop3A_710 : i32
      %parallel_loop3A_712 = arith.constant 0 : i32
      %parallel_loop3A_713 = arith.cmpi slt, %parallel_loop3A_706, %parallel_loop3A_712 : i32
      %parallel_loop3A_714 = arith.xori %parallel_loop3A_711, %parallel_loop3A_713 : i1
      %parallel_loop3A_715 = arith.andi %parallel_loop3A_714, %parallel_loop3A_709 : i1
      %parallel_loop3A_716 = arith.addi %parallel_loop3A_707, %parallel_loop3A_706 : i32
      %parallel_loop3A_717 = arith.select %parallel_loop3A_715, %parallel_loop3A_716, %parallel_loop3A_707 : i32
      %parallel_loop3A_718 = arith.constant 8 : i32
      %parallel_loop3A_719 = arith.constant 0 : i32
      %parallel_loop3A_720 = arith.cmpi eq, %parallel_loop3A_718, %parallel_loop3A_719 : i32
      %parallel_loop3A_721 = arith.constant 1 : i32
      %parallel_loop3A_722 = arith.select %parallel_loop3A_720, %parallel_loop3A_721, %parallel_loop3A_718 : i32
      %parallel_loop3A_723 = arith.remsi %parallel_loop3A_653, %parallel_loop3A_722 : i32
      %parallel_loop3A_724 = arith.constant 0 : i32
      %parallel_loop3A_725 = arith.cmpi ne, %parallel_loop3A_723, %parallel_loop3A_724 : i32
      %parallel_loop3A_726 = arith.constant 0 : i32
      %parallel_loop3A_727 = arith.cmpi slt, %parallel_loop3A_723, %parallel_loop3A_726 : i32
      %parallel_loop3A_728 = arith.constant 0 : i32
      %parallel_loop3A_729 = arith.cmpi slt, %parallel_loop3A_722, %parallel_loop3A_728 : i32
      %parallel_loop3A_730 = arith.xori %parallel_loop3A_727, %parallel_loop3A_729 : i1
      %parallel_loop3A_731 = arith.andi %parallel_loop3A_730, %parallel_loop3A_725 : i1
      %parallel_loop3A_732 = arith.addi %parallel_loop3A_723, %parallel_loop3A_722 : i32
      %parallel_loop3A_733 = arith.select %parallel_loop3A_731, %parallel_loop3A_732, %parallel_loop3A_723 : i32
      %parallel_loop3A_734 = arith.constant 128 : i32
      %parallel_loop3A_735 = arith.muli %parallel_loop3A_677, %parallel_loop3A_734 : i32
      %parallel_loop3A_736 = arith.constant 16 : i32
      %parallel_loop3A_737 = arith.muli %parallel_loop3A_733, %parallel_loop3A_736 : i32
      %parallel_loop3A_738 = arith.addi %parallel_loop3A_735, %parallel_loop3A_737 : i32
      %parallel_loop3A_739 = arith.index_cast %parallel_loop3A_738 : i32 to index
      %parallel_loop3A_740 = tpu.vector_load %arg7[%parallel_loop3A_739] {strides = array<i32>} : memref<6272xi32, #tpu.memory_space<vmem>>, vector<16xi32>,
      %parallel_loop3A_741 = arith.constant 80 : i32
      %parallel_loop3A_742 = arith.addi %parallel_loop3A_741, %parallel_loop3A_717 : i32
      %parallel_loop3A_743 = arith.constant 32 : i32
      %parallel_loop3A_744 = arith.muli %parallel_loop3A_742, %parallel_loop3A_743 : i32
      %parallel_loop3A_745 = vector.broadcast %parallel_loop3A_744 : i32 to vector<16xi32>
      %parallel_loop3A_746 = arith.addi %parallel_loop3A_740, %parallel_loop3A_745 : vector<16xi32>
      %parallel_loop3A_747 = tpu.vector_load_idx %arg6[%parallel_loop3A_746] : memref<3072xf32, #tpu.memory_space<vmem>>[vector<16xi32>], vector<16xf32>,
      %parallel_loop3A_748 = arith.constant 16 : i32
      %parallel_loop3A_749 = arith.muli %parallel_loop3A_733, %parallel_loop3A_748 : i32
      %parallel_loop3A_750 = arith.index_cast %parallel_loop3A_677 : i32 to index
      %parallel_loop3A_751 = arith.index_cast %parallel_loop3A_717 : i32 to index
      %parallel_loop3A_752 = arith.index_cast %parallel_loop3A_749 : i32 to index
      %parallel_loop3A_753 = tpu.vector_load %arg8[%parallel_loop3A_750, %parallel_loop3A_751, %parallel_loop3A_752] {strides = array<i32>} : memref<49x8x128xf32, #tpu.memory_space<vmem>>, vector<16xf32>,
      %parallel_loop3A_754 = arith.addf %parallel_loop3A_753, %parallel_loop3A_747 : vector<16xf32>
      %parallel_loop3A_755 = arith.constant 16 : i32
      %parallel_loop3A_756 = arith.muli %parallel_loop3A_733, %parallel_loop3A_755 : i32
      %parallel_loop3A_757 = arith.index_cast %parallel_loop3A_677 : i32 to index
      %parallel_loop3A_758 = arith.index_cast %parallel_loop3A_717 : i32 to index
      %parallel_loop3A_759 = arith.index_cast %parallel_loop3A_756 : i32 to index
      %parallel_loop3A_760 = tpu.vector_load %arg8[%parallel_loop3A_757, %parallel_loop3A_758, %parallel_loop3A_759] {strides = array<i32>} : memref<49x8x128xf32, #tpu.memory_space<vmem>>, vector<16xf32>,
      tpu.vector_store %arg8[%parallel_loop3A_757, %parallel_loop3A_758, %parallel_loop3A_759], %parallel_loop3A_754 {strides = array<i32>} : memref<49x8x128xf32, #tpu.memory_space<vmem>>, vector<16xf32>,
    } {sc.loop_unroll_factor = 4 : i64, sc.parallel_access}
    %add3A_560 = arith.constant 9 : i32
    %add3A_561 = arith.addi %mul3A_7, %add3A_560 : i32
    %dma_wait3A_562 = arith.constant 0 : i32
    %dma_wait3A_563 = arith.constant 0 : i32
    %dma_wait3A_564 = arith.constant 0 : i32
    %dma_wait3A_565 = tpu.memref_slice %arg5[%add3A_561, %dma_wait3A_562, %dma_wait3A_563, %dma_wait3A_564] : memref<384x49x8x128xf32, #tpu.memory_space<hbm>> -> memref<1x49x8x128xf32, #tpu.memory_space<hbm>>
    %dma_wait3A_566 = tpu.memref_squeeze %dma_wait3A_565 : memref<1x49x8x128xf32, #tpu.memory_space<hbm>> -> memref<49x8x128xf32, #tpu.memory_space<hbm>>
    %dma_wait3A_567 = arith.constant 0 : i32
    %dma_wait3A_568 = arith.constant 0 : i32
    %dma_wait3A_569 = arith.constant 0 : i32
    %dma_wait3A_570 = tpu.memref_slice %arg5[%add3A_561, %dma_wait3A_567, %dma_wait3A_568, %dma_wait3A_569] : memref<384x49x8x128xf32, #tpu.memory_space<hbm>> -> memref<1x49x8x128xf32, #tpu.memory_space<hbm>>
    %dma_wait3A_571 = tpu.memref_squeeze %dma_wait3A_570 : memref<1x49x8x128xf32, #tpu.memory_space<hbm>> -> memref<49x8x128xf32, #tpu.memory_space<hbm>>
    tpu.wait_dma2 semaphore(%arg13 : memref<!tpu.dma_semaphore, #tpu.memory_space<semaphore_mem>>) src(%arg9 : memref<49x8x128xf32, #tpu.memory_space<vmem>>) dst(%dma_wait3A_571 : memref<49x8x128xf32, #tpu.memory_space<hbm>>)
    %add3A_572 = arith.constant 11 : i32
    %add3A_573 = arith.addi %mul3A_7, %add3A_572 : i32
    %dma_start3A_574 = arith.constant 0 : i32
    %dma_start3A_575 = arith.constant 0 : i32
    %dma_start3A_576 = arith.constant 0 : i32
    %dma_start3A_577 = tpu.memref_slice %arg2[%add3A_573, %dma_start3A_574, %dma_start3A_575, %dma_start3A_576] : memref<384x49x8x128xf32, #tpu.memory_space<hbm>> -> memref<1x49x8x128xf32, #tpu.memory_space<hbm>>
    %dma_start3A_578 = tpu.memref_squeeze %dma_start3A_577 : memref<1x49x8x128xf32, #tpu.memory_space<hbm>> -> memref<49x8x128xf32, #tpu.memory_space<hbm>>
    %dma_start3A_579 = arith.constant 0 : i32
    %dma_start3A_580 = arith.constant 0 : i32
    %dma_start3A_581 = arith.constant 0 : i32
    %dma_start3A_582 = tpu.memref_slice %arg2[%add3A_573, %dma_start3A_579, %dma_start3A_580, %dma_start3A_581] : memref<384x49x8x128xf32, #tpu.memory_space<hbm>> -> memref<1x49x8x128xf32, #tpu.memory_space<hbm>>
    %dma_start3A_583 = tpu.memref_squeeze %dma_start3A_582 : memref<1x49x8x128xf32, #tpu.memory_space<hbm>> -> memref<49x8x128xf32, #tpu.memory_space<hbm>>
    tpu.enqueue_dma source(%dma_start3A_583 : memref<49x8x128xf32, #tpu.memory_space<hbm>>) target(%arg9 : memref<49x8x128xf32, #tpu.memory_space<vmem>>) target_semaphore(%arg11 : memref<!tpu.dma_semaphore, #tpu.memory_space<semaphore_mem>>)
    %parallel_loop3A_584 = arith.constant 1568 : i32
    %parallel_loop3A_585 = arith.constant 3136 : i32
    %parallel_loop3A_586 = arith.constant 1 : i32
    scf.for %parallel_loop3A_653 = %parallel_loop3A_584 to %parallel_loop3A_585 step %parallel_loop3A_586  : i32 {
      %parallel_loop3A_654 = arith.constant 64 : i32
      %parallel_loop3A_655 = arith.divsi %parallel_loop3A_653, %parallel_loop3A_654 : i32
      %parallel_loop3A_656 = arith.constant 0 : i32
      %parallel_loop3A_657 = arith.cmpi sgt, %parallel_loop3A_653, %parallel_loop3A_656 : i32
      %parallel_loop3A_658 = arith.extui %parallel_loop3A_657 : i1 to i32
      %parallel_loop3A_659 = arith.constant 0 : i32
      %parallel_loop3A_660 = arith.cmpi slt, %parallel_loop3A_653, %parallel_loop3A_659 : i32
      %parallel_loop3A_661 = arith.extui %parallel_loop3A_660 : i1 to i32
      %parallel_loop3A_662 = arith.subi %parallel_loop3A_658, %parallel_loop3A_661 : i32
      %parallel_loop3A_663 = arith.constant 0 : i32
      %parallel_loop3A_664 = arith.cmpi sgt, %parallel_loop3A_654, %parallel_loop3A_663 : i32
      %parallel_loop3A_665 = arith.extui %parallel_loop3A_664 : i1 to i32
      %parallel_loop3A_666 = arith.constant 0 : i32
      %parallel_loop3A_667 = arith.cmpi slt, %parallel_loop3A_654, %parallel_loop3A_666 : i32
      %parallel_loop3A_668 = arith.extui %parallel_loop3A_667 : i1 to i32
      %parallel_loop3A_669 = arith.subi %parallel_loop3A_665, %parallel_loop3A_668 : i32
      %parallel_loop3A_670 = arith.cmpi ne, %parallel_loop3A_662, %parallel_loop3A_669 : i32
      %parallel_loop3A_671 = arith.remsi %parallel_loop3A_653, %parallel_loop3A_654 : i32
      %parallel_loop3A_672 = arith.constant 0 : i32
      %parallel_loop3A_673 = arith.cmpi ne, %parallel_loop3A_671, %parallel_loop3A_672 : i32
      %parallel_loop3A_674 = arith.andi %parallel_loop3A_670, %parallel_loop3A_673 : i1
      %parallel_loop3A_675 = arith.constant 1 : i32
      %parallel_loop3A_676 = arith.subi %parallel_loop3A_655, %parallel_loop3A_675 : i32
      %parallel_loop3A_677 = arith.select %parallel_loop3A_674, %parallel_loop3A_676, %parallel_loop3A_655 : i32
      %parallel_loop3A_678 = arith.constant 8 : i32
      %parallel_loop3A_679 = arith.divsi %parallel_loop3A_653, %parallel_loop3A_678 : i32
      %parallel_loop3A_680 = arith.constant 0 : i32
      %parallel_loop3A_681 = arith.cmpi sgt, %parallel_loop3A_653, %parallel_loop3A_680 : i32
      %parallel_loop3A_682 = arith.extui %parallel_loop3A_681 : i1 to i32
      %parallel_loop3A_683 = arith.constant 0 : i32
      %parallel_loop3A_684 = arith.cmpi slt, %parallel_loop3A_653, %parallel_loop3A_683 : i32
      %parallel_loop3A_685 = arith.extui %parallel_loop3A_684 : i1 to i32
      %parallel_loop3A_686 = arith.subi %parallel_loop3A_682, %parallel_loop3A_685 : i32
      %parallel_loop3A_687 = arith.constant 0 : i32
      %parallel_loop3A_688 = arith.cmpi sgt, %parallel_loop3A_678, %parallel_loop3A_687 : i32
      %parallel_loop3A_689 = arith.extui %parallel_loop3A_688 : i1 to i32
      %parallel_loop3A_690 = arith.constant 0 : i32
      %parallel_loop3A_691 = arith.cmpi slt, %parallel_loop3A_678, %parallel_loop3A_690 : i32
      %parallel_loop3A_692 = arith.extui %parallel_loop3A_691 : i1 to i32
      %parallel_loop3A_693 = arith.subi %parallel_loop3A_689, %parallel_loop3A_692 : i32
      %parallel_loop3A_694 = arith.cmpi ne, %parallel_loop3A_686, %parallel_loop3A_693 : i32
      %parallel_loop3A_695 = arith.remsi %parallel_loop3A_653, %parallel_loop3A_678 : i32
      %parallel_loop3A_696 = arith.constant 0 : i32
      %parallel_loop3A_697 = arith.cmpi ne, %parallel_loop3A_695, %parallel_loop3A_696 : i32
      %parallel_loop3A_698 = arith.andi %parallel_loop3A_694, %parallel_loop3A_697 : i1
      %parallel_loop3A_699 = arith.constant 1 : i32
      %parallel_loop3A_700 = arith.subi %parallel_loop3A_679, %parallel_loop3A_699 : i32
      %parallel_loop3A_701 = arith.select %parallel_loop3A_698, %parallel_loop3A_700, %parallel_loop3A_679 : i32
      %parallel_loop3A_702 = arith.constant 8 : i32
      %parallel_loop3A_703 = arith.constant 0 : i32
      %parallel_loop3A_704 = arith.cmpi eq, %parallel_loop3A_702, %parallel_loop3A_703 : i32
      %parallel_loop3A_705 = arith.constant 1 : i32
      %parallel_loop3A_706 = arith.select %parallel_loop3A_704, %parallel_loop3A_705, %parallel_loop3A_702 : i32
      %parallel_loop3A_707 = arith.remsi %parallel_loop3A_701, %parallel_loop3A_706 : i32
      %parallel_loop3A_708 = arith.constant 0 : i32
      %parallel_loop3A_709 = arith.cmpi ne, %parallel_loop3A_707, %parallel_loop3A_708 : i32
      %parallel_loop3A_710 = arith.constant 0 : i32
      %parallel_loop3A_711 = arith.cmpi slt, %parallel_loop3A_707, %parallel_loop3A_710 : i32
      %parallel_loop3A_712 = arith.constant 0 : i32
      %parallel_loop3A_713 = arith.cmpi slt, %parallel_loop3A_706, %parallel_loop3A_712 : i32
      %parallel_loop3A_714 = arith.xori %parallel_loop3A_711, %parallel_loop3A_713 : i1
      %parallel_loop3A_715 = arith.andi %parallel_loop3A_714, %parallel_loop3A_709 : i1
      %parallel_loop3A_716 = arith.addi %parallel_loop3A_707, %parallel_loop3A_706 : i32
      %parallel_loop3A_717 = arith.select %parallel_loop3A_715, %parallel_loop3A_716, %parallel_loop3A_707 : i32
      %parallel_loop3A_718 = arith.constant 8 : i32
      %parallel_loop3A_719 = arith.constant 0 : i32
      %parallel_loop3A_720 = arith.cmpi eq, %parallel_loop3A_718, %parallel_loop3A_719 : i32
      %parallel_loop3A_721 = arith.constant 1 : i32
      %parallel_loop3A_722 = arith.select %parallel_loop3A_720, %parallel_loop3A_721, %parallel_loop3A_718 : i32
      %parallel_loop3A_723 = arith.remsi %parallel_loop3A_653, %parallel_loop3A_722 : i32
      %parallel_loop3A_724 = arith.constant 0 : i32
      %parallel_loop3A_725 = arith.cmpi ne, %parallel_loop3A_723, %parallel_loop3A_724 : i32
      %parallel_loop3A_726 = arith.constant 0 : i32
      %parallel_loop3A_727 = arith.cmpi slt, %parallel_loop3A_723, %parallel_loop3A_726 : i32
      %parallel_loop3A_728 = arith.constant 0 : i32
      %parallel_loop3A_729 = arith.cmpi slt, %parallel_loop3A_722, %parallel_loop3A_728 : i32
      %parallel_loop3A_730 = arith.xori %parallel_loop3A_727, %parallel_loop3A_729 : i1
      %parallel_loop3A_731 = arith.andi %parallel_loop3A_730, %parallel_loop3A_725 : i1
      %parallel_loop3A_732 = arith.addi %parallel_loop3A_723, %parallel_loop3A_722 : i32
      %parallel_loop3A_733 = arith.select %parallel_loop3A_731, %parallel_loop3A_732, %parallel_loop3A_723 : i32
      %parallel_loop3A_734 = arith.constant 128 : i32
      %parallel_loop3A_735 = arith.muli %parallel_loop3A_677, %parallel_loop3A_734 : i32
      %parallel_loop3A_736 = arith.constant 16 : i32
      %parallel_loop3A_737 = arith.muli %parallel_loop3A_733, %parallel_loop3A_736 : i32
      %parallel_loop3A_738 = arith.addi %parallel_loop3A_735, %parallel_loop3A_737 : i32
      %parallel_loop3A_739 = arith.index_cast %parallel_loop3A_738 : i32 to index
      %parallel_loop3A_740 = tpu.vector_load %arg7[%parallel_loop3A_739] {strides = array<i32>} : memref<6272xi32, #tpu.memory_space<vmem>>, vector<16xi32>,
      %parallel_loop3A_741 = arith.constant 80 : i32
      %parallel_loop3A_742 = arith.addi %parallel_loop3A_741, %parallel_loop3A_717 : i32
      %parallel_loop3A_743 = arith.constant 32 : i32
      %parallel_loop3A_744 = arith.muli %parallel_loop3A_742, %parallel_loop3A_743 : i32
      %parallel_loop3A_745 = vector.broadcast %parallel_loop3A_744 : i32 to vector<16xi32>
      %parallel_loop3A_746 = arith.addi %parallel_loop3A_740, %parallel_loop3A_745 : vector<16xi32>
      %parallel_loop3A_747 = tpu.vector_load_idx %arg6[%parallel_loop3A_746] : memref<3072xf32, #tpu.memory_space<vmem>>[vector<16xi32>], vector<16xf32>,
      %parallel_loop3A_748 = arith.constant 16 : i32
      %parallel_loop3A_749 = arith.muli %parallel_loop3A_733, %parallel_loop3A_748 : i32
      %parallel_loop3A_750 = arith.index_cast %parallel_loop3A_677 : i32 to index
      %parallel_loop3A_751 = arith.index_cast %parallel_loop3A_717 : i32 to index
      %parallel_loop3A_752 = arith.index_cast %parallel_loop3A_749 : i32 to index
      %parallel_loop3A_753 = tpu.vector_load %arg8[%parallel_loop3A_750, %parallel_loop3A_751, %parallel_loop3A_752] {strides = array<i32>} : memref<49x8x128xf32, #tpu.memory_space<vmem>>, vector<16xf32>,
      %parallel_loop3A_754 = arith.addf %parallel_loop3A_753, %parallel_loop3A_747 : vector<16xf32>
      %parallel_loop3A_755 = arith.constant 16 : i32
      %parallel_loop3A_756 = arith.muli %parallel_loop3A_733, %parallel_loop3A_755 : i32
      %parallel_loop3A_757 = arith.index_cast %parallel_loop3A_677 : i32 to index
      %parallel_loop3A_758 = arith.index_cast %parallel_loop3A_717 : i32 to index
      %parallel_loop3A_759 = arith.index_cast %parallel_loop3A_756 : i32 to index
      %parallel_loop3A_760 = tpu.vector_load %arg8[%parallel_loop3A_757, %parallel_loop3A_758, %parallel_loop3A_759] {strides = array<i32>} : memref<49x8x128xf32, #tpu.memory_space<vmem>>, vector<16xf32>,
      tpu.vector_store %arg8[%parallel_loop3A_757, %parallel_loop3A_758, %parallel_loop3A_759], %parallel_loop3A_754 {strides = array<i32>} : memref<49x8x128xf32, #tpu.memory_space<vmem>>, vector<16xf32>,
    } {sc.loop_unroll_factor = 4 : i64, sc.parallel_access}
    %add3A_587 = arith.constant 10 : i32
    %add3A_588 = arith.addi %mul3A_7, %add3A_587 : i32
    %dma_start3A_589 = arith.constant 0 : i32
    %dma_start3A_590 = arith.constant 0 : i32
    %dma_start3A_591 = arith.constant 0 : i32
    %dma_start3A_592 = tpu.memref_slice %arg5[%add3A_588, %dma_start3A_589, %dma_start3A_590, %dma_start3A_591] : memref<384x49x8x128xf32, #tpu.memory_space<hbm>> -> memref<1x49x8x128xf32, #tpu.memory_space<hbm>>
    %dma_start3A_593 = tpu.memref_squeeze %dma_start3A_592 : memref<1x49x8x128xf32, #tpu.memory_space<hbm>> -> memref<49x8x128xf32, #tpu.memory_space<hbm>>
    %dma_start3A_594 = arith.constant 0 : i32
    %dma_start3A_595 = arith.constant 0 : i32
    %dma_start3A_596 = arith.constant 0 : i32
    %dma_start3A_597 = tpu.memref_slice %arg5[%add3A_588, %dma_start3A_594, %dma_start3A_595, %dma_start3A_596] : memref<384x49x8x128xf32, #tpu.memory_space<hbm>> -> memref<1x49x8x128xf32, #tpu.memory_space<hbm>>
    %dma_start3A_598 = tpu.memref_squeeze %dma_start3A_597 : memref<1x49x8x128xf32, #tpu.memory_space<hbm>> -> memref<49x8x128xf32, #tpu.memory_space<hbm>>
    tpu.enqueue_dma source(%arg8 : memref<49x8x128xf32, #tpu.memory_space<vmem>>) target(%dma_start3A_598 : memref<49x8x128xf32, #tpu.memory_space<hbm>>) target_semaphore(%arg12 : memref<!tpu.dma_semaphore, #tpu.memory_space<semaphore_mem>>)
    %add3A_599 = arith.constant 11 : i32
    %add3A_600 = arith.addi %mul3A_7, %add3A_599 : i32
    %dma_wait3A_601 = arith.constant 0 : i32
    %dma_wait3A_602 = arith.constant 0 : i32
    %dma_wait3A_603 = arith.constant 0 : i32
    %dma_wait3A_604 = tpu.memref_slice %arg2[%add3A_600, %dma_wait3A_601, %dma_wait3A_602, %dma_wait3A_603] : memref<384x49x8x128xf32, #tpu.memory_space<hbm>> -> memref<1x49x8x128xf32, #tpu.memory_space<hbm>>
    %dma_wait3A_605 = tpu.memref_squeeze %dma_wait3A_604 : memref<1x49x8x128xf32, #tpu.memory_space<hbm>> -> memref<49x8x128xf32, #tpu.memory_space<hbm>>
    %dma_wait3A_606 = arith.constant 0 : i32
    %dma_wait3A_607 = arith.constant 0 : i32
    %dma_wait3A_608 = arith.constant 0 : i32
    %dma_wait3A_609 = tpu.memref_slice %arg2[%add3A_600, %dma_wait3A_606, %dma_wait3A_607, %dma_wait3A_608] : memref<384x49x8x128xf32, #tpu.memory_space<hbm>> -> memref<1x49x8x128xf32, #tpu.memory_space<hbm>>
    %dma_wait3A_610 = tpu.memref_squeeze %dma_wait3A_609 : memref<1x49x8x128xf32, #tpu.memory_space<hbm>> -> memref<49x8x128xf32, #tpu.memory_space<hbm>>
    tpu.wait_dma2 semaphore(%arg11 : memref<!tpu.dma_semaphore, #tpu.memory_space<semaphore_mem>>) src(%dma_wait3A_610 : memref<49x8x128xf32, #tpu.memory_space<hbm>>) dst(%arg9 : memref<49x8x128xf32, #tpu.memory_space<vmem>>)
    %parallel_loop3A_611 = arith.constant 0 : i32
    %parallel_loop3A_612 = arith.constant 1568 : i32
    %parallel_loop3A_613 = arith.constant 1 : i32
    scf.for %parallel_loop3A_653 = %parallel_loop3A_611 to %parallel_loop3A_612 step %parallel_loop3A_613  : i32 {
      %parallel_loop3A_654 = arith.constant 64 : i32
      %parallel_loop3A_655 = arith.divsi %parallel_loop3A_653, %parallel_loop3A_654 : i32
      %parallel_loop3A_656 = arith.constant 0 : i32
      %parallel_loop3A_657 = arith.cmpi sgt, %parallel_loop3A_653, %parallel_loop3A_656 : i32
      %parallel_loop3A_658 = arith.extui %parallel_loop3A_657 : i1 to i32
      %parallel_loop3A_659 = arith.constant 0 : i32
      %parallel_loop3A_660 = arith.cmpi slt, %parallel_loop3A_653, %parallel_loop3A_659 : i32
      %parallel_loop3A_661 = arith.extui %parallel_loop3A_660 : i1 to i32
      %parallel_loop3A_662 = arith.subi %parallel_loop3A_658, %parallel_loop3A_661 : i32
      %parallel_loop3A_663 = arith.constant 0 : i32
      %parallel_loop3A_664 = arith.cmpi sgt, %parallel_loop3A_654, %parallel_loop3A_663 : i32
      %parallel_loop3A_665 = arith.extui %parallel_loop3A_664 : i1 to i32
      %parallel_loop3A_666 = arith.constant 0 : i32
      %parallel_loop3A_667 = arith.cmpi slt, %parallel_loop3A_654, %parallel_loop3A_666 : i32
      %parallel_loop3A_668 = arith.extui %parallel_loop3A_667 : i1 to i32
      %parallel_loop3A_669 = arith.subi %parallel_loop3A_665, %parallel_loop3A_668 : i32
      %parallel_loop3A_670 = arith.cmpi ne, %parallel_loop3A_662, %parallel_loop3A_669 : i32
      %parallel_loop3A_671 = arith.remsi %parallel_loop3A_653, %parallel_loop3A_654 : i32
      %parallel_loop3A_672 = arith.constant 0 : i32
      %parallel_loop3A_673 = arith.cmpi ne, %parallel_loop3A_671, %parallel_loop3A_672 : i32
      %parallel_loop3A_674 = arith.andi %parallel_loop3A_670, %parallel_loop3A_673 : i1
      %parallel_loop3A_675 = arith.constant 1 : i32
      %parallel_loop3A_676 = arith.subi %parallel_loop3A_655, %parallel_loop3A_675 : i32
      %parallel_loop3A_677 = arith.select %parallel_loop3A_674, %parallel_loop3A_676, %parallel_loop3A_655 : i32
      %parallel_loop3A_678 = arith.constant 8 : i32
      %parallel_loop3A_679 = arith.divsi %parallel_loop3A_653, %parallel_loop3A_678 : i32
      %parallel_loop3A_680 = arith.constant 0 : i32
      %parallel_loop3A_681 = arith.cmpi sgt, %parallel_loop3A_653, %parallel_loop3A_680 : i32
      %parallel_loop3A_682 = arith.extui %parallel_loop3A_681 : i1 to i32
      %parallel_loop3A_683 = arith.constant 0 : i32
      %parallel_loop3A_684 = arith.cmpi slt, %parallel_loop3A_653, %parallel_loop3A_683 : i32
      %parallel_loop3A_685 = arith.extui %parallel_loop3A_684 : i1 to i32
      %parallel_loop3A_686 = arith.subi %parallel_loop3A_682, %parallel_loop3A_685 : i32
      %parallel_loop3A_687 = arith.constant 0 : i32
      %parallel_loop3A_688 = arith.cmpi sgt, %parallel_loop3A_678, %parallel_loop3A_687 : i32
      %parallel_loop3A_689 = arith.extui %parallel_loop3A_688 : i1 to i32
      %parallel_loop3A_690 = arith.constant 0 : i32
      %parallel_loop3A_691 = arith.cmpi slt, %parallel_loop3A_678, %parallel_loop3A_690 : i32
      %parallel_loop3A_692 = arith.extui %parallel_loop3A_691 : i1 to i32
      %parallel_loop3A_693 = arith.subi %parallel_loop3A_689, %parallel_loop3A_692 : i32
      %parallel_loop3A_694 = arith.cmpi ne, %parallel_loop3A_686, %parallel_loop3A_693 : i32
      %parallel_loop3A_695 = arith.remsi %parallel_loop3A_653, %parallel_loop3A_678 : i32
      %parallel_loop3A_696 = arith.constant 0 : i32
      %parallel_loop3A_697 = arith.cmpi ne, %parallel_loop3A_695, %parallel_loop3A_696 : i32
      %parallel_loop3A_698 = arith.andi %parallel_loop3A_694, %parallel_loop3A_697 : i1
      %parallel_loop3A_699 = arith.constant 1 : i32
      %parallel_loop3A_700 = arith.subi %parallel_loop3A_679, %parallel_loop3A_699 : i32
      %parallel_loop3A_701 = arith.select %parallel_loop3A_698, %parallel_loop3A_700, %parallel_loop3A_679 : i32
      %parallel_loop3A_702 = arith.constant 8 : i32
      %parallel_loop3A_703 = arith.constant 0 : i32
      %parallel_loop3A_704 = arith.cmpi eq, %parallel_loop3A_702, %parallel_loop3A_703 : i32
      %parallel_loop3A_705 = arith.constant 1 : i32
      %parallel_loop3A_706 = arith.select %parallel_loop3A_704, %parallel_loop3A_705, %parallel_loop3A_702 : i32
      %parallel_loop3A_707 = arith.remsi %parallel_loop3A_701, %parallel_loop3A_706 : i32
      %parallel_loop3A_708 = arith.constant 0 : i32
      %parallel_loop3A_709 = arith.cmpi ne, %parallel_loop3A_707, %parallel_loop3A_708 : i32
      %parallel_loop3A_710 = arith.constant 0 : i32
      %parallel_loop3A_711 = arith.cmpi slt, %parallel_loop3A_707, %parallel_loop3A_710 : i32
      %parallel_loop3A_712 = arith.constant 0 : i32
      %parallel_loop3A_713 = arith.cmpi slt, %parallel_loop3A_706, %parallel_loop3A_712 : i32
      %parallel_loop3A_714 = arith.xori %parallel_loop3A_711, %parallel_loop3A_713 : i1
      %parallel_loop3A_715 = arith.andi %parallel_loop3A_714, %parallel_loop3A_709 : i1
      %parallel_loop3A_716 = arith.addi %parallel_loop3A_707, %parallel_loop3A_706 : i32
      %parallel_loop3A_717 = arith.select %parallel_loop3A_715, %parallel_loop3A_716, %parallel_loop3A_707 : i32
      %parallel_loop3A_718 = arith.constant 8 : i32
      %parallel_loop3A_719 = arith.constant 0 : i32
      %parallel_loop3A_720 = arith.cmpi eq, %parallel_loop3A_718, %parallel_loop3A_719 : i32
      %parallel_loop3A_721 = arith.constant 1 : i32
      %parallel_loop3A_722 = arith.select %parallel_loop3A_720, %parallel_loop3A_721, %parallel_loop3A_718 : i32
      %parallel_loop3A_723 = arith.remsi %parallel_loop3A_653, %parallel_loop3A_722 : i32
      %parallel_loop3A_724 = arith.constant 0 : i32
      %parallel_loop3A_725 = arith.cmpi ne, %parallel_loop3A_723, %parallel_loop3A_724 : i32
      %parallel_loop3A_726 = arith.constant 0 : i32
      %parallel_loop3A_727 = arith.cmpi slt, %parallel_loop3A_723, %parallel_loop3A_726 : i32
      %parallel_loop3A_728 = arith.constant 0 : i32
      %parallel_loop3A_729 = arith.cmpi slt, %parallel_loop3A_722, %parallel_loop3A_728 : i32
      %parallel_loop3A_730 = arith.xori %parallel_loop3A_727, %parallel_loop3A_729 : i1
      %parallel_loop3A_731 = arith.andi %parallel_loop3A_730, %parallel_loop3A_725 : i1
      %parallel_loop3A_732 = arith.addi %parallel_loop3A_723, %parallel_loop3A_722 : i32
      %parallel_loop3A_733 = arith.select %parallel_loop3A_731, %parallel_loop3A_732, %parallel_loop3A_723 : i32
      %parallel_loop3A_734 = arith.constant 128 : i32
      %parallel_loop3A_735 = arith.muli %parallel_loop3A_677, %parallel_loop3A_734 : i32
      %parallel_loop3A_736 = arith.constant 16 : i32
      %parallel_loop3A_737 = arith.muli %parallel_loop3A_733, %parallel_loop3A_736 : i32
      %parallel_loop3A_738 = arith.addi %parallel_loop3A_735, %parallel_loop3A_737 : i32
      %parallel_loop3A_739 = arith.index_cast %parallel_loop3A_738 : i32 to index
      %parallel_loop3A_740 = tpu.vector_load %arg7[%parallel_loop3A_739] {strides = array<i32>} : memref<6272xi32, #tpu.memory_space<vmem>>, vector<16xi32>,
      %parallel_loop3A_741 = arith.constant 88 : i32
      %parallel_loop3A_742 = arith.addi %parallel_loop3A_741, %parallel_loop3A_717 : i32
      %parallel_loop3A_743 = arith.constant 32 : i32
      %parallel_loop3A_744 = arith.muli %parallel_loop3A_742, %parallel_loop3A_743 : i32
      %parallel_loop3A_745 = vector.broadcast %parallel_loop3A_744 : i32 to vector<16xi32>
      %parallel_loop3A_746 = arith.addi %parallel_loop3A_740, %parallel_loop3A_745 : vector<16xi32>
      %parallel_loop3A_747 = tpu.vector_load_idx %arg6[%parallel_loop3A_746] : memref<3072xf32, #tpu.memory_space<vmem>>[vector<16xi32>], vector<16xf32>,
      %parallel_loop3A_748 = arith.constant 16 : i32
      %parallel_loop3A_749 = arith.muli %parallel_loop3A_733, %parallel_loop3A_748 : i32
      %parallel_loop3A_750 = arith.index_cast %parallel_loop3A_677 : i32 to index
      %parallel_loop3A_751 = arith.index_cast %parallel_loop3A_717 : i32 to index
      %parallel_loop3A_752 = arith.index_cast %parallel_loop3A_749 : i32 to index
      %parallel_loop3A_753 = tpu.vector_load %arg9[%parallel_loop3A_750, %parallel_loop3A_751, %parallel_loop3A_752] {strides = array<i32>} : memref<49x8x128xf32, #tpu.memory_space<vmem>>, vector<16xf32>,
      %parallel_loop3A_754 = arith.addf %parallel_loop3A_753, %parallel_loop3A_747 : vector<16xf32>
      %parallel_loop3A_755 = arith.constant 16 : i32
      %parallel_loop3A_756 = arith.muli %parallel_loop3A_733, %parallel_loop3A_755 : i32
      %parallel_loop3A_757 = arith.index_cast %parallel_loop3A_677 : i32 to index
      %parallel_loop3A_758 = arith.index_cast %parallel_loop3A_717 : i32 to index
      %parallel_loop3A_759 = arith.index_cast %parallel_loop3A_756 : i32 to index
      %parallel_loop3A_760 = tpu.vector_load %arg9[%parallel_loop3A_757, %parallel_loop3A_758, %parallel_loop3A_759] {strides = array<i32>} : memref<49x8x128xf32, #tpu.memory_space<vmem>>, vector<16xf32>,
      tpu.vector_store %arg9[%parallel_loop3A_757, %parallel_loop3A_758, %parallel_loop3A_759], %parallel_loop3A_754 {strides = array<i32>} : memref<49x8x128xf32, #tpu.memory_space<vmem>>, vector<16xf32>,
    } {sc.loop_unroll_factor = 4 : i64, sc.parallel_access}
    %parallel_loop3A_614 = arith.constant 1568 : i32
    %parallel_loop3A_615 = arith.constant 3136 : i32
    %parallel_loop3A_616 = arith.constant 1 : i32
    scf.for %parallel_loop3A_653 = %parallel_loop3A_614 to %parallel_loop3A_615 step %parallel_loop3A_616  : i32 {
      %parallel_loop3A_654 = arith.constant 64 : i32
      %parallel_loop3A_655 = arith.divsi %parallel_loop3A_653, %parallel_loop3A_654 : i32
      %parallel_loop3A_656 = arith.constant 0 : i32
      %parallel_loop3A_657 = arith.cmpi sgt, %parallel_loop3A_653, %parallel_loop3A_656 : i32
      %parallel_loop3A_658 = arith.extui %parallel_loop3A_657 : i1 to i32
      %parallel_loop3A_659 = arith.constant 0 : i32
      %parallel_loop3A_660 = arith.cmpi slt, %parallel_loop3A_653, %parallel_loop3A_659 : i32
      %parallel_loop3A_661 = arith.extui %parallel_loop3A_660 : i1 to i32
      %parallel_loop3A_662 = arith.subi %parallel_loop3A_658, %parallel_loop3A_661 : i32
      %parallel_loop3A_663 = arith.constant 0 : i32
      %parallel_loop3A_664 = arith.cmpi sgt, %parallel_loop3A_654, %parallel_loop3A_663 : i32
      %parallel_loop3A_665 = arith.extui %parallel_loop3A_664 : i1 to i32
      %parallel_loop3A_666 = arith.constant 0 : i32
      %parallel_loop3A_667 = arith.cmpi slt, %parallel_loop3A_654, %parallel_loop3A_666 : i32
      %parallel_loop3A_668 = arith.extui %parallel_loop3A_667 : i1 to i32
      %parallel_loop3A_669 = arith.subi %parallel_loop3A_665, %parallel_loop3A_668 : i32
      %parallel_loop3A_670 = arith.cmpi ne, %parallel_loop3A_662, %parallel_loop3A_669 : i32
      %parallel_loop3A_671 = arith.remsi %parallel_loop3A_653, %parallel_loop3A_654 : i32
      %parallel_loop3A_672 = arith.constant 0 : i32
      %parallel_loop3A_673 = arith.cmpi ne, %parallel_loop3A_671, %parallel_loop3A_672 : i32
      %parallel_loop3A_674 = arith.andi %parallel_loop3A_670, %parallel_loop3A_673 : i1
      %parallel_loop3A_675 = arith.constant 1 : i32
      %parallel_loop3A_676 = arith.subi %parallel_loop3A_655, %parallel_loop3A_675 : i32
      %parallel_loop3A_677 = arith.select %parallel_loop3A_674, %parallel_loop3A_676, %parallel_loop3A_655 : i32
      %parallel_loop3A_678 = arith.constant 8 : i32
      %parallel_loop3A_679 = arith.divsi %parallel_loop3A_653, %parallel_loop3A_678 : i32
      %parallel_loop3A_680 = arith.constant 0 : i32
      %parallel_loop3A_681 = arith.cmpi sgt, %parallel_loop3A_653, %parallel_loop3A_680 : i32
      %parallel_loop3A_682 = arith.extui %parallel_loop3A_681 : i1 to i32
      %parallel_loop3A_683 = arith.constant 0 : i32
      %parallel_loop3A_684 = arith.cmpi slt, %parallel_loop3A_653, %parallel_loop3A_683 : i32
      %parallel_loop3A_685 = arith.extui %parallel_loop3A_684 : i1 to i32
      %parallel_loop3A_686 = arith.subi %parallel_loop3A_682, %parallel_loop3A_685 : i32
      %parallel_loop3A_687 = arith.constant 0 : i32
      %parallel_loop3A_688 = arith.cmpi sgt, %parallel_loop3A_678, %parallel_loop3A_687 : i32
      %parallel_loop3A_689 = arith.extui %parallel_loop3A_688 : i1 to i32
      %parallel_loop3A_690 = arith.constant 0 : i32
      %parallel_loop3A_691 = arith.cmpi slt, %parallel_loop3A_678, %parallel_loop3A_690 : i32
      %parallel_loop3A_692 = arith.extui %parallel_loop3A_691 : i1 to i32
      %parallel_loop3A_693 = arith.subi %parallel_loop3A_689, %parallel_loop3A_692 : i32
      %parallel_loop3A_694 = arith.cmpi ne, %parallel_loop3A_686, %parallel_loop3A_693 : i32
      %parallel_loop3A_695 = arith.remsi %parallel_loop3A_653, %parallel_loop3A_678 : i32
      %parallel_loop3A_696 = arith.constant 0 : i32
      %parallel_loop3A_697 = arith.cmpi ne, %parallel_loop3A_695, %parallel_loop3A_696 : i32
      %parallel_loop3A_698 = arith.andi %parallel_loop3A_694, %parallel_loop3A_697 : i1
      %parallel_loop3A_699 = arith.constant 1 : i32
      %parallel_loop3A_700 = arith.subi %parallel_loop3A_679, %parallel_loop3A_699 : i32
      %parallel_loop3A_701 = arith.select %parallel_loop3A_698, %parallel_loop3A_700, %parallel_loop3A_679 : i32
      %parallel_loop3A_702 = arith.constant 8 : i32
      %parallel_loop3A_703 = arith.constant 0 : i32
      %parallel_loop3A_704 = arith.cmpi eq, %parallel_loop3A_702, %parallel_loop3A_703 : i32
      %parallel_loop3A_705 = arith.constant 1 : i32
      %parallel_loop3A_706 = arith.select %parallel_loop3A_704, %parallel_loop3A_705, %parallel_loop3A_702 : i32
      %parallel_loop3A_707 = arith.remsi %parallel_loop3A_701, %parallel_loop3A_706 : i32
      %parallel_loop3A_708 = arith.constant 0 : i32
      %parallel_loop3A_709 = arith.cmpi ne, %parallel_loop3A_707, %parallel_loop3A_708 : i32
      %parallel_loop3A_710 = arith.constant 0 : i32
      %parallel_loop3A_711 = arith.cmpi slt, %parallel_loop3A_707, %parallel_loop3A_710 : i32
      %parallel_loop3A_712 = arith.constant 0 : i32
      %parallel_loop3A_713 = arith.cmpi slt, %parallel_loop3A_706, %parallel_loop3A_712 : i32
      %parallel_loop3A_714 = arith.xori %parallel_loop3A_711, %parallel_loop3A_713 : i1
      %parallel_loop3A_715 = arith.andi %parallel_loop3A_714, %parallel_loop3A_709 : i1
      %parallel_loop3A_716 = arith.addi %parallel_loop3A_707, %parallel_loop3A_706 : i32
      %parallel_loop3A_717 = arith.select %parallel_loop3A_715, %parallel_loop3A_716, %parallel_loop3A_707 : i32
      %parallel_loop3A_718 = arith.constant 8 : i32
      %parallel_loop3A_719 = arith.constant 0 : i32
      %parallel_loop3A_720 = arith.cmpi eq, %parallel_loop3A_718, %parallel_loop3A_719 : i32
      %parallel_loop3A_721 = arith.constant 1 : i32
      %parallel_loop3A_722 = arith.select %parallel_loop3A_720, %parallel_loop3A_721, %parallel_loop3A_718 : i32
      %parallel_loop3A_723 = arith.remsi %parallel_loop3A_653, %parallel_loop3A_722 : i32
      %parallel_loop3A_724 = arith.constant 0 : i32
      %parallel_loop3A_725 = arith.cmpi ne, %parallel_loop3A_723, %parallel_loop3A_724 : i32
      %parallel_loop3A_726 = arith.constant 0 : i32
      %parallel_loop3A_727 = arith.cmpi slt, %parallel_loop3A_723, %parallel_loop3A_726 : i32
      %parallel_loop3A_728 = arith.constant 0 : i32
      %parallel_loop3A_729 = arith.cmpi slt, %parallel_loop3A_722, %parallel_loop3A_728 : i32
      %parallel_loop3A_730 = arith.xori %parallel_loop3A_727, %parallel_loop3A_729 : i1
      %parallel_loop3A_731 = arith.andi %parallel_loop3A_730, %parallel_loop3A_725 : i1
      %parallel_loop3A_732 = arith.addi %parallel_loop3A_723, %parallel_loop3A_722 : i32
      %parallel_loop3A_733 = arith.select %parallel_loop3A_731, %parallel_loop3A_732, %parallel_loop3A_723 : i32
      %parallel_loop3A_734 = arith.constant 128 : i32
      %parallel_loop3A_735 = arith.muli %parallel_loop3A_677, %parallel_loop3A_734 : i32
      %parallel_loop3A_736 = arith.constant 16 : i32
      %parallel_loop3A_737 = arith.muli %parallel_loop3A_733, %parallel_loop3A_736 : i32
      %parallel_loop3A_738 = arith.addi %parallel_loop3A_735, %parallel_loop3A_737 : i32
      %parallel_loop3A_739 = arith.index_cast %parallel_loop3A_738 : i32 to index
      %parallel_loop3A_740 = tpu.vector_load %arg7[%parallel_loop3A_739] {strides = array<i32>} : memref<6272xi32, #tpu.memory_space<vmem>>, vector<16xi32>,
      %parallel_loop3A_741 = arith.constant 88 : i32
      %parallel_loop3A_742 = arith.addi %parallel_loop3A_741, %parallel_loop3A_717 : i32
      %parallel_loop3A_743 = arith.constant 32 : i32
      %parallel_loop3A_744 = arith.muli %parallel_loop3A_742, %parallel_loop3A_743 : i32
      %parallel_loop3A_745 = vector.broadcast %parallel_loop3A_744 : i32 to vector<16xi32>
      %parallel_loop3A_746 = arith.addi %parallel_loop3A_740, %parallel_loop3A_745 : vector<16xi32>
      %parallel_loop3A_747 = tpu.vector_load_idx %arg6[%parallel_loop3A_746] : memref<3072xf32, #tpu.memory_space<vmem>>[vector<16xi32>], vector<16xf32>,
      %parallel_loop3A_748 = arith.constant 16 : i32
      %parallel_loop3A_749 = arith.muli %parallel_loop3A_733, %parallel_loop3A_748 : i32
      %parallel_loop3A_750 = arith.index_cast %parallel_loop3A_677 : i32 to index
      %parallel_loop3A_751 = arith.index_cast %parallel_loop3A_717 : i32 to index
      %parallel_loop3A_752 = arith.index_cast %parallel_loop3A_749 : i32 to index
      %parallel_loop3A_753 = tpu.vector_load %arg9[%parallel_loop3A_750, %parallel_loop3A_751, %parallel_loop3A_752] {strides = array<i32>} : memref<49x8x128xf32, #tpu.memory_space<vmem>>, vector<16xf32>,
      %parallel_loop3A_754 = arith.addf %parallel_loop3A_753, %parallel_loop3A_747 : vector<16xf32>
      %parallel_loop3A_755 = arith.constant 16 : i32
      %parallel_loop3A_756 = arith.muli %parallel_loop3A_733, %parallel_loop3A_755 : i32
      %parallel_loop3A_757 = arith.index_cast %parallel_loop3A_677 : i32 to index
      %parallel_loop3A_758 = arith.index_cast %parallel_loop3A_717 : i32 to index
      %parallel_loop3A_759 = arith.index_cast %parallel_loop3A_756 : i32 to index
      %parallel_loop3A_760 = tpu.vector_load %arg9[%parallel_loop3A_757, %parallel_loop3A_758, %parallel_loop3A_759] {strides = array<i32>} : memref<49x8x128xf32, #tpu.memory_space<vmem>>, vector<16xf32>,
      tpu.vector_store %arg9[%parallel_loop3A_757, %parallel_loop3A_758, %parallel_loop3A_759], %parallel_loop3A_754 {strides = array<i32>} : memref<49x8x128xf32, #tpu.memory_space<vmem>>, vector<16xf32>,
    } {sc.loop_unroll_factor = 4 : i64, sc.parallel_access}
    %add3A_617 = arith.constant 11 : i32
    %add3A_618 = arith.addi %mul3A_7, %add3A_617 : i32
    %dma_start3A_619 = arith.constant 0 : i32
    %dma_start3A_620 = arith.constant 0 : i32
    %dma_start3A_621 = arith.constant 0 : i32
    %dma_start3A_622 = tpu.memref_slice %arg5[%add3A_618, %dma_start3A_619, %dma_start3A_620, %dma_start3A_621] : memref<384x49x8x128xf32, #tpu.memory_space<hbm>> -> memref<1x49x8x128xf32, #tpu.memory_space<hbm>>
    %dma_start3A_623 = tpu.memref_squeeze %dma_start3A_622 : memref<1x49x8x128xf32, #tpu.memory_space<hbm>> -> memref<49x8x128xf32, #tpu.memory_space<hbm>>
    %dma_start3A_624 = arith.constant 0 : i32
    %dma_start3A_625 = arith.constant 0 : i32
    %dma_start3A_626 = arith.constant 0 : i32
    %dma_start3A_627 = tpu.memref_slice %arg5[%add3A_618, %dma_start3A_624, %dma_start3A_625, %dma_start3A_626] : memref<384x49x8x128xf32, #tpu.memory_space<hbm>> -> memref<1x49x8x128xf32, #tpu.memory_space<hbm>>
    %dma_start3A_628 = tpu.memref_squeeze %dma_start3A_627 : memref<1x49x8x128xf32, #tpu.memory_space<hbm>> -> memref<49x8x128xf32, #tpu.memory_space<hbm>>
    tpu.enqueue_dma source(%arg9 : memref<49x8x128xf32, #tpu.memory_space<vmem>>) target(%dma_start3A_628 : memref<49x8x128xf32, #tpu.memory_space<hbm>>) target_semaphore(%arg13 : memref<!tpu.dma_semaphore, #tpu.memory_space<semaphore_mem>>)
    %add3A_629 = arith.constant 10 : i32
    %add3A_630 = arith.addi %mul3A_7, %add3A_629 : i32
    %dma_wait3A_631 = arith.constant 0 : i32
    %dma_wait3A_632 = arith.constant 0 : i32
    %dma_wait3A_633 = arith.constant 0 : i32
    %dma_wait3A_634 = tpu.memref_slice %arg5[%add3A_630, %dma_wait3A_631, %dma_wait3A_632, %dma_wait3A_633] : memref<384x49x8x128xf32, #tpu.memory_space<hbm>> -> memref<1x49x8x128xf32, #tpu.memory_space<hbm>>
    %dma_wait3A_635 = tpu.memref_squeeze %dma_wait3A_634 : memref<1x49x8x128xf32, #tpu.memory_space<hbm>> -> memref<49x8x128xf32, #tpu.memory_space<hbm>>
    %dma_wait3A_636 = arith.constant 0 : i32
    %dma_wait3A_637 = arith.constant 0 : i32
    %dma_wait3A_638 = arith.constant 0 : i32
    %dma_wait3A_639 = tpu.memref_slice %arg5[%add3A_630, %dma_wait3A_636, %dma_wait3A_637, %dma_wait3A_638] : memref<384x49x8x128xf32, #tpu.memory_space<hbm>> -> memref<1x49x8x128xf32, #tpu.memory_space<hbm>>
    %dma_wait3A_640 = tpu.memref_squeeze %dma_wait3A_639 : memref<1x49x8x128xf32, #tpu.memory_space<hbm>> -> memref<49x8x128xf32, #tpu.memory_space<hbm>>
    tpu.wait_dma2 semaphore(%arg12 : memref<!tpu.dma_semaphore, #tpu.memory_space<semaphore_mem>>) src(%arg8 : memref<49x8x128xf32, #tpu.memory_space<vmem>>) dst(%dma_wait3A_640 : memref<49x8x128xf32, #tpu.memory_space<hbm>>)
    %add3A_641 = arith.constant 11 : i32
    %add3A_642 = arith.addi %mul3A_7, %add3A_641 : i32
    %dma_wait3A_643 = arith.constant 0 : i32
    %dma_wait3A_644 = arith.constant 0 : i32
    %dma_wait3A_645 = arith.constant 0 : i32
    %dma_wait3A_646 = tpu.memref_slice %arg5[%add3A_642, %dma_wait3A_643, %dma_wait3A_644, %dma_wait3A_645] : memref<384x49x8x128xf32, #tpu.memory_space<hbm>> -> memref<1x49x8x128xf32, #tpu.memory_space<hbm>>
    %dma_wait3A_647 = tpu.memref_squeeze %dma_wait3A_646 : memref<1x49x8x128xf32, #tpu.memory_space<hbm>> -> memref<49x8x128xf32, #tpu.memory_space<hbm>>
    %dma_wait3A_648 = arith.constant 0 : i32
    %dma_wait3A_649 = arith.constant 0 : i32
    %dma_wait3A_650 = arith.constant 0 : i32
    %dma_wait3A_651 = tpu.memref_slice %arg5[%add3A_642, %dma_wait3A_648, %dma_wait3A_649, %dma_wait3A_650] : memref<384x49x8x128xf32, #tpu.memory_space<hbm>> -> memref<1x49x8x128xf32, #tpu.memory_space<hbm>>
    %dma_wait3A_652 = tpu.memref_squeeze %dma_wait3A_651 : memref<1x49x8x128xf32, #tpu.memory_space<hbm>> -> memref<49x8x128xf32, #tpu.memory_space<hbm>>
    tpu.wait_dma2 semaphore(%arg13 : memref<!tpu.dma_semaphore, #tpu.memory_space<semaphore_mem>>) src(%arg9 : memref<49x8x128xf32, #tpu.memory_space<vmem>>) dst(%dma_wait3A_652 : memref<49x8x128xf32, #tpu.memory_space<hbm>>)
    return
  }
}

</mosaic_0001>

<sc_bundles>
// kernel: kernel.3.cloned.1.call-start
scs
__scs_entry_jumppad:
0x0: {  	(pc) =	sbr.rel $0x88, $3  }
0x1: {  	(tag) =	ssettag $0x0;
	lr =	simm.s32 $0x1  }
0x2: {  	[smem:$0x3F9F] =	sst lr;
	_ =	strace $0xD0000000  }
0x3: {  	_ = 	snop  }
0x4: {  	_ = 	snop  }
0x5: {  	_ = 	snop  }
0x6: {  	_ = 	snop  }
0x7: {  	_ = 	snop  }
__scs_overlays_trampoline_lowered:
0x8: {  	[smem:$0x3FAE] =	sst s0  }
0x9: {  	[smem:$0x3FAF] =	sst s1  }
0xa: {  	[smem:$0x3FB0] =	sst s2  }
0xb: {  	[smem:$0x3FB1] =	sst s3  }
0xc: {  	[smem:$0x3FB2] =	sst s4  }
0xd: {  	[smem:$0x3FB3] =	sst s5  }
0xe: {  	[smem:$0x3FB4] =	sst s6  }
0xf: {  	[smem:$0x3FB5] =	sst s7  }
0x10: {  	[smem:$0x3FB6] =	sst s8  }
0x11: {  	[smem:$0x3FB7] =	sst s9;
	s0 =	simm.s32 @!p0 $0x0  }
0x12: {  	s1 =	sld [smem:$0x3F9D];
	s0 =	simm.s32 @p0 $0x1  }
0x13: {  	[smem:$0x3FB8] =	sst s0;
	s0 =	simm.s32 @!p1 $0x0  }
0x14: {  	s2 =	sld [smem:$0x3F9C];
	s0 =	simm.s32 @p1 $0x1  }
0x15: {  	[smem:$0x3FB9] =	sst s0;
	s0 =	simm.s32 @!p2 $0x0  }
0x16: {  	s3 =	sld [smem:$0x3FDB];
	s0 =	simm.s32 @p2 $0x1  }
0x17: {  	s4 =	simm.s32 $0x1BF5;
	[smem:$0x3FBB] =	sst s0  }
0x18: {  	s0 =	sld [smem:$0x3F9E];
	_ =	swait.ge [sflag:s4], $0x0  }
0x19: {  	s7 =	sld [smem:$0x3F9F]  }
0x1a: {  	s8 =	sadd.s32 $0xFFFFE003, lr  }
0x1b: {  	s9 =	sadd.s32 $0xFFFFFEF7, lr;
	s5 =	simm.s32 $0xFFFFFFFF;
	p2 =	slt.u32 s8, $0xFFFFF086  }
0x1c: {  	p1 =	slt.u32 s9, $0xF7A;
	s5 =	simm.s32 @!p2 $0x0  }
0x1d: {  	s5 =	simm.s32 @p1 $0x1;
	p0 =	seq.s32 s7, s2  }
0x1e: {  	s7 =	smul.u32 @!p0 $0xF7A, s2;
	p2 =	seq.s32 @!p0 s5, $0x0  }
0x1f: {  	s9 =	smul.u32 $0xF7A, s1;
	s8 =	simm.s32 @!p0 $0x1BF5;
	p2 =	por !p2, p0  }
0x20: {  	[sflag:s8] =	ssyncset.s32 @!p0 $0xFFFFF086;
	s6 =	sadd.s32 @!p0 s3, s7;
	s7 =	simm.s32 @!p0 $0x108  }
0x21: {  	s3 =	sadd.s32 s3, s9;
	s6 =	sadd.s32 @!p0 $0x88, s6;
	s7 =	simm.s32 @p2 $0x1082  }
0x22: {  	[simem:s7], [sflag:s8] =	dma.local @!p0 [hbm:s6], $0xF7A  }
0x23: {  	s9 =	sor.u32 $0xD0000000, s2;
	s6 =	simm.s32 $0x108;
	_ =	swait.ge @!p0 [sflag:s8], $0x0  }
0x24: {  	s3 =	sadd.s32 $0x88, s3;
	s6 =	simm.s32 @!p1 $0x1082;
	[sflag:s4] =	ssyncset.s32 $0xFFFFF086  }
0x25: {  	[simem:s6], [sflag:s4] =	dma.local [hbm:s3], $0xF7A  }
0x26: {  	[smem:$0x3F9F] =	sst s1;
	(tag) =	ssettag s2;
	_ =	strace s9  }
0x27: {  	s1 =	sld [smem:$0x3FAF]  }
0x28: {  	s2 =	sld [smem:$0x3FB0]  }
0x29: {  	s4 =	sld [smem:$0x3FB2]  }
0x2a: {  	p0 =	seq.s32 s5, $0x0;
	s5 =	sld [smem:$0x3FB3]  }
0x2b: {  	s6 =	sld [smem:$0x3FB4]  }
0x2c: {  	s7 =	sld [smem:$0x3FB5]  }
0x2d: {  	s3 =	simm.s32 $0x108;
	s8 =	sld [smem:$0x3FB6]  }
0x2e: {  	s3 =	simm.s32 @!p0 $0x1082;
	s9 =	sld [smem:$0x3FB7]  }
0x2f: {  	lr =	sadd.s32 s0, s3;
	s0 =	sld [smem:$0x3FAE]  }
0x30: {  	s3 =	sld [smem:$0x3FB1]  }
0x31: {  	[smem:$0x3FBA] =	sst s10  }
0x32: {  	s10 =	sld [smem:$0x3FB8];
	_ =	sdelay $0x3  }
0x33: {  	p0 =	seq.s32 s10, $0x1;
	s10 =	sld [smem:$0x3FBA];
	_ =	sdelay $0x3  }
0x34: {  	[smem:$0x3FBA] =	sst s10  }
0x35: {  	s10 =	sld [smem:$0x3FB9];
	_ =	sdelay $0x3  }
0x36: {  	p1 =	seq.s32 s10, $0x1;
	s10 =	sld [smem:$0x3FBA];
	_ =	sdelay $0x3  }
0x37: {  	[smem:$0x3FBA] =	sst s10  }
0x38: {  	s10 =	sld [smem:$0x3FBB]  }
0x39: {  	_ = 	snop;
	(pc) =	sbr.ind lr, $3  }
0x3a: {  	_ = 	snop  }
0x3b: {  	_ = 	snop  }
0x3c: {  	p2 =	seq.s32 s10, $0x1;
	s10 =	sld [smem:$0x3FBA]  }
0x3d: {  	_ =	shalt  }
0x3e: {  	_ =	shalt  }
0x3f: {  	_ =	shalt  }
0x40: {  	_ =	shalt  }
0x41: {  	_ =	shalt  }
0x42: {  	_ =	shalt  }
0x43: {  	_ =	shalt  }
0x44: {  	_ =	shalt  }
0x45: {  	_ =	shalt  }
0x46: {  	_ =	shalt  }
0x47: {  	_ =	shalt  }
0x48: {  	_ =	shalt  }
0x49: {  	_ =	shalt  }
0x4a: {  	_ =	shalt  }
0x4b: {  	_ =	shalt  }
0x4c: {  	_ =	shalt  }
0x4d: {  	_ =	shalt  }
0x4e: {  	_ =	shalt  }
0x4f: {  	_ =	shalt  }
0x50: {  	_ =	shalt  }
0x51: {  	_ =	shalt  }
0x52: {  	_ =	shalt  }
0x53: {  	_ =	shalt  }
0x54: {  	_ =	shalt  }
0x55: {  	_ =	shalt  }
0x56: {  	_ =	shalt  }
0x57: {  	_ =	shalt  }
0x58: {  	_ =	shalt  }
0x59: {  	_ =	shalt  }
0x5a: {  	_ =	shalt  }
0x5b: {  	_ =	shalt  }
0x5c: {  	_ =	shalt  }
0x5d: {  	_ =	shalt  }
0x5e: {  	_ =	shalt  }
0x5f: {  	_ =	shalt  }
0x60: {  	_ =	shalt  }
0x61: {  	_ =	shalt  }
0x62: {  	_ =	shalt  }
0x63: {  	_ =	shalt  }
0x64: {  	_ =	shalt  }
0x65: {  	_ =	shalt  }
0x66: {  	_ =	shalt  }
0x67: {  	_ =	shalt  }
0x68: {  	_ =	shalt  }
0x69: {  	_ =	shalt  }
0x6a: {  	_ =	shalt  }
0x6b: {  	_ =	shalt  }
0x6c: {  	_ =	shalt  }
0x6d: {  	_ =	shalt  }
0x6e: {  	_ =	shalt  }
0x6f: {  	_ =	shalt  }
0x70: {  	_ =	shalt  }
0x71: {  	_ =	shalt  }
0x72: {  	_ =	shalt  }
0x73: {  	_ =	shalt  }
0x74: {  	_ =	shalt  }
0x75: {  	_ =	shalt  }
0x76: {  	_ =	shalt  }
0x77: {  	_ =	shalt  }
0x78: {  	_ =	shalt  }
0x79: {  	_ =	shalt  }
0x7a: {  	_ =	shalt  }
0x7b: {  	_ =	shalt  }
0x7c: {  	_ =	shalt  }
0x7d: {  	_ =	shalt  }
0x7e: {  	_ =	shalt  }
0x7f: {  	_ =	shalt  }
0x80: {  	_ =	shalt  }
0x81: {  	_ =	shalt  }
0x82: {  	_ =	shalt  }
0x83: {  	_ =	shalt  }
0x84: {  	_ =	shalt  }
0x85: {  	_ =	shalt  }
0x86: {  	_ =	shalt  }
0x87: {  	_ =	shalt  }
.Lfunc_end0:
.L_simem_size_0:
called_computation.2_lowered:
.L_overlay_start_0:
0x88: {  	s2 =	sld [smem:$0x3FD9]  }
0x89: {  	s3 =	sld [smem:$0x3FFE];
	_ =	sdelay $0x1  }
0x8a: {  	s1 =	srdreg.scid  }
0x8b: {  	s0 =	sand.u32 $0x1, s1  }
0x8c: {  	s17 =	sshll.u32 s0, $0xA;
	s2 =	sadd.s32 s3, s2  }
0x8d: {  	s2 =	sadd.s32 s2, s17  }
0x8e: {  	[smem:$0x3FC6] =	sst s2  }
0x8f: {  	_ = 	snop  }
0x90: {  	s2 =	sld [smem:$0x3FD0];
	(tm) =	ssettm $0x1  }
0x91: {  	s18 =	sld [smem:$0x3FFB];
	_ =	sdelay $0x3  }
0x92: {  	_ =	strace s18  }
0x93: {  	s3 =	sld [smem:$0x3FFC];
	_ =	sdelay $0x3  }
0x94: {  	_ =	strace s3  }
0x95: {  	s3 =	sld [smem:$0x3FFD];
	_ =	sdelay $0x3  }
0x96: {  	_ =	strace s3  }
0x97: {  	_ =	strace $0x8FFFFFFF  }
0x98: {  	s19 =	sld [smem:$0x3FDB];
	_ =	sdelay $0x1  }
0x99: {  	s4 =	simm.s32 $_scs_section_size  }
0x9a: {  	s5 =	simm.s32 $_size__tile_overlayer_lowered;
	s6 =	simm.s32 $_tile_overlayer_lowered  }
0x9b: {  	s22 =	simm.s32 $0x1BFF;
	s21 =	sshll.u32 s6, $0x1;
	s3 =	sadd.s32 s4, s19  }
0x9c: {  	s7 =	simm.s32 $0x0;
	s20 =	sshll.u32 s5, $0x1;
	s5 =	sadd.s32 s21, s3  }
0x9d: {  	[timem:s7], [sflag:s22] =	dma.local [hbm:s5], s20  }
0x9e: {  	_ =	swait.ge [sflag:s22], s20  }
0x9f: {  	s4 =	ssub.s32 $0x0, s20;
	[sflag:s22] =	ssyncset.done $0x0  }
0xa0: {  	[sflag:s22] =	ssyncadd.s32 s4;
	_ =	sdelay $0x1  }
0xa1: {  	s23 =	simm.s32 $0x1B8B  }
0xa2: {  	_ =	swait.ge [sflag:s23], $0x1  }
0xa3: {  	[sflag:s23] =	ssyncset.done $0x0  }
0xa4: {  	s25 =	simm.s32 $0x1B8E;
	s24 =	sld [smem:$0x3FFE];
	[sflag:s23] =	ssyncadd.s32 $0xFFFFFFFF  }
0xa5: {  	s26 =	simm.s32 $execute0_lowered;
	[smem:$0x3FD2] =	sst s25  }
0xa6: {  	s5 =	sshll.u32 s26, $0x1;
	_ =	strace $0x80000049;
	[dreg:$0x1] =	wrdreg $0xFFFFFFFF  }
0xa7: {  	s28 =	simm.s32 $_size_execute0_lowered;
	s3 =	sadd.s32 s3, s5;
	[dreg:$0x0] =	wrdreg $0x0  }
0xa8: {  	s5 =	sshll.u32 s28, $0x1;
	[dreg:$0x2] =	wrdreg s3  }
0xa9: {  	[dreg:$0x3] =	wrdreg s5  }
0xaa: {  	[dreg:$0x4] =	wrdreg $0xC0  }
0xab: {  	_ =	task [dreg:s7], $0x5FFFF  }
0xac: {  	[dreg:$0x1] =	wrdreg $0xFFFFFFFF  }
0xad: {  	[dreg:$0x0] =	wrdreg $0x60  }
0xae: {  	[dreg:$0x2] =	wrdreg s24  }
0xaf: {  	[dreg:$0x3] =	wrdreg s2  }
0xb0: {  	[dreg:$0x4] =	wrdreg $0x9  }
0xb1: {  	_ =	task.clear_ibuf [dreg:s7], $0x5FFFF;
	_ =	strace $0x90000049  }
0xb2: {  	s29 =	simm.s32 $0x9;
	_ =	strace $0x8000004B  }
0xb3: {  	_ =	swait.ge [sflag:s29], $0x1  }
0xb4: {  	[sflag:s29] =	ssyncadd.s32 $0xFFFFFFFF  }
0xb5: {  	_ =	strace $0x9000004B  }
0xb6: {  	_ =	sfence  }
0xb7: {  	s30 =	sld [smem:$0x0];
	_ =	sdelay $0x2  }
0xb8: {  	s31 =	sshll.u32 s1, $0xD;
	s1 =	sshrl.u32 s1, $0x2  }
0xb9: {  	s3 =	sand.u32 $0x4000, s31;
	s1 =	sadd.s32 s1, s30  }
0xba: {  	s0 =	sor.u32 s3, s0;
	s1 =	sshll.u32 s1, $0x11  }
0xbb: {  	s0 =	sor.u32 s1, s0  }
0xbc: {  	s0 =	sadd.s32 $0x8F2B, s0  }
0xbd: {  	[sflag:s0] =	ssyncadd.remote.s32 $0x1  }
0xbe: {  	_ =	sfence.sel $0xFFFF  }
0xbf: {  	[dreg:$0x0] =	wrdreg $0xFFFFFFFF;
	(pc) =	sbr.abs _section_cstart, $3  }
0xc0: {  	[dreg:$0x1] =	wrdreg $0xFFFFFFFF  }
0xc1: {  	_ =	task.clear_ibuf [dreg:s7], $0x2FFFF;
	_ =	strace $0x9FFFFFFF  }
0xc2: {  	(tm) =	ssettm $0x7FFFFFFF  }
0xc3: {  	_ =	shalt  }
tec
execute0_lowered:
.L_overlay_start_1:
0x0: {  	(tag) =	ssettag $0x1  }
0x1: {  	s0 =	srdreg.scid;
	s1 =	stileid.u32  }
0x2: {  	s0 =	sand.u32 $0x1, s0;
	s1 =	sshll.u32 s1, $0x1  }
0x3: {  	s3 =	sor.u32 s0, s1  }
0x4: {  	s5 =	smul.u32 $0x60, s3  }
0x5: {  	s2 =	rddreg [dreg:$0x0];
	s6 =	smul.u32 $0x180, s3  }
0x6: {  	s4 =	rddreg [dreg:$0x1];
	s7 =	sadd.s32 $0xE00, s2;
	s19 =	smul.u32 $0x93000, s3  }
0x7: {  	s1 =	simm.s32 $0x0;
	s0 =	ssub.s32 $0x2, s0;
	s3 =	smul.u32 $0x12600, s3  }
0x8: {  	[smem:$0x7FF] =	sst s1;
	s20 =	sshrl.u32 s0, $0x1;
	p0 =	slt.u32 s5, $0x600  }
0x9: {  	s8 =	sadd.s32 $0xFFFFE800, s6;
	s5 =	sshrl.u32 s19, $0x3;
	s21 =	sadd.s32 s7, s3  }
0xa: {  	s3 =	sadd.s32 s4, s3;
	[dreg:$0x3] =	wrdreg s21;
	s22 =	sadd.s32 $0x1880, s5  }
0xb: {  	[dreg:$0x5] =	wrdreg s3;
	s23 =	sadd.s32 $0x3100, s5;
	s9 =	sadd.s32 s7, s22  }
0xc: {  	s8 =	smov.u32 @p0 s6;
	s24 =	sadd.s32 s7, s23;
	[dreg:$0x4] =	wrdreg s9  }
0xd: {  	s25 =	sadd.s32 $0x4980, s5;
	s6 =	sadd.s32 s4, s22;
	[dreg:$0x6] =	wrdreg s24  }
0xe: {  	s0 =	ssub.s32 s0, s20;
	s26 =	sadd.s32 s7, s25;
	[dreg:$0x7] =	wrdreg s6  }
0xf: {  	s10 =	sadd.s32 $0x6200, s5;
	s3 =	sadd.s32 s4, s23;
	[dreg:$0x8] =	wrdreg s26  }
0x10: {  	s12 =	sadd.s32 $0x7A80, s5;
	s11 =	sadd.s32 s7, s10;
	[dreg:$0x9] =	wrdreg s3  }
0x11: {  	s14 =	sadd.s32 $0x9300, s5;
	s13 =	sadd.s32 s7, s12;
	[dreg:$0xa] =	wrdreg s11  }
0x12: {  	s16 =	sadd.s32 $0xAB80, s5;
	s15 =	sadd.s32 s7, s14;
	[dreg:$0xc] =	wrdreg s13  }
0x13: {  	s18 =	sadd.s32 $0xC400, s5;
	s17 =	sadd.s32 s7, s16;
	[dreg:$0xe] =	wrdreg s15  }
0x14: {  	s20 =	sadd.s32 $0xDC80, s5;
	s19 =	sadd.s32 s7, s18;
	[dreg:$0x10] =	wrdreg s17  }
0x15: {  	s21 =	sadd.s32 s7, s20;
	[dreg:$0x12] =	wrdreg s19  }
0x16: {  	s6 =	sadd.s32 s4, s25;
	[dreg:$0x15] =	wrdreg s21  }
0x17: {  	s22 =	sadd.s32 $0xF500, s5;
	s3 =	sadd.s32 s4, s10;
	[dreg:$0xb] =	wrdreg s6  }
0x18: {  	s5 =	sadd.s32 $0x10D80, s5;
	s23 =	sadd.s32 s7, s22;
	[dreg:$0xd] =	wrdreg s3  }
0x19: {  	s31 =	simm.s32 $0x1;
	s24 =	sadd.s32 s7, s5;
	[dreg:$0x17] =	wrdreg s23  }
0x1a: {  	s28 =	sadd.s32 $0x24E600, s2;
	s25 =	sadd.s32 s4, s5;
	[dreg:$0x18] =	wrdreg s24  }
0x1b: {  	s30 =	smax.u32 s0, $0x1;
	s6 =	sadd.s32 s4, s12;
	[dreg:$0x1a] =	wrdreg s25  }
0x1c: {  	s0 =	simm.s32 $0x2480;
	s3 =	sadd.s32 s4, s14;
	[dreg:$0xf] =	wrdreg s6  }
0x1d: {  	s26 =	sadd.s32 s8, s2;
	[dreg:$0x11] =	wrdreg s3;
	s6 =	sadd.s32 s4, s16  }
0x1e: {  	s21 =	simm.s32 $0x5;
	s3 =	sadd.s32 s4, s18;
	[dreg:$0x13] =	wrdreg s6  }
0x1f: {  	s2 =	simm.s32 $0xE880;
	[dreg:$0x14] =	wrdreg s3;
	s6 =	sadd.s32 s4, s20  }
0x20: {  	s5 =	simm.s32 $0x4;
	s3 =	sadd.s32 s4, s22;
	[dreg:$0x16] =	wrdreg s6  }
0x21: {  	s29 =	sadd.s32 $0x24CE00, s26;
	s4 =	simm.s32 $0x3;
	[dreg:$0x19] =	wrdreg s3  }
0x22: {  	s3 =	simm.s32 $0x2;
	s6 =	simm.s32 $0x0;
	_ =	strace $0x8000004A  }
.LBB2_1:
0x23: {  	s7 =	simm.s32 $0xC00  }
0x24: {  	[tilespmem:s7], [sflag:$0x5] =	stream.linear.gather [hbm4b:s28+s1], $0x1880, $0x38;
	[tilespmem:$0x1AC80] =	vst v63  }
0x25: {  	_ =	swait.ge [sflag:s21], $0x1880  }
0x26: {  	[sflag:s21] =	ssyncset.done $0x0  }
0x27: {  	[sflag:s21] =	ssyncadd.s32 $0xFFFFE780  }
0x28: {  	[tilespmem:s1], [sflag:$0x5] =	stream.linear.gather [hbm4b:s29+s1], $0xC00, $0x38;
	[tilespmem:$0x1AC80] =	vst v63  }
0x29: {  	_ =	swait.ge [sflag:s21], $0xC00  }
0x2a: {  	[sflag:s21] =	ssyncset.done $0x0  }
0x2b: {  	s17 =	simm.s32 $0x0;
	s16 =	rddreg [dreg:$0x3];
	[sflag:s21] =	ssyncadd.s32 $0xFFFFF400  }
0x2c: {  	[tilespmem:s0], [sflag:$0x1] =	stream.linear.gather [hbm4b:s16+s1], $0xC400, $0x38;
	[tilespmem:$0x1AC80] =	vst v63  }
0x2d: {  	s10 =	sand.u32 $0x40, s1;
	s7 =	sand.u32 $0x3FFFFF80, s17;
	_ =	swait.ge [sflag:s31], $0xC400  }
0x2e: {  	s8 =	sor.u32 $0x20, s10;
	s7 =	sadd.s32 $0xC00, s7;
	[sflag:s31] =	ssyncset.done $0x0  }
0x2f: {  	s9 =	sor.u32 s8, s7;
	[sflag:s31] =	ssyncadd.s32 $0xFFFF3C00  }
0x30: {  	s18 =	simm.s32 $0x0;
	s11 =	simm.s32 $0x0;
	v0 =	vld [tilespmem:s9+$0x0]  }
0x31: {  	s24 =	simm.s32 $0x40;
	s11 =	sand.u32 $0x3FFFFC00, s11;
	s9 =	sand.u32 $0x7, s18  }
0x32: {  	s13 =	sor.u32 $0x30, s10;
	s12 =	sor.u32 s10, s7;
	s14 =	sshll.u32 s9, $0x7  }
0x33: {  	s15 =	sor.u32 $0x10, s10;
	s16 =	sor.u32 s13, s7;
	v1 =	vld [tilespmem:s12+$0x0];
	s11 =	sor.u32 s14, s11  }
0x34: {  	s7 =	sor.u32 s15, s7;
	v3 =	vld [tilespmem:s16+$0x0];
	s19 =	sshll.u32 s9, $0x5;
	s11 =	sadd.s32 $0x2480, s11  }
0x35: {  	s25 =	simm.s32 $0x8;
	v4 =	vld [tilespmem:s7+$0x0];
	s9 =	sand.u32 $0x40, s24;
	s18 =	sor.u32 s8, s11;
	v2 =	vadd.s32 s19, v0  }
0x36: {  	s26 =	sand.u32 $0x3FFFFF80, s25;
	s20 =	sor.u32 $0x20, s9;
	s7 =	sor.u32 s13, s11;
	v6 =	vld [tilespmem:s18+$0x0]  }
0x37: {  	s8 =	sor.u32 s15, s11;
	s12 =	sor.u32 s10, s11;
	s11 =	sadd.s32 $0xC00, s26;
	v0 =	vld [tilespmem:s7+$0x0]  }
0x38: {  	v5 =	vadd.s32 s19, v1;
	v1 =	vld [tilespmem:s8+$0x0];
	s13 =	sor.u32 s20, s11  }
0x39: {  	v10 =	vld [tilespmem:s13+$0x0]  }
0x3a: {  	s15 =	sor.u32 $0x10, s9;
	s22 =	sor.u32 s9, s11;
	v7 =	vld.idx.msk [tilespmem:v2+s1+$0x0], $0xffff  }
0x3b: {  	s23 =	simm.s32 $0x0;
	v9 =	vadd.s32 s19, v4;
	v11 =	vadd.s32 s19, v3;
	s10 =	sor.u32 s15, s11;
	v3 =	vld [tilespmem:s22+$0x0]  }
0x3c: {  	s24 =	simm.s32 $0x40;
	s19 =	sand.u32 $0x7, s23;
	v8 =	vld [tilespmem:s10+$0x0]  }
0x3d: {  	s25 =	sor.u32 $0x30, s9;
	s16 =	sand.u32 $0x3FFFFC00, s24;
	s17 =	sshll.u32 s19, $0x7;
	v2 =	vld [tilespmem:s12+$0x0]  }
0x3e: {  	s26 =	sor.u32 s25, s11;
	s16 =	sor.u32 s17, s16;
	v4 =	vld.idx.msk [tilespmem:v5+s1+$0x0], $0xffff  }
0x3f: {  	s17 =	sadd.s32 $0x2480, s16;
	s16 =	sshll.u32 s19, $0x5;
	v5 =	vld [tilespmem:s26+$0x0];
	v7 =	vadd.f32 v6, v7  }
0x40: {  	s14 =	simm.s32 $0x80;
	v6 =	vld.idx.msk [tilespmem:v9+s1+$0x0], $0xffff;
	v9 =	vadd.s32 s16, v10  }
0x41: {  	s13 =	simm.s32 $0x4;
	s11 =	sor.u32 s20, s17;
	s10 =	sor.u32 s25, s17;
	[tilespmem:s18+$0x0] =	vst v7;
	v7 =	vld.idx.msk [tilespmem:v11+s1+$0x0], $0xffff  }
.LBB2_2:
0x42: {  	s13 =	sadd.s32 $0x4, s13;
	s18 =	sor.u32 s9, s17;
	s19 =	sor.u32 s15, s17;
	v10 =	vld [tilespmem:s11+$0x0]  }
0x43: {  	v2 =	vadd.f32 v2, v4;
	s9 =	sshrl.u32 s13, $0x3;
	s15 =	sshll.u32 s13, $0x1;
	s17 =	sshll.u32 s13, $0x4;
	v11 =	vld [tilespmem:s10+$0x0]  }
0x44: {  	v4 =	vadd.s32 s16, v3;
	s20 =	sand.u32 $0x7, s9;
	s9 =	sand.u32 $0x40, s14;
	s15 =	sand.u32 $0x3FFFFF80, s15;
	v12 =	vadd.s32 s16, v8;
	v8 =	vld [tilespmem:s19+$0x0]  }
0x45: {  	v13 =	vadd.s32 s16, v5;
	s17 =	sand.u32 $0x3FFFFC00, s17;
	s22 =	sadd.s32 $0xC00, s15;
	s23 =	sor.u32 $0x20, s9;
	v9 =	vld.idx.msk [tilespmem:v9+s1+$0x0], $0xffff;
	[tilespmem:s12+$0x0] =	vst v2  }
0x46: {  	s24 =	sor.u32 $0x30, s9;
	v14 =	vadd.f32 v1, v6;
	s12 =	sor.u32 s9, s22;
	s16 =	sor.u32 s23, s22;
	v2 =	vld [tilespmem:s18+$0x0]  }
0x47: {  	s25 =	sshll.u32 s20, $0x7;
	s15 =	sor.u32 $0x10, s9;
	v5 =	vadd.f32 v0, v7;
	v6 =	vld [tilespmem:s16+$0x0];
	s16 =	sor.u32 s24, s22  }
0x48: {  	p0 =	slt.u32 s13, $0x61C;
	s22 =	sor.u32 s15, s22;
	v3 =	vld [tilespmem:s12+$0x0];
	s12 =	sor.u32 s25, s17;
	[tilespmem:s8+$0x0] =	vst v14;
	v0 =	vmov v11  }
.Ltmp0:
0x49: {  	s17 =	sadd.s32 $0x2480, s12;
	v4 =	vld.idx.msk [tilespmem:v4+s1+$0x0], $0xffff;
	[tilespmem:s7+$0x0] =	vst v5;
	v1 =	vmov v8;
	s12 =	smov.u32 s18;
	(pc) =	sbr.rel @p0 .LBB2_2-.Ltmp0, $4  }
0x4a: {  	s8 =	smov.u32 s19;
	s18 =	sor.u32 s23, s17;
	v5 =	vld [tilespmem:s16+$0x0];
	s23 =	sor.u32 s24, s17  }
0x4b: {  	s7 =	smov.u32 s10;
	s16 =	sshll.u32 s20, $0x5;
	v7 =	vadd.f32 v10, v9;
	v8 =	vld [tilespmem:s22+$0x0];
	s10 =	smov.u32 s23  }
0x4c: {  	v9 =	vadd.s32 s16, v6;
	v6 =	vld.idx.msk [tilespmem:v12+s1+$0x0], $0xffff  }
0x4d: {  	s14 =	sadd.s32 $0x40, s14;
	[tilespmem:s11+$0x0] =	vst v7;
	v7 =	vld.idx.msk [tilespmem:v13+s1+$0x0], $0xffff;
	s11 =	smov.u32 s18  }
0x4e: {  	_ =	sdelay $0x1  }
0x4f: {  	v10 =	vld [tilespmem:s11+$0x0];
	v3 =	vadd.s32 s16, v3  }
0x50: {  	v11 =	vld [tilespmem:s10+$0x0];
	v8 =	vadd.s32 s16, v8  }
0x51: {  	s13 =	sor.u32 s15, s17;
	v9 =	vld.idx.msk [tilespmem:v9+s1+$0x0], $0xffff;
	v5 =	vadd.s32 s16, v5  }
0x52: {  	s9 =	sor.u32 s9, s17;
	v12 =	vld [tilespmem:s13+$0x0]  }
0x53: {  	v13 =	vld [tilespmem:s9+$0x0]  }
0x54: {  	v3 =	vld.idx.msk [tilespmem:v3+s1+$0x0], $0xffff  }
0x55: {  	v2 =	vadd.f32 v2, v4;
	v4 =	vld.idx.msk [tilespmem:v8+s1+$0x0], $0xffff  }
0x56: {  	v1 =	vadd.f32 v1, v6;
	v5 =	vld.idx.msk [tilespmem:v5+s1+$0x0], $0xffff  }
0x57: {  	[tilespmem:s12+$0x0] =	vst v2;
	v0 =	vadd.f32 v0, v7  }
0x58: {  	[tilespmem:s8+$0x0] =	vst v1;
	v1 =	vadd.f32 v10, v9  }
0x59: {  	[tilespmem:s7+$0x0] =	vst v0;
	v0 =	vadd.f32 v13, v3  }
0x5a: {  	[tilespmem:s11+$0x0] =	vst v1;
	v1 =	vadd.f32 v12, v4  }
0x5b: {  	[tilespmem:s9+$0x0] =	vst v0;
	v0 =	vadd.f32 v11, v5  }
0x5c: {  	s14 =	simm.s32 $0x6200;
	[tilespmem:s13+$0x0] =	vst v1  }
0x5d: {  	s15 =	simm.s32 $0xC40;
	s19 =	simm.s32 $0xC4;
	s20 =	simm.s32 $0x6200;
	[tilespmem:s10+$0x0] =	vst v0  }
0x5e: {  	s16 =	sand.u32 $0x3FFFFF80, s15;
	s10 =	sand.u32 $0x40, s14;
	s7 =	rddreg [dreg:$0x4]  }
0x5f: {  	[tilespmem:s2], [sflag:$0x2] =	stream.linear.gather [hbm4b:s7+s1], $0xC400, $0x38;
	[tilespmem:$0x1AC80] =	vst v63  }
0x60: {  	s15 =	simm.s32 $0xC48;
	s17 =	sor.u32 $0x20, s10;
	s7 =	sadd.s32 $0xC00, s16  }
0x61: {  	s11 =	sand.u32 $0x3FFFFC00, s20;
	s9 =	sand.u32 $0x7, s19;
	s18 =	sor.u32 s17, s7  }
0x62: {  	s26 =	sshll.u32 s9, $0x5;
	s14 =	sshll.u32 s9, $0x7;
	s13 =	simm.s32 $0x6240;
	v0 =	vld [tilespmem:s18+$0x0]  }
0x63: {  	s23 =	sor.u32 $0x30, s10;
	s24 =	sor.u32 $0x10, s10;
	s11 =	sor.u32 s14, s11  }
0x64: {  	s9 =	sand.u32 $0x40, s13;
	s11 =	sadd.s32 $0x2480, s11;
	s22 =	sor.u32 s10, s7  }
0x65: {  	s16 =	sand.u32 $0x3FFFFF80, s15;
	s25 =	sor.u32 s23, s7;
	s7 =	sor.u32 s24, s7;
	v1 =	vld [tilespmem:s22+$0x0]  }
0x66: {  	s8 =	sor.u32 s24, s11;
	s12 =	sor.u32 s10, s11;
	v3 =	vld [tilespmem:s25+$0x0];
	s18 =	sor.u32 s17, s11  }
0x67: {  	v4 =	vld [tilespmem:s7+$0x0];
	s7 =	sor.u32 s23, s11;
	s17 =	sadd.s32 $0xC00, s16;
	s11 =	sor.u32 $0x20, s9;
	v2 =	vadd.s32 s26, v0  }
0x68: {  	s15 =	sor.u32 $0x10, s9;
	v6 =	vld [tilespmem:s18+$0x0];
	s13 =	sor.u32 s11, s17  }
0x69: {  	s10 =	sor.u32 s15, s17;
	v10 =	vld [tilespmem:s13+$0x0]  }
0x6a: {  	v8 =	vld [tilespmem:s10+$0x0]  }
0x6b: {  	v0 =	vld [tilespmem:s7+$0x0];
	v5 =	vadd.s32 s26, v1  }
0x6c: {  	v7 =	vld.idx.msk [tilespmem:v2+s1+$0x0], $0xffff  }
0x6d: {  	s22 =	simm.s32 $0xC4;
	s20 =	sor.u32 s9, s17;
	v1 =	vld [tilespmem:s8+$0x0];
	v9 =	vadd.s32 s26, v4  }
0x6e: {  	s23 =	simm.s32 $0x6240;
	s19 =	sand.u32 $0x7, s22;
	v11 =	vadd.s32 s26, v3;
	v3 =	vld [tilespmem:s20+$0x0]  }
0x6f: {  	s24 =	sor.u32 $0x30, s9;
	s16 =	sand.u32 $0x3FFFFC00, s23;
	s26 =	sshll.u32 s19, $0x7;
	v2 =	vld [tilespmem:s12+$0x0]  }
0x70: {  	s25 =	sor.u32 s24, s17;
	s16 =	sor.u32 s26, s16;
	v4 =	vld.idx.msk [tilespmem:v5+s1+$0x0], $0xffff  }
0x71: {  	s17 =	sadd.s32 $0x2480, s16;
	s16 =	sshll.u32 s19, $0x5;
	v5 =	vld [tilespmem:s25+$0x0];
	v7 =	vadd.f32 v6, v7  }
0x72: {  	s14 =	simm.s32 $0x6280;
	v6 =	vld.idx.msk [tilespmem:v9+s1+$0x0], $0xffff;
	v9 =	vadd.s32 s16, v10  }
0x73: {  	s13 =	simm.s32 $0x624;
	s11 =	sor.u32 s11, s17;
	s10 =	sor.u32 s24, s17;
	[tilespmem:s18+$0x0] =	vst v7;
	v7 =	vld.idx.msk [tilespmem:v11+s1+$0x0], $0xffff  }
.LBB2_4:
0x74: {  	s13 =	sadd.s32 $0x4, s13;
	s18 =	sor.u32 s9, s17;
	s19 =	sor.u32 s15, s17;
	v10 =	vld [tilespmem:s11+$0x0]  }
0x75: {  	v2 =	vadd.f32 v2, v4;
	s9 =	sshrl.u32 s13, $0x3;
	s15 =	sshll.u32 s13, $0x1;
	s17 =	sshll.u32 s13, $0x4;
	v11 =	vld [tilespmem:s10+$0x0]  }
0x76: {  	v4 =	vadd.s32 s16, v3;
	s20 =	sand.u32 $0x7, s9;
	s9 =	sand.u32 $0x40, s14;
	s15 =	sand.u32 $0x3FFFFF80, s15;
	v12 =	vadd.s32 s16, v8;
	v8 =	vld [tilespmem:s19+$0x0]  }
0x77: {  	v13 =	vadd.s32 s16, v5;
	s17 =	sand.u32 $0x3FFFFC00, s17;
	s22 =	sadd.s32 $0xC00, s15;
	s23 =	sor.u32 $0x20, s9;
	v9 =	vld.idx.msk [tilespmem:v9+s1+$0x0], $0xffff;
	[tilespmem:s12+$0x0] =	vst v2  }
0x78: {  	s24 =	sor.u32 $0x30, s9;
	v14 =	vadd.f32 v1, v6;
	s12 =	sor.u32 s9, s22;
	s16 =	sor.u32 s23, s22;
	v2 =	vld [tilespmem:s18+$0x0]  }
0x79: {  	s25 =	sshll.u32 s20, $0x7;
	s15 =	sor.u32 $0x10, s9;
	v5 =	vadd.f32 v0, v7;
	v6 =	vld [tilespmem:s16+$0x0];
	s16 =	sor.u32 s24, s22  }
0x7a: {  	p0 =	slt.u32 s13, $0xC3C;
	s22 =	sor.u32 s15, s22;
	v3 =	vld [tilespmem:s12+$0x0];
	s12 =	sor.u32 s25, s17;
	[tilespmem:s8+$0x0] =	vst v14;
	v0 =	vmov v11  }
.Ltmp1:
0x7b: {  	s17 =	sadd.s32 $0x2480, s12;
	v4 =	vld.idx.msk [tilespmem:v4+s1+$0x0], $0xffff;
	[tilespmem:s7+$0x0] =	vst v5;
	v1 =	vmov v8;
	s12 =	smov.u32 s18;
	(pc) =	sbr.rel @p0 .LBB2_4-.Ltmp1, $4  }
0x7c: {  	s8 =	smov.u32 s19;
	s18 =	sor.u32 s23, s17;
	v5 =	vld [tilespmem:s16+$0x0];
	s23 =	sor.u32 s24, s17  }
0x7d: {  	s7 =	smov.u32 s10;
	s16 =	sshll.u32 s20, $0x5;
	v7 =	vadd.f32 v10, v9;
	v8 =	vld [tilespmem:s22+$0x0];
	s10 =	smov.u32 s23  }
0x7e: {  	v9 =	vadd.s32 s16, v6;
	v6 =	vld.idx.msk [tilespmem:v12+s1+$0x0], $0xffff  }
0x7f: {  	s14 =	sadd.s32 $0x40, s14;
	[tilespmem:s11+$0x0] =	vst v7;
	v7 =	vld.idx.msk [tilespmem:v13+s1+$0x0], $0xffff;
	s11 =	smov.u32 s18  }
0x80: {  	_ =	sdelay $0x1  }
0x81: {  	v10 =	vld [tilespmem:s11+$0x0];
	v3 =	vadd.s32 s16, v3  }
0x82: {  	v11 =	vld [tilespmem:s10+$0x0];
	v8 =	vadd.s32 s16, v8  }
0x83: {  	s13 =	sor.u32 s15, s17;
	v9 =	vld.idx.msk [tilespmem:v9+s1+$0x0], $0xffff;
	v5 =	vadd.s32 s16, v5  }
0x84: {  	s9 =	sor.u32 s9, s17;
	v12 =	vld [tilespmem:s13+$0x0]  }
0x85: {  	v13 =	vld [tilespmem:s9+$0x0]  }
0x86: {  	v3 =	vld.idx.msk [tilespmem:v3+s1+$0x0], $0xffff  }
0x87: {  	v2 =	vadd.f32 v2, v4;
	v4 =	vld.idx.msk [tilespmem:v8+s1+$0x0], $0xffff  }
0x88: {  	v1 =	vadd.f32 v1, v6;
	v5 =	vld.idx.msk [tilespmem:v5+s1+$0x0], $0xffff  }
0x89: {  	[tilespmem:s12+$0x0] =	vst v2;
	v0 =	vadd.f32 v0, v7  }
0x8a: {  	[tilespmem:s8+$0x0] =	vst v1;
	v1 =	vadd.f32 v10, v9  }
0x8b: {  	[tilespmem:s7+$0x0] =	vst v0;
	v0 =	vadd.f32 v13, v3  }
0x8c: {  	[tilespmem:s11+$0x0] =	vst v1;
	v1 =	vadd.f32 v12, v4  }
0x8d: {  	[tilespmem:s9+$0x0] =	vst v0;
	v0 =	vadd.f32 v11, v5  }
0x8e: {  	[tilespmem:s13+$0x0] =	vst v1  }
0x8f: {  	s14 =	simm.s32 $0x0;
	[tilespmem:s10+$0x0] =	vst v0  }
0x90: {  	s15 =	simm.s32 $0x0;
	s18 =	simm.s32 $0x0;
	s8 =	rddreg [dreg:$0x5]  }
0x91: {  	[hbm4b:s8+s14] =	stream.linear.scatter [tilespmem:s0], [sflag:$0x3], $0xC400, $0x38;
	[tilespmem:$0x1AC80] =	vst v63  }
0x92: {  	s16 =	sand.u32 $0x3FFFFF80, s15;
	s9 =	sand.u32 $0x40, s14;
	_ =	swait.ge [sflag:s3], $0xC400  }
0x93: {  	s7 =	sadd.s32 $0xC00, s16;
	s11 =	sor.u32 $0x20, s9;
	[sflag:s3] =	ssyncset.done $0x0  }
0x94: {  	s19 =	simm.s32 $0x0;
	s17 =	sor.u32 s11, s7;
	[sflag:s3] =	ssyncadd.s32 $0xFFFF3C00  }
0x95: {  	s12 =	simm.s32 $0x40;
	s20 =	sor.u32 $0x30, s9;
	s10 =	sand.u32 $0x7, s18;
	v0 =	vld [tilespmem:s17+$0x0]  }
0x96: {  	s23 =	sshll.u32 s10, $0x5;
	s10 =	sshll.u32 s10, $0x7;
	s8 =	sand.u32 $0x3FFFFC00, s19  }
0x97: {  	s22 =	sor.u32 s9, s7;
	s24 =	sor.u32 s20, s7;
	s8 =	sor.u32 s10, s8  }
0x98: {  	s14 =	sor.u32 $0x10, s9;
	s25 =	sor.u32 $0x100, s23;
	s26 =	sadd.s32 $0xE880, s8;
	v1 =	vld [tilespmem:s22+$0x0]  }
0x99: {  	s7 =	sor.u32 s14, s7;
	s8 =	sor.u32 s14, s26;
	s14 =	simm.s32 $0x8;
	v3 =	vld [tilespmem:s24+$0x0]  }
0x9a: {  	s10 =	sand.u32 $0x40, s12;
	v5 =	vld [tilespmem:s7+$0x0];
	s12 =	sand.u32 $0x3FFFFF80, s14;
	v4 =	vadd.s32 s25, v0  }
0x9b: {  	s16 =	sor.u32 s11, s26;
	v2 =	vld [tilespmem:s8+$0x0];
	s15 =	sadd.s32 $0xC00, s12;
	s12 =	sor.u32 $0x20, s10  }
0x9c: {  	v9 =	vld [tilespmem:s16+$0x0];
	s19 =	sor.u32 s12, s15  }
0x9d: {  	s7 =	sor.u32 s20, s26;
	v11 =	vld [tilespmem:s19+$0x0]  }
0x9e: {  	v0 =	vld [tilespmem:s7+$0x0];
	v6 =	vadd.s32 s25, v1  }
0x9f: {  	s9 =	sor.u32 s9, s26;
	v7 =	vadd.s32 s25, v5;
	v8 =	vld.idx.msk [tilespmem:v4+s1+$0x0], $0xffff  }
0xa0: {  	s23 =	sor.u32 $0x30, s10;
	s20 =	sor.u32 s10, s15;
	v1 =	vld [tilespmem:s9+$0x0];
	v10 =	vadd.s32 s25, v3  }
0xa1: {  	s22 =	simm.s32 $0x0;
	s18 =	sor.u32 s23, s15;
	v3 =	vld [tilespmem:s20+$0x0]  }
0xa2: {  	s24 =	simm.s32 $0x40;
	s25 =	sand.u32 $0x7, s22;
	v5 =	vld [tilespmem:s18+$0x0]  }
0xa3: {  	s13 =	sand.u32 $0x3FFFFC00, s24;
	s19 =	sshll.u32 s25, $0x7;
	s17 =	sshll.u32 s25, $0x5;
	v4 =	vld.idx.msk [tilespmem:v6+s1+$0x0], $0xffff  }
0xa4: {  	s20 =	sor.u32 $0x10, s10;
	s13 =	sor.u32 s19, s13;
	s17 =	sor.u32 $0x100, s17;
	v7 =	vld.idx.msk [tilespmem:v7+s1+$0x0], $0xffff;
	v63 =	vadd.f32 v9, v8  }
0xa5: {  	s14 =	simm.s32 $0x4;
	s26 =	sor.u32 s20, s15;
	s18 =	sadd.s32 $0xE880, s13;
	v6 =	vld.idx.msk [tilespmem:v10+s1+$0x0], $0xffff;
	v8 =	vadd.s32 s17, v11  }
0xa6: {  	s15 =	simm.s32 $0x80;
	s11 =	sor.u32 s20, s18;
	s13 =	sor.u32 s23, s18;
	v9 =	vld [tilespmem:s26+$0x0];
	[tilespmem:s16+$0x0] =	vst v63  }
.LBB2_6:
0xa7: {  	s14 =	sadd.s32 $0x4, s14;
	s19 =	sor.u32 s10, s18;
	s16 =	sor.u32 s12, s18;
	v10 =	vld [tilespmem:s13+$0x0]  }
0xa8: {  	v4 =	vadd.f32 v1, v4;
	s10 =	sshrl.u32 s14, $0x3;
	s12 =	sshll.u32 s14, $0x1;
	s18 =	sshll.u32 s14, $0x4;
	v11 =	vld [tilespmem:s11+$0x0]  }
0xa9: {  	v12 =	vadd.s32 s17, v3;
	s20 =	sand.u32 $0x7, s10;
	s10 =	sand.u32 $0x40, s15;
	s12 =	sand.u32 $0x3FFFFF80, s12;
	v1 =	vld [tilespmem:s19+$0x0]  }
0xaa: {  	v13 =	vadd.s32 s17, v5;
	v5 =	vadd.f32 v2, v7;
	s22 =	sadd.s32 $0xC00, s12;
	s12 =	sor.u32 $0x20, s10;
	s23 =	sor.u32 $0x30, s10;
	v8 =	vld.idx.msk [tilespmem:v8+s1+$0x0], $0xffff;
	[tilespmem:s9+$0x0] =	vst v4  }
0xab: {  	s24 =	sor.u32 $0x10, s10;
	v4 =	vadd.f32 v0, v6;
	s9 =	sor.u32 s10, s22;
	s25 =	sor.u32 s12, s22;
	v7 =	vadd.s32 s17, v9;
	v9 =	vld [tilespmem:s16+$0x0]  }
0xac: {  	s17 =	sshll.u32 s20, $0x5;
	s26 =	sor.u32 s24, s22;
	s22 =	sor.u32 s23, s22;
	v6 =	vld [tilespmem:s25+$0x0];
	[tilespmem:s8+$0x0] =	vst v5;
	v0 =	vmov v10  }
0xad: {  	p0 =	slt.u32 s14, $0x61C;
	s8 =	sand.u32 $0x3FFFFC00, s18;
	v3 =	vld [tilespmem:s9+$0x0];
	s9 =	sshll.u32 s20, $0x7;
	[tilespmem:s7+$0x0] =	vst v4;
	v2 =	vmov v11  }
.Ltmp2:
0xae: {  	s7 =	sor.u32 s9, s8;
	v4 =	vld.idx.msk [tilespmem:v12+s1+$0x0], $0xffff;
	s9 =	smov.u32 s19;
	(pc) =	sbr.rel @p0 .LBB2_6-.Ltmp2, $4  }
0xaf: {  	s8 =	smov.u32 s11;
	s18 =	sadd.s32 $0xE880, s7;
	v5 =	vld [tilespmem:s22+$0x0];
	s7 =	smov.u32 s13  }
0xb0: {  	s17 =	sor.u32 $0x100, s17;
	s11 =	sor.u32 s24, s18;
	v7 =	vld.idx.msk [tilespmem:v7+s1+$0x0], $0xffff;
	v10 =	vadd.f32 v9, v8  }
0xb1: {  	v8 =	vadd.s32 s17, v6;
	v6 =	vld.idx.msk [tilespmem:v13+s1+$0x0], $0xffff  }
0xb2: {  	s15 =	sadd.s32 $0x40, s15;
	s13 =	sor.u32 s23, s18;
	v9 =	vld [tilespmem:s26+$0x0];
	[tilespmem:s16+$0x0] =	vst v10  }
0xb3: {  	_ = 	snop  }
0xb4: {  	v3 =	vadd.s32 s17, v3  }
0xb5: {  	v10 =	vld [tilespmem:s13+$0x0]  }
0xb6: {  	v11 =	vld [tilespmem:s11+$0x0];
	v5 =	vadd.s32 s17, v5  }
0xb7: {  	s10 =	sor.u32 s10, s18;
	v8 =	vld.idx.msk [tilespmem:v8+s1+$0x0], $0xffff;
	v9 =	vadd.s32 s17, v9  }
0xb8: {  	v12 =	vld [tilespmem:s10+$0x0]  }
0xb9: {  	s12 =	sor.u32 s12, s18;
	v3 =	vld.idx.msk [tilespmem:v3+s1+$0x0], $0xffff  }
0xba: {  	v13 =	vld [tilespmem:s12+$0x0]  }
0xbb: {  	v1 =	vadd.f32 v1, v4;
	v5 =	vld.idx.msk [tilespmem:v5+s1+$0x0], $0xffff  }
0xbc: {  	v0 =	vadd.f32 v0, v6;
	v4 =	vld.idx.msk [tilespmem:v9+s1+$0x0], $0xffff  }
0xbd: {  	v2 =	vadd.f32 v2, v7;
	[tilespmem:s9+$0x0] =	vst v1  }
0xbe: {  	[tilespmem:s7+$0x0] =	vst v0;
	v0 =	vadd.f32 v12, v3  }
0xbf: {  	[tilespmem:s8+$0x0] =	vst v2;
	v1 =	vadd.f32 v13, v8  }
0xc0: {  	[tilespmem:s10+$0x0] =	vst v0;
	v0 =	vadd.f32 v10, v5  }
0xc1: {  	[tilespmem:s12+$0x0] =	vst v1;
	v1 =	vadd.f32 v11, v4  }
0xc2: {  	[tilespmem:s13+$0x0] =	vst v0  }
0xc3: {  	s20 =	simm.s32 $0xC4;
	s9 =	simm.s32 $0x6200;
	s10 =	simm.s32 $0xC40;
	[tilespmem:s11+$0x0] =	vst v1  }
0xc4: {  	s17 =	sand.u32 $0x3FFFFF80, s10;
	s11 =	sand.u32 $0x40, s9;
	_ =	swait.ge [sflag:s4], $0xC400  }
0xc5: {  	s7 =	sadd.s32 $0xC00, s17;
	s18 =	sor.u32 $0x20, s11;
	[sflag:s4] =	ssyncset.done $0x0  }
0xc6: {  	s8 =	rddreg [dreg:$0x6];
	s19 =	sor.u32 s18, s7;
	[sflag:s4] =	ssyncadd.s32 $0xFFFF3C00  }
0xc7: {  	[tilespmem:s0], [sflag:$0x1] =	stream.linear.gather [hbm4b:s8+s1], $0xC400, $0x38;
	[tilespmem:$0x1AC80] =	vst v63  }
0xc8: {  	s10 =	sand.u32 $0x7, s20;
	v0 =	vld [tilespmem:s19+$0x0]  }
0xc9: {  	s22 =	simm.s32 $0x6200;
	s15 =	sshll.u32 s10, $0x5;
	s10 =	sshll.u32 s10, $0x7  }
0xca: {  	s23 =	sor.u32 $0x30, s11;
	s24 =	sor.u32 s11, s7;
	s8 =	sand.u32 $0x3FFFFC00, s22  }
0xcb: {  	s14 =	sor.u32 $0x10, s11;
	s16 =	sor.u32 s23, s7;
	v1 =	vld [tilespmem:s24+$0x0];
	s8 =	sor.u32 s10, s8  }
0xcc: {  	s25 =	sor.u32 $0x100, s15;
	s7 =	sor.u32 s14, s7;
	v3 =	vld [tilespmem:s16+$0x0];
	s26 =	sadd.s32 $0xE880, s8  }
0xcd: {  	v5 =	vld [tilespmem:s7+$0x0];
	s8 =	sor.u32 s14, s26;
	v4 =	vadd.s32 s25, v0  }
0xce: {  	s16 =	sor.u32 s18, s26;
	v2 =	vld [tilespmem:s8+$0x0]  }
0xcf: {  	s12 =	simm.s32 $0x6240;
	s7 =	sor.u32 s23, s26;
	s14 =	simm.s32 $0xC48;
	v9 =	vld [tilespmem:s16+$0x0]  }
0xd0: {  	s10 =	sand.u32 $0x40, s12;
	s9 =	sor.u32 s11, s26;
	s12 =	sand.u32 $0x3FFFFF80, s14;
	v0 =	vld [tilespmem:s7+$0x0]  }
0xd1: {  	s15 =	sadd.s32 $0xC00, s12;
	s12 =	sor.u32 $0x20, s10;
	v6 =	vadd.s32 s25, v1;
	v1 =	vld [tilespmem:s9+$0x0]  }
0xd2: {  	s18 =	sor.u32 s12, s15;
	v7 =	vadd.s32 s25, v5;
	v8 =	vld.idx.msk [tilespmem:v4+s1+$0x0], $0xffff  }
0xd3: {  	s22 =	sor.u32 $0x30, s10;
	v10 =	vadd.s32 s25, v3;
	s19 =	sor.u32 s10, s15;
	v11 =	vld [tilespmem:s18+$0x0]  }
0xd4: {  	s20 =	simm.s32 $0xC4;
	s25 =	sor.u32 s22, s15;
	v3 =	vld [tilespmem:s19+$0x0]  }
0xd5: {  	s24 =	sand.u32 $0x7, s20;
	s23 =	simm.s32 $0x6240;
	v5 =	vld [tilespmem:s25+$0x0]  }
0xd6: {  	s17 =	sshll.u32 s24, $0x5;
	s13 =	sand.u32 $0x3FFFFC00, s23;
	s19 =	sshll.u32 s24, $0x7;
	v4 =	vld.idx.msk [tilespmem:v6+s1+$0x0], $0xffff  }
0xd7: {  	s20 =	sor.u32 $0x10, s10;
	s17 =	sor.u32 $0x100, s17;
	s13 =	sor.u32 s19, s13;
	v7 =	vld.idx.msk [tilespmem:v7+s1+$0x0], $0xffff;
	v63 =	vadd.f32 v9, v8  }
0xd8: {  	s14 =	simm.s32 $0x624;
	s26 =	sor.u32 s20, s15;
	s18 =	sadd.s32 $0xE880, s13;
	v6 =	vld.idx.msk [tilespmem:v10+s1+$0x0], $0xffff;
	v8 =	vadd.s32 s17, v11  }
0xd9: {  	s15 =	simm.s32 $0x6280;
	s11 =	sor.u32 s20, s18;
	s13 =	sor.u32 s22, s18;
	v9 =	vld [tilespmem:s26+$0x0];
	[tilespmem:s16+$0x0] =	vst v63  }
.LBB2_8:
0xda: {  	s14 =	sadd.s32 $0x4, s14;
	s19 =	sor.u32 s10, s18;
	s16 =	sor.u32 s12, s18;
	v10 =	vld [tilespmem:s13+$0x0]  }
0xdb: {  	v4 =	vadd.f32 v1, v4;
	s10 =	sshrl.u32 s14, $0x3;
	s12 =	sshll.u32 s14, $0x1;
	s18 =	sshll.u32 s14, $0x4;
	v11 =	vld [tilespmem:s11+$0x0]  }
0xdc: {  	v12 =	vadd.s32 s17, v3;
	s20 =	sand.u32 $0x7, s10;
	s10 =	sand.u32 $0x40, s15;
	s12 =	sand.u32 $0x3FFFFF80, s12;
	v1 =	vld [tilespmem:s19+$0x0]  }
0xdd: {  	v13 =	vadd.s32 s17, v5;
	v5 =	vadd.f32 v2, v7;
	s22 =	sadd.s32 $0xC00, s12;
	s12 =	sor.u32 $0x20, s10;
	s23 =	sor.u32 $0x30, s10;
	v8 =	vld.idx.msk [tilespmem:v8+s1+$0x0], $0xffff;
	[tilespmem:s9+$0x0] =	vst v4  }
0xde: {  	s24 =	sor.u32 $0x10, s10;
	v4 =	vadd.f32 v0, v6;
	s9 =	sor.u32 s10, s22;
	s25 =	sor.u32 s12, s22;
	v7 =	vadd.s32 s17, v9;
	v9 =	vld [tilespmem:s16+$0x0]  }
0xdf: {  	s17 =	sshll.u32 s20, $0x5;
	s26 =	sor.u32 s24, s22;
	s22 =	sor.u32 s23, s22;
	v6 =	vld [tilespmem:s25+$0x0];
	[tilespmem:s8+$0x0] =	vst v5;
	v0 =	vmov v10  }
0xe0: {  	p0 =	slt.u32 s14, $0xC3C;
	s8 =	sand.u32 $0x3FFFFC00, s18;
	v3 =	vld [tilespmem:s9+$0x0];
	s9 =	sshll.u32 s20, $0x7;
	[tilespmem:s7+$0x0] =	vst v4;
	v2 =	vmov v11  }
.Ltmp3:
0xe1: {  	s7 =	sor.u32 s9, s8;
	v4 =	vld.idx.msk [tilespmem:v12+s1+$0x0], $0xffff;
	s9 =	smov.u32 s19;
	(pc) =	sbr.rel @p0 .LBB2_8-.Ltmp3, $4  }
0xe2: {  	s8 =	smov.u32 s11;
	s18 =	sadd.s32 $0xE880, s7;
	v5 =	vld [tilespmem:s22+$0x0];
	s7 =	smov.u32 s13  }
0xe3: {  	s17 =	sor.u32 $0x100, s17;
	s11 =	sor.u32 s24, s18;
	v7 =	vld.idx.msk [tilespmem:v7+s1+$0x0], $0xffff;
	v10 =	vadd.f32 v9, v8  }
0xe4: {  	v8 =	vadd.s32 s17, v6;
	v6 =	vld.idx.msk [tilespmem:v13+s1+$0x0], $0xffff  }
0xe5: {  	s15 =	sadd.s32 $0x40, s15;
	s13 =	sor.u32 s23, s18;
	v9 =	vld [tilespmem:s26+$0x0];
	[tilespmem:s16+$0x0] =	vst v10  }
0xe6: {  	_ = 	snop  }
0xe7: {  	v3 =	vadd.s32 s17, v3  }
0xe8: {  	v10 =	vld [tilespmem:s13+$0x0]  }
0xe9: {  	v11 =	vld [tilespmem:s11+$0x0];
	v5 =	vadd.s32 s17, v5  }
0xea: {  	s10 =	sor.u32 s10, s18;
	v8 =	vld.idx.msk [tilespmem:v8+s1+$0x0], $0xffff;
	v9 =	vadd.s32 s17, v9  }
0xeb: {  	v12 =	vld [tilespmem:s10+$0x0]  }
0xec: {  	s12 =	sor.u32 s12, s18;
	v3 =	vld.idx.msk [tilespmem:v3+s1+$0x0], $0xffff  }
0xed: {  	v13 =	vld [tilespmem:s12+$0x0]  }
0xee: {  	v1 =	vadd.f32 v1, v4;
	v5 =	vld.idx.msk [tilespmem:v5+s1+$0x0], $0xffff  }
0xef: {  	v0 =	vadd.f32 v0, v6;
	v4 =	vld.idx.msk [tilespmem:v9+s1+$0x0], $0xffff  }
0xf0: {  	v2 =	vadd.f32 v2, v7;
	[tilespmem:s9+$0x0] =	vst v1  }
0xf1: {  	[tilespmem:s7+$0x0] =	vst v0;
	v0 =	vadd.f32 v12, v3  }
0xf2: {  	[tilespmem:s8+$0x0] =	vst v2;
	v1 =	vadd.f32 v13, v8  }
0xf3: {  	[tilespmem:s10+$0x0] =	vst v0;
	v0 =	vadd.f32 v10, v5  }
0xf4: {  	[tilespmem:s12+$0x0] =	vst v1;
	v1 =	vadd.f32 v11, v4  }
0xf5: {  	[tilespmem:s13+$0x0] =	vst v0  }
0xf6: {  	s20 =	simm.s32 $0x0;
	[tilespmem:s11+$0x0] =	vst v1  }
0xf7: {  	s9 =	simm.s32 $0x0;
	s10 =	simm.s32 $0x0;
	s8 =	rddreg [dreg:$0x7]  }
0xf8: {  	[hbm4b:s8+s9] =	stream.linear.scatter [tilespmem:s2], [sflag:$0x4], $0xC400, $0x38;
	[tilespmem:$0x1AC80] =	vst v63  }
0xf9: {  	s17 =	sand.u32 $0x3FFFFF80, s10;
	s11 =	sand.u32 $0x40, s9;
	_ =	swait.ge [sflag:s31], $0xC400  }
0xfa: {  	s7 =	sadd.s32 $0xC00, s17;
	s18 =	sor.u32 $0x20, s11;
	[sflag:s31] =	ssyncset.done $0x0  }
0xfb: {  	s10 =	sand.u32 $0x7, s20;
	s19 =	sor.u32 s18, s7;
	[sflag:s31] =	ssyncadd.s32 $0xFFFF3C00  }
0xfc: {  	s22 =	simm.s32 $0x0;
	s12 =	simm.s32 $0x40;
	s15 =	sshll.u32 s10, $0x5;
	v0 =	vld [tilespmem:s19+$0x0]  }
0xfd: {  	s10 =	sshll.u32 s10, $0x7;
	s25 =	sor.u32 $0x200, s15;
	s8 =	sand.u32 $0x3FFFFC00, s22  }
0xfe: {  	s23 =	sor.u32 $0x30, s11;
	s24 =	sor.u32 s11, s7;
	s8 =	sor.u32 s10, s8  }
0xff: {  	s14 =	sor.u32 $0x10, s11;
	s16 =	sor.u32 s23, s7;
	s26 =	sadd.s32 $0x2480, s8;
	v1 =	vld [tilespmem:s24+$0x0]  }
0x100: {  	s7 =	sor.u32 s14, s7;
	s8 =	sor.u32 s14, s26;
	s14 =	simm.s32 $0x8;
	v3 =	vld [tilespmem:s16+$0x0]  }
0x101: {  	s10 =	sand.u32 $0x40, s12;
	v5 =	vld [tilespmem:s7+$0x0];
	s12 =	sand.u32 $0x3FFFFF80, s14;
	v4 =	vadd.s32 s25, v0  }
0x102: {  	v2 =	vld [tilespmem:s8+$0x0];
	s16 =	sor.u32 s18, s26;
	s15 =	sadd.s32 $0xC00, s12;
	s12 =	sor.u32 $0x20, s10  }
0x103: {  	v9 =	vld [tilespmem:s16+$0x0];
	s18 =	sor.u32 s12, s15  }
0x104: {  	s7 =	sor.u32 s23, s26;
	v11 =	vld [tilespmem:s18+$0x0]  }
0x105: {  	v0 =	vld [tilespmem:s7+$0x0];
	v6 =	vadd.s32 s25, v1  }
0x106: {  	s9 =	sor.u32 s11, s26;
	v7 =	vadd.s32 s25, v5;
	v8 =	vld.idx.msk [tilespmem:v4+s1+$0x0], $0xffff  }
0x107: {  	s22 =	sor.u32 $0x30, s10;
	s19 =	sor.u32 s10, s15;
	v1 =	vld [tilespmem:s9+$0x0];
	v10 =	vadd.s32 s25, v3  }
0x108: {  	s20 =	simm.s32 $0x0;
	v3 =	vld [tilespmem:s19+$0x0];
	s25 =	sor.u32 s22, s15  }
0x109: {  	s23 =	simm.s32 $0x40;
	s24 =	sand.u32 $0x7, s20;
	v5 =	vld [tilespmem:s25+$0x0]  }
0x10a: {  	s13 =	sand.u32 $0x3FFFFC00, s23;
	s17 =	sshll.u32 s24, $0x5;
	s19 =	sshll.u32 s24, $0x7;
	v4 =	vld.idx.msk [tilespmem:v6+s1+$0x0], $0xffff  }
0x10b: {  	s20 =	sor.u32 $0x10, s10;
	s17 =	sor.u32 $0x200, s17;
	s13 =	sor.u32 s19, s13;
	v7 =	vld.idx.msk [tilespmem:v7+s1+$0x0], $0xffff;
	v63 =	vadd.f32 v9, v8  }
0x10c: {  	s14 =	simm.s32 $0x4;
	s26 =	sor.u32 s20, s15;
	s18 =	sadd.s32 $0x2480, s13;
	v6 =	vld.idx.msk [tilespmem:v10+s1+$0x0], $0xffff;
	v8 =	vadd.s32 s17, v11  }
0x10d: {  	s15 =	simm.s32 $0x80;
	s11 =	sor.u32 s20, s18;
	s13 =	sor.u32 s22, s18;
	v9 =	vld [tilespmem:s26+$0x0];
	[tilespmem:s16+$0x0] =	vst v63  }
.LBB2_10:
0x10e: {  	s14 =	sadd.s32 $0x4, s14;
	s19 =	sor.u32 s10, s18;
	s16 =	sor.u32 s12, s18;
	v10 =	vld [tilespmem:s13+$0x0]  }
0x10f: {  	v4 =	vadd.f32 v1, v4;
	s10 =	sshrl.u32 s14, $0x3;
	s12 =	sshll.u32 s14, $0x1;
	s18 =	sshll.u32 s14, $0x4;
	v11 =	vld [tilespmem:s11+$0x0]  }
0x110: {  	v12 =	vadd.s32 s17, v3;
	s20 =	sand.u32 $0x7, s10;
	s10 =	sand.u32 $0x40, s15;
	s12 =	sand.u32 $0x3FFFFF80, s12;
	v1 =	vld [tilespmem:s19+$0x0]  }
0x111: {  	v13 =	vadd.s32 s17, v5;
	v5 =	vadd.f32 v2, v7;
	s22 =	sadd.s32 $0xC00, s12;
	s12 =	sor.u32 $0x20, s10;
	s23 =	sor.u32 $0x30, s10;
	v8 =	vld.idx.msk [tilespmem:v8+s1+$0x0], $0xffff;
	[tilespmem:s9+$0x0] =	vst v4  }
0x112: {  	s24 =	sor.u32 $0x10, s10;
	v4 =	vadd.f32 v0, v6;
	s9 =	sor.u32 s10, s22;
	s25 =	sor.u32 s12, s22;
	v7 =	vadd.s32 s17, v9;
	v9 =	vld [tilespmem:s16+$0x0]  }
0x113: {  	s17 =	sshll.u32 s20, $0x5;
	s26 =	sor.u32 s24, s22;
	s22 =	sor.u32 s23, s22;
	v6 =	vld [tilespmem:s25+$0x0];
	[tilespmem:s8+$0x0] =	vst v5;
	v0 =	vmov v10  }
0x114: {  	p0 =	slt.u32 s14, $0x61C;
	s8 =	sand.u32 $0x3FFFFC00, s18;
	v3 =	vld [tilespmem:s9+$0x0];
	s9 =	sshll.u32 s20, $0x7;
	[tilespmem:s7+$0x0] =	vst v4;
	v2 =	vmov v11  }
.Ltmp4:
0x115: {  	s7 =	sor.u32 s9, s8;
	v4 =	vld.idx.msk [tilespmem:v12+s1+$0x0], $0xffff;
	s9 =	smov.u32 s19;
	(pc) =	sbr.rel @p0 .LBB2_10-.Ltmp4, $4  }
0x116: {  	s8 =	smov.u32 s11;
	s18 =	sadd.s32 $0x2480, s7;
	v5 =	vld [tilespmem:s22+$0x0];
	s7 =	smov.u32 s13  }
0x117: {  	s17 =	sor.u32 $0x200, s17;
	s11 =	sor.u32 s24, s18;
	v7 =	vld.idx.msk [tilespmem:v7+s1+$0x0], $0xffff;
	v10 =	vadd.f32 v9, v8  }
0x118: {  	v8 =	vadd.s32 s17, v6;
	v6 =	vld.idx.msk [tilespmem:v13+s1+$0x0], $0xffff  }
0x119: {  	s15 =	sadd.s32 $0x40, s15;
	s13 =	sor.u32 s23, s18;
	v9 =	vld [tilespmem:s26+$0x0];
	[tilespmem:s16+$0x0] =	vst v10  }
0x11a: {  	_ = 	snop  }
0x11b: {  	v3 =	vadd.s32 s17, v3  }
0x11c: {  	v10 =	vld [tilespmem:s13+$0x0]  }
0x11d: {  	v11 =	vld [tilespmem:s11+$0x0];
	v5 =	vadd.s32 s17, v5  }
0x11e: {  	s10 =	sor.u32 s10, s18;
	v8 =	vld.idx.msk [tilespmem:v8+s1+$0x0], $0xffff;
	v9 =	vadd.s32 s17, v9  }
0x11f: {  	v12 =	vld [tilespmem:s10+$0x0]  }
0x120: {  	s12 =	sor.u32 s12, s18;
	v3 =	vld.idx.msk [tilespmem:v3+s1+$0x0], $0xffff  }
0x121: {  	v13 =	vld [tilespmem:s12+$0x0]  }
0x122: {  	v1 =	vadd.f32 v1, v4;
	v5 =	vld.idx.msk [tilespmem:v5+s1+$0x0], $0xffff  }
0x123: {  	v0 =	vadd.f32 v0, v6;
	v4 =	vld.idx.msk [tilespmem:v9+s1+$0x0], $0xffff  }
0x124: {  	v2 =	vadd.f32 v2, v7;
	[tilespmem:s9+$0x0] =	vst v1  }
0x125: {  	[tilespmem:s7+$0x0] =	vst v0;
	v0 =	vadd.f32 v12, v3  }
0x126: {  	[tilespmem:s8+$0x0] =	vst v2;
	v1 =	vadd.f32 v13, v8  }
0x127: {  	[tilespmem:s10+$0x0] =	vst v0;
	v0 =	vadd.f32 v10, v5  }
0x128: {  	[tilespmem:s12+$0x0] =	vst v1;
	v1 =	vadd.f32 v11, v4  }
0x129: {  	[tilespmem:s13+$0x0] =	vst v0  }
0x12a: {  	s20 =	simm.s32 $0xC4;
	s9 =	simm.s32 $0x6200;
	s10 =	simm.s32 $0xC40;
	[tilespmem:s11+$0x0] =	vst v1  }
0x12b: {  	s17 =	sand.u32 $0x3FFFFF80, s10;
	s11 =	sand.u32 $0x40, s9;
	_ =	swait.ge [sflag:s5], $0xC400  }
0x12c: {  	s7 =	sadd.s32 $0xC00, s17;
	s18 =	sor.u32 $0x20, s11;
	[sflag:s5] =	ssyncset.done $0x0  }
0x12d: {  	s8 =	rddreg [dreg:$0x8];
	s19 =	sor.u32 s18, s7;
	[sflag:s5] =	ssyncadd.s32 $0xFFFF3C00  }
0x12e: {  	[tilespmem:s2], [sflag:$0x2] =	stream.linear.gather [hbm4b:s8+s1], $0xC400, $0x38;
	[tilespmem:$0x1AC80] =	vst v63  }
0x12f: {  	s10 =	sand.u32 $0x7, s20;
	v0 =	vld [tilespmem:s19+$0x0]  }
0x130: {  	s22 =	simm.s32 $0x6200;
	s15 =	sshll.u32 s10, $0x5;
	s10 =	sshll.u32 s10, $0x7  }
0x131: {  	s23 =	sor.u32 $0x30, s11;
	s24 =	sor.u32 s11, s7;
	s8 =	sand.u32 $0x3FFFFC00, s22  }
0x132: {  	s14 =	sor.u32 $0x10, s11;
	s16 =	sor.u32 s23, s7;
	v1 =	vld [tilespmem:s24+$0x0];
	s8 =	sor.u32 s10, s8  }
0x133: {  	s25 =	sor.u32 $0x200, s15;
	s7 =	sor.u32 s14, s7;
	v3 =	vld [tilespmem:s16+$0x0];
	s26 =	sadd.s32 $0x2480, s8  }
0x134: {  	v5 =	vld [tilespmem:s7+$0x0];
	s8 =	sor.u32 s14, s26;
	v4 =	vadd.s32 s25, v0  }
0x135: {  	s16 =	sor.u32 s18, s26;
	v2 =	vld [tilespmem:s8+$0x0]  }
0x136: {  	s12 =	simm.s32 $0x6240;
	s7 =	sor.u32 s23, s26;
	s14 =	simm.s32 $0xC48;
	v9 =	vld [tilespmem:s16+$0x0]  }
0x137: {  	s10 =	sand.u32 $0x40, s12;
	s9 =	sor.u32 s11, s26;
	s12 =	sand.u32 $0x3FFFFF80, s14;
	v0 =	vld [tilespmem:s7+$0x0]  }
0x138: {  	s15 =	sadd.s32 $0xC00, s12;
	s12 =	sor.u32 $0x20, s10;
	v6 =	vadd.s32 s25, v1;
	v1 =	vld [tilespmem:s9+$0x0]  }
0x139: {  	s18 =	sor.u32 s12, s15;
	v7 =	vadd.s32 s25, v5;
	v8 =	vld.idx.msk [tilespmem:v4+s1+$0x0], $0xffff  }
0x13a: {  	s22 =	sor.u32 $0x30, s10;
	v10 =	vadd.s32 s25, v3;
	s19 =	sor.u32 s10, s15;
	v11 =	vld [tilespmem:s18+$0x0]  }
0x13b: {  	s20 =	simm.s32 $0xC4;
	s25 =	sor.u32 s22, s15;
	v3 =	vld [tilespmem:s19+$0x0]  }
0x13c: {  	s24 =	sand.u32 $0x7, s20;
	s23 =	simm.s32 $0x6240;
	v5 =	vld [tilespmem:s25+$0x0]  }
0x13d: {  	s17 =	sshll.u32 s24, $0x5;
	s13 =	sand.u32 $0x3FFFFC00, s23;
	s19 =	sshll.u32 s24, $0x7;
	v4 =	vld.idx.msk [tilespmem:v6+s1+$0x0], $0xffff  }
0x13e: {  	s20 =	sor.u32 $0x10, s10;
	s17 =	sor.u32 $0x200, s17;
	s13 =	sor.u32 s19, s13;
	v7 =	vld.idx.msk [tilespmem:v7+s1+$0x0], $0xffff;
	v63 =	vadd.f32 v9, v8  }
0x13f: {  	s14 =	simm.s32 $0x624;
	s26 =	sor.u32 s20, s15;
	s18 =	sadd.s32 $0x2480, s13;
	v6 =	vld.idx.msk [tilespmem:v10+s1+$0x0], $0xffff;
	v8 =	vadd.s32 s17, v11  }
0x140: {  	s15 =	simm.s32 $0x6280;
	s11 =	sor.u32 s20, s18;
	s13 =	sor.u32 s22, s18;
	v9 =	vld [tilespmem:s26+$0x0];
	[tilespmem:s16+$0x0] =	vst v63  }
.LBB2_12:
0x141: {  	s14 =	sadd.s32 $0x4, s14;
	s19 =	sor.u32 s10, s18;
	s16 =	sor.u32 s12, s18;
	v10 =	vld [tilespmem:s13+$0x0]  }
0x142: {  	v4 =	vadd.f32 v1, v4;
	s10 =	sshrl.u32 s14, $0x3;
	s12 =	sshll.u32 s14, $0x1;
	s18 =	sshll.u32 s14, $0x4;
	v11 =	vld [tilespmem:s11+$0x0]  }
0x143: {  	v12 =	vadd.s32 s17, v3;
	s20 =	sand.u32 $0x7, s10;
	s10 =	sand.u32 $0x40, s15;
	s12 =	sand.u32 $0x3FFFFF80, s12;
	v1 =	vld [tilespmem:s19+$0x0]  }
0x144: {  	v13 =	vadd.s32 s17, v5;
	v5 =	vadd.f32 v2, v7;
	s22 =	sadd.s32 $0xC00, s12;
	s12 =	sor.u32 $0x20, s10;
	s23 =	sor.u32 $0x30, s10;
	v8 =	vld.idx.msk [tilespmem:v8+s1+$0x0], $0xffff;
	[tilespmem:s9+$0x0] =	vst v4  }
0x145: {  	s24 =	sor.u32 $0x10, s10;
	v4 =	vadd.f32 v0, v6;
	s9 =	sor.u32 s10, s22;
	s25 =	sor.u32 s12, s22;
	v7 =	vadd.s32 s17, v9;
	v9 =	vld [tilespmem:s16+$0x0]  }
0x146: {  	s17 =	sshll.u32 s20, $0x5;
	s26 =	sor.u32 s24, s22;
	s22 =	sor.u32 s23, s22;
	v6 =	vld [tilespmem:s25+$0x0];
	[tilespmem:s8+$0x0] =	vst v5;
	v0 =	vmov v10  }
0x147: {  	p0 =	slt.u32 s14, $0xC3C;
	s8 =	sand.u32 $0x3FFFFC00, s18;
	v3 =	vld [tilespmem:s9+$0x0];
	s9 =	sshll.u32 s20, $0x7;
	[tilespmem:s7+$0x0] =	vst v4;
	v2 =	vmov v11  }
.Ltmp5:
0x148: {  	s7 =	sor.u32 s9, s8;
	v4 =	vld.idx.msk [tilespmem:v12+s1+$0x0], $0xffff;
	s9 =	smov.u32 s19;
	(pc) =	sbr.rel @p0 .LBB2_12-.Ltmp5, $4  }
0x149: {  	s8 =	smov.u32 s11;
	s18 =	sadd.s32 $0x2480, s7;
	v5 =	vld [tilespmem:s22+$0x0];
	s7 =	smov.u32 s13  }
0x14a: {  	s17 =	sor.u32 $0x200, s17;
	s11 =	sor.u32 s24, s18;
	v7 =	vld.idx.msk [tilespmem:v7+s1+$0x0], $0xffff;
	v10 =	vadd.f32 v9, v8  }
0x14b: {  	v8 =	vadd.s32 s17, v6;
	v6 =	vld.idx.msk [tilespmem:v13+s1+$0x0], $0xffff  }
0x14c: {  	s15 =	sadd.s32 $0x40, s15;
	s13 =	sor.u32 s23, s18;
	v9 =	vld [tilespmem:s26+$0x0];
	[tilespmem:s16+$0x0] =	vst v10  }
0x14d: {  	_ = 	snop  }
0x14e: {  	v3 =	vadd.s32 s17, v3  }
0x14f: {  	v10 =	vld [tilespmem:s13+$0x0]  }
0x150: {  	v11 =	vld [tilespmem:s11+$0x0];
	v5 =	vadd.s32 s17, v5  }
0x151: {  	s10 =	sor.u32 s10, s18;
	v8 =	vld.idx.msk [tilespmem:v8+s1+$0x0], $0xffff;
	v9 =	vadd.s32 s17, v9  }
0x152: {  	v12 =	vld [tilespmem:s10+$0x0]  }
0x153: {  	s12 =	sor.u32 s12, s18;
	v3 =	vld.idx.msk [tilespmem:v3+s1+$0x0], $0xffff  }
0x154: {  	v13 =	vld [tilespmem:s12+$0x0]  }
0x155: {  	v1 =	vadd.f32 v1, v4;
	v5 =	vld.idx.msk [tilespmem:v5+s1+$0x0], $0xffff  }
0x156: {  	v0 =	vadd.f32 v0, v6;
	v4 =	vld.idx.msk [tilespmem:v9+s1+$0x0], $0xffff  }
0x157: {  	v2 =	vadd.f32 v2, v7;
	[tilespmem:s9+$0x0] =	vst v1  }
0x158: {  	[tilespmem:s7+$0x0] =	vst v0;
	v0 =	vadd.f32 v12, v3  }
0x159: {  	[tilespmem:s8+$0x0] =	vst v2;
	v1 =	vadd.f32 v13, v8  }
0x15a: {  	[tilespmem:s10+$0x0] =	vst v0;
	v0 =	vadd.f32 v10, v5  }
0x15b: {  	[tilespmem:s12+$0x0] =	vst v1;
	v1 =	vadd.f32 v11, v4  }
0x15c: {  	[tilespmem:s13+$0x0] =	vst v0  }
0x15d: {  	s20 =	simm.s32 $0x0;
	[tilespmem:s11+$0x0] =	vst v1  }
0x15e: {  	s9 =	simm.s32 $0x0;
	s10 =	simm.s32 $0x0;
	s8 =	rddreg [dreg:$0x9]  }
0x15f: {  	[hbm4b:s8+s9] =	stream.linear.scatter [tilespmem:s0], [sflag:$0x3], $0xC400, $0x38;
	[tilespmem:$0x1AC80] =	vst v63  }
0x160: {  	s17 =	sand.u32 $0x3FFFFF80, s10;
	s11 =	sand.u32 $0x40, s9;
	_ =	swait.ge [sflag:s3], $0xC400  }
0x161: {  	s7 =	sadd.s32 $0xC00, s17;
	s18 =	sor.u32 $0x20, s11;
	[sflag:s3] =	ssyncset.done $0x0  }
0x162: {  	s10 =	sand.u32 $0x7, s20;
	s19 =	sor.u32 s18, s7;
	[sflag:s3] =	ssyncadd.s32 $0xFFFF3C00  }
0x163: {  	s22 =	simm.s32 $0x0;
	s12 =	simm.s32 $0x40;
	s15 =	sshll.u32 s10, $0x5;
	v0 =	vld [tilespmem:s19+$0x0]  }
0x164: {  	s10 =	sshll.u32 s10, $0x7;
	s25 =	sor.u32 $0x300, s15;
	s8 =	sand.u32 $0x3FFFFC00, s22  }
0x165: {  	s23 =	sor.u32 $0x30, s11;
	s24 =	sor.u32 s11, s7;
	s8 =	sor.u32 s10, s8  }
0x166: {  	s14 =	sor.u32 $0x10, s11;
	s16 =	sor.u32 s23, s7;
	s26 =	sadd.s32 $0xE880, s8;
	v1 =	vld [tilespmem:s24+$0x0]  }
0x167: {  	s7 =	sor.u32 s14, s7;
	s8 =	sor.u32 s14, s26;
	s14 =	simm.s32 $0x8;
	v3 =	vld [tilespmem:s16+$0x0]  }
0x168: {  	s10 =	sand.u32 $0x40, s12;
	v5 =	vld [tilespmem:s7+$0x0];
	s12 =	sand.u32 $0x3FFFFF80, s14;
	v4 =	vadd.s32 s25, v0  }
0x169: {  	v2 =	vld [tilespmem:s8+$0x0];
	s16 =	sor.u32 s18, s26;
	s15 =	sadd.s32 $0xC00, s12;
	s12 =	sor.u32 $0x20, s10  }
0x16a: {  	v9 =	vld [tilespmem:s16+$0x0];
	s18 =	sor.u32 s12, s15  }
0x16b: {  	s7 =	sor.u32 s23, s26;
	v11 =	vld [tilespmem:s18+$0x0]  }
0x16c: {  	v0 =	vld [tilespmem:s7+$0x0];
	v6 =	vadd.s32 s25, v1  }
0x16d: {  	s9 =	sor.u32 s11, s26;
	v7 =	vadd.s32 s25, v5;
	v8 =	vld.idx.msk [tilespmem:v4+s1+$0x0], $0xffff  }
0x16e: {  	s22 =	sor.u32 $0x30, s10;
	s19 =	sor.u32 s10, s15;
	v1 =	vld [tilespmem:s9+$0x0];
	v10 =	vadd.s32 s25, v3  }
0x16f: {  	s20 =	simm.s32 $0x0;
	v3 =	vld [tilespmem:s19+$0x0];
	s25 =	sor.u32 s22, s15  }
0x170: {  	s23 =	simm.s32 $0x40;
	s24 =	sand.u32 $0x7, s20;
	v5 =	vld [tilespmem:s25+$0x0]  }
0x171: {  	s13 =	sand.u32 $0x3FFFFC00, s23;
	s17 =	sshll.u32 s24, $0x5;
	s19 =	sshll.u32 s24, $0x7;
	v4 =	vld.idx.msk [tilespmem:v6+s1+$0x0], $0xffff  }
0x172: {  	s20 =	sor.u32 $0x10, s10;
	s17 =	sor.u32 $0x300, s17;
	s13 =	sor.u32 s19, s13;
	v7 =	vld.idx.msk [tilespmem:v7+s1+$0x0], $0xffff;
	v63 =	vadd.f32 v9, v8  }
0x173: {  	s14 =	simm.s32 $0x4;
	s26 =	sor.u32 s20, s15;
	s18 =	sadd.s32 $0xE880, s13;
	v6 =	vld.idx.msk [tilespmem:v10+s1+$0x0], $0xffff;
	v8 =	vadd.s32 s17, v11  }
0x174: {  	s15 =	simm.s32 $0x80;
	s11 =	sor.u32 s20, s18;
	s13 =	sor.u32 s22, s18;
	v9 =	vld [tilespmem:s26+$0x0];
	[tilespmem:s16+$0x0] =	vst v63  }
.LBB2_14:
0x175: {  	s14 =	sadd.s32 $0x4, s14;
	s19 =	sor.u32 s10, s18;
	s16 =	sor.u32 s12, s18;
	v10 =	vld [tilespmem:s13+$0x0]  }
0x176: {  	v4 =	vadd.f32 v1, v4;
	s10 =	sshrl.u32 s14, $0x3;
	s12 =	sshll.u32 s14, $0x1;
	s18 =	sshll.u32 s14, $0x4;
	v11 =	vld [tilespmem:s11+$0x0]  }
0x177: {  	v12 =	vadd.s32 s17, v3;
	s20 =	sand.u32 $0x7, s10;
	s10 =	sand.u32 $0x40, s15;
	s12 =	sand.u32 $0x3FFFFF80, s12;
	v1 =	vld [tilespmem:s19+$0x0]  }
0x178: {  	v13 =	vadd.s32 s17, v5;
	v5 =	vadd.f32 v2, v7;
	s22 =	sadd.s32 $0xC00, s12;
	s12 =	sor.u32 $0x20, s10;
	s23 =	sor.u32 $0x30, s10;
	v8 =	vld.idx.msk [tilespmem:v8+s1+$0x0], $0xffff;
	[tilespmem:s9+$0x0] =	vst v4  }
0x179: {  	s24 =	sor.u32 $0x10, s10;
	v4 =	vadd.f32 v0, v6;
	s9 =	sor.u32 s10, s22;
	s25 =	sor.u32 s12, s22;
	v7 =	vadd.s32 s17, v9;
	v9 =	vld [tilespmem:s16+$0x0]  }
0x17a: {  	s17 =	sshll.u32 s20, $0x5;
	s26 =	sor.u32 s24, s22;
	s22 =	sor.u32 s23, s22;
	v6 =	vld [tilespmem:s25+$0x0];
	[tilespmem:s8+$0x0] =	vst v5;
	v0 =	vmov v10  }
0x17b: {  	p0 =	slt.u32 s14, $0x61C;
	s8 =	sand.u32 $0x3FFFFC00, s18;
	v3 =	vld [tilespmem:s9+$0x0];
	s9 =	sshll.u32 s20, $0x7;
	[tilespmem:s7+$0x0] =	vst v4;
	v2 =	vmov v11  }
.Ltmp6:
0x17c: {  	s7 =	sor.u32 s9, s8;
	v4 =	vld.idx.msk [tilespmem:v12+s1+$0x0], $0xffff;
	s9 =	smov.u32 s19;
	(pc) =	sbr.rel @p0 .LBB2_14-.Ltmp6, $4  }
0x17d: {  	s8 =	smov.u32 s11;
	s18 =	sadd.s32 $0xE880, s7;
	v5 =	vld [tilespmem:s22+$0x0];
	s7 =	smov.u32 s13  }
0x17e: {  	s17 =	sor.u32 $0x300, s17;
	s11 =	sor.u32 s24, s18;
	v7 =	vld.idx.msk [tilespmem:v7+s1+$0x0], $0xffff;
	v10 =	vadd.f32 v9, v8  }
0x17f: {  	v8 =	vadd.s32 s17, v6;
	v6 =	vld.idx.msk [tilespmem:v13+s1+$0x0], $0xffff  }
0x180: {  	s15 =	sadd.s32 $0x40, s15;
	s13 =	sor.u32 s23, s18;
	v9 =	vld [tilespmem:s26+$0x0];
	[tilespmem:s16+$0x0] =	vst v10  }
0x181: {  	_ = 	snop  }
0x182: {  	v3 =	vadd.s32 s17, v3  }
0x183: {  	v10 =	vld [tilespmem:s13+$0x0]  }
0x184: {  	v11 =	vld [tilespmem:s11+$0x0];
	v5 =	vadd.s32 s17, v5  }
0x185: {  	s10 =	sor.u32 s10, s18;
	v8 =	vld.idx.msk [tilespmem:v8+s1+$0x0], $0xffff;
	v9 =	vadd.s32 s17, v9  }
0x186: {  	v12 =	vld [tilespmem:s10+$0x0]  }
0x187: {  	s12 =	sor.u32 s12, s18;
	v3 =	vld.idx.msk [tilespmem:v3+s1+$0x0], $0xffff  }
0x188: {  	v13 =	vld [tilespmem:s12+$0x0]  }
0x189: {  	v1 =	vadd.f32 v1, v4;
	v5 =	vld.idx.msk [tilespmem:v5+s1+$0x0], $0xffff  }
0x18a: {  	v0 =	vadd.f32 v0, v6;
	v4 =	vld.idx.msk [tilespmem:v9+s1+$0x0], $0xffff  }
0x18b: {  	v2 =	vadd.f32 v2, v7;
	[tilespmem:s9+$0x0] =	vst v1  }
0x18c: {  	[tilespmem:s7+$0x0] =	vst v0;
	v0 =	vadd.f32 v12, v3  }
0x18d: {  	[tilespmem:s8+$0x0] =	vst v2;
	v1 =	vadd.f32 v13, v8  }
0x18e: {  	[tilespmem:s10+$0x0] =	vst v0;
	v0 =	vadd.f32 v10, v5  }
0x18f: {  	[tilespmem:s12+$0x0] =	vst v1;
	v1 =	vadd.f32 v11, v4  }
0x190: {  	[tilespmem:s13+$0x0] =	vst v0  }
0x191: {  	s20 =	simm.s32 $0xC4;
	s9 =	simm.s32 $0x6200;
	s10 =	simm.s32 $0xC40;
	[tilespmem:s11+$0x0] =	vst v1  }
0x192: {  	s17 =	sand.u32 $0x3FFFFF80, s10;
	s11 =	sand.u32 $0x40, s9;
	_ =	swait.ge [sflag:s4], $0xC400  }
0x193: {  	s7 =	sadd.s32 $0xC00, s17;
	s18 =	sor.u32 $0x20, s11;
	[sflag:s4] =	ssyncset.done $0x0  }
0x194: {  	s8 =	rddreg [dreg:$0xa];
	s19 =	sor.u32 s18, s7;
	[sflag:s4] =	ssyncadd.s32 $0xFFFF3C00  }
0x195: {  	[tilespmem:s0], [sflag:$0x1] =	stream.linear.gather [hbm4b:s8+s1], $0xC400, $0x38;
	[tilespmem:$0x1AC80] =	vst v63  }
0x196: {  	s10 =	sand.u32 $0x7, s20;
	v0 =	vld [tilespmem:s19+$0x0]  }
0x197: {  	s22 =	simm.s32 $0x6200;
	s15 =	sshll.u32 s10, $0x5;
	s10 =	sshll.u32 s10, $0x7  }
0x198: {  	s23 =	sor.u32 $0x30, s11;
	s24 =	sor.u32 s11, s7;
	s8 =	sand.u32 $0x3FFFFC00, s22  }
0x199: {  	s14 =	sor.u32 $0x10, s11;
	s16 =	sor.u32 s23, s7;
	v1 =	vld [tilespmem:s24+$0x0];
	s8 =	sor.u32 s10, s8  }
0x19a: {  	s25 =	sor.u32 $0x300, s15;
	s7 =	sor.u32 s14, s7;
	v3 =	vld [tilespmem:s16+$0x0];
	s26 =	sadd.s32 $0xE880, s8  }
0x19b: {  	v5 =	vld [tilespmem:s7+$0x0];
	s8 =	sor.u32 s14, s26;
	v4 =	vadd.s32 s25, v0  }
0x19c: {  	s16 =	sor.u32 s18, s26;
	v2 =	vld [tilespmem:s8+$0x0]  }
0x19d: {  	s12 =	simm.s32 $0x6240;
	s7 =	sor.u32 s23, s26;
	s14 =	simm.s32 $0xC48;
	v9 =	vld [tilespmem:s16+$0x0]  }
0x19e: {  	s10 =	sand.u32 $0x40, s12;
	s9 =	sor.u32 s11, s26;
	s12 =	sand.u32 $0x3FFFFF80, s14;
	v0 =	vld [tilespmem:s7+$0x0]  }
0x19f: {  	s15 =	sadd.s32 $0xC00, s12;
	s12 =	sor.u32 $0x20, s10;
	v6 =	vadd.s32 s25, v1;
	v1 =	vld [tilespmem:s9+$0x0]  }
0x1a0: {  	s18 =	sor.u32 s12, s15;
	v7 =	vadd.s32 s25, v5;
	v8 =	vld.idx.msk [tilespmem:v4+s1+$0x0], $0xffff  }
0x1a1: {  	s22 =	sor.u32 $0x30, s10;
	v10 =	vadd.s32 s25, v3;
	s19 =	sor.u32 s10, s15;
	v11 =	vld [tilespmem:s18+$0x0]  }
0x1a2: {  	s20 =	simm.s32 $0xC4;
	s25 =	sor.u32 s22, s15;
	v3 =	vld [tilespmem:s19+$0x0]  }
0x1a3: {  	s24 =	sand.u32 $0x7, s20;
	s23 =	simm.s32 $0x6240;
	v5 =	vld [tilespmem:s25+$0x0]  }
0x1a4: {  	s17 =	sshll.u32 s24, $0x5;
	s13 =	sand.u32 $0x3FFFFC00, s23;
	s19 =	sshll.u32 s24, $0x7;
	v4 =	vld.idx.msk [tilespmem:v6+s1+$0x0], $0xffff  }
0x1a5: {  	s20 =	sor.u32 $0x10, s10;
	s17 =	sor.u32 $0x300, s17;
	s13 =	sor.u32 s19, s13;
	v7 =	vld.idx.msk [tilespmem:v7+s1+$0x0], $0xffff;
	v63 =	vadd.f32 v9, v8  }
0x1a6: {  	s14 =	simm.s32 $0x624;
	s26 =	sor.u32 s20, s15;
	s18 =	sadd.s32 $0xE880, s13;
	v6 =	vld.idx.msk [tilespmem:v10+s1+$0x0], $0xffff;
	v8 =	vadd.s32 s17, v11  }
0x1a7: {  	s15 =	simm.s32 $0x6280;
	s11 =	sor.u32 s20, s18;
	s13 =	sor.u32 s22, s18;
	v9 =	vld [tilespmem:s26+$0x0];
	[tilespmem:s16+$0x0] =	vst v63  }
.LBB2_16:
0x1a8: {  	s14 =	sadd.s32 $0x4, s14;
	s19 =	sor.u32 s10, s18;
	s16 =	sor.u32 s12, s18;
	v10 =	vld [tilespmem:s13+$0x0]  }
0x1a9: {  	v4 =	vadd.f32 v1, v4;
	s10 =	sshrl.u32 s14, $0x3;
	s12 =	sshll.u32 s14, $0x1;
	s18 =	sshll.u32 s14, $0x4;
	v11 =	vld [tilespmem:s11+$0x0]  }
0x1aa: {  	v12 =	vadd.s32 s17, v3;
	s20 =	sand.u32 $0x7, s10;
	s10 =	sand.u32 $0x40, s15;
	s12 =	sand.u32 $0x3FFFFF80, s12;
	v1 =	vld [tilespmem:s19+$0x0]  }
0x1ab: {  	v13 =	vadd.s32 s17, v5;
	v5 =	vadd.f32 v2, v7;
	s22 =	sadd.s32 $0xC00, s12;
	s12 =	sor.u32 $0x20, s10;
	s23 =	sor.u32 $0x30, s10;
	v8 =	vld.idx.msk [tilespmem:v8+s1+$0x0], $0xffff;
	[tilespmem:s9+$0x0] =	vst v4  }
0x1ac: {  	s24 =	sor.u32 $0x10, s10;
	v4 =	vadd.f32 v0, v6;
	s9 =	sor.u32 s10, s22;
	s25 =	sor.u32 s12, s22;
	v7 =	vadd.s32 s17, v9;
	v9 =	vld [tilespmem:s16+$0x0]  }
0x1ad: {  	s17 =	sshll.u32 s20, $0x5;
	s26 =	sor.u32 s24, s22;
	s22 =	sor.u32 s23, s22;
	v6 =	vld [tilespmem:s25+$0x0];
	[tilespmem:s8+$0x0] =	vst v5;
	v0 =	vmov v10  }
0x1ae: {  	p0 =	slt.u32 s14, $0xC3C;
	s8 =	sand.u32 $0x3FFFFC00, s18;
	v3 =	vld [tilespmem:s9+$0x0];
	s9 =	sshll.u32 s20, $0x7;
	[tilespmem:s7+$0x0] =	vst v4;
	v2 =	vmov v11  }
.Ltmp7:
0x1af: {  	s7 =	sor.u32 s9, s8;
	v4 =	vld.idx.msk [tilespmem:v12+s1+$0x0], $0xffff;
	s9 =	smov.u32 s19;
	(pc) =	sbr.rel @p0 .LBB2_16-.Ltmp7, $4  }
0x1b0: {  	s8 =	smov.u32 s11;
	s18 =	sadd.s32 $0xE880, s7;
	v5 =	vld [tilespmem:s22+$0x0];
	s7 =	smov.u32 s13  }
0x1b1: {  	s17 =	sor.u32 $0x300, s17;
	s11 =	sor.u32 s24, s18;
	v7 =	vld.idx.msk [tilespmem:v7+s1+$0x0], $0xffff;
	v10 =	vadd.f32 v9, v8  }
0x1b2: {  	v8 =	vadd.s32 s17, v6;
	v6 =	vld.idx.msk [tilespmem:v13+s1+$0x0], $0xffff  }
0x1b3: {  	s15 =	sadd.s32 $0x40, s15;
	s13 =	sor.u32 s23, s18;
	v9 =	vld [tilespmem:s26+$0x0];
	[tilespmem:s16+$0x0] =	vst v10  }
0x1b4: {  	_ = 	snop  }
0x1b5: {  	v3 =	vadd.s32 s17, v3  }
0x1b6: {  	v10 =	vld [tilespmem:s13+$0x0]  }
0x1b7: {  	v11 =	vld [tilespmem:s11+$0x0];
	v5 =	vadd.s32 s17, v5  }
0x1b8: {  	s10 =	sor.u32 s10, s18;
	v8 =	vld.idx.msk [tilespmem:v8+s1+$0x0], $0xffff;
	v9 =	vadd.s32 s17, v9  }
0x1b9: {  	v12 =	vld [tilespmem:s10+$0x0]  }
0x1ba: {  	s12 =	sor.u32 s12, s18;
	v3 =	vld.idx.msk [tilespmem:v3+s1+$0x0], $0xffff  }
0x1bb: {  	v13 =	vld [tilespmem:s12+$0x0]  }
0x1bc: {  	v1 =	vadd.f32 v1, v4;
	v5 =	vld.idx.msk [tilespmem:v5+s1+$0x0], $0xffff  }
0x1bd: {  	v0 =	vadd.f32 v0, v6;
	v4 =	vld.idx.msk [tilespmem:v9+s1+$0x0], $0xffff  }
0x1be: {  	v2 =	vadd.f32 v2, v7;
	[tilespmem:s9+$0x0] =	vst v1  }
0x1bf: {  	[tilespmem:s7+$0x0] =	vst v0;
	v0 =	vadd.f32 v12, v3  }
0x1c0: {  	[tilespmem:s8+$0x0] =	vst v2;
	v1 =	vadd.f32 v13, v8  }
0x1c1: {  	[tilespmem:s10+$0x0] =	vst v0;
	v0 =	vadd.f32 v10, v5  }
0x1c2: {  	[tilespmem:s12+$0x0] =	vst v1;
	v1 =	vadd.f32 v11, v4  }
0x1c3: {  	[tilespmem:s13+$0x0] =	vst v0  }
0x1c4: {  	s20 =	simm.s32 $0x0;
	[tilespmem:s11+$0x0] =	vst v1  }
0x1c5: {  	s9 =	simm.s32 $0x0;
	s10 =	simm.s32 $0x0;
	s8 =	rddreg [dreg:$0xb]  }
0x1c6: {  	[hbm4b:s8+s9] =	stream.linear.scatter [tilespmem:s2], [sflag:$0x4], $0xC400, $0x38;
	[tilespmem:$0x1AC80] =	vst v63  }
0x1c7: {  	s17 =	sand.u32 $0x3FFFFF80, s10;
	s11 =	sand.u32 $0x40, s9;
	_ =	swait.ge [sflag:s31], $0xC400  }
0x1c8: {  	s7 =	sadd.s32 $0xC00, s17;
	s18 =	sor.u32 $0x20, s11;
	[sflag:s31] =	ssyncset.done $0x0  }
0x1c9: {  	s10 =	sand.u32 $0x7, s20;
	s19 =	sor.u32 s18, s7;
	[sflag:s31] =	ssyncadd.s32 $0xFFFF3C00  }
0x1ca: {  	s22 =	simm.s32 $0x0;
	s12 =	simm.s32 $0x40;
	s15 =	sshll.u32 s10, $0x5;
	v0 =	vld [tilespmem:s19+$0x0]  }
0x1cb: {  	s10 =	sshll.u32 s10, $0x7;
	s25 =	sor.u32 $0x400, s15;
	s8 =	sand.u32 $0x3FFFFC00, s22  }
0x1cc: {  	s23 =	sor.u32 $0x30, s11;
	s24 =	sor.u32 s11, s7;
	s8 =	sor.u32 s10, s8  }
0x1cd: {  	s14 =	sor.u32 $0x10, s11;
	s16 =	sor.u32 s23, s7;
	s26 =	sadd.s32 $0x2480, s8;
	v1 =	vld [tilespmem:s24+$0x0]  }
0x1ce: {  	s7 =	sor.u32 s14, s7;
	s8 =	sor.u32 s14, s26;
	s14 =	simm.s32 $0x8;
	v3 =	vld [tilespmem:s16+$0x0]  }
0x1cf: {  	s10 =	sand.u32 $0x40, s12;
	v5 =	vld [tilespmem:s7+$0x0];
	s12 =	sand.u32 $0x3FFFFF80, s14;
	v4 =	vadd.s32 s25, v0  }
0x1d0: {  	v2 =	vld [tilespmem:s8+$0x0];
	s16 =	sor.u32 s18, s26;
	s15 =	sadd.s32 $0xC00, s12;
	s12 =	sor.u32 $0x20, s10  }
0x1d1: {  	v9 =	vld [tilespmem:s16+$0x0];
	s18 =	sor.u32 s12, s15  }
0x1d2: {  	s7 =	sor.u32 s23, s26;
	v11 =	vld [tilespmem:s18+$0x0]  }
0x1d3: {  	v0 =	vld [tilespmem:s7+$0x0];
	v6 =	vadd.s32 s25, v1  }
0x1d4: {  	s9 =	sor.u32 s11, s26;
	v7 =	vadd.s32 s25, v5;
	v8 =	vld.idx.msk [tilespmem:v4+s1+$0x0], $0xffff  }
0x1d5: {  	s22 =	sor.u32 $0x30, s10;
	s19 =	sor.u32 s10, s15;
	v1 =	vld [tilespmem:s9+$0x0];
	v10 =	vadd.s32 s25, v3  }
0x1d6: {  	s20 =	simm.s32 $0x0;
	v3 =	vld [tilespmem:s19+$0x0];
	s25 =	sor.u32 s22, s15  }
0x1d7: {  	s23 =	simm.s32 $0x40;
	s24 =	sand.u32 $0x7, s20;
	v5 =	vld [tilespmem:s25+$0x0]  }
0x1d8: {  	s13 =	sand.u32 $0x3FFFFC00, s23;
	s17 =	sshll.u32 s24, $0x5;
	s19 =	sshll.u32 s24, $0x7;
	v4 =	vld.idx.msk [tilespmem:v6+s1+$0x0], $0xffff  }
0x1d9: {  	s20 =	sor.u32 $0x10, s10;
	s17 =	sor.u32 $0x400, s17;
	s13 =	sor.u32 s19, s13;
	v7 =	vld.idx.msk [tilespmem:v7+s1+$0x0], $0xffff;
	v63 =	vadd.f32 v9, v8  }
0x1da: {  	s14 =	simm.s32 $0x4;
	s26 =	sor.u32 s20, s15;
	s18 =	sadd.s32 $0x2480, s13;
	v6 =	vld.idx.msk [tilespmem:v10+s1+$0x0], $0xffff;
	v8 =	vadd.s32 s17, v11  }
0x1db: {  	s15 =	simm.s32 $0x80;
	s11 =	sor.u32 s20, s18;
	s13 =	sor.u32 s22, s18;
	v9 =	vld [tilespmem:s26+$0x0];
	[tilespmem:s16+$0x0] =	vst v63  }
.LBB2_18:
0x1dc: {  	s14 =	sadd.s32 $0x4, s14;
	s19 =	sor.u32 s10, s18;
	s16 =	sor.u32 s12, s18;
	v10 =	vld [tilespmem:s13+$0x0]  }
0x1dd: {  	v4 =	vadd.f32 v1, v4;
	s10 =	sshrl.u32 s14, $0x3;
	s12 =	sshll.u32 s14, $0x1;
	s18 =	sshll.u32 s14, $0x4;
	v11 =	vld [tilespmem:s11+$0x0]  }
0x1de: {  	v12 =	vadd.s32 s17, v3;
	s20 =	sand.u32 $0x7, s10;
	s10 =	sand.u32 $0x40, s15;
	s12 =	sand.u32 $0x3FFFFF80, s12;
	v1 =	vld [tilespmem:s19+$0x0]  }
0x1df: {  	v13 =	vadd.s32 s17, v5;
	v5 =	vadd.f32 v2, v7;
	s22 =	sadd.s32 $0xC00, s12;
	s12 =	sor.u32 $0x20, s10;
	s23 =	sor.u32 $0x30, s10;
	v8 =	vld.idx.msk [tilespmem:v8+s1+$0x0], $0xffff;
	[tilespmem:s9+$0x0] =	vst v4  }
0x1e0: {  	s24 =	sor.u32 $0x10, s10;
	v4 =	vadd.f32 v0, v6;
	s9 =	sor.u32 s10, s22;
	s25 =	sor.u32 s12, s22;
	v7 =	vadd.s32 s17, v9;
	v9 =	vld [tilespmem:s16+$0x0]  }
0x1e1: {  	s17 =	sshll.u32 s20, $0x5;
	s26 =	sor.u32 s24, s22;
	s22 =	sor.u32 s23, s22;
	v6 =	vld [tilespmem:s25+$0x0];
	[tilespmem:s8+$0x0] =	vst v5;
	v0 =	vmov v10  }
0x1e2: {  	p0 =	slt.u32 s14, $0x61C;
	s8 =	sand.u32 $0x3FFFFC00, s18;
	v3 =	vld [tilespmem:s9+$0x0];
	s9 =	sshll.u32 s20, $0x7;
	[tilespmem:s7+$0x0] =	vst v4;
	v2 =	vmov v11  }
.Ltmp8:
0x1e3: {  	s7 =	sor.u32 s9, s8;
	v4 =	vld.idx.msk [tilespmem:v12+s1+$0x0], $0xffff;
	s9 =	smov.u32 s19;
	(pc) =	sbr.rel @p0 .LBB2_18-.Ltmp8, $4  }
0x1e4: {  	s8 =	smov.u32 s11;
	s18 =	sadd.s32 $0x2480, s7;
	v5 =	vld [tilespmem:s22+$0x0];
	s7 =	smov.u32 s13  }
0x1e5: {  	s17 =	sor.u32 $0x400, s17;
	s11 =	sor.u32 s24, s18;
	v7 =	vld.idx.msk [tilespmem:v7+s1+$0x0], $0xffff;
	v10 =	vadd.f32 v9, v8  }
0x1e6: {  	v8 =	vadd.s32 s17, v6;
	v6 =	vld.idx.msk [tilespmem:v13+s1+$0x0], $0xffff  }
0x1e7: {  	s15 =	sadd.s32 $0x40, s15;
	s13 =	sor.u32 s23, s18;
	v9 =	vld [tilespmem:s26+$0x0];
	[tilespmem:s16+$0x0] =	vst v10  }
0x1e8: {  	_ = 	snop  }
0x1e9: {  	v3 =	vadd.s32 s17, v3  }
0x1ea: {  	v10 =	vld [tilespmem:s13+$0x0]  }
0x1eb: {  	v11 =	vld [tilespmem:s11+$0x0];
	v5 =	vadd.s32 s17, v5  }
0x1ec: {  	s10 =	sor.u32 s10, s18;
	v8 =	vld.idx.msk [tilespmem:v8+s1+$0x0], $0xffff;
	v9 =	vadd.s32 s17, v9  }
0x1ed: {  	v12 =	vld [tilespmem:s10+$0x0]  }
0x1ee: {  	s12 =	sor.u32 s12, s18;
	v3 =	vld.idx.msk [tilespmem:v3+s1+$0x0], $0xffff  }
0x1ef: {  	v13 =	vld [tilespmem:s12+$0x0]  }
0x1f0: {  	v1 =	vadd.f32 v1, v4;
	v5 =	vld.idx.msk [tilespmem:v5+s1+$0x0], $0xffff  }
0x1f1: {  	v0 =	vadd.f32 v0, v6;
	v4 =	vld.idx.msk [tilespmem:v9+s1+$0x0], $0xffff  }
0x1f2: {  	v2 =	vadd.f32 v2, v7;
	[tilespmem:s9+$0x0] =	vst v1  }
0x1f3: {  	[tilespmem:s7+$0x0] =	vst v0;
	v0 =	vadd.f32 v12, v3  }
0x1f4: {  	[tilespmem:s8+$0x0] =	vst v2;
	v1 =	vadd.f32 v13, v8  }
0x1f5: {  	[tilespmem:s10+$0x0] =	vst v0;
	v0 =	vadd.f32 v10, v5  }
0x1f6: {  	[tilespmem:s12+$0x0] =	vst v1;
	v1 =	vadd.f32 v11, v4  }
0x1f7: {  	[tilespmem:s13+$0x0] =	vst v0  }
0x1f8: {  	s20 =	simm.s32 $0xC4;
	s9 =	simm.s32 $0x6200;
	s10 =	simm.s32 $0xC40;
	[tilespmem:s11+$0x0] =	vst v1  }
0x1f9: {  	s17 =	sand.u32 $0x3FFFFF80, s10;
	s11 =	sand.u32 $0x40, s9;
	_ =	swait.ge [sflag:s5], $0xC400  }
0x1fa: {  	s7 =	sadd.s32 $0xC00, s17;
	s18 =	sor.u32 $0x20, s11;
	[sflag:s5] =	ssyncset.done $0x0  }
0x1fb: {  	s8 =	rddreg [dreg:$0xc];
	s19 =	sor.u32 s18, s7;
	[sflag:s5] =	ssyncadd.s32 $0xFFFF3C00  }
0x1fc: {  	[tilespmem:s2], [sflag:$0x2] =	stream.linear.gather [hbm4b:s8+s1], $0xC400, $0x38;
	[tilespmem:$0x1AC80] =	vst v63  }
0x1fd: {  	s10 =	sand.u32 $0x7, s20;
	v0 =	vld [tilespmem:s19+$0x0]  }
0x1fe: {  	s22 =	simm.s32 $0x6200;
	s15 =	sshll.u32 s10, $0x5;
	s10 =	sshll.u32 s10, $0x7  }
0x1ff: {  	s23 =	sor.u32 $0x30, s11;
	s24 =	sor.u32 s11, s7;
	s8 =	sand.u32 $0x3FFFFC00, s22  }
0x200: {  	s14 =	sor.u32 $0x10, s11;
	s16 =	sor.u32 s23, s7;
	v1 =	vld [tilespmem:s24+$0x0];
	s8 =	sor.u32 s10, s8  }
0x201: {  	s25 =	sor.u32 $0x400, s15;
	s7 =	sor.u32 s14, s7;
	v3 =	vld [tilespmem:s16+$0x0];
	s26 =	sadd.s32 $0x2480, s8  }
0x202: {  	v5 =	vld [tilespmem:s7+$0x0];
	s8 =	sor.u32 s14, s26;
	v4 =	vadd.s32 s25, v0  }
0x203: {  	s16 =	sor.u32 s18, s26;
	v2 =	vld [tilespmem:s8+$0x0]  }
0x204: {  	s12 =	simm.s32 $0x6240;
	s7 =	sor.u32 s23, s26;
	s14 =	simm.s32 $0xC48;
	v9 =	vld [tilespmem:s16+$0x0]  }
0x205: {  	s10 =	sand.u32 $0x40, s12;
	s9 =	sor.u32 s11, s26;
	s12 =	sand.u32 $0x3FFFFF80, s14;
	v0 =	vld [tilespmem:s7+$0x0]  }
0x206: {  	s15 =	sadd.s32 $0xC00, s12;
	s12 =	sor.u32 $0x20, s10;
	v6 =	vadd.s32 s25, v1;
	v1 =	vld [tilespmem:s9+$0x0]  }
0x207: {  	s18 =	sor.u32 s12, s15;
	v7 =	vadd.s32 s25, v5;
	v8 =	vld.idx.msk [tilespmem:v4+s1+$0x0], $0xffff  }
0x208: {  	s22 =	sor.u32 $0x30, s10;
	v10 =	vadd.s32 s25, v3;
	s19 =	sor.u32 s10, s15;
	v11 =	vld [tilespmem:s18+$0x0]  }
0x209: {  	s20 =	simm.s32 $0xC4;
	s25 =	sor.u32 s22, s15;
	v3 =	vld [tilespmem:s19+$0x0]  }
0x20a: {  	s24 =	sand.u32 $0x7, s20;
	s23 =	simm.s32 $0x6240;
	v5 =	vld [tilespmem:s25+$0x0]  }
0x20b: {  	s17 =	sshll.u32 s24, $0x5;
	s13 =	sand.u32 $0x3FFFFC00, s23;
	s19 =	sshll.u32 s24, $0x7;
	v4 =	vld.idx.msk [tilespmem:v6+s1+$0x0], $0xffff  }
0x20c: {  	s20 =	sor.u32 $0x10, s10;
	s17 =	sor.u32 $0x400, s17;
	s13 =	sor.u32 s19, s13;
	v7 =	vld.idx.msk [tilespmem:v7+s1+$0x0], $0xffff;
	v63 =	vadd.f32 v9, v8  }
0x20d: {  	s14 =	simm.s32 $0x624;
	s26 =	sor.u32 s20, s15;
	s18 =	sadd.s32 $0x2480, s13;
	v6 =	vld.idx.msk [tilespmem:v10+s1+$0x0], $0xffff;
	v8 =	vadd.s32 s17, v11  }
0x20e: {  	s15 =	simm.s32 $0x6280;
	s11 =	sor.u32 s20, s18;
	s13 =	sor.u32 s22, s18;
	v9 =	vld [tilespmem:s26+$0x0];
	[tilespmem:s16+$0x0] =	vst v63  }
.LBB2_20:
0x20f: {  	s14 =	sadd.s32 $0x4, s14;
	s19 =	sor.u32 s10, s18;
	s16 =	sor.u32 s12, s18;
	v10 =	vld [tilespmem:s13+$0x0]  }
0x210: {  	v4 =	vadd.f32 v1, v4;
	s10 =	sshrl.u32 s14, $0x3;
	s12 =	sshll.u32 s14, $0x1;
	s18 =	sshll.u32 s14, $0x4;
	v11 =	vld [tilespmem:s11+$0x0]  }
0x211: {  	v12 =	vadd.s32 s17, v3;
	s20 =	sand.u32 $0x7, s10;
	s10 =	sand.u32 $0x40, s15;
	s12 =	sand.u32 $0x3FFFFF80, s12;
	v1 =	vld [tilespmem:s19+$0x0]  }
0x212: {  	v13 =	vadd.s32 s17, v5;
	v5 =	vadd.f32 v2, v7;
	s22 =	sadd.s32 $0xC00, s12;
	s12 =	sor.u32 $0x20, s10;
	s23 =	sor.u32 $0x30, s10;
	v8 =	vld.idx.msk [tilespmem:v8+s1+$0x0], $0xffff;
	[tilespmem:s9+$0x0] =	vst v4  }
0x213: {  	s24 =	sor.u32 $0x10, s10;
	v4 =	vadd.f32 v0, v6;
	s9 =	sor.u32 s10, s22;
	s25 =	sor.u32 s12, s22;
	v7 =	vadd.s32 s17, v9;
	v9 =	vld [tilespmem:s16+$0x0]  }
0x214: {  	s17 =	sshll.u32 s20, $0x5;
	s26 =	sor.u32 s24, s22;
	s22 =	sor.u32 s23, s22;
	v6 =	vld [tilespmem:s25+$0x0];
	[tilespmem:s8+$0x0] =	vst v5;
	v0 =	vmov v10  }
0x215: {  	p0 =	slt.u32 s14, $0xC3C;
	s8 =	sand.u32 $0x3FFFFC00, s18;
	v3 =	vld [tilespmem:s9+$0x0];
	s9 =	sshll.u32 s20, $0x7;
	[tilespmem:s7+$0x0] =	vst v4;
	v2 =	vmov v11  }
.Ltmp9:
0x216: {  	s7 =	sor.u32 s9, s8;
	v4 =	vld.idx.msk [tilespmem:v12+s1+$0x0], $0xffff;
	s9 =	smov.u32 s19;
	(pc) =	sbr.rel @p0 .LBB2_20-.Ltmp9, $4  }
0x217: {  	s8 =	smov.u32 s11;
	s18 =	sadd.s32 $0x2480, s7;
	v5 =	vld [tilespmem:s22+$0x0];
	s7 =	smov.u32 s13  }
0x218: {  	s17 =	sor.u32 $0x400, s17;
	s11 =	sor.u32 s24, s18;
	v7 =	vld.idx.msk [tilespmem:v7+s1+$0x0], $0xffff;
	v10 =	vadd.f32 v9, v8  }
0x219: {  	v8 =	vadd.s32 s17, v6;
	v6 =	vld.idx.msk [tilespmem:v13+s1+$0x0], $0xffff  }
0x21a: {  	s15 =	sadd.s32 $0x40, s15;
	s13 =	sor.u32 s23, s18;
	v9 =	vld [tilespmem:s26+$0x0];
	[tilespmem:s16+$0x0] =	vst v10  }
0x21b: {  	_ = 	snop  }
0x21c: {  	v3 =	vadd.s32 s17, v3  }
0x21d: {  	v10 =	vld [tilespmem:s13+$0x0]  }
0x21e: {  	v11 =	vld [tilespmem:s11+$0x0];
	v5 =	vadd.s32 s17, v5  }
0x21f: {  	s10 =	sor.u32 s10, s18;
	v8 =	vld.idx.msk [tilespmem:v8+s1+$0x0], $0xffff;
	v9 =	vadd.s32 s17, v9  }
0x220: {  	v12 =	vld [tilespmem:s10+$0x0]  }
0x221: {  	s12 =	sor.u32 s12, s18;
	v3 =	vld.idx.msk [tilespmem:v3+s1+$0x0], $0xffff  }
0x222: {  	v13 =	vld [tilespmem:s12+$0x0]  }
0x223: {  	v1 =	vadd.f32 v1, v4;
	v5 =	vld.idx.msk [tilespmem:v5+s1+$0x0], $0xffff  }
0x224: {  	v0 =	vadd.f32 v0, v6;
	v4 =	vld.idx.msk [tilespmem:v9+s1+$0x0], $0xffff  }
0x225: {  	v2 =	vadd.f32 v2, v7;
	[tilespmem:s9+$0x0] =	vst v1  }
0x226: {  	[tilespmem:s7+$0x0] =	vst v0;
	v0 =	vadd.f32 v12, v3  }
0x227: {  	[tilespmem:s8+$0x0] =	vst v2;
	v1 =	vadd.f32 v13, v8  }
0x228: {  	[tilespmem:s10+$0x0] =	vst v0;
	v0 =	vadd.f32 v10, v5  }
0x229: {  	[tilespmem:s12+$0x0] =	vst v1;
	v1 =	vadd.f32 v11, v4  }
0x22a: {  	[tilespmem:s13+$0x0] =	vst v0  }
0x22b: {  	s20 =	simm.s32 $0x0;
	[tilespmem:s11+$0x0] =	vst v1  }
0x22c: {  	s9 =	simm.s32 $0x0;
	s10 =	simm.s32 $0x0;
	s8 =	rddreg [dreg:$0xd]  }
0x22d: {  	[hbm4b:s8+s9] =	stream.linear.scatter [tilespmem:s0], [sflag:$0x3], $0xC400, $0x38;
	[tilespmem:$0x1AC80] =	vst v63  }
0x22e: {  	s17 =	sand.u32 $0x3FFFFF80, s10;
	s11 =	sand.u32 $0x40, s9;
	_ =	swait.ge [sflag:s3], $0xC400  }
0x22f: {  	s7 =	sadd.s32 $0xC00, s17;
	s18 =	sor.u32 $0x20, s11;
	[sflag:s3] =	ssyncset.done $0x0  }
0x230: {  	s10 =	sand.u32 $0x7, s20;
	s19 =	sor.u32 s18, s7;
	[sflag:s3] =	ssyncadd.s32 $0xFFFF3C00  }
0x231: {  	s22 =	simm.s32 $0x0;
	s12 =	simm.s32 $0x40;
	s15 =	sshll.u32 s10, $0x5;
	v0 =	vld [tilespmem:s19+$0x0]  }
0x232: {  	s10 =	sshll.u32 s10, $0x7;
	s25 =	sor.u32 $0x500, s15;
	s8 =	sand.u32 $0x3FFFFC00, s22  }
0x233: {  	s23 =	sor.u32 $0x30, s11;
	s24 =	sor.u32 s11, s7;
	s8 =	sor.u32 s10, s8  }
0x234: {  	s14 =	sor.u32 $0x10, s11;
	s16 =	sor.u32 s23, s7;
	s26 =	sadd.s32 $0xE880, s8;
	v1 =	vld [tilespmem:s24+$0x0]  }
0x235: {  	s7 =	sor.u32 s14, s7;
	s8 =	sor.u32 s14, s26;
	s14 =	simm.s32 $0x8;
	v3 =	vld [tilespmem:s16+$0x0]  }
0x236: {  	s10 =	sand.u32 $0x40, s12;
	v5 =	vld [tilespmem:s7+$0x0];
	s12 =	sand.u32 $0x3FFFFF80, s14;
	v4 =	vadd.s32 s25, v0  }
0x237: {  	v2 =	vld [tilespmem:s8+$0x0];
	s16 =	sor.u32 s18, s26;
	s15 =	sadd.s32 $0xC00, s12;
	s12 =	sor.u32 $0x20, s10  }
0x238: {  	v9 =	vld [tilespmem:s16+$0x0];
	s18 =	sor.u32 s12, s15  }
0x239: {  	s7 =	sor.u32 s23, s26;
	v11 =	vld [tilespmem:s18+$0x0]  }
0x23a: {  	v0 =	vld [tilespmem:s7+$0x0];
	v6 =	vadd.s32 s25, v1  }
0x23b: {  	s9 =	sor.u32 s11, s26;
	v7 =	vadd.s32 s25, v5;
	v8 =	vld.idx.msk [tilespmem:v4+s1+$0x0], $0xffff  }
0x23c: {  	s22 =	sor.u32 $0x30, s10;
	s19 =	sor.u32 s10, s15;
	v1 =	vld [tilespmem:s9+$0x0];
	v10 =	vadd.s32 s25, v3  }
0x23d: {  	s20 =	simm.s32 $0x0;
	v3 =	vld [tilespmem:s19+$0x0];
	s25 =	sor.u32 s22, s15  }
0x23e: {  	s23 =	simm.s32 $0x40;
	s24 =	sand.u32 $0x7, s20;
	v5 =	vld [tilespmem:s25+$0x0]  }
0x23f: {  	s13 =	sand.u32 $0x3FFFFC00, s23;
	s17 =	sshll.u32 s24, $0x5;
	s19 =	sshll.u32 s24, $0x7;
	v4 =	vld.idx.msk [tilespmem:v6+s1+$0x0], $0xffff  }
0x240: {  	s20 =	sor.u32 $0x10, s10;
	s17 =	sor.u32 $0x500, s17;
	s13 =	sor.u32 s19, s13;
	v7 =	vld.idx.msk [tilespmem:v7+s1+$0x0], $0xffff;
	v63 =	vadd.f32 v9, v8  }
0x241: {  	s14 =	simm.s32 $0x4;
	s26 =	sor.u32 s20, s15;
	s18 =	sadd.s32 $0xE880, s13;
	v6 =	vld.idx.msk [tilespmem:v10+s1+$0x0], $0xffff;
	v8 =	vadd.s32 s17, v11  }
0x242: {  	s15 =	simm.s32 $0x80;
	s11 =	sor.u32 s20, s18;
	s13 =	sor.u32 s22, s18;
	v9 =	vld [tilespmem:s26+$0x0];
	[tilespmem:s16+$0x0] =	vst v63  }
.LBB2_22:
0x243: {  	s14 =	sadd.s32 $0x4, s14;
	s19 =	sor.u32 s10, s18;
	s16 =	sor.u32 s12, s18;
	v10 =	vld [tilespmem:s13+$0x0]  }
0x244: {  	v4 =	vadd.f32 v1, v4;
	s10 =	sshrl.u32 s14, $0x3;
	s12 =	sshll.u32 s14, $0x1;
	s18 =	sshll.u32 s14, $0x4;
	v11 =	vld [tilespmem:s11+$0x0]  }
0x245: {  	v12 =	vadd.s32 s17, v3;
	s20 =	sand.u32 $0x7, s10;
	s10 =	sand.u32 $0x40, s15;
	s12 =	sand.u32 $0x3FFFFF80, s12;
	v1 =	vld [tilespmem:s19+$0x0]  }
0x246: {  	v13 =	vadd.s32 s17, v5;
	v5 =	vadd.f32 v2, v7;
	s22 =	sadd.s32 $0xC00, s12;
	s12 =	sor.u32 $0x20, s10;
	s23 =	sor.u32 $0x30, s10;
	v8 =	vld.idx.msk [tilespmem:v8+s1+$0x0], $0xffff;
	[tilespmem:s9+$0x0] =	vst v4  }
0x247: {  	s24 =	sor.u32 $0x10, s10;
	v4 =	vadd.f32 v0, v6;
	s9 =	sor.u32 s10, s22;
	s25 =	sor.u32 s12, s22;
	v7 =	vadd.s32 s17, v9;
	v9 =	vld [tilespmem:s16+$0x0]  }
0x248: {  	s17 =	sshll.u32 s20, $0x5;
	s26 =	sor.u32 s24, s22;
	s22 =	sor.u32 s23, s22;
	v6 =	vld [tilespmem:s25+$0x0];
	[tilespmem:s8+$0x0] =	vst v5;
	v0 =	vmov v10  }
0x249: {  	p0 =	slt.u32 s14, $0x61C;
	s8 =	sand.u32 $0x3FFFFC00, s18;
	v3 =	vld [tilespmem:s9+$0x0];
	s9 =	sshll.u32 s20, $0x7;
	[tilespmem:s7+$0x0] =	vst v4;
	v2 =	vmov v11  }
.Ltmp10:
0x24a: {  	s7 =	sor.u32 s9, s8;
	v4 =	vld.idx.msk [tilespmem:v12+s1+$0x0], $0xffff;
	s9 =	smov.u32 s19;
	(pc) =	sbr.rel @p0 .LBB2_22-.Ltmp10, $4  }
0x24b: {  	s8 =	smov.u32 s11;
	s18 =	sadd.s32 $0xE880, s7;
	v5 =	vld [tilespmem:s22+$0x0];
	s7 =	smov.u32 s13  }
0x24c: {  	s17 =	sor.u32 $0x500, s17;
	s11 =	sor.u32 s24, s18;
	v7 =	vld.idx.msk [tilespmem:v7+s1+$0x0], $0xffff;
	v10 =	vadd.f32 v9, v8  }
0x24d: {  	v8 =	vadd.s32 s17, v6;
	v6 =	vld.idx.msk [tilespmem:v13+s1+$0x0], $0xffff  }
0x24e: {  	s15 =	sadd.s32 $0x40, s15;
	s13 =	sor.u32 s23, s18;
	v9 =	vld [tilespmem:s26+$0x0];
	[tilespmem:s16+$0x0] =	vst v10  }
0x24f: {  	_ = 	snop  }
0x250: {  	v3 =	vadd.s32 s17, v3  }
0x251: {  	v10 =	vld [tilespmem:s13+$0x0]  }
0x252: {  	v11 =	vld [tilespmem:s11+$0x0];
	v5 =	vadd.s32 s17, v5  }
0x253: {  	s10 =	sor.u32 s10, s18;
	v8 =	vld.idx.msk [tilespmem:v8+s1+$0x0], $0xffff;
	v9 =	vadd.s32 s17, v9  }
0x254: {  	v12 =	vld [tilespmem:s10+$0x0]  }
0x255: {  	s12 =	sor.u32 s12, s18;
	v3 =	vld.idx.msk [tilespmem:v3+s1+$0x0], $0xffff  }
0x256: {  	v13 =	vld [tilespmem:s12+$0x0]  }
0x257: {  	v1 =	vadd.f32 v1, v4;
	v5 =	vld.idx.msk [tilespmem:v5+s1+$0x0], $0xffff  }
0x258: {  	v0 =	vadd.f32 v0, v6;
	v4 =	vld.idx.msk [tilespmem:v9+s1+$0x0], $0xffff  }
0x259: {  	v2 =	vadd.f32 v2, v7;
	[tilespmem:s9+$0x0] =	vst v1  }
0x25a: {  	[tilespmem:s7+$0x0] =	vst v0;
	v0 =	vadd.f32 v12, v3  }
0x25b: {  	[tilespmem:s8+$0x0] =	vst v2;
	v1 =	vadd.f32 v13, v8  }
0x25c: {  	[tilespmem:s10+$0x0] =	vst v0;
	v0 =	vadd.f32 v10, v5  }
0x25d: {  	[tilespmem:s12+$0x0] =	vst v1;
	v1 =	vadd.f32 v11, v4  }
0x25e: {  	[tilespmem:s13+$0x0] =	vst v0  }
0x25f: {  	s20 =	simm.s32 $0xC4;
	s9 =	simm.s32 $0x6200;
	s10 =	simm.s32 $0xC40;
	[tilespmem:s11+$0x0] =	vst v1  }
0x260: {  	s17 =	sand.u32 $0x3FFFFF80, s10;
	s11 =	sand.u32 $0x40, s9;
	_ =	swait.ge [sflag:s4], $0xC400  }
0x261: {  	s7 =	sadd.s32 $0xC00, s17;
	s18 =	sor.u32 $0x20, s11;
	[sflag:s4] =	ssyncset.done $0x0  }
0x262: {  	s8 =	rddreg [dreg:$0xe];
	s19 =	sor.u32 s18, s7;
	[sflag:s4] =	ssyncadd.s32 $0xFFFF3C00  }
0x263: {  	[tilespmem:s0], [sflag:$0x1] =	stream.linear.gather [hbm4b:s8+s1], $0xC400, $0x38;
	[tilespmem:$0x1AC80] =	vst v63  }
0x264: {  	s10 =	sand.u32 $0x7, s20;
	v0 =	vld [tilespmem:s19+$0x0]  }
0x265: {  	s22 =	simm.s32 $0x6200;
	s15 =	sshll.u32 s10, $0x5;
	s10 =	sshll.u32 s10, $0x7  }
0x266: {  	s23 =	sor.u32 $0x30, s11;
	s24 =	sor.u32 s11, s7;
	s8 =	sand.u32 $0x3FFFFC00, s22  }
0x267: {  	s14 =	sor.u32 $0x10, s11;
	s16 =	sor.u32 s23, s7;
	v1 =	vld [tilespmem:s24+$0x0];
	s8 =	sor.u32 s10, s8  }
0x268: {  	s25 =	sor.u32 $0x500, s15;
	s7 =	sor.u32 s14, s7;
	v3 =	vld [tilespmem:s16+$0x0];
	s26 =	sadd.s32 $0xE880, s8  }
0x269: {  	v5 =	vld [tilespmem:s7+$0x0];
	s8 =	sor.u32 s14, s26;
	v4 =	vadd.s32 s25, v0  }
0x26a: {  	s16 =	sor.u32 s18, s26;
	v2 =	vld [tilespmem:s8+$0x0]  }
0x26b: {  	s12 =	simm.s32 $0x6240;
	s7 =	sor.u32 s23, s26;
	s14 =	simm.s32 $0xC48;
	v9 =	vld [tilespmem:s16+$0x0]  }
0x26c: {  	s10 =	sand.u32 $0x40, s12;
	s9 =	sor.u32 s11, s26;
	s12 =	sand.u32 $0x3FFFFF80, s14;
	v0 =	vld [tilespmem:s7+$0x0]  }
0x26d: {  	s15 =	sadd.s32 $0xC00, s12;
	s12 =	sor.u32 $0x20, s10;
	v6 =	vadd.s32 s25, v1;
	v1 =	vld [tilespmem:s9+$0x0]  }
0x26e: {  	s18 =	sor.u32 s12, s15;
	v7 =	vadd.s32 s25, v5;
	v8 =	vld.idx.msk [tilespmem:v4+s1+$0x0], $0xffff  }
0x26f: {  	s22 =	sor.u32 $0x30, s10;
	v10 =	vadd.s32 s25, v3;
	s19 =	sor.u32 s10, s15;
	v11 =	vld [tilespmem:s18+$0x0]  }
0x270: {  	s20 =	simm.s32 $0xC4;
	s25 =	sor.u32 s22, s15;
	v3 =	vld [tilespmem:s19+$0x0]  }
0x271: {  	s24 =	sand.u32 $0x7, s20;
	s23 =	simm.s32 $0x6240;
	v5 =	vld [tilespmem:s25+$0x0]  }
0x272: {  	s17 =	sshll.u32 s24, $0x5;
	s13 =	sand.u32 $0x3FFFFC00, s23;
	s19 =	sshll.u32 s24, $0x7;
	v4 =	vld.idx.msk [tilespmem:v6+s1+$0x0], $0xffff  }
0x273: {  	s20 =	sor.u32 $0x10, s10;
	s17 =	sor.u32 $0x500, s17;
	s13 =	sor.u32 s19, s13;
	v7 =	vld.idx.msk [tilespmem:v7+s1+$0x0], $0xffff;
	v63 =	vadd.f32 v9, v8  }
0x274: {  	s14 =	simm.s32 $0x624;
	s26 =	sor.u32 s20, s15;
	s18 =	sadd.s32 $0xE880, s13;
	v6 =	vld.idx.msk [tilespmem:v10+s1+$0x0], $0xffff;
	v8 =	vadd.s32 s17, v11  }
0x275: {  	s15 =	simm.s32 $0x6280;
	s11 =	sor.u32 s20, s18;
	s13 =	sor.u32 s22, s18;
	v9 =	vld [tilespmem:s26+$0x0];
	[tilespmem:s16+$0x0] =	vst v63  }
.LBB2_24:
0x276: {  	s14 =	sadd.s32 $0x4, s14;
	s19 =	sor.u32 s10, s18;
	s16 =	sor.u32 s12, s18;
	v10 =	vld [tilespmem:s13+$0x0]  }
0x277: {  	v4 =	vadd.f32 v1, v4;
	s10 =	sshrl.u32 s14, $0x3;
	s12 =	sshll.u32 s14, $0x1;
	s18 =	sshll.u32 s14, $0x4;
	v11 =	vld [tilespmem:s11+$0x0]  }
0x278: {  	v12 =	vadd.s32 s17, v3;
	s20 =	sand.u32 $0x7, s10;
	s10 =	sand.u32 $0x40, s15;
	s12 =	sand.u32 $0x3FFFFF80, s12;
	v1 =	vld [tilespmem:s19+$0x0]  }
0x279: {  	v13 =	vadd.s32 s17, v5;
	v5 =	vadd.f32 v2, v7;
	s22 =	sadd.s32 $0xC00, s12;
	s12 =	sor.u32 $0x20, s10;
	s23 =	sor.u32 $0x30, s10;
	v8 =	vld.idx.msk [tilespmem:v8+s1+$0x0], $0xffff;
	[tilespmem:s9+$0x0] =	vst v4  }
0x27a: {  	s24 =	sor.u32 $0x10, s10;
	v4 =	vadd.f32 v0, v6;
	s9 =	sor.u32 s10, s22;
	s25 =	sor.u32 s12, s22;
	v7 =	vadd.s32 s17, v9;
	v9 =	vld [tilespmem:s16+$0x0]  }
0x27b: {  	s17 =	sshll.u32 s20, $0x5;
	s26 =	sor.u32 s24, s22;
	s22 =	sor.u32 s23, s22;
	v6 =	vld [tilespmem:s25+$0x0];
	[tilespmem:s8+$0x0] =	vst v5;
	v0 =	vmov v10  }
0x27c: {  	p0 =	slt.u32 s14, $0xC3C;
	s8 =	sand.u32 $0x3FFFFC00, s18;
	v3 =	vld [tilespmem:s9+$0x0];
	s9 =	sshll.u32 s20, $0x7;
	[tilespmem:s7+$0x0] =	vst v4;
	v2 =	vmov v11  }
.Ltmp11:
0x27d: {  	s7 =	sor.u32 s9, s8;
	v4 =	vld.idx.msk [tilespmem:v12+s1+$0x0], $0xffff;
	s9 =	smov.u32 s19;
	(pc) =	sbr.rel @p0 .LBB2_24-.Ltmp11, $4  }
0x27e: {  	s8 =	smov.u32 s11;
	s18 =	sadd.s32 $0xE880, s7;
	v5 =	vld [tilespmem:s22+$0x0];
	s7 =	smov.u32 s13  }
0x27f: {  	s17 =	sor.u32 $0x500, s17;
	s11 =	sor.u32 s24, s18;
	v7 =	vld.idx.msk [tilespmem:v7+s1+$0x0], $0xffff;
	v10 =	vadd.f32 v9, v8  }
0x280: {  	v8 =	vadd.s32 s17, v6;
	v6 =	vld.idx.msk [tilespmem:v13+s1+$0x0], $0xffff  }
0x281: {  	s15 =	sadd.s32 $0x40, s15;
	s13 =	sor.u32 s23, s18;
	v9 =	vld [tilespmem:s26+$0x0];
	[tilespmem:s16+$0x0] =	vst v10  }
0x282: {  	_ = 	snop  }
0x283: {  	v3 =	vadd.s32 s17, v3  }
0x284: {  	v10 =	vld [tilespmem:s13+$0x0]  }
0x285: {  	v11 =	vld [tilespmem:s11+$0x0];
	v5 =	vadd.s32 s17, v5  }
0x286: {  	s10 =	sor.u32 s10, s18;
	v8 =	vld.idx.msk [tilespmem:v8+s1+$0x0], $0xffff;
	v9 =	vadd.s32 s17, v9  }
0x287: {  	v12 =	vld [tilespmem:s10+$0x0]  }
0x288: {  	s12 =	sor.u32 s12, s18;
	v3 =	vld.idx.msk [tilespmem:v3+s1+$0x0], $0xffff  }
0x289: {  	v13 =	vld [tilespmem:s12+$0x0]  }
0x28a: {  	v1 =	vadd.f32 v1, v4;
	v5 =	vld.idx.msk [tilespmem:v5+s1+$0x0], $0xffff  }
0x28b: {  	v0 =	vadd.f32 v0, v6;
	v4 =	vld.idx.msk [tilespmem:v9+s1+$0x0], $0xffff  }
0x28c: {  	v2 =	vadd.f32 v2, v7;
	[tilespmem:s9+$0x0] =	vst v1  }
0x28d: {  	[tilespmem:s7+$0x0] =	vst v0;
	v0 =	vadd.f32 v12, v3  }
0x28e: {  	[tilespmem:s8+$0x0] =	vst v2;
	v1 =	vadd.f32 v13, v8  }
0x28f: {  	[tilespmem:s10+$0x0] =	vst v0;
	v0 =	vadd.f32 v10, v5  }
0x290: {  	[tilespmem:s12+$0x0] =	vst v1;
	v1 =	vadd.f32 v11, v4  }
0x291: {  	[tilespmem:s13+$0x0] =	vst v0  }
0x292: {  	s20 =	simm.s32 $0x0;
	[tilespmem:s11+$0x0] =	vst v1  }
0x293: {  	s9 =	simm.s32 $0x0;
	s10 =	simm.s32 $0x0;
	s8 =	rddreg [dreg:$0xf]  }
0x294: {  	[hbm4b:s8+s9] =	stream.linear.scatter [tilespmem:s2], [sflag:$0x4], $0xC400, $0x38;
	[tilespmem:$0x1AC80] =	vst v63  }
0x295: {  	s17 =	sand.u32 $0x3FFFFF80, s10;
	s11 =	sand.u32 $0x40, s9;
	_ =	swait.ge [sflag:s31], $0xC400  }
0x296: {  	s7 =	sadd.s32 $0xC00, s17;
	s18 =	sor.u32 $0x20, s11;
	[sflag:s31] =	ssyncset.done $0x0  }
0x297: {  	s10 =	sand.u32 $0x7, s20;
	s19 =	sor.u32 s18, s7;
	[sflag:s31] =	ssyncadd.s32 $0xFFFF3C00  }
0x298: {  	s22 =	simm.s32 $0x0;
	s12 =	simm.s32 $0x40;
	s15 =	sshll.u32 s10, $0x5;
	v0 =	vld [tilespmem:s19+$0x0]  }
0x299: {  	s10 =	sshll.u32 s10, $0x7;
	s25 =	sor.u32 $0x600, s15;
	s8 =	sand.u32 $0x3FFFFC00, s22  }
0x29a: {  	s23 =	sor.u32 $0x30, s11;
	s24 =	sor.u32 s11, s7;
	s8 =	sor.u32 s10, s8  }
0x29b: {  	s14 =	sor.u32 $0x10, s11;
	s16 =	sor.u32 s23, s7;
	s26 =	sadd.s32 $0x2480, s8;
	v1 =	vld [tilespmem:s24+$0x0]  }
0x29c: {  	s7 =	sor.u32 s14, s7;
	s8 =	sor.u32 s14, s26;
	s14 =	simm.s32 $0x8;
	v3 =	vld [tilespmem:s16+$0x0]  }
0x29d: {  	s10 =	sand.u32 $0x40, s12;
	v5 =	vld [tilespmem:s7+$0x0];
	s12 =	sand.u32 $0x3FFFFF80, s14;
	v4 =	vadd.s32 s25, v0  }
0x29e: {  	v2 =	vld [tilespmem:s8+$0x0];
	s16 =	sor.u32 s18, s26;
	s15 =	sadd.s32 $0xC00, s12;
	s12 =	sor.u32 $0x20, s10  }
0x29f: {  	v9 =	vld [tilespmem:s16+$0x0];
	s18 =	sor.u32 s12, s15  }
0x2a0: {  	s7 =	sor.u32 s23, s26;
	v11 =	vld [tilespmem:s18+$0x0]  }
0x2a1: {  	v0 =	vld [tilespmem:s7+$0x0];
	v6 =	vadd.s32 s25, v1  }
0x2a2: {  	s9 =	sor.u32 s11, s26;
	v7 =	vadd.s32 s25, v5;
	v8 =	vld.idx.msk [tilespmem:v4+s1+$0x0], $0xffff  }
0x2a3: {  	s22 =	sor.u32 $0x30, s10;
	s19 =	sor.u32 s10, s15;
	v1 =	vld [tilespmem:s9+$0x0];
	v10 =	vadd.s32 s25, v3  }
0x2a4: {  	s20 =	simm.s32 $0x0;
	v3 =	vld [tilespmem:s19+$0x0];
	s25 =	sor.u32 s22, s15  }
0x2a5: {  	s23 =	simm.s32 $0x40;
	s24 =	sand.u32 $0x7, s20;
	v5 =	vld [tilespmem:s25+$0x0]  }
0x2a6: {  	s13 =	sand.u32 $0x3FFFFC00, s23;
	s17 =	sshll.u32 s24, $0x5;
	s19 =	sshll.u32 s24, $0x7;
	v4 =	vld.idx.msk [tilespmem:v6+s1+$0x0], $0xffff  }
0x2a7: {  	s20 =	sor.u32 $0x10, s10;
	s17 =	sor.u32 $0x600, s17;
	s13 =	sor.u32 s19, s13;
	v7 =	vld.idx.msk [tilespmem:v7+s1+$0x0], $0xffff;
	v63 =	vadd.f32 v9, v8  }
0x2a8: {  	s14 =	simm.s32 $0x4;
	s26 =	sor.u32 s20, s15;
	s18 =	sadd.s32 $0x2480, s13;
	v6 =	vld.idx.msk [tilespmem:v10+s1+$0x0], $0xffff;
	v8 =	vadd.s32 s17, v11  }
0x2a9: {  	s15 =	simm.s32 $0x80;
	s11 =	sor.u32 s20, s18;
	s13 =	sor.u32 s22, s18;
	v9 =	vld [tilespmem:s26+$0x0];
	[tilespmem:s16+$0x0] =	vst v63  }
.LBB2_26:
0x2aa: {  	s14 =	sadd.s32 $0x4, s14;
	s19 =	sor.u32 s10, s18;
	s16 =	sor.u32 s12, s18;
	v10 =	vld [tilespmem:s13+$0x0]  }
0x2ab: {  	v4 =	vadd.f32 v1, v4;
	s10 =	sshrl.u32 s14, $0x3;
	s12 =	sshll.u32 s14, $0x1;
	s18 =	sshll.u32 s14, $0x4;
	v11 =	vld [tilespmem:s11+$0x0]  }
0x2ac: {  	v12 =	vadd.s32 s17, v3;
	s20 =	sand.u32 $0x7, s10;
	s10 =	sand.u32 $0x40, s15;
	s12 =	sand.u32 $0x3FFFFF80, s12;
	v1 =	vld [tilespmem:s19+$0x0]  }
0x2ad: {  	v13 =	vadd.s32 s17, v5;
	v5 =	vadd.f32 v2, v7;
	s22 =	sadd.s32 $0xC00, s12;
	s12 =	sor.u32 $0x20, s10;
	s23 =	sor.u32 $0x30, s10;
	v8 =	vld.idx.msk [tilespmem:v8+s1+$0x0], $0xffff;
	[tilespmem:s9+$0x0] =	vst v4  }
0x2ae: {  	s24 =	sor.u32 $0x10, s10;
	v4 =	vadd.f32 v0, v6;
	s9 =	sor.u32 s10, s22;
	s25 =	sor.u32 s12, s22;
	v7 =	vadd.s32 s17, v9;
	v9 =	vld [tilespmem:s16+$0x0]  }
0x2af: {  	s17 =	sshll.u32 s20, $0x5;
	s26 =	sor.u32 s24, s22;
	s22 =	sor.u32 s23, s22;
	v6 =	vld [tilespmem:s25+$0x0];
	[tilespmem:s8+$0x0] =	vst v5;
	v0 =	vmov v10  }
0x2b0: {  	p0 =	slt.u32 s14, $0x61C;
	s8 =	sand.u32 $0x3FFFFC00, s18;
	v3 =	vld [tilespmem:s9+$0x0];
	s9 =	sshll.u32 s20, $0x7;
	[tilespmem:s7+$0x0] =	vst v4;
	v2 =	vmov v11  }
.Ltmp12:
0x2b1: {  	s7 =	sor.u32 s9, s8;
	v4 =	vld.idx.msk [tilespmem:v12+s1+$0x0], $0xffff;
	s9 =	smov.u32 s19;
	(pc) =	sbr.rel @p0 .LBB2_26-.Ltmp12, $4  }
0x2b2: {  	s8 =	smov.u32 s11;
	s18 =	sadd.s32 $0x2480, s7;
	v5 =	vld [tilespmem:s22+$0x0];
	s7 =	smov.u32 s13  }
0x2b3: {  	s17 =	sor.u32 $0x600, s17;
	s11 =	sor.u32 s24, s18;
	v7 =	vld.idx.msk [tilespmem:v7+s1+$0x0], $0xffff;
	v10 =	vadd.f32 v9, v8  }
0x2b4: {  	v8 =	vadd.s32 s17, v6;
	v6 =	vld.idx.msk [tilespmem:v13+s1+$0x0], $0xffff  }
0x2b5: {  	s15 =	sadd.s32 $0x40, s15;
	s13 =	sor.u32 s23, s18;
	v9 =	vld [tilespmem:s26+$0x0];
	[tilespmem:s16+$0x0] =	vst v10  }
0x2b6: {  	_ = 	snop  }
0x2b7: {  	v3 =	vadd.s32 s17, v3  }
0x2b8: {  	v10 =	vld [tilespmem:s13+$0x0]  }
0x2b9: {  	v11 =	vld [tilespmem:s11+$0x0];
	v5 =	vadd.s32 s17, v5  }
0x2ba: {  	s10 =	sor.u32 s10, s18;
	v8 =	vld.idx.msk [tilespmem:v8+s1+$0x0], $0xffff;
	v9 =	vadd.s32 s17, v9  }
0x2bb: {  	v12 =	vld [tilespmem:s10+$0x0]  }
0x2bc: {  	s12 =	sor.u32 s12, s18;
	v3 =	vld.idx.msk [tilespmem:v3+s1+$0x0], $0xffff  }
0x2bd: {  	v13 =	vld [tilespmem:s12+$0x0]  }
0x2be: {  	v1 =	vadd.f32 v1, v4;
	v5 =	vld.idx.msk [tilespmem:v5+s1+$0x0], $0xffff  }
0x2bf: {  	v0 =	vadd.f32 v0, v6;
	v4 =	vld.idx.msk [tilespmem:v9+s1+$0x0], $0xffff  }
0x2c0: {  	v2 =	vadd.f32 v2, v7;
	[tilespmem:s9+$0x0] =	vst v1  }
0x2c1: {  	[tilespmem:s7+$0x0] =	vst v0;
	v0 =	vadd.f32 v12, v3  }
0x2c2: {  	[tilespmem:s8+$0x0] =	vst v2;
	v1 =	vadd.f32 v13, v8  }
0x2c3: {  	[tilespmem:s10+$0x0] =	vst v0;
	v0 =	vadd.f32 v10, v5  }
0x2c4: {  	[tilespmem:s12+$0x0] =	vst v1;
	v1 =	vadd.f32 v11, v4  }
0x2c5: {  	[tilespmem:s13+$0x0] =	vst v0  }
0x2c6: {  	s20 =	simm.s32 $0xC4;
	s9 =	simm.s32 $0x6200;
	s10 =	simm.s32 $0xC40;
	[tilespmem:s11+$0x0] =	vst v1  }
0x2c7: {  	s17 =	sand.u32 $0x3FFFFF80, s10;
	s11 =	sand.u32 $0x40, s9;
	_ =	swait.ge [sflag:s5], $0xC400  }
0x2c8: {  	s7 =	sadd.s32 $0xC00, s17;
	s18 =	sor.u32 $0x20, s11;
	[sflag:s5] =	ssyncset.done $0x0  }
0x2c9: {  	s8 =	rddreg [dreg:$0x10];
	s19 =	sor.u32 s18, s7;
	[sflag:s5] =	ssyncadd.s32 $0xFFFF3C00  }
0x2ca: {  	[tilespmem:s2], [sflag:$0x2] =	stream.linear.gather [hbm4b:s8+s1], $0xC400, $0x38;
	[tilespmem:$0x1AC80] =	vst v63  }
0x2cb: {  	s10 =	sand.u32 $0x7, s20;
	v0 =	vld [tilespmem:s19+$0x0]  }
0x2cc: {  	s22 =	simm.s32 $0x6200;
	s15 =	sshll.u32 s10, $0x5;
	s10 =	sshll.u32 s10, $0x7  }
0x2cd: {  	s23 =	sor.u32 $0x30, s11;
	s24 =	sor.u32 s11, s7;
	s8 =	sand.u32 $0x3FFFFC00, s22  }
0x2ce: {  	s14 =	sor.u32 $0x10, s11;
	s16 =	sor.u32 s23, s7;
	v1 =	vld [tilespmem:s24+$0x0];
	s8 =	sor.u32 s10, s8  }
0x2cf: {  	s25 =	sor.u32 $0x600, s15;
	s7 =	sor.u32 s14, s7;
	v3 =	vld [tilespmem:s16+$0x0];
	s26 =	sadd.s32 $0x2480, s8  }
0x2d0: {  	v5 =	vld [tilespmem:s7+$0x0];
	s8 =	sor.u32 s14, s26;
	v4 =	vadd.s32 s25, v0  }
0x2d1: {  	s16 =	sor.u32 s18, s26;
	v2 =	vld [tilespmem:s8+$0x0]  }
0x2d2: {  	s12 =	simm.s32 $0x6240;
	s7 =	sor.u32 s23, s26;
	s14 =	simm.s32 $0xC48;
	v9 =	vld [tilespmem:s16+$0x0]  }
0x2d3: {  	s10 =	sand.u32 $0x40, s12;
	s9 =	sor.u32 s11, s26;
	s12 =	sand.u32 $0x3FFFFF80, s14;
	v0 =	vld [tilespmem:s7+$0x0]  }
0x2d4: {  	s15 =	sadd.s32 $0xC00, s12;
	s12 =	sor.u32 $0x20, s10;
	v6 =	vadd.s32 s25, v1;
	v1 =	vld [tilespmem:s9+$0x0]  }
0x2d5: {  	s18 =	sor.u32 s12, s15;
	v7 =	vadd.s32 s25, v5;
	v8 =	vld.idx.msk [tilespmem:v4+s1+$0x0], $0xffff  }
0x2d6: {  	s22 =	sor.u32 $0x30, s10;
	v10 =	vadd.s32 s25, v3;
	s19 =	sor.u32 s10, s15;
	v11 =	vld [tilespmem:s18+$0x0]  }
0x2d7: {  	s20 =	simm.s32 $0xC4;
	s25 =	sor.u32 s22, s15;
	v3 =	vld [tilespmem:s19+$0x0]  }
0x2d8: {  	s24 =	sand.u32 $0x7, s20;
	s23 =	simm.s32 $0x6240;
	v5 =	vld [tilespmem:s25+$0x0]  }
0x2d9: {  	s17 =	sshll.u32 s24, $0x5;
	s13 =	sand.u32 $0x3FFFFC00, s23;
	s19 =	sshll.u32 s24, $0x7;
	v4 =	vld.idx.msk [tilespmem:v6+s1+$0x0], $0xffff  }
0x2da: {  	s20 =	sor.u32 $0x10, s10;
	s17 =	sor.u32 $0x600, s17;
	s13 =	sor.u32 s19, s13;
	v7 =	vld.idx.msk [tilespmem:v7+s1+$0x0], $0xffff;
	v63 =	vadd.f32 v9, v8  }
0x2db: {  	s14 =	simm.s32 $0x624;
	s26 =	sor.u32 s20, s15;
	s18 =	sadd.s32 $0x2480, s13;
	v6 =	vld.idx.msk [tilespmem:v10+s1+$0x0], $0xffff;
	v8 =	vadd.s32 s17, v11  }
0x2dc: {  	s15 =	simm.s32 $0x6280;
	s11 =	sor.u32 s20, s18;
	s13 =	sor.u32 s22, s18;
	v9 =	vld [tilespmem:s26+$0x0];
	[tilespmem:s16+$0x0] =	vst v63  }
.LBB2_28:
0x2dd: {  	s14 =	sadd.s32 $0x4, s14;
	s19 =	sor.u32 s10, s18;
	s16 =	sor.u32 s12, s18;
	v10 =	vld [tilespmem:s13+$0x0]  }
0x2de: {  	v4 =	vadd.f32 v1, v4;
	s10 =	sshrl.u32 s14, $0x3;
	s12 =	sshll.u32 s14, $0x1;
	s18 =	sshll.u32 s14, $0x4;
	v11 =	vld [tilespmem:s11+$0x0]  }
0x2df: {  	v12 =	vadd.s32 s17, v3;
	s20 =	sand.u32 $0x7, s10;
	s10 =	sand.u32 $0x40, s15;
	s12 =	sand.u32 $0x3FFFFF80, s12;
	v1 =	vld [tilespmem:s19+$0x0]  }
0x2e0: {  	v13 =	vadd.s32 s17, v5;
	v5 =	vadd.f32 v2, v7;
	s22 =	sadd.s32 $0xC00, s12;
	s12 =	sor.u32 $0x20, s10;
	s23 =	sor.u32 $0x30, s10;
	v8 =	vld.idx.msk [tilespmem:v8+s1+$0x0], $0xffff;
	[tilespmem:s9+$0x0] =	vst v4  }
0x2e1: {  	s24 =	sor.u32 $0x10, s10;
	v4 =	vadd.f32 v0, v6;
	s9 =	sor.u32 s10, s22;
	s25 =	sor.u32 s12, s22;
	v7 =	vadd.s32 s17, v9;
	v9 =	vld [tilespmem:s16+$0x0]  }
0x2e2: {  	s17 =	sshll.u32 s20, $0x5;
	s26 =	sor.u32 s24, s22;
	s22 =	sor.u32 s23, s22;
	v6 =	vld [tilespmem:s25+$0x0];
	[tilespmem:s8+$0x0] =	vst v5;
	v0 =	vmov v10  }
0x2e3: {  	p0 =	slt.u32 s14, $0xC3C;
	s8 =	sand.u32 $0x3FFFFC00, s18;
	v3 =	vld [tilespmem:s9+$0x0];
	s9 =	sshll.u32 s20, $0x7;
	[tilespmem:s7+$0x0] =	vst v4;
	v2 =	vmov v11  }
.Ltmp13:
0x2e4: {  	s7 =	sor.u32 s9, s8;
	v4 =	vld.idx.msk [tilespmem:v12+s1+$0x0], $0xffff;
	s9 =	smov.u32 s19;
	(pc) =	sbr.rel @p0 .LBB2_28-.Ltmp13, $4  }
0x2e5: {  	s8 =	smov.u32 s11;
	s18 =	sadd.s32 $0x2480, s7;
	v5 =	vld [tilespmem:s22+$0x0];
	s7 =	smov.u32 s13  }
0x2e6: {  	s17 =	sor.u32 $0x600, s17;
	s11 =	sor.u32 s24, s18;
	v7 =	vld.idx.msk [tilespmem:v7+s1+$0x0], $0xffff;
	v10 =	vadd.f32 v9, v8  }
0x2e7: {  	v8 =	vadd.s32 s17, v6;
	v6 =	vld.idx.msk [tilespmem:v13+s1+$0x0], $0xffff  }
0x2e8: {  	s15 =	sadd.s32 $0x40, s15;
	s13 =	sor.u32 s23, s18;
	v9 =	vld [tilespmem:s26+$0x0];
	[tilespmem:s16+$0x0] =	vst v10  }
0x2e9: {  	_ = 	snop  }
0x2ea: {  	v3 =	vadd.s32 s17, v3  }
0x2eb: {  	v10 =	vld [tilespmem:s13+$0x0]  }
0x2ec: {  	v11 =	vld [tilespmem:s11+$0x0];
	v5 =	vadd.s32 s17, v5  }
0x2ed: {  	s10 =	sor.u32 s10, s18;
	v8 =	vld.idx.msk [tilespmem:v8+s1+$0x0], $0xffff;
	v9 =	vadd.s32 s17, v9  }
0x2ee: {  	v12 =	vld [tilespmem:s10+$0x0]  }
0x2ef: {  	s12 =	sor.u32 s12, s18;
	v3 =	vld.idx.msk [tilespmem:v3+s1+$0x0], $0xffff  }
0x2f0: {  	v13 =	vld [tilespmem:s12+$0x0]  }
0x2f1: {  	v1 =	vadd.f32 v1, v4;
	v5 =	vld.idx.msk [tilespmem:v5+s1+$0x0], $0xffff  }
0x2f2: {  	v0 =	vadd.f32 v0, v6;
	v4 =	vld.idx.msk [tilespmem:v9+s1+$0x0], $0xffff  }
0x2f3: {  	v2 =	vadd.f32 v2, v7;
	[tilespmem:s9+$0x0] =	vst v1  }
0x2f4: {  	[tilespmem:s7+$0x0] =	vst v0;
	v0 =	vadd.f32 v12, v3  }
0x2f5: {  	[tilespmem:s8+$0x0] =	vst v2;
	v1 =	vadd.f32 v13, v8  }
0x2f6: {  	[tilespmem:s10+$0x0] =	vst v0;
	v0 =	vadd.f32 v10, v5  }
0x2f7: {  	[tilespmem:s12+$0x0] =	vst v1;
	v1 =	vadd.f32 v11, v4  }
0x2f8: {  	[tilespmem:s13+$0x0] =	vst v0  }
0x2f9: {  	s20 =	simm.s32 $0x0;
	[tilespmem:s11+$0x0] =	vst v1  }
0x2fa: {  	s9 =	simm.s32 $0x0;
	s10 =	simm.s32 $0x0;
	s8 =	rddreg [dreg:$0x11]  }
0x2fb: {  	[hbm4b:s8+s9] =	stream.linear.scatter [tilespmem:s0], [sflag:$0x3], $0xC400, $0x38;
	[tilespmem:$0x1AC80] =	vst v63  }
0x2fc: {  	s17 =	sand.u32 $0x3FFFFF80, s10;
	s11 =	sand.u32 $0x40, s9;
	_ =	swait.ge [sflag:s3], $0xC400  }
0x2fd: {  	s7 =	sadd.s32 $0xC00, s17;
	s18 =	sor.u32 $0x20, s11;
	[sflag:s3] =	ssyncset.done $0x0  }
0x2fe: {  	s10 =	sand.u32 $0x7, s20;
	s19 =	sor.u32 s18, s7;
	[sflag:s3] =	ssyncadd.s32 $0xFFFF3C00  }
0x2ff: {  	s22 =	simm.s32 $0x0;
	s12 =	simm.s32 $0x40;
	s15 =	sshll.u32 s10, $0x5;
	v0 =	vld [tilespmem:s19+$0x0]  }
0x300: {  	s10 =	sshll.u32 s10, $0x7;
	s25 =	sor.u32 $0x700, s15;
	s8 =	sand.u32 $0x3FFFFC00, s22  }
0x301: {  	s23 =	sor.u32 $0x30, s11;
	s24 =	sor.u32 s11, s7;
	s8 =	sor.u32 s10, s8  }
0x302: {  	s14 =	sor.u32 $0x10, s11;
	s16 =	sor.u32 s23, s7;
	s26 =	sadd.s32 $0xE880, s8;
	v1 =	vld [tilespmem:s24+$0x0]  }
0x303: {  	s7 =	sor.u32 s14, s7;
	s8 =	sor.u32 s14, s26;
	s14 =	simm.s32 $0x8;
	v3 =	vld [tilespmem:s16+$0x0]  }
0x304: {  	s10 =	sand.u32 $0x40, s12;
	v5 =	vld [tilespmem:s7+$0x0];
	s12 =	sand.u32 $0x3FFFFF80, s14;
	v4 =	vadd.s32 s25, v0  }
0x305: {  	v2 =	vld [tilespmem:s8+$0x0];
	s16 =	sor.u32 s18, s26;
	s15 =	sadd.s32 $0xC00, s12;
	s12 =	sor.u32 $0x20, s10  }
0x306: {  	v9 =	vld [tilespmem:s16+$0x0];
	s18 =	sor.u32 s12, s15  }
0x307: {  	s7 =	sor.u32 s23, s26;
	v11 =	vld [tilespmem:s18+$0x0]  }
0x308: {  	v0 =	vld [tilespmem:s7+$0x0];
	v6 =	vadd.s32 s25, v1  }
0x309: {  	s9 =	sor.u32 s11, s26;
	v7 =	vadd.s32 s25, v5;
	v8 =	vld.idx.msk [tilespmem:v4+s1+$0x0], $0xffff  }
0x30a: {  	s22 =	sor.u32 $0x30, s10;
	s19 =	sor.u32 s10, s15;
	v1 =	vld [tilespmem:s9+$0x0];
	v10 =	vadd.s32 s25, v3  }
0x30b: {  	s20 =	simm.s32 $0x0;
	v3 =	vld [tilespmem:s19+$0x0];
	s25 =	sor.u32 s22, s15  }
0x30c: {  	s23 =	simm.s32 $0x40;
	s24 =	sand.u32 $0x7, s20;
	v5 =	vld [tilespmem:s25+$0x0]  }
0x30d: {  	s13 =	sand.u32 $0x3FFFFC00, s23;
	s17 =	sshll.u32 s24, $0x5;
	s19 =	sshll.u32 s24, $0x7;
	v4 =	vld.idx.msk [tilespmem:v6+s1+$0x0], $0xffff  }
0x30e: {  	s20 =	sor.u32 $0x10, s10;
	s17 =	sor.u32 $0x700, s17;
	s13 =	sor.u32 s19, s13;
	v7 =	vld.idx.msk [tilespmem:v7+s1+$0x0], $0xffff;
	v63 =	vadd.f32 v9, v8  }
0x30f: {  	s14 =	simm.s32 $0x4;
	s26 =	sor.u32 s20, s15;
	s18 =	sadd.s32 $0xE880, s13;
	v6 =	vld.idx.msk [tilespmem:v10+s1+$0x0], $0xffff;
	v8 =	vadd.s32 s17, v11  }
0x310: {  	s15 =	simm.s32 $0x80;
	s11 =	sor.u32 s20, s18;
	s13 =	sor.u32 s22, s18;
	v9 =	vld [tilespmem:s26+$0x0];
	[tilespmem:s16+$0x0] =	vst v63  }
.LBB2_30:
0x311: {  	s14 =	sadd.s32 $0x4, s14;
	s19 =	sor.u32 s10, s18;
	s16 =	sor.u32 s12, s18;
	v10 =	vld [tilespmem:s13+$0x0]  }
0x312: {  	v4 =	vadd.f32 v1, v4;
	s10 =	sshrl.u32 s14, $0x3;
	s12 =	sshll.u32 s14, $0x1;
	s18 =	sshll.u32 s14, $0x4;
	v11 =	vld [tilespmem:s11+$0x0]  }
0x313: {  	v12 =	vadd.s32 s17, v3;
	s20 =	sand.u32 $0x7, s10;
	s10 =	sand.u32 $0x40, s15;
	s12 =	sand.u32 $0x3FFFFF80, s12;
	v1 =	vld [tilespmem:s19+$0x0]  }
0x314: {  	v13 =	vadd.s32 s17, v5;
	v5 =	vadd.f32 v2, v7;
	s22 =	sadd.s32 $0xC00, s12;
	s12 =	sor.u32 $0x20, s10;
	s23 =	sor.u32 $0x30, s10;
	v8 =	vld.idx.msk [tilespmem:v8+s1+$0x0], $0xffff;
	[tilespmem:s9+$0x0] =	vst v4  }
0x315: {  	s24 =	sor.u32 $0x10, s10;
	v4 =	vadd.f32 v0, v6;
	s9 =	sor.u32 s10, s22;
	s25 =	sor.u32 s12, s22;
	v7 =	vadd.s32 s17, v9;
	v9 =	vld [tilespmem:s16+$0x0]  }
0x316: {  	s17 =	sshll.u32 s20, $0x5;
	s26 =	sor.u32 s24, s22;
	s22 =	sor.u32 s23, s22;
	v6 =	vld [tilespmem:s25+$0x0];
	[tilespmem:s8+$0x0] =	vst v5;
	v0 =	vmov v10  }
0x317: {  	p0 =	slt.u32 s14, $0x61C;
	s8 =	sand.u32 $0x3FFFFC00, s18;
	v3 =	vld [tilespmem:s9+$0x0];
	s9 =	sshll.u32 s20, $0x7;
	[tilespmem:s7+$0x0] =	vst v4;
	v2 =	vmov v11  }
.Ltmp14:
0x318: {  	s7 =	sor.u32 s9, s8;
	v4 =	vld.idx.msk [tilespmem:v12+s1+$0x0], $0xffff;
	s9 =	smov.u32 s19;
	(pc) =	sbr.rel @p0 .LBB2_30-.Ltmp14, $4  }
0x319: {  	s8 =	smov.u32 s11;
	s18 =	sadd.s32 $0xE880, s7;
	v5 =	vld [tilespmem:s22+$0x0];
	s7 =	smov.u32 s13  }
0x31a: {  	s17 =	sor.u32 $0x700, s17;
	s11 =	sor.u32 s24, s18;
	v7 =	vld.idx.msk [tilespmem:v7+s1+$0x0], $0xffff;
	v10 =	vadd.f32 v9, v8  }
0x31b: {  	v8 =	vadd.s32 s17, v6;
	v6 =	vld.idx.msk [tilespmem:v13+s1+$0x0], $0xffff  }
0x31c: {  	s15 =	sadd.s32 $0x40, s15;
	s13 =	sor.u32 s23, s18;
	v9 =	vld [tilespmem:s26+$0x0];
	[tilespmem:s16+$0x0] =	vst v10  }
0x31d: {  	_ = 	snop  }
0x31e: {  	v3 =	vadd.s32 s17, v3  }
0x31f: {  	v10 =	vld [tilespmem:s13+$0x0]  }
0x320: {  	v11 =	vld [tilespmem:s11+$0x0];
	v5 =	vadd.s32 s17, v5  }
0x321: {  	s10 =	sor.u32 s10, s18;
	v8 =	vld.idx.msk [tilespmem:v8+s1+$0x0], $0xffff;
	v9 =	vadd.s32 s17, v9  }
0x322: {  	v12 =	vld [tilespmem:s10+$0x0]  }
0x323: {  	s12 =	sor.u32 s12, s18;
	v3 =	vld.idx.msk [tilespmem:v3+s1+$0x0], $0xffff  }
0x324: {  	v13 =	vld [tilespmem:s12+$0x0]  }
0x325: {  	v1 =	vadd.f32 v1, v4;
	v5 =	vld.idx.msk [tilespmem:v5+s1+$0x0], $0xffff  }
0x326: {  	v0 =	vadd.f32 v0, v6;
	v4 =	vld.idx.msk [tilespmem:v9+s1+$0x0], $0xffff  }
0x327: {  	v2 =	vadd.f32 v2, v7;
	[tilespmem:s9+$0x0] =	vst v1  }
0x328: {  	[tilespmem:s7+$0x0] =	vst v0;
	v0 =	vadd.f32 v12, v3  }
0x329: {  	[tilespmem:s8+$0x0] =	vst v2;
	v1 =	vadd.f32 v13, v8  }
0x32a: {  	[tilespmem:s10+$0x0] =	vst v0;
	v0 =	vadd.f32 v10, v5  }
0x32b: {  	[tilespmem:s12+$0x0] =	vst v1;
	v1 =	vadd.f32 v11, v4  }
0x32c: {  	[tilespmem:s13+$0x0] =	vst v0  }
0x32d: {  	s20 =	simm.s32 $0xC4;
	s9 =	simm.s32 $0x6200;
	s10 =	simm.s32 $0xC40;
	[tilespmem:s11+$0x0] =	vst v1  }
0x32e: {  	s17 =	sand.u32 $0x3FFFFF80, s10;
	s11 =	sand.u32 $0x40, s9;
	_ =	swait.ge [sflag:s4], $0xC400  }
0x32f: {  	s7 =	sadd.s32 $0xC00, s17;
	s18 =	sor.u32 $0x20, s11;
	[sflag:s4] =	ssyncset.done $0x0  }
0x330: {  	s8 =	rddreg [dreg:$0x12];
	s19 =	sor.u32 s18, s7;
	[sflag:s4] =	ssyncadd.s32 $0xFFFF3C00  }
0x331: {  	[tilespmem:s0], [sflag:$0x1] =	stream.linear.gather [hbm4b:s8+s1], $0xC400, $0x38;
	[tilespmem:$0x1AC80] =	vst v63  }
0x332: {  	s10 =	sand.u32 $0x7, s20;
	v0 =	vld [tilespmem:s19+$0x0]  }
0x333: {  	s22 =	simm.s32 $0x6200;
	s15 =	sshll.u32 s10, $0x5;
	s10 =	sshll.u32 s10, $0x7  }
0x334: {  	s23 =	sor.u32 $0x30, s11;
	s24 =	sor.u32 s11, s7;
	s8 =	sand.u32 $0x3FFFFC00, s22  }
0x335: {  	s14 =	sor.u32 $0x10, s11;
	s16 =	sor.u32 s23, s7;
	v1 =	vld [tilespmem:s24+$0x0];
	s8 =	sor.u32 s10, s8  }
0x336: {  	s25 =	sor.u32 $0x700, s15;
	s7 =	sor.u32 s14, s7;
	v3 =	vld [tilespmem:s16+$0x0];
	s26 =	sadd.s32 $0xE880, s8  }
0x337: {  	v5 =	vld [tilespmem:s7+$0x0];
	s8 =	sor.u32 s14, s26;
	v4 =	vadd.s32 s25, v0  }
0x338: {  	s16 =	sor.u32 s18, s26;
	v2 =	vld [tilespmem:s8+$0x0]  }
0x339: {  	s12 =	simm.s32 $0x6240;
	s7 =	sor.u32 s23, s26;
	s14 =	simm.s32 $0xC48;
	v9 =	vld [tilespmem:s16+$0x0]  }
0x33a: {  	s10 =	sand.u32 $0x40, s12;
	s9 =	sor.u32 s11, s26;
	s12 =	sand.u32 $0x3FFFFF80, s14;
	v0 =	vld [tilespmem:s7+$0x0]  }
0x33b: {  	s15 =	sadd.s32 $0xC00, s12;
	s12 =	sor.u32 $0x20, s10;
	v6 =	vadd.s32 s25, v1;
	v1 =	vld [tilespmem:s9+$0x0]  }
0x33c: {  	s18 =	sor.u32 s12, s15;
	v7 =	vadd.s32 s25, v5;
	v8 =	vld.idx.msk [tilespmem:v4+s1+$0x0], $0xffff  }
0x33d: {  	s22 =	sor.u32 $0x30, s10;
	v10 =	vadd.s32 s25, v3;
	s19 =	sor.u32 s10, s15;
	v11 =	vld [tilespmem:s18+$0x0]  }
0x33e: {  	s20 =	simm.s32 $0xC4;
	s25 =	sor.u32 s22, s15;
	v3 =	vld [tilespmem:s19+$0x0]  }
0x33f: {  	s24 =	sand.u32 $0x7, s20;
	s23 =	simm.s32 $0x6240;
	v5 =	vld [tilespmem:s25+$0x0]  }
0x340: {  	s17 =	sshll.u32 s24, $0x5;
	s13 =	sand.u32 $0x3FFFFC00, s23;
	s19 =	sshll.u32 s24, $0x7;
	v4 =	vld.idx.msk [tilespmem:v6+s1+$0x0], $0xffff  }
0x341: {  	s20 =	sor.u32 $0x10, s10;
	s17 =	sor.u32 $0x700, s17;
	s13 =	sor.u32 s19, s13;
	v7 =	vld.idx.msk [tilespmem:v7+s1+$0x0], $0xffff;
	v63 =	vadd.f32 v9, v8  }
0x342: {  	s14 =	simm.s32 $0x624;
	s26 =	sor.u32 s20, s15;
	s18 =	sadd.s32 $0xE880, s13;
	v6 =	vld.idx.msk [tilespmem:v10+s1+$0x0], $0xffff;
	v8 =	vadd.s32 s17, v11  }
0x343: {  	s15 =	simm.s32 $0x6280;
	s11 =	sor.u32 s20, s18;
	s13 =	sor.u32 s22, s18;
	v9 =	vld [tilespmem:s26+$0x0];
	[tilespmem:s16+$0x0] =	vst v63  }
.LBB2_32:
0x344: {  	s14 =	sadd.s32 $0x4, s14;
	s19 =	sor.u32 s10, s18;
	s16 =	sor.u32 s12, s18;
	v10 =	vld [tilespmem:s13+$0x0]  }
0x345: {  	v4 =	vadd.f32 v1, v4;
	s10 =	sshrl.u32 s14, $0x3;
	s12 =	sshll.u32 s14, $0x1;
	s18 =	sshll.u32 s14, $0x4;
	v11 =	vld [tilespmem:s11+$0x0]  }
0x346: {  	v12 =	vadd.s32 s17, v3;
	s20 =	sand.u32 $0x7, s10;
	s10 =	sand.u32 $0x40, s15;
	s12 =	sand.u32 $0x3FFFFF80, s12;
	v1 =	vld [tilespmem:s19+$0x0]  }
0x347: {  	v13 =	vadd.s32 s17, v5;
	v5 =	vadd.f32 v2, v7;
	s22 =	sadd.s32 $0xC00, s12;
	s12 =	sor.u32 $0x20, s10;
	s23 =	sor.u32 $0x30, s10;
	v8 =	vld.idx.msk [tilespmem:v8+s1+$0x0], $0xffff;
	[tilespmem:s9+$0x0] =	vst v4  }
0x348: {  	s24 =	sor.u32 $0x10, s10;
	v4 =	vadd.f32 v0, v6;
	s9 =	sor.u32 s10, s22;
	s25 =	sor.u32 s12, s22;
	v7 =	vadd.s32 s17, v9;
	v9 =	vld [tilespmem:s16+$0x0]  }
0x349: {  	s17 =	sshll.u32 s20, $0x5;
	s26 =	sor.u32 s24, s22;
	s22 =	sor.u32 s23, s22;
	v6 =	vld [tilespmem:s25+$0x0];
	[tilespmem:s8+$0x0] =	vst v5;
	v0 =	vmov v10  }
0x34a: {  	p0 =	slt.u32 s14, $0xC3C;
	s8 =	sand.u32 $0x3FFFFC00, s18;
	v3 =	vld [tilespmem:s9+$0x0];
	s9 =	sshll.u32 s20, $0x7;
	[tilespmem:s7+$0x0] =	vst v4;
	v2 =	vmov v11  }
.Ltmp15:
0x34b: {  	s7 =	sor.u32 s9, s8;
	v4 =	vld.idx.msk [tilespmem:v12+s1+$0x0], $0xffff;
	s9 =	smov.u32 s19;
	(pc) =	sbr.rel @p0 .LBB2_32-.Ltmp15, $4  }
0x34c: {  	s8 =	smov.u32 s11;
	s18 =	sadd.s32 $0xE880, s7;
	v5 =	vld [tilespmem:s22+$0x0];
	s7 =	smov.u32 s13  }
0x34d: {  	s17 =	sor.u32 $0x700, s17;
	s11 =	sor.u32 s24, s18;
	v7 =	vld.idx.msk [tilespmem:v7+s1+$0x0], $0xffff;
	v10 =	vadd.f32 v9, v8  }
0x34e: {  	v8 =	vadd.s32 s17, v6;
	v6 =	vld.idx.msk [tilespmem:v13+s1+$0x0], $0xffff  }
0x34f: {  	s15 =	sadd.s32 $0x40, s15;
	s13 =	sor.u32 s23, s18;
	v9 =	vld [tilespmem:s26+$0x0];
	[tilespmem:s16+$0x0] =	vst v10  }
0x350: {  	_ = 	snop  }
0x351: {  	v3 =	vadd.s32 s17, v3  }
0x352: {  	v10 =	vld [tilespmem:s13+$0x0]  }
0x353: {  	v11 =	vld [tilespmem:s11+$0x0];
	v5 =	vadd.s32 s17, v5  }
0x354: {  	s10 =	sor.u32 s10, s18;
	v8 =	vld.idx.msk [tilespmem:v8+s1+$0x0], $0xffff;
	v9 =	vadd.s32 s17, v9  }
0x355: {  	v12 =	vld [tilespmem:s10+$0x0]  }
0x356: {  	s12 =	sor.u32 s12, s18;
	v3 =	vld.idx.msk [tilespmem:v3+s1+$0x0], $0xffff  }
0x357: {  	v13 =	vld [tilespmem:s12+$0x0]  }
0x358: {  	v1 =	vadd.f32 v1, v4;
	v5 =	vld.idx.msk [tilespmem:v5+s1+$0x0], $0xffff  }
0x359: {  	v0 =	vadd.f32 v0, v6;
	v4 =	vld.idx.msk [tilespmem:v9+s1+$0x0], $0xffff  }
0x35a: {  	v2 =	vadd.f32 v2, v7;
	[tilespmem:s9+$0x0] =	vst v1  }
0x35b: {  	[tilespmem:s7+$0x0] =	vst v0;
	v0 =	vadd.f32 v12, v3  }
0x35c: {  	[tilespmem:s8+$0x0] =	vst v2;
	v1 =	vadd.f32 v13, v8  }
0x35d: {  	[tilespmem:s10+$0x0] =	vst v0;
	v0 =	vadd.f32 v10, v5  }
0x35e: {  	[tilespmem:s12+$0x0] =	vst v1;
	v1 =	vadd.f32 v11, v4  }
0x35f: {  	[tilespmem:s13+$0x0] =	vst v0  }
0x360: {  	s20 =	simm.s32 $0x0;
	[tilespmem:s11+$0x0] =	vst v1  }
0x361: {  	s9 =	simm.s32 $0x0;
	s10 =	simm.s32 $0x0;
	s8 =	rddreg [dreg:$0x13]  }
0x362: {  	[hbm4b:s8+s9] =	stream.linear.scatter [tilespmem:s2], [sflag:$0x4], $0xC400, $0x38;
	[tilespmem:$0x1AC80] =	vst v63  }
0x363: {  	s17 =	sand.u32 $0x3FFFFF80, s10;
	s11 =	sand.u32 $0x40, s9;
	_ =	swait.ge [sflag:s31], $0xC400  }
0x364: {  	s7 =	sadd.s32 $0xC00, s17;
	s18 =	sor.u32 $0x20, s11;
	[sflag:s31] =	ssyncset.done $0x0  }
0x365: {  	s10 =	sand.u32 $0x7, s20;
	s19 =	sor.u32 s18, s7;
	[sflag:s31] =	ssyncadd.s32 $0xFFFF3C00  }
0x366: {  	s22 =	simm.s32 $0x0;
	s12 =	simm.s32 $0x40;
	s15 =	sshll.u32 s10, $0x5;
	v0 =	vld [tilespmem:s19+$0x0]  }
0x367: {  	s10 =	sshll.u32 s10, $0x7;
	s25 =	sor.u32 $0x800, s15;
	s8 =	sand.u32 $0x3FFFFC00, s22  }
0x368: {  	s23 =	sor.u32 $0x30, s11;
	s24 =	sor.u32 s11, s7;
	s8 =	sor.u32 s10, s8  }
0x369: {  	s14 =	sor.u32 $0x10, s11;
	s16 =	sor.u32 s23, s7;
	s26 =	sadd.s32 $0x2480, s8;
	v1 =	vld [tilespmem:s24+$0x0]  }
0x36a: {  	s7 =	sor.u32 s14, s7;
	s8 =	sor.u32 s14, s26;
	s14 =	simm.s32 $0x8;
	v3 =	vld [tilespmem:s16+$0x0]  }
0x36b: {  	s10 =	sand.u32 $0x40, s12;
	v5 =	vld [tilespmem:s7+$0x0];
	s12 =	sand.u32 $0x3FFFFF80, s14;
	v4 =	vadd.s32 s25, v0  }
0x36c: {  	v2 =	vld [tilespmem:s8+$0x0];
	s16 =	sor.u32 s18, s26;
	s15 =	sadd.s32 $0xC00, s12;
	s12 =	sor.u32 $0x20, s10  }
0x36d: {  	v9 =	vld [tilespmem:s16+$0x0];
	s18 =	sor.u32 s12, s15  }
0x36e: {  	s7 =	sor.u32 s23, s26;
	v11 =	vld [tilespmem:s18+$0x0]  }
0x36f: {  	v0 =	vld [tilespmem:s7+$0x0];
	v6 =	vadd.s32 s25, v1  }
0x370: {  	s9 =	sor.u32 s11, s26;
	v7 =	vadd.s32 s25, v5;
	v8 =	vld.idx.msk [tilespmem:v4+s1+$0x0], $0xffff  }
0x371: {  	s22 =	sor.u32 $0x30, s10;
	s19 =	sor.u32 s10, s15;
	v1 =	vld [tilespmem:s9+$0x0];
	v10 =	vadd.s32 s25, v3  }
0x372: {  	s20 =	simm.s32 $0x0;
	v3 =	vld [tilespmem:s19+$0x0];
	s25 =	sor.u32 s22, s15  }
0x373: {  	s23 =	simm.s32 $0x40;
	s24 =	sand.u32 $0x7, s20;
	v5 =	vld [tilespmem:s25+$0x0]  }
0x374: {  	s13 =	sand.u32 $0x3FFFFC00, s23;
	s17 =	sshll.u32 s24, $0x5;
	s19 =	sshll.u32 s24, $0x7;
	v4 =	vld.idx.msk [tilespmem:v6+s1+$0x0], $0xffff  }
0x375: {  	s20 =	sor.u32 $0x10, s10;
	s17 =	sor.u32 $0x800, s17;
	s13 =	sor.u32 s19, s13;
	v7 =	vld.idx.msk [tilespmem:v7+s1+$0x0], $0xffff;
	v63 =	vadd.f32 v9, v8  }
0x376: {  	s14 =	simm.s32 $0x4;
	s26 =	sor.u32 s20, s15;
	s18 =	sadd.s32 $0x2480, s13;
	v6 =	vld.idx.msk [tilespmem:v10+s1+$0x0], $0xffff;
	v8 =	vadd.s32 s17, v11  }
0x377: {  	s15 =	simm.s32 $0x80;
	s11 =	sor.u32 s20, s18;
	s13 =	sor.u32 s22, s18;
	v9 =	vld [tilespmem:s26+$0x0];
	[tilespmem:s16+$0x0] =	vst v63  }
.LBB2_34:
0x378: {  	s14 =	sadd.s32 $0x4, s14;
	s19 =	sor.u32 s10, s18;
	s16 =	sor.u32 s12, s18;
	v10 =	vld [tilespmem:s13+$0x0]  }
0x379: {  	v4 =	vadd.f32 v1, v4;
	s10 =	sshrl.u32 s14, $0x3;
	s12 =	sshll.u32 s14, $0x1;
	s18 =	sshll.u32 s14, $0x4;
	v11 =	vld [tilespmem:s11+$0x0]  }
0x37a: {  	v12 =	vadd.s32 s17, v3;
	s20 =	sand.u32 $0x7, s10;
	s10 =	sand.u32 $0x40, s15;
	s12 =	sand.u32 $0x3FFFFF80, s12;
	v1 =	vld [tilespmem:s19+$0x0]  }
0x37b: {  	v13 =	vadd.s32 s17, v5;
	v5 =	vadd.f32 v2, v7;
	s22 =	sadd.s32 $0xC00, s12;
	s12 =	sor.u32 $0x20, s10;
	s23 =	sor.u32 $0x30, s10;
	v8 =	vld.idx.msk [tilespmem:v8+s1+$0x0], $0xffff;
	[tilespmem:s9+$0x0] =	vst v4  }
0x37c: {  	s24 =	sor.u32 $0x10, s10;
	v4 =	vadd.f32 v0, v6;
	s9 =	sor.u32 s10, s22;
	s25 =	sor.u32 s12, s22;
	v7 =	vadd.s32 s17, v9;
	v9 =	vld [tilespmem:s16+$0x0]  }
0x37d: {  	s17 =	sshll.u32 s20, $0x5;
	s26 =	sor.u32 s24, s22;
	s22 =	sor.u32 s23, s22;
	v6 =	vld [tilespmem:s25+$0x0];
	[tilespmem:s8+$0x0] =	vst v5;
	v0 =	vmov v10  }
0x37e: {  	p0 =	slt.u32 s14, $0x61C;
	s8 =	sand.u32 $0x3FFFFC00, s18;
	v3 =	vld [tilespmem:s9+$0x0];
	s9 =	sshll.u32 s20, $0x7;
	[tilespmem:s7+$0x0] =	vst v4;
	v2 =	vmov v11  }
.Ltmp16:
0x37f: {  	s7 =	sor.u32 s9, s8;
	v4 =	vld.idx.msk [tilespmem:v12+s1+$0x0], $0xffff;
	s9 =	smov.u32 s19;
	(pc) =	sbr.rel @p0 .LBB2_34-.Ltmp16, $4  }
0x380: {  	s8 =	smov.u32 s11;
	s18 =	sadd.s32 $0x2480, s7;
	v5 =	vld [tilespmem:s22+$0x0];
	s7 =	smov.u32 s13  }
0x381: {  	s17 =	sor.u32 $0x800, s17;
	s11 =	sor.u32 s24, s18;
	v7 =	vld.idx.msk [tilespmem:v7+s1+$0x0], $0xffff;
	v10 =	vadd.f32 v9, v8  }
0x382: {  	v8 =	vadd.s32 s17, v6;
	v6 =	vld.idx.msk [tilespmem:v13+s1+$0x0], $0xffff  }
0x383: {  	s15 =	sadd.s32 $0x40, s15;
	s13 =	sor.u32 s23, s18;
	v9 =	vld [tilespmem:s26+$0x0];
	[tilespmem:s16+$0x0] =	vst v10  }
0x384: {  	_ = 	snop  }
0x385: {  	v3 =	vadd.s32 s17, v3  }
0x386: {  	v10 =	vld [tilespmem:s13+$0x0]  }
0x387: {  	v11 =	vld [tilespmem:s11+$0x0];
	v5 =	vadd.s32 s17, v5  }
0x388: {  	s10 =	sor.u32 s10, s18;
	v8 =	vld.idx.msk [tilespmem:v8+s1+$0x0], $0xffff;
	v9 =	vadd.s32 s17, v9  }
0x389: {  	v12 =	vld [tilespmem:s10+$0x0]  }
0x38a: {  	s12 =	sor.u32 s12, s18;
	v3 =	vld.idx.msk [tilespmem:v3+s1+$0x0], $0xffff  }
0x38b: {  	v13 =	vld [tilespmem:s12+$0x0]  }
0x38c: {  	v1 =	vadd.f32 v1, v4;
	v5 =	vld.idx.msk [tilespmem:v5+s1+$0x0], $0xffff  }
0x38d: {  	v0 =	vadd.f32 v0, v6;
	v4 =	vld.idx.msk [tilespmem:v9+s1+$0x0], $0xffff  }
0x38e: {  	v2 =	vadd.f32 v2, v7;
	[tilespmem:s9+$0x0] =	vst v1  }
0x38f: {  	[tilespmem:s7+$0x0] =	vst v0;
	v0 =	vadd.f32 v12, v3  }
0x390: {  	[tilespmem:s8+$0x0] =	vst v2;
	v1 =	vadd.f32 v13, v8  }
0x391: {  	[tilespmem:s10+$0x0] =	vst v0;
	v0 =	vadd.f32 v10, v5  }
0x392: {  	[tilespmem:s12+$0x0] =	vst v1;
	v1 =	vadd.f32 v11, v4  }
0x393: {  	[tilespmem:s13+$0x0] =	vst v0  }
0x394: {  	s20 =	simm.s32 $0xC4;
	s9 =	simm.s32 $0x6200;
	s10 =	simm.s32 $0xC40;
	[tilespmem:s11+$0x0] =	vst v1  }
0x395: {  	s17 =	sand.u32 $0x3FFFFF80, s10;
	s11 =	sand.u32 $0x40, s9;
	_ =	swait.ge [sflag:s5], $0xC400  }
0x396: {  	s7 =	sadd.s32 $0xC00, s17;
	s18 =	sor.u32 $0x20, s11;
	[sflag:s5] =	ssyncset.done $0x0  }
0x397: {  	s8 =	rddreg [dreg:$0x15];
	s19 =	sor.u32 s18, s7;
	[sflag:s5] =	ssyncadd.s32 $0xFFFF3C00  }
0x398: {  	[tilespmem:s2], [sflag:$0x2] =	stream.linear.gather [hbm4b:s8+s1], $0xC400, $0x38;
	[tilespmem:$0x1AC80] =	vst v63  }
0x399: {  	s10 =	sand.u32 $0x7, s20;
	v0 =	vld [tilespmem:s19+$0x0]  }
0x39a: {  	s22 =	simm.s32 $0x6200;
	s15 =	sshll.u32 s10, $0x5;
	s10 =	sshll.u32 s10, $0x7  }
0x39b: {  	s23 =	sor.u32 $0x30, s11;
	s24 =	sor.u32 s11, s7;
	s8 =	sand.u32 $0x3FFFFC00, s22  }
0x39c: {  	s14 =	sor.u32 $0x10, s11;
	s16 =	sor.u32 s23, s7;
	v1 =	vld [tilespmem:s24+$0x0];
	s8 =	sor.u32 s10, s8  }
0x39d: {  	s25 =	sor.u32 $0x800, s15;
	s7 =	sor.u32 s14, s7;
	v3 =	vld [tilespmem:s16+$0x0];
	s26 =	sadd.s32 $0x2480, s8  }
0x39e: {  	v5 =	vld [tilespmem:s7+$0x0];
	s8 =	sor.u32 s14, s26;
	v4 =	vadd.s32 s25, v0  }
0x39f: {  	s16 =	sor.u32 s18, s26;
	v2 =	vld [tilespmem:s8+$0x0]  }
0x3a0: {  	s12 =	simm.s32 $0x6240;
	s7 =	sor.u32 s23, s26;
	s14 =	simm.s32 $0xC48;
	v9 =	vld [tilespmem:s16+$0x0]  }
0x3a1: {  	s10 =	sand.u32 $0x40, s12;
	s9 =	sor.u32 s11, s26;
	s12 =	sand.u32 $0x3FFFFF80, s14;
	v0 =	vld [tilespmem:s7+$0x0]  }
0x3a2: {  	s15 =	sadd.s32 $0xC00, s12;
	s12 =	sor.u32 $0x20, s10;
	v6 =	vadd.s32 s25, v1;
	v1 =	vld [tilespmem:s9+$0x0]  }
0x3a3: {  	s18 =	sor.u32 s12, s15;
	v7 =	vadd.s32 s25, v5;
	v8 =	vld.idx.msk [tilespmem:v4+s1+$0x0], $0xffff  }
0x3a4: {  	s22 =	sor.u32 $0x30, s10;
	v10 =	vadd.s32 s25, v3;
	s19 =	sor.u32 s10, s15;
	v11 =	vld [tilespmem:s18+$0x0]  }
0x3a5: {  	s20 =	simm.s32 $0xC4;
	s25 =	sor.u32 s22, s15;
	v3 =	vld [tilespmem:s19+$0x0]  }
0x3a6: {  	s24 =	sand.u32 $0x7, s20;
	s23 =	simm.s32 $0x6240;
	v5 =	vld [tilespmem:s25+$0x0]  }
0x3a7: {  	s17 =	sshll.u32 s24, $0x5;
	s13 =	sand.u32 $0x3FFFFC00, s23;
	s19 =	sshll.u32 s24, $0x7;
	v4 =	vld.idx.msk [tilespmem:v6+s1+$0x0], $0xffff  }
0x3a8: {  	s20 =	sor.u32 $0x10, s10;
	s17 =	sor.u32 $0x800, s17;
	s13 =	sor.u32 s19, s13;
	v7 =	vld.idx.msk [tilespmem:v7+s1+$0x0], $0xffff;
	v63 =	vadd.f32 v9, v8  }
0x3a9: {  	s14 =	simm.s32 $0x624;
	s26 =	sor.u32 s20, s15;
	s18 =	sadd.s32 $0x2480, s13;
	v6 =	vld.idx.msk [tilespmem:v10+s1+$0x0], $0xffff;
	v8 =	vadd.s32 s17, v11  }
0x3aa: {  	s15 =	simm.s32 $0x6280;
	s11 =	sor.u32 s20, s18;
	s13 =	sor.u32 s22, s18;
	v9 =	vld [tilespmem:s26+$0x0];
	[tilespmem:s16+$0x0] =	vst v63  }
.LBB2_36:
0x3ab: {  	s14 =	sadd.s32 $0x4, s14;
	s19 =	sor.u32 s10, s18;
	s16 =	sor.u32 s12, s18;
	v10 =	vld [tilespmem:s13+$0x0]  }
0x3ac: {  	v4 =	vadd.f32 v1, v4;
	s10 =	sshrl.u32 s14, $0x3;
	s12 =	sshll.u32 s14, $0x1;
	s18 =	sshll.u32 s14, $0x4;
	v11 =	vld [tilespmem:s11+$0x0]  }
0x3ad: {  	v12 =	vadd.s32 s17, v3;
	s20 =	sand.u32 $0x7, s10;
	s10 =	sand.u32 $0x40, s15;
	s12 =	sand.u32 $0x3FFFFF80, s12;
	v1 =	vld [tilespmem:s19+$0x0]  }
0x3ae: {  	v13 =	vadd.s32 s17, v5;
	v5 =	vadd.f32 v2, v7;
	s22 =	sadd.s32 $0xC00, s12;
	s12 =	sor.u32 $0x20, s10;
	s23 =	sor.u32 $0x30, s10;
	v8 =	vld.idx.msk [tilespmem:v8+s1+$0x0], $0xffff;
	[tilespmem:s9+$0x0] =	vst v4  }
0x3af: {  	s24 =	sor.u32 $0x10, s10;
	v4 =	vadd.f32 v0, v6;
	s9 =	sor.u32 s10, s22;
	s25 =	sor.u32 s12, s22;
	v7 =	vadd.s32 s17, v9;
	v9 =	vld [tilespmem:s16+$0x0]  }
0x3b0: {  	s17 =	sshll.u32 s20, $0x5;
	s26 =	sor.u32 s24, s22;
	s22 =	sor.u32 s23, s22;
	v6 =	vld [tilespmem:s25+$0x0];
	[tilespmem:s8+$0x0] =	vst v5;
	v0 =	vmov v10  }
0x3b1: {  	p0 =	slt.u32 s14, $0xC3C;
	s8 =	sand.u32 $0x3FFFFC00, s18;
	v3 =	vld [tilespmem:s9+$0x0];
	s9 =	sshll.u32 s20, $0x7;
	[tilespmem:s7+$0x0] =	vst v4;
	v2 =	vmov v11  }
.Ltmp17:
0x3b2: {  	s7 =	sor.u32 s9, s8;
	v4 =	vld.idx.msk [tilespmem:v12+s1+$0x0], $0xffff;
	s9 =	smov.u32 s19;
	(pc) =	sbr.rel @p0 .LBB2_36-.Ltmp17, $4  }
0x3b3: {  	s8 =	smov.u32 s11;
	s18 =	sadd.s32 $0x2480, s7;
	v5 =	vld [tilespmem:s22+$0x0];
	s7 =	smov.u32 s13  }
0x3b4: {  	s17 =	sor.u32 $0x800, s17;
	s11 =	sor.u32 s24, s18;
	v7 =	vld.idx.msk [tilespmem:v7+s1+$0x0], $0xffff;
	v10 =	vadd.f32 v9, v8  }
0x3b5: {  	v8 =	vadd.s32 s17, v6;
	v6 =	vld.idx.msk [tilespmem:v13+s1+$0x0], $0xffff  }
0x3b6: {  	s15 =	sadd.s32 $0x40, s15;
	s13 =	sor.u32 s23, s18;
	v9 =	vld [tilespmem:s26+$0x0];
	[tilespmem:s16+$0x0] =	vst v10  }
0x3b7: {  	_ = 	snop  }
0x3b8: {  	v3 =	vadd.s32 s17, v3  }
0x3b9: {  	v10 =	vld [tilespmem:s13+$0x0]  }
0x3ba: {  	v11 =	vld [tilespmem:s11+$0x0];
	v5 =	vadd.s32 s17, v5  }
0x3bb: {  	s10 =	sor.u32 s10, s18;
	v8 =	vld.idx.msk [tilespmem:v8+s1+$0x0], $0xffff;
	v9 =	vadd.s32 s17, v9  }
0x3bc: {  	v12 =	vld [tilespmem:s10+$0x0]  }
0x3bd: {  	s12 =	sor.u32 s12, s18;
	v3 =	vld.idx.msk [tilespmem:v3+s1+$0x0], $0xffff  }
0x3be: {  	v13 =	vld [tilespmem:s12+$0x0]  }
0x3bf: {  	v1 =	vadd.f32 v1, v4;
	v5 =	vld.idx.msk [tilespmem:v5+s1+$0x0], $0xffff  }
0x3c0: {  	v0 =	vadd.f32 v0, v6;
	v4 =	vld.idx.msk [tilespmem:v9+s1+$0x0], $0xffff  }
0x3c1: {  	v2 =	vadd.f32 v2, v7;
	[tilespmem:s9+$0x0] =	vst v1  }
0x3c2: {  	[tilespmem:s7+$0x0] =	vst v0;
	v0 =	vadd.f32 v12, v3  }
0x3c3: {  	[tilespmem:s8+$0x0] =	vst v2;
	v1 =	vadd.f32 v13, v8  }
0x3c4: {  	[tilespmem:s10+$0x0] =	vst v0;
	v0 =	vadd.f32 v10, v5  }
0x3c5: {  	[tilespmem:s12+$0x0] =	vst v1;
	v1 =	vadd.f32 v11, v4  }
0x3c6: {  	[tilespmem:s13+$0x0] =	vst v0  }
0x3c7: {  	s20 =	simm.s32 $0x0;
	[tilespmem:s11+$0x0] =	vst v1  }
0x3c8: {  	s9 =	simm.s32 $0x0;
	s10 =	simm.s32 $0x0;
	s8 =	rddreg [dreg:$0x14]  }
0x3c9: {  	[hbm4b:s8+s9] =	stream.linear.scatter [tilespmem:s0], [sflag:$0x3], $0xC400, $0x38;
	[tilespmem:$0x1AC80] =	vst v63  }
0x3ca: {  	s17 =	sand.u32 $0x3FFFFF80, s10;
	s11 =	sand.u32 $0x40, s9;
	_ =	swait.ge [sflag:s3], $0xC400  }
0x3cb: {  	s7 =	sadd.s32 $0xC00, s17;
	s18 =	sor.u32 $0x20, s11;
	[sflag:s3] =	ssyncset.done $0x0  }
0x3cc: {  	s10 =	sand.u32 $0x7, s20;
	s19 =	sor.u32 s18, s7;
	[sflag:s3] =	ssyncadd.s32 $0xFFFF3C00  }
0x3cd: {  	s22 =	simm.s32 $0x0;
	s12 =	simm.s32 $0x40;
	s15 =	sshll.u32 s10, $0x5;
	v0 =	vld [tilespmem:s19+$0x0]  }
0x3ce: {  	s10 =	sshll.u32 s10, $0x7;
	s25 =	sor.u32 $0x900, s15;
	s8 =	sand.u32 $0x3FFFFC00, s22  }
0x3cf: {  	s23 =	sor.u32 $0x30, s11;
	s24 =	sor.u32 s11, s7;
	s8 =	sor.u32 s10, s8  }
0x3d0: {  	s14 =	sor.u32 $0x10, s11;
	s16 =	sor.u32 s23, s7;
	s26 =	sadd.s32 $0xE880, s8;
	v1 =	vld [tilespmem:s24+$0x0]  }
0x3d1: {  	s7 =	sor.u32 s14, s7;
	s8 =	sor.u32 s14, s26;
	s14 =	simm.s32 $0x8;
	v3 =	vld [tilespmem:s16+$0x0]  }
0x3d2: {  	s10 =	sand.u32 $0x40, s12;
	v5 =	vld [tilespmem:s7+$0x0];
	s12 =	sand.u32 $0x3FFFFF80, s14;
	v4 =	vadd.s32 s25, v0  }
0x3d3: {  	v2 =	vld [tilespmem:s8+$0x0];
	s16 =	sor.u32 s18, s26;
	s15 =	sadd.s32 $0xC00, s12;
	s12 =	sor.u32 $0x20, s10  }
0x3d4: {  	v9 =	vld [tilespmem:s16+$0x0];
	s18 =	sor.u32 s12, s15  }
0x3d5: {  	s7 =	sor.u32 s23, s26;
	v11 =	vld [tilespmem:s18+$0x0]  }
0x3d6: {  	v0 =	vld [tilespmem:s7+$0x0];
	v6 =	vadd.s32 s25, v1  }
0x3d7: {  	s9 =	sor.u32 s11, s26;
	v7 =	vadd.s32 s25, v5;
	v8 =	vld.idx.msk [tilespmem:v4+s1+$0x0], $0xffff  }
0x3d8: {  	s22 =	sor.u32 $0x30, s10;
	s19 =	sor.u32 s10, s15;
	v1 =	vld [tilespmem:s9+$0x0];
	v10 =	vadd.s32 s25, v3  }
0x3d9: {  	s20 =	simm.s32 $0x0;
	v3 =	vld [tilespmem:s19+$0x0];
	s25 =	sor.u32 s22, s15  }
0x3da: {  	s23 =	simm.s32 $0x40;
	s24 =	sand.u32 $0x7, s20;
	v5 =	vld [tilespmem:s25+$0x0]  }
0x3db: {  	s13 =	sand.u32 $0x3FFFFC00, s23;
	s17 =	sshll.u32 s24, $0x5;
	s19 =	sshll.u32 s24, $0x7;
	v4 =	vld.idx.msk [tilespmem:v6+s1+$0x0], $0xffff  }
0x3dc: {  	s20 =	sor.u32 $0x10, s10;
	s17 =	sor.u32 $0x900, s17;
	s13 =	sor.u32 s19, s13;
	v7 =	vld.idx.msk [tilespmem:v7+s1+$0x0], $0xffff;
	v63 =	vadd.f32 v9, v8  }
0x3dd: {  	s14 =	simm.s32 $0x4;
	s26 =	sor.u32 s20, s15;
	s18 =	sadd.s32 $0xE880, s13;
	v6 =	vld.idx.msk [tilespmem:v10+s1+$0x0], $0xffff;
	v8 =	vadd.s32 s17, v11  }
0x3de: {  	s15 =	simm.s32 $0x80;
	s11 =	sor.u32 s20, s18;
	s13 =	sor.u32 s22, s18;
	v9 =	vld [tilespmem:s26+$0x0];
	[tilespmem:s16+$0x0] =	vst v63  }
.LBB2_38:
0x3df: {  	s14 =	sadd.s32 $0x4, s14;
	s19 =	sor.u32 s10, s18;
	s16 =	sor.u32 s12, s18;
	v10 =	vld [tilespmem:s13+$0x0]  }
0x3e0: {  	v4 =	vadd.f32 v1, v4;
	s10 =	sshrl.u32 s14, $0x3;
	s12 =	sshll.u32 s14, $0x1;
	s18 =	sshll.u32 s14, $0x4;
	v11 =	vld [tilespmem:s11+$0x0]  }
0x3e1: {  	v12 =	vadd.s32 s17, v3;
	s20 =	sand.u32 $0x7, s10;
	s10 =	sand.u32 $0x40, s15;
	s12 =	sand.u32 $0x3FFFFF80, s12;
	v1 =	vld [tilespmem:s19+$0x0]  }
0x3e2: {  	v13 =	vadd.s32 s17, v5;
	v5 =	vadd.f32 v2, v7;
	s22 =	sadd.s32 $0xC00, s12;
	s12 =	sor.u32 $0x20, s10;
	s23 =	sor.u32 $0x30, s10;
	v8 =	vld.idx.msk [tilespmem:v8+s1+$0x0], $0xffff;
	[tilespmem:s9+$0x0] =	vst v4  }
0x3e3: {  	s24 =	sor.u32 $0x10, s10;
	v4 =	vadd.f32 v0, v6;
	s9 =	sor.u32 s10, s22;
	s25 =	sor.u32 s12, s22;
	v7 =	vadd.s32 s17, v9;
	v9 =	vld [tilespmem:s16+$0x0]  }
0x3e4: {  	s17 =	sshll.u32 s20, $0x5;
	s26 =	sor.u32 s24, s22;
	s22 =	sor.u32 s23, s22;
	v6 =	vld [tilespmem:s25+$0x0];
	[tilespmem:s8+$0x0] =	vst v5;
	v0 =	vmov v10  }
0x3e5: {  	p0 =	slt.u32 s14, $0x61C;
	s8 =	sand.u32 $0x3FFFFC00, s18;
	v3 =	vld [tilespmem:s9+$0x0];
	s9 =	sshll.u32 s20, $0x7;
	[tilespmem:s7+$0x0] =	vst v4;
	v2 =	vmov v11  }
.Ltmp18:
0x3e6: {  	s7 =	sor.u32 s9, s8;
	v4 =	vld.idx.msk [tilespmem:v12+s1+$0x0], $0xffff;
	s9 =	smov.u32 s19;
	(pc) =	sbr.rel @p0 .LBB2_38-.Ltmp18, $4  }
0x3e7: {  	s8 =	smov.u32 s11;
	s18 =	sadd.s32 $0xE880, s7;
	v5 =	vld [tilespmem:s22+$0x0];
	s7 =	smov.u32 s13  }
0x3e8: {  	s17 =	sor.u32 $0x900, s17;
	s11 =	sor.u32 s24, s18;
	v7 =	vld.idx.msk [tilespmem:v7+s1+$0x0], $0xffff;
	v10 =	vadd.f32 v9, v8  }
0x3e9: {  	v8 =	vadd.s32 s17, v6;
	v6 =	vld.idx.msk [tilespmem:v13+s1+$0x0], $0xffff  }
0x3ea: {  	s15 =	sadd.s32 $0x40, s15;
	s13 =	sor.u32 s23, s18;
	v9 =	vld [tilespmem:s26+$0x0];
	[tilespmem:s16+$0x0] =	vst v10  }
0x3eb: {  	_ = 	snop  }
0x3ec: {  	v3 =	vadd.s32 s17, v3  }
0x3ed: {  	v10 =	vld [tilespmem:s13+$0x0]  }
0x3ee: {  	v11 =	vld [tilespmem:s11+$0x0];
	v5 =	vadd.s32 s17, v5  }
0x3ef: {  	s10 =	sor.u32 s10, s18;
	v8 =	vld.idx.msk [tilespmem:v8+s1+$0x0], $0xffff;
	v9 =	vadd.s32 s17, v9  }
0x3f0: {  	v12 =	vld [tilespmem:s10+$0x0]  }
0x3f1: {  	s12 =	sor.u32 s12, s18;
	v3 =	vld.idx.msk [tilespmem:v3+s1+$0x0], $0xffff  }
0x3f2: {  	v13 =	vld [tilespmem:s12+$0x0]  }
0x3f3: {  	v1 =	vadd.f32 v1, v4;
	v5 =	vld.idx.msk [tilespmem:v5+s1+$0x0], $0xffff  }
0x3f4: {  	v0 =	vadd.f32 v0, v6;
	v4 =	vld.idx.msk [tilespmem:v9+s1+$0x0], $0xffff  }
0x3f5: {  	v2 =	vadd.f32 v2, v7;
	[tilespmem:s9+$0x0] =	vst v1  }
0x3f6: {  	[tilespmem:s7+$0x0] =	vst v0;
	v0 =	vadd.f32 v12, v3  }
0x3f7: {  	[tilespmem:s8+$0x0] =	vst v2;
	v1 =	vadd.f32 v13, v8  }
0x3f8: {  	[tilespmem:s10+$0x0] =	vst v0;
	v0 =	vadd.f32 v10, v5  }
0x3f9: {  	[tilespmem:s12+$0x0] =	vst v1;
	v1 =	vadd.f32 v11, v4  }
0x3fa: {  	[tilespmem:s13+$0x0] =	vst v0  }
0x3fb: {  	s20 =	simm.s32 $0xC4;
	s9 =	simm.s32 $0x6200;
	s10 =	simm.s32 $0xC40;
	[tilespmem:s11+$0x0] =	vst v1  }
0x3fc: {  	s17 =	sand.u32 $0x3FFFFF80, s10;
	s11 =	sand.u32 $0x40, s9;
	_ =	swait.ge [sflag:s4], $0xC400  }
0x3fd: {  	s7 =	sadd.s32 $0xC00, s17;
	s18 =	sor.u32 $0x20, s11;
	[sflag:s4] =	ssyncset.done $0x0  }
0x3fe: {  	s8 =	rddreg [dreg:$0x17];
	s19 =	sor.u32 s18, s7;
	[sflag:s4] =	ssyncadd.s32 $0xFFFF3C00  }
0x3ff: {  	[tilespmem:s0], [sflag:$0x1] =	stream.linear.gather [hbm4b:s8+s1], $0xC400, $0x38;
	[tilespmem:$0x1AC80] =	vst v63  }
0x400: {  	s10 =	sand.u32 $0x7, s20;
	v0 =	vld [tilespmem:s19+$0x0]  }
0x401: {  	s22 =	simm.s32 $0x6200;
	s15 =	sshll.u32 s10, $0x5;
	s10 =	sshll.u32 s10, $0x7  }
0x402: {  	s23 =	sor.u32 $0x30, s11;
	s24 =	sor.u32 s11, s7;
	s8 =	sand.u32 $0x3FFFFC00, s22  }
0x403: {  	s14 =	sor.u32 $0x10, s11;
	s16 =	sor.u32 s23, s7;
	v1 =	vld [tilespmem:s24+$0x0];
	s8 =	sor.u32 s10, s8  }
0x404: {  	s25 =	sor.u32 $0x900, s15;
	s7 =	sor.u32 s14, s7;
	v3 =	vld [tilespmem:s16+$0x0];
	s26 =	sadd.s32 $0xE880, s8  }
0x405: {  	v5 =	vld [tilespmem:s7+$0x0];
	s8 =	sor.u32 s14, s26;
	v4 =	vadd.s32 s25, v0  }
0x406: {  	s16 =	sor.u32 s18, s26;
	v2 =	vld [tilespmem:s8+$0x0]  }
0x407: {  	s12 =	simm.s32 $0x6240;
	s7 =	sor.u32 s23, s26;
	s14 =	simm.s32 $0xC48;
	v9 =	vld [tilespmem:s16+$0x0]  }
0x408: {  	s10 =	sand.u32 $0x40, s12;
	s9 =	sor.u32 s11, s26;
	s12 =	sand.u32 $0x3FFFFF80, s14;
	v0 =	vld [tilespmem:s7+$0x0]  }
0x409: {  	s15 =	sadd.s32 $0xC00, s12;
	s12 =	sor.u32 $0x20, s10;
	v6 =	vadd.s32 s25, v1;
	v1 =	vld [tilespmem:s9+$0x0]  }
0x40a: {  	s18 =	sor.u32 s12, s15;
	v7 =	vadd.s32 s25, v5;
	v8 =	vld.idx.msk [tilespmem:v4+s1+$0x0], $0xffff  }
0x40b: {  	s22 =	sor.u32 $0x30, s10;
	v10 =	vadd.s32 s25, v3;
	s19 =	sor.u32 s10, s15;
	v11 =	vld [tilespmem:s18+$0x0]  }
0x40c: {  	s20 =	simm.s32 $0xC4;
	s25 =	sor.u32 s22, s15;
	v3 =	vld [tilespmem:s19+$0x0]  }
0x40d: {  	s24 =	sand.u32 $0x7, s20;
	s23 =	simm.s32 $0x6240;
	v5 =	vld [tilespmem:s25+$0x0]  }
0x40e: {  	s17 =	sshll.u32 s24, $0x5;
	s13 =	sand.u32 $0x3FFFFC00, s23;
	s19 =	sshll.u32 s24, $0x7;
	v4 =	vld.idx.msk [tilespmem:v6+s1+$0x0], $0xffff  }
0x40f: {  	s20 =	sor.u32 $0x10, s10;
	s17 =	sor.u32 $0x900, s17;
	s13 =	sor.u32 s19, s13;
	v7 =	vld.idx.msk [tilespmem:v7+s1+$0x0], $0xffff;
	v63 =	vadd.f32 v9, v8  }
0x410: {  	s14 =	simm.s32 $0x624;
	s26 =	sor.u32 s20, s15;
	s18 =	sadd.s32 $0xE880, s13;
	v6 =	vld.idx.msk [tilespmem:v10+s1+$0x0], $0xffff;
	v8 =	vadd.s32 s17, v11  }
0x411: {  	s15 =	simm.s32 $0x6280;
	s11 =	sor.u32 s20, s18;
	s13 =	sor.u32 s22, s18;
	v9 =	vld [tilespmem:s26+$0x0];
	[tilespmem:s16+$0x0] =	vst v63  }
.LBB2_40:
0x412: {  	s14 =	sadd.s32 $0x4, s14;
	s19 =	sor.u32 s10, s18;
	s16 =	sor.u32 s12, s18;
	v10 =	vld [tilespmem:s13+$0x0]  }
0x413: {  	v4 =	vadd.f32 v1, v4;
	s10 =	sshrl.u32 s14, $0x3;
	s12 =	sshll.u32 s14, $0x1;
	s18 =	sshll.u32 s14, $0x4;
	v11 =	vld [tilespmem:s11+$0x0]  }
0x414: {  	v12 =	vadd.s32 s17, v3;
	s20 =	sand.u32 $0x7, s10;
	s10 =	sand.u32 $0x40, s15;
	s12 =	sand.u32 $0x3FFFFF80, s12;
	v1 =	vld [tilespmem:s19+$0x0]  }
0x415: {  	v13 =	vadd.s32 s17, v5;
	v5 =	vadd.f32 v2, v7;
	s22 =	sadd.s32 $0xC00, s12;
	s12 =	sor.u32 $0x20, s10;
	s23 =	sor.u32 $0x30, s10;
	v8 =	vld.idx.msk [tilespmem:v8+s1+$0x0], $0xffff;
	[tilespmem:s9+$0x0] =	vst v4  }
0x416: {  	s24 =	sor.u32 $0x10, s10;
	v4 =	vadd.f32 v0, v6;
	s9 =	sor.u32 s10, s22;
	s25 =	sor.u32 s12, s22;
	v7 =	vadd.s32 s17, v9;
	v9 =	vld [tilespmem:s16+$0x0]  }
0x417: {  	s17 =	sshll.u32 s20, $0x5;
	s26 =	sor.u32 s24, s22;
	s22 =	sor.u32 s23, s22;
	v6 =	vld [tilespmem:s25+$0x0];
	[tilespmem:s8+$0x0] =	vst v5;
	v0 =	vmov v10  }
0x418: {  	p0 =	slt.u32 s14, $0xC3C;
	s8 =	sand.u32 $0x3FFFFC00, s18;
	v3 =	vld [tilespmem:s9+$0x0];
	s9 =	sshll.u32 s20, $0x7;
	[tilespmem:s7+$0x0] =	vst v4;
	v2 =	vmov v11  }
.Ltmp19:
0x419: {  	s7 =	sor.u32 s9, s8;
	v4 =	vld.idx.msk [tilespmem:v12+s1+$0x0], $0xffff;
	s9 =	smov.u32 s19;
	(pc) =	sbr.rel @p0 .LBB2_40-.Ltmp19, $4  }
0x41a: {  	s8 =	smov.u32 s11;
	s18 =	sadd.s32 $0xE880, s7;
	v5 =	vld [tilespmem:s22+$0x0];
	s7 =	smov.u32 s13  }
0x41b: {  	s17 =	sor.u32 $0x900, s17;
	s11 =	sor.u32 s24, s18;
	v7 =	vld.idx.msk [tilespmem:v7+s1+$0x0], $0xffff;
	v10 =	vadd.f32 v9, v8  }
0x41c: {  	v8 =	vadd.s32 s17, v6;
	v6 =	vld.idx.msk [tilespmem:v13+s1+$0x0], $0xffff  }
0x41d: {  	s15 =	sadd.s32 $0x40, s15;
	s13 =	sor.u32 s23, s18;
	v9 =	vld [tilespmem:s26+$0x0];
	[tilespmem:s16+$0x0] =	vst v10  }
0x41e: {  	_ = 	snop  }
0x41f: {  	v3 =	vadd.s32 s17, v3  }
0x420: {  	v10 =	vld [tilespmem:s13+$0x0]  }
0x421: {  	v11 =	vld [tilespmem:s11+$0x0];
	v5 =	vadd.s32 s17, v5  }
0x422: {  	s10 =	sor.u32 s10, s18;
	v8 =	vld.idx.msk [tilespmem:v8+s1+$0x0], $0xffff;
	v9 =	vadd.s32 s17, v9  }
0x423: {  	v12 =	vld [tilespmem:s10+$0x0]  }
0x424: {  	s12 =	sor.u32 s12, s18;
	v3 =	vld.idx.msk [tilespmem:v3+s1+$0x0], $0xffff  }
0x425: {  	v13 =	vld [tilespmem:s12+$0x0]  }
0x426: {  	v1 =	vadd.f32 v1, v4;
	v5 =	vld.idx.msk [tilespmem:v5+s1+$0x0], $0xffff  }
0x427: {  	v0 =	vadd.f32 v0, v6;
	v4 =	vld.idx.msk [tilespmem:v9+s1+$0x0], $0xffff  }
0x428: {  	v2 =	vadd.f32 v2, v7;
	[tilespmem:s9+$0x0] =	vst v1  }
0x429: {  	[tilespmem:s7+$0x0] =	vst v0;
	v0 =	vadd.f32 v12, v3  }
0x42a: {  	[tilespmem:s8+$0x0] =	vst v2;
	v1 =	vadd.f32 v13, v8  }
0x42b: {  	[tilespmem:s10+$0x0] =	vst v0;
	v0 =	vadd.f32 v10, v5  }
0x42c: {  	[tilespmem:s12+$0x0] =	vst v1;
	v1 =	vadd.f32 v11, v4  }
0x42d: {  	[tilespmem:s13+$0x0] =	vst v0  }
0x42e: {  	s20 =	simm.s32 $0x0;
	[tilespmem:s11+$0x0] =	vst v1  }
0x42f: {  	s9 =	simm.s32 $0x0;
	s10 =	simm.s32 $0x0;
	s8 =	rddreg [dreg:$0x16]  }
0x430: {  	[hbm4b:s8+s9] =	stream.linear.scatter [tilespmem:s2], [sflag:$0x4], $0xC400, $0x38;
	[tilespmem:$0x1AC80] =	vst v63  }
0x431: {  	s17 =	sand.u32 $0x3FFFFF80, s10;
	s11 =	sand.u32 $0x40, s9;
	_ =	swait.ge [sflag:s31], $0xC400  }
0x432: {  	s7 =	sadd.s32 $0xC00, s17;
	s18 =	sor.u32 $0x20, s11;
	[sflag:s31] =	ssyncset.done $0x0  }
0x433: {  	s10 =	sand.u32 $0x7, s20;
	s19 =	sor.u32 s18, s7;
	[sflag:s31] =	ssyncadd.s32 $0xFFFF3C00  }
0x434: {  	s22 =	simm.s32 $0x0;
	s12 =	simm.s32 $0x40;
	s15 =	sshll.u32 s10, $0x5;
	v0 =	vld [tilespmem:s19+$0x0]  }
0x435: {  	s10 =	sshll.u32 s10, $0x7;
	s25 =	sor.u32 $0xA00, s15;
	s8 =	sand.u32 $0x3FFFFC00, s22  }
0x436: {  	s23 =	sor.u32 $0x30, s11;
	s24 =	sor.u32 s11, s7;
	s8 =	sor.u32 s10, s8  }
0x437: {  	s14 =	sor.u32 $0x10, s11;
	s16 =	sor.u32 s23, s7;
	s26 =	sadd.s32 $0x2480, s8;
	v1 =	vld [tilespmem:s24+$0x0]  }
0x438: {  	s7 =	sor.u32 s14, s7;
	s8 =	sor.u32 s14, s26;
	s14 =	simm.s32 $0x8;
	v3 =	vld [tilespmem:s16+$0x0]  }
0x439: {  	s10 =	sand.u32 $0x40, s12;
	v5 =	vld [tilespmem:s7+$0x0];
	s12 =	sand.u32 $0x3FFFFF80, s14;
	v4 =	vadd.s32 s25, v0  }
0x43a: {  	v2 =	vld [tilespmem:s8+$0x0];
	s16 =	sor.u32 s18, s26;
	s15 =	sadd.s32 $0xC00, s12;
	s12 =	sor.u32 $0x20, s10  }
0x43b: {  	v9 =	vld [tilespmem:s16+$0x0];
	s18 =	sor.u32 s12, s15  }
0x43c: {  	s7 =	sor.u32 s23, s26;
	v11 =	vld [tilespmem:s18+$0x0]  }
0x43d: {  	v0 =	vld [tilespmem:s7+$0x0];
	v6 =	vadd.s32 s25, v1  }
0x43e: {  	s9 =	sor.u32 s11, s26;
	v7 =	vadd.s32 s25, v5;
	v8 =	vld.idx.msk [tilespmem:v4+s1+$0x0], $0xffff  }
0x43f: {  	s22 =	sor.u32 $0x30, s10;
	s19 =	sor.u32 s10, s15;
	v1 =	vld [tilespmem:s9+$0x0];
	v10 =	vadd.s32 s25, v3  }
0x440: {  	s20 =	simm.s32 $0x0;
	v3 =	vld [tilespmem:s19+$0x0];
	s25 =	sor.u32 s22, s15  }
0x441: {  	s23 =	simm.s32 $0x40;
	s24 =	sand.u32 $0x7, s20;
	v5 =	vld [tilespmem:s25+$0x0]  }
0x442: {  	s13 =	sand.u32 $0x3FFFFC00, s23;
	s17 =	sshll.u32 s24, $0x5;
	s19 =	sshll.u32 s24, $0x7;
	v4 =	vld.idx.msk [tilespmem:v6+s1+$0x0], $0xffff  }
0x443: {  	s20 =	sor.u32 $0x10, s10;
	s17 =	sor.u32 $0xA00, s17;
	s13 =	sor.u32 s19, s13;
	v7 =	vld.idx.msk [tilespmem:v7+s1+$0x0], $0xffff;
	v63 =	vadd.f32 v9, v8  }
0x444: {  	s14 =	simm.s32 $0x4;
	s26 =	sor.u32 s20, s15;
	s18 =	sadd.s32 $0x2480, s13;
	v6 =	vld.idx.msk [tilespmem:v10+s1+$0x0], $0xffff;
	v8 =	vadd.s32 s17, v11  }
0x445: {  	s15 =	simm.s32 $0x80;
	s11 =	sor.u32 s20, s18;
	s13 =	sor.u32 s22, s18;
	v9 =	vld [tilespmem:s26+$0x0];
	[tilespmem:s16+$0x0] =	vst v63  }
.LBB2_42:
0x446: {  	s14 =	sadd.s32 $0x4, s14;
	s19 =	sor.u32 s10, s18;
	s16 =	sor.u32 s12, s18;
	v10 =	vld [tilespmem:s13+$0x0]  }
0x447: {  	v4 =	vadd.f32 v1, v4;
	s10 =	sshrl.u32 s14, $0x3;
	s12 =	sshll.u32 s14, $0x1;
	s18 =	sshll.u32 s14, $0x4;
	v11 =	vld [tilespmem:s11+$0x0]  }
0x448: {  	v12 =	vadd.s32 s17, v3;
	s20 =	sand.u32 $0x7, s10;
	s10 =	sand.u32 $0x40, s15;
	s12 =	sand.u32 $0x3FFFFF80, s12;
	v1 =	vld [tilespmem:s19+$0x0]  }
0x449: {  	v13 =	vadd.s32 s17, v5;
	v5 =	vadd.f32 v2, v7;
	s22 =	sadd.s32 $0xC00, s12;
	s12 =	sor.u32 $0x20, s10;
	s23 =	sor.u32 $0x30, s10;
	v8 =	vld.idx.msk [tilespmem:v8+s1+$0x0], $0xffff;
	[tilespmem:s9+$0x0] =	vst v4  }
0x44a: {  	s24 =	sor.u32 $0x10, s10;
	v4 =	vadd.f32 v0, v6;
	s9 =	sor.u32 s10, s22;
	s25 =	sor.u32 s12, s22;
	v7 =	vadd.s32 s17, v9;
	v9 =	vld [tilespmem:s16+$0x0]  }
0x44b: {  	s17 =	sshll.u32 s20, $0x5;
	s26 =	sor.u32 s24, s22;
	s22 =	sor.u32 s23, s22;
	v6 =	vld [tilespmem:s25+$0x0];
	[tilespmem:s8+$0x0] =	vst v5;
	v0 =	vmov v10  }
0x44c: {  	p0 =	slt.u32 s14, $0x61C;
	s8 =	sand.u32 $0x3FFFFC00, s18;
	v3 =	vld [tilespmem:s9+$0x0];
	s9 =	sshll.u32 s20, $0x7;
	[tilespmem:s7+$0x0] =	vst v4;
	v2 =	vmov v11  }
.Ltmp20:
0x44d: {  	s7 =	sor.u32 s9, s8;
	v4 =	vld.idx.msk [tilespmem:v12+s1+$0x0], $0xffff;
	s9 =	smov.u32 s19;
	(pc) =	sbr.rel @p0 .LBB2_42-.Ltmp20, $4  }
0x44e: {  	s8 =	smov.u32 s11;
	s18 =	sadd.s32 $0x2480, s7;
	v5 =	vld [tilespmem:s22+$0x0];
	s7 =	smov.u32 s13  }
0x44f: {  	s17 =	sor.u32 $0xA00, s17;
	s11 =	sor.u32 s24, s18;
	v7 =	vld.idx.msk [tilespmem:v7+s1+$0x0], $0xffff;
	v10 =	vadd.f32 v9, v8  }
0x450: {  	v8 =	vadd.s32 s17, v6;
	v6 =	vld.idx.msk [tilespmem:v13+s1+$0x0], $0xffff  }
0x451: {  	s15 =	sadd.s32 $0x40, s15;
	s13 =	sor.u32 s23, s18;
	v9 =	vld [tilespmem:s26+$0x0];
	[tilespmem:s16+$0x0] =	vst v10  }
0x452: {  	_ = 	snop  }
0x453: {  	v3 =	vadd.s32 s17, v3  }
0x454: {  	v10 =	vld [tilespmem:s13+$0x0]  }
0x455: {  	v11 =	vld [tilespmem:s11+$0x0];
	v5 =	vadd.s32 s17, v5  }
0x456: {  	s10 =	sor.u32 s10, s18;
	v8 =	vld.idx.msk [tilespmem:v8+s1+$0x0], $0xffff;
	v9 =	vadd.s32 s17, v9  }
0x457: {  	v12 =	vld [tilespmem:s10+$0x0]  }
0x458: {  	s12 =	sor.u32 s12, s18;
	v3 =	vld.idx.msk [tilespmem:v3+s1+$0x0], $0xffff  }
0x459: {  	v13 =	vld [tilespmem:s12+$0x0]  }
0x45a: {  	v1 =	vadd.f32 v1, v4;
	v5 =	vld.idx.msk [tilespmem:v5+s1+$0x0], $0xffff  }
0x45b: {  	v0 =	vadd.f32 v0, v6;
	v4 =	vld.idx.msk [tilespmem:v9+s1+$0x0], $0xffff  }
0x45c: {  	v2 =	vadd.f32 v2, v7;
	[tilespmem:s9+$0x0] =	vst v1  }
0x45d: {  	[tilespmem:s7+$0x0] =	vst v0;
	v0 =	vadd.f32 v12, v3  }
0x45e: {  	[tilespmem:s8+$0x0] =	vst v2;
	v1 =	vadd.f32 v13, v8  }
0x45f: {  	[tilespmem:s10+$0x0] =	vst v0;
	v0 =	vadd.f32 v10, v5  }
0x460: {  	[tilespmem:s12+$0x0] =	vst v1;
	v1 =	vadd.f32 v11, v4  }
0x461: {  	[tilespmem:s13+$0x0] =	vst v0  }
0x462: {  	s20 =	simm.s32 $0xC4;
	s9 =	simm.s32 $0x6200;
	s10 =	simm.s32 $0xC40;
	[tilespmem:s11+$0x0] =	vst v1  }
0x463: {  	s17 =	sand.u32 $0x3FFFFF80, s10;
	s11 =	sand.u32 $0x40, s9;
	_ =	swait.ge [sflag:s5], $0xC400  }
0x464: {  	s7 =	sadd.s32 $0xC00, s17;
	s18 =	sor.u32 $0x20, s11;
	[sflag:s5] =	ssyncset.done $0x0  }
0x465: {  	s8 =	rddreg [dreg:$0x18];
	s19 =	sor.u32 s18, s7;
	[sflag:s5] =	ssyncadd.s32 $0xFFFF3C00  }
0x466: {  	[tilespmem:s2], [sflag:$0x2] =	stream.linear.gather [hbm4b:s8+s1], $0xC400, $0x38;
	[tilespmem:$0x1AC80] =	vst v63  }
0x467: {  	s10 =	sand.u32 $0x7, s20;
	v0 =	vld [tilespmem:s19+$0x0]  }
0x468: {  	s22 =	simm.s32 $0x6200;
	s15 =	sshll.u32 s10, $0x5;
	s10 =	sshll.u32 s10, $0x7  }
0x469: {  	s23 =	sor.u32 $0x30, s11;
	s24 =	sor.u32 s11, s7;
	s8 =	sand.u32 $0x3FFFFC00, s22  }
0x46a: {  	s14 =	sor.u32 $0x10, s11;
	s16 =	sor.u32 s23, s7;
	v1 =	vld [tilespmem:s24+$0x0];
	s8 =	sor.u32 s10, s8  }
0x46b: {  	s25 =	sor.u32 $0xA00, s15;
	s7 =	sor.u32 s14, s7;
	v3 =	vld [tilespmem:s16+$0x0];
	s26 =	sadd.s32 $0x2480, s8  }
0x46c: {  	v5 =	vld [tilespmem:s7+$0x0];
	s8 =	sor.u32 s14, s26;
	v4 =	vadd.s32 s25, v0  }
0x46d: {  	s16 =	sor.u32 s18, s26;
	v2 =	vld [tilespmem:s8+$0x0]  }
0x46e: {  	s12 =	simm.s32 $0x6240;
	s7 =	sor.u32 s23, s26;
	s14 =	simm.s32 $0xC48;
	v9 =	vld [tilespmem:s16+$0x0]  }
0x46f: {  	s10 =	sand.u32 $0x40, s12;
	s9 =	sor.u32 s11, s26;
	s12 =	sand.u32 $0x3FFFFF80, s14;
	v0 =	vld [tilespmem:s7+$0x0]  }
0x470: {  	s15 =	sadd.s32 $0xC00, s12;
	s12 =	sor.u32 $0x20, s10;
	v6 =	vadd.s32 s25, v1;
	v1 =	vld [tilespmem:s9+$0x0]  }
0x471: {  	s18 =	sor.u32 s12, s15;
	v7 =	vadd.s32 s25, v5;
	v8 =	vld.idx.msk [tilespmem:v4+s1+$0x0], $0xffff  }
0x472: {  	s22 =	sor.u32 $0x30, s10;
	v10 =	vadd.s32 s25, v3;
	s19 =	sor.u32 s10, s15;
	v11 =	vld [tilespmem:s18+$0x0]  }
0x473: {  	s20 =	simm.s32 $0xC4;
	s25 =	sor.u32 s22, s15;
	v3 =	vld [tilespmem:s19+$0x0]  }
0x474: {  	s24 =	sand.u32 $0x7, s20;
	s23 =	simm.s32 $0x6240;
	v5 =	vld [tilespmem:s25+$0x0]  }
0x475: {  	s17 =	sshll.u32 s24, $0x5;
	s13 =	sand.u32 $0x3FFFFC00, s23;
	s19 =	sshll.u32 s24, $0x7;
	v4 =	vld.idx.msk [tilespmem:v6+s1+$0x0], $0xffff  }
0x476: {  	s20 =	sor.u32 $0x10, s10;
	s17 =	sor.u32 $0xA00, s17;
	s13 =	sor.u32 s19, s13;
	v7 =	vld.idx.msk [tilespmem:v7+s1+$0x0], $0xffff;
	v63 =	vadd.f32 v9, v8  }
0x477: {  	s14 =	simm.s32 $0x624;
	s26 =	sor.u32 s20, s15;
	s18 =	sadd.s32 $0x2480, s13;
	v6 =	vld.idx.msk [tilespmem:v10+s1+$0x0], $0xffff;
	v8 =	vadd.s32 s17, v11  }
0x478: {  	s15 =	simm.s32 $0x6280;
	s11 =	sor.u32 s20, s18;
	s13 =	sor.u32 s22, s18;
	v9 =	vld [tilespmem:s26+$0x0];
	[tilespmem:s16+$0x0] =	vst v63  }
.LBB2_44:
0x479: {  	s14 =	sadd.s32 $0x4, s14;
	s19 =	sor.u32 s10, s18;
	s16 =	sor.u32 s12, s18;
	v10 =	vld [tilespmem:s13+$0x0]  }
0x47a: {  	v4 =	vadd.f32 v1, v4;
	s10 =	sshrl.u32 s14, $0x3;
	s12 =	sshll.u32 s14, $0x1;
	s18 =	sshll.u32 s14, $0x4;
	v11 =	vld [tilespmem:s11+$0x0]  }
0x47b: {  	v12 =	vadd.s32 s17, v3;
	s20 =	sand.u32 $0x7, s10;
	s10 =	sand.u32 $0x40, s15;
	s12 =	sand.u32 $0x3FFFFF80, s12;
	v1 =	vld [tilespmem:s19+$0x0]  }
0x47c: {  	v13 =	vadd.s32 s17, v5;
	v5 =	vadd.f32 v2, v7;
	s22 =	sadd.s32 $0xC00, s12;
	s12 =	sor.u32 $0x20, s10;
	s23 =	sor.u32 $0x30, s10;
	v8 =	vld.idx.msk [tilespmem:v8+s1+$0x0], $0xffff;
	[tilespmem:s9+$0x0] =	vst v4  }
0x47d: {  	s24 =	sor.u32 $0x10, s10;
	v4 =	vadd.f32 v0, v6;
	s9 =	sor.u32 s10, s22;
	s25 =	sor.u32 s12, s22;
	v7 =	vadd.s32 s17, v9;
	v9 =	vld [tilespmem:s16+$0x0]  }
0x47e: {  	s17 =	sshll.u32 s20, $0x5;
	s26 =	sor.u32 s24, s22;
	s22 =	sor.u32 s23, s22;
	v6 =	vld [tilespmem:s25+$0x0];
	[tilespmem:s8+$0x0] =	vst v5;
	v0 =	vmov v10  }
0x47f: {  	p0 =	slt.u32 s14, $0xC3C;
	s8 =	sand.u32 $0x3FFFFC00, s18;
	v3 =	vld [tilespmem:s9+$0x0];
	s9 =	sshll.u32 s20, $0x7;
	[tilespmem:s7+$0x0] =	vst v4;
	v2 =	vmov v11  }
.Ltmp21:
0x480: {  	s7 =	sor.u32 s9, s8;
	v4 =	vld.idx.msk [tilespmem:v12+s1+$0x0], $0xffff;
	s9 =	smov.u32 s19;
	(pc) =	sbr.rel @p0 .LBB2_44-.Ltmp21, $4  }
0x481: {  	s8 =	smov.u32 s11;
	s18 =	sadd.s32 $0x2480, s7;
	v5 =	vld [tilespmem:s22+$0x0];
	s7 =	smov.u32 s13  }
0x482: {  	s17 =	sor.u32 $0xA00, s17;
	s11 =	sor.u32 s24, s18;
	v7 =	vld.idx.msk [tilespmem:v7+s1+$0x0], $0xffff;
	v10 =	vadd.f32 v9, v8  }
0x483: {  	v8 =	vadd.s32 s17, v6;
	v6 =	vld.idx.msk [tilespmem:v13+s1+$0x0], $0xffff  }
0x484: {  	s15 =	sadd.s32 $0x40, s15;
	s13 =	sor.u32 s23, s18;
	v9 =	vld [tilespmem:s26+$0x0];
	[tilespmem:s16+$0x0] =	vst v10  }
0x485: {  	_ = 	snop  }
0x486: {  	v3 =	vadd.s32 s17, v3  }
0x487: {  	v10 =	vld [tilespmem:s13+$0x0]  }
0x488: {  	v11 =	vld [tilespmem:s11+$0x0];
	v5 =	vadd.s32 s17, v5  }
0x489: {  	s10 =	sor.u32 s10, s18;
	v8 =	vld.idx.msk [tilespmem:v8+s1+$0x0], $0xffff;
	v9 =	vadd.s32 s17, v9  }
0x48a: {  	v12 =	vld [tilespmem:s10+$0x0]  }
0x48b: {  	s12 =	sor.u32 s12, s18;
	v3 =	vld.idx.msk [tilespmem:v3+s1+$0x0], $0xffff  }
0x48c: {  	v13 =	vld [tilespmem:s12+$0x0]  }
0x48d: {  	v1 =	vadd.f32 v1, v4;
	v5 =	vld.idx.msk [tilespmem:v5+s1+$0x0], $0xffff  }
0x48e: {  	v0 =	vadd.f32 v0, v6;
	v4 =	vld.idx.msk [tilespmem:v9+s1+$0x0], $0xffff  }
0x48f: {  	v2 =	vadd.f32 v2, v7;
	[tilespmem:s9+$0x0] =	vst v1  }
0x490: {  	[tilespmem:s7+$0x0] =	vst v0;
	v0 =	vadd.f32 v12, v3  }
0x491: {  	[tilespmem:s8+$0x0] =	vst v2;
	v1 =	vadd.f32 v13, v8  }
0x492: {  	[tilespmem:s10+$0x0] =	vst v0;
	v0 =	vadd.f32 v10, v5  }
0x493: {  	[tilespmem:s12+$0x0] =	vst v1;
	v1 =	vadd.f32 v11, v4  }
0x494: {  	[tilespmem:s13+$0x0] =	vst v0  }
0x495: {  	[tilespmem:s11+$0x0] =	vst v1  }
0x496: {  	s10 =	simm.s32 $0x0;
	s11 =	simm.s32 $0x0;
	s8 =	rddreg [dreg:$0x19]  }
0x497: {  	[hbm4b:s8+s10] =	stream.linear.scatter [tilespmem:s0], [sflag:$0x3], $0xC400, $0x38;
	[tilespmem:$0x1AC80] =	vst v63  }
0x498: {  	s12 =	sand.u32 $0x40, s10;
	s16 =	sand.u32 $0x3FFFFF80, s11;
	_ =	swait.ge [sflag:s3], $0xC400  }
0x499: {  	s17 =	sor.u32 $0x20, s12;
	s7 =	sadd.s32 $0xC00, s16;
	[sflag:s3] =	ssyncset.done $0x0  }
0x49a: {  	s20 =	simm.s32 $0x0;
	s19 =	sor.u32 s17, s7;
	[sflag:s3] =	ssyncadd.s32 $0xFFFF3C00  }
0x49b: {  	s22 =	simm.s32 $0x0;
	s18 =	simm.s32 $0x40;
	s14 =	sor.u32 $0x30, s12;
	v0 =	vld [tilespmem:s19+$0x0]  }
0x49c: {  	s15 =	sor.u32 $0x10, s12;
	s10 =	sand.u32 $0x7, s20;
	s8 =	sand.u32 $0x3FFFFC00, s22  }
0x49d: {  	s23 =	sshll.u32 s10, $0x7;
	s24 =	sor.u32 s12, s7;
	s10 =	sshll.u32 s10, $0x5  }
0x49e: {  	s16 =	sor.u32 s14, s7;
	s7 =	sor.u32 s15, s7;
	s8 =	sor.u32 s23, s8;
	v1 =	vld [tilespmem:s24+$0x0]  }
0x49f: {  	s25 =	sor.u32 $0xB00, s10;
	s26 =	sadd.s32 $0xE880, s8;
	v3 =	vld [tilespmem:s16+$0x0];
	s19 =	simm.s32 $0x8  }
0x4a0: {  	s11 =	sand.u32 $0x40, s18;
	v5 =	vld [tilespmem:s7+$0x0];
	s8 =	sor.u32 s15, s26;
	s9 =	sand.u32 $0x3FFFFF80, s19;
	v4 =	vadd.s32 s25, v0  }
0x4a1: {  	s13 =	sor.u32 $0x20, s11;
	s16 =	sor.u32 s17, s26;
	v2 =	vld [tilespmem:s8+$0x0];
	s9 =	sadd.s32 $0xC00, s9  }
0x4a2: {  	v9 =	vld [tilespmem:s16+$0x0];
	s20 =	sor.u32 s13, s9  }
0x4a3: {  	s7 =	sor.u32 s14, s26;
	v11 =	vld [tilespmem:s20+$0x0]  }
0x4a4: {  	v0 =	vld [tilespmem:s7+$0x0];
	v6 =	vadd.s32 s25, v1  }
0x4a5: {  	s10 =	sor.u32 s12, s26;
	v7 =	vld.idx.msk [tilespmem:v4+s1+$0x0], $0xffff  }
0x4a6: {  	s23 =	simm.s32 $0x0;
	s19 =	sor.u32 $0x30, s11;
	s22 =	sor.u32 s11, s9;
	v1 =	vld [tilespmem:s10+$0x0];
	v10 =	vadd.s32 s25, v5  }
0x4a7: {  	s12 =	sand.u32 $0x7, s23;
	v63 =	vadd.s32 s25, v3;
	v3 =	vld [tilespmem:s22+$0x0];
	s25 =	sor.u32 s19, s9  }
0x4a8: {  	s24 =	simm.s32 $0x40;
	s26 =	sshll.u32 s12, $0x7;
	s20 =	sor.u32 $0x10, s11;
	v5 =	vld [tilespmem:s25+$0x0]  }
0x4a9: {  	s15 =	sand.u32 $0x3FFFFC00, s24;
	s12 =	sshll.u32 s12, $0x5;
	s9 =	sor.u32 s20, s9;
	v4 =	vld.idx.msk [tilespmem:v6+s1+$0x0], $0xffff  }
0x4aa: {  	s15 =	sor.u32 s26, s15;
	s17 =	sor.u32 $0xB00, s12;
	v8 =	vld [tilespmem:s9+$0x0];
	v7 =	vadd.f32 v9, v7  }
0x4ab: {  	s14 =	simm.s32 $0x4;
	s18 =	sadd.s32 $0xE880, s15;
	v6 =	vld.idx.msk [tilespmem:v10+s1+$0x0], $0xffff;
	v9 =	vadd.s32 s17, v11  }
0x4ac: {  	s15 =	simm.s32 $0x80;
	s12 =	sor.u32 s19, s18;
	s9 =	sor.u32 s20, s18;
	[tilespmem:s16+$0x0] =	vst v7;
	v7 =	vld.idx.msk [tilespmem:v63+s1+$0x0], $0xffff  }
.LBB2_46:
0x4ad: {  	s14 =	sadd.s32 $0x4, s14;
	s19 =	sor.u32 s11, s18;
	s16 =	sor.u32 s13, s18;
	v10 =	vld [tilespmem:s12+$0x0]  }
0x4ae: {  	v4 =	vadd.f32 v1, v4;
	s11 =	sshrl.u32 s14, $0x3;
	s13 =	sshll.u32 s14, $0x1;
	s18 =	sshll.u32 s14, $0x4;
	v11 =	vld [tilespmem:s9+$0x0]  }
0x4af: {  	v12 =	vadd.s32 s17, v3;
	s20 =	sand.u32 $0x7, s11;
	s11 =	sand.u32 $0x40, s15;
	s13 =	sand.u32 $0x3FFFFF80, s13;
	v1 =	vld [tilespmem:s19+$0x0];
	v13 =	vadd.s32 s17, v8  }
0x4b0: {  	v14 =	vadd.s32 s17, v5;
	s22 =	sadd.s32 $0xC00, s13;
	s23 =	sshll.u32 s20, $0x7;
	s13 =	sor.u32 $0x20, s11;
	v9 =	vld.idx.msk [tilespmem:v9+s1+$0x0], $0xffff;
	[tilespmem:s10+$0x0] =	vst v4  }
0x4b1: {  	s24 =	sor.u32 $0x30, s11;
	v4 =	vadd.f32 v2, v6;
	s10 =	sor.u32 s11, s22;
	s17 =	sor.u32 s13, s22;
	v15 =	vld [tilespmem:s16+$0x0]  }
0x4b2: {  	s18 =	sand.u32 $0x3FFFFC00, s18;
	s25 =	sor.u32 $0x10, s11;
	v5 =	vadd.f32 v0, v7;
	v6 =	vld [tilespmem:s17+$0x0];
	s17 =	sor.u32 s24, s22;
	v0 =	vmov v10  }
0x4b3: {  	p0 =	slt.u32 s14, $0x61C;
	s22 =	sor.u32 s25, s22;
	v3 =	vld [tilespmem:s10+$0x0];
	s10 =	sor.u32 s23, s18;
	[tilespmem:s8+$0x0] =	vst v4;
	v2 =	vmov v11  }
.Ltmp22:
0x4b4: {  	s18 =	sadd.s32 $0xE880, s10;
	v4 =	vld.idx.msk [tilespmem:v12+s1+$0x0], $0xffff;
	[tilespmem:s7+$0x0] =	vst v5;
	s10 =	smov.u32 s19;
	(pc) =	sbr.rel @p0 .LBB2_46-.Ltmp22, $4  }
0x4b5: {  	s8 =	smov.u32 s9;
	s7 =	sshll.u32 s20, $0x5;
	v5 =	vld [tilespmem:s17+$0x0];
	s9 =	sor.u32 s25, s18  }
0x4b6: {  	s17 =	sor.u32 $0xB00, s7;
	s7 =	smov.u32 s12;
	v8 =	vld [tilespmem:s22+$0x0];
	v7 =	vadd.f32 v15, v9  }
0x4b7: {  	v9 =	vadd.s32 s17, v6;
	v6 =	vld.idx.msk [tilespmem:v13+s1+$0x0], $0xffff  }
0x4b8: {  	s15 =	sadd.s32 $0x40, s15;
	s12 =	sor.u32 s24, s18;
	[tilespmem:s16+$0x0] =	vst v7;
	v7 =	vld.idx.msk [tilespmem:v14+s1+$0x0], $0xffff  }
0x4b9: {  	_ =	sdelay $0x1  }
0x4ba: {  	v10 =	vld [tilespmem:s12+$0x0];
	v3 =	vadd.s32 s17, v3  }
0x4bb: {  	v11 =	vld [tilespmem:s9+$0x0];
	v8 =	vadd.s32 s17, v8  }
0x4bc: {  	s11 =	sor.u32 s11, s18;
	v9 =	vld.idx.msk [tilespmem:v9+s1+$0x0], $0xffff;
	v5 =	vadd.s32 s17, v5  }
0x4bd: {  	s13 =	sor.u32 s13, s18;
	v12 =	vld [tilespmem:s11+$0x0]  }
0x4be: {  	v13 =	vld [tilespmem:s13+$0x0]  }
0x4bf: {  	v3 =	vld.idx.msk [tilespmem:v3+s1+$0x0], $0xffff  }
0x4c0: {  	v1 =	vadd.f32 v1, v4;
	v4 =	vld.idx.msk [tilespmem:v8+s1+$0x0], $0xffff  }
0x4c1: {  	v2 =	vadd.f32 v2, v6;
	v5 =	vld.idx.msk [tilespmem:v5+s1+$0x0], $0xffff  }
0x4c2: {  	[tilespmem:s10+$0x0] =	vst v1;
	v0 =	vadd.f32 v0, v7  }
0x4c3: {  	[tilespmem:s8+$0x0] =	vst v2;
	v1 =	vadd.f32 v13, v9  }
0x4c4: {  	[tilespmem:s7+$0x0] =	vst v0;
	v0 =	vadd.f32 v12, v3  }
0x4c5: {  	s18 =	simm.s32 $0xC40;
	s17 =	simm.s32 $0x6200;
	[tilespmem:s13+$0x0] =	vst v1;
	v1 =	vadd.f32 v11, v4  }
0x4c6: {  	s8 =	sand.u32 $0x3FFFFF80, s18;
	s7 =	sand.u32 $0x40, s17;
	[tilespmem:s11+$0x0] =	vst v0;
	v0 =	vadd.f32 v10, v5  }
0x4c7: {  	s19 =	sadd.s32 $0xC00, s8;
	s8 =	sor.u32 $0x20, s7;
	[tilespmem:s9+$0x0] =	vst v1  }
0x4c8: {  	s20 =	simm.s32 $0xC4;
	s23 =	simm.s32 $0x6200;
	s22 =	sor.u32 s8, s19;
	[tilespmem:s12+$0x0] =	vst v0  }
0x4c9: {  	p1 =	por $0x1, $0x1;
	p0 =	por $0x0, $0x0;
	s10 =	sand.u32 $0x7, s20;
	v0 =	vld [tilespmem:s22+$0x0]  }
.Ltmp23:
0x4ca: {  	s14 =	sshll.u32 s10, $0x7;
	s10 =	sshll.u32 s10, $0x5;
	(pc) =	sbr.rel @!p1 .LBB2_48-.Ltmp23, $4  }
0x4cb: {  	s24 =	sor.u32 $0x30, s7;
	s25 =	sor.u32 s7, s19;
	s12 =	sand.u32 $0x3FFFFC00, s23  }
0x4cc: {  	s15 =	sor.u32 $0x10, s7;
	s9 =	sor.u32 s24, s19;
	s12 =	sor.u32 s14, s12;
	v3 =	vld [tilespmem:s25+$0x0]  }
0x4cd: {  	s26 =	sor.u32 s15, s19;
	v4 =	vld [tilespmem:s9+$0x0];
	s14 =	sor.u32 $0xB00, s10;
	s16 =	sadd.s32 $0xE880, s12  }
0x4ce: {  	v5 =	vld [tilespmem:s26+$0x0];
	s9 =	simm.s32 $0x6240;
	s12 =	sor.u32 s15, s16;
	s13 =	sor.u32 s24, s16;
	v6 =	vadd.s32 s14, v0  }
0x4cf: {  	_ =	sdelay $0x1  }
0x4d0: {  	v0 =	vld [tilespmem:s13+$0x0]  }
0x4d1: {  	s10 =	simm.s32 $0xC48;
	v2 =	vld [tilespmem:s12+$0x0]  }
0x4d2: {  	s11 =	sor.u32 s7, s16;
	s7 =	sand.u32 $0x40, s9;
	v6 =	vld.idx.msk [tilespmem:v6+s1+$0x0], $0xffff;
	s19 =	sand.u32 $0x3FFFFF80, s10  }
0x4d3: {  	s18 =	sor.u32 s8, s16;
	v1 =	vld [tilespmem:s11+$0x0];
	s8 =	sor.u32 $0x20, s7;
	v7 =	vadd.s32 s14, v3;
	s9 =	sadd.s32 $0xC00, s19  }
0x4d4: {  	v9 =	vld [tilespmem:s18+$0x0];
	s20 =	sor.u32 s8, s9;
	v10 =	vadd.s32 s14, v4  }
0x4d5: {  	s15 =	simm.s32 $0xC4;
	s17 =	sor.u32 $0x30, s7;
	s22 =	sor.u32 s7, s9;
	v5 =	vadd.s32 s14, v5;
	v11 =	vld [tilespmem:s20+$0x0]  }
0x4d6: {  	s23 =	simm.s32 $0x6240;
	p1 =	por $0x1, $0x1;
	s25 =	sor.u32 s17, s9;
	v3 =	vld [tilespmem:s22+$0x0]  }
.Ltmp24:
0x4d7: {  	p0 =	por $0x1, $0x1;
	s24 =	sand.u32 $0x7, s15;
	v4 =	vld [tilespmem:s25+$0x0];
	(pc) =	sbr.rel @!p1 .LBB2_51-.Ltmp24, $4  }
0x4d8: {  	s10 =	sand.u32 $0x3FFFFC00, s23;
	s19 =	sshll.u32 s24, $0x7;
	s26 =	sshll.u32 s24, $0x5;
	v7 =	vld.idx.msk [tilespmem:v7+s1+$0x0], $0xffff  }
0x4d9: {  	s10 =	sor.u32 s19, s10;
	s20 =	sor.u32 $0x10, s7;
	s14 =	sor.u32 $0xB00, s26;
	v12 =	vadd.f32 v9, v6;
	v9 =	vld.idx.msk [tilespmem:v10+s1+$0x0], $0xffff  }
0x4da: {  	s15 =	simm.s32 $0x624;
	s16 =	sadd.s32 $0xE880, s10;
	s9 =	sor.u32 s20, s9;
	v8 =	vld.idx.msk [tilespmem:v5+s1+$0x0], $0xffff;
	v6 =	vadd.s32 s14, v11  }
0x4db: {  	s10 =	sor.u32 s20, s16;
	[tilespmem:s18+$0x0] =	vst v12;
	v5 =	vld [tilespmem:s9+$0x0];
	s9 =	sor.u32 s17, s16;
	s17 =	simm.s32 $0x6280  }
.LBB2_50:
0x4dc: {  	s15 =	sadd.s32 $0x4, s15;
	s19 =	sor.u32 s7, s16;
	s18 =	sor.u32 s8, s16;
	v10 =	vld [tilespmem:s9+$0x0]  }
0x4dd: {  	v7 =	vadd.f32 v1, v7;
	s7 =	sshrl.u32 s15, $0x3;
	s8 =	sshll.u32 s15, $0x1;
	s16 =	sshll.u32 s15, $0x4;
	v11 =	vld [tilespmem:s10+$0x0]  }
0x4de: {  	v12 =	vadd.s32 s14, v3;
	s20 =	sand.u32 $0x7, s7;
	s7 =	sand.u32 $0x40, s17;
	s8 =	sand.u32 $0x3FFFFF80, s8;
	v1 =	vld [tilespmem:s19+$0x0]  }
0x4df: {  	v13 =	vadd.s32 s14, v4;
	s22 =	sadd.s32 $0xC00, s8;
	s8 =	sor.u32 $0x20, s7;
	s23 =	sor.u32 $0x30, s7;
	v6 =	vld.idx.msk [tilespmem:v6+s1+$0x0], $0xffff;
	[tilespmem:s11+$0x0] =	vst v7;
	v7 =	vadd.f32 v2, v8  }
0x4e0: {  	s24 =	sor.u32 $0x10, s7;
	v4 =	vadd.f32 v0, v9;
	s11 =	sor.u32 s7, s22;
	s25 =	sor.u32 s8, s22;
	v5 =	vadd.s32 s14, v5;
	v14 =	vld [tilespmem:s18+$0x0]  }
0x4e1: {  	s14 =	sshll.u32 s20, $0x5;
	s26 =	sor.u32 s24, s22;
	s22 =	sor.u32 s23, s22;
	v9 =	vld [tilespmem:s25+$0x0];
	[tilespmem:s12+$0x0] =	vst v7;
	v0 =	vmov v10  }
0x4e2: {  	p1 =	slt.u32 s15, $0xC3C;
	s12 =	sshll.u32 s20, $0x7;
	v3 =	vld [tilespmem:s11+$0x0];
	s11 =	sand.u32 $0x3FFFFC00, s16;
	[tilespmem:s13+$0x0] =	vst v4;
	v2 =	vmov v11  }
.Ltmp25:
0x4e3: {  	s12 =	sor.u32 s12, s11;
	v7 =	vld.idx.msk [tilespmem:v12+s1+$0x0], $0xffff;
	s11 =	smov.u32 s19;
	(pc) =	sbr.rel @p1 .LBB2_50-.Ltmp25, $4  }
0x4e4: {  	s13 =	smov.u32 s9;
	s16 =	sadd.s32 $0xE880, s12;
	v4 =	vld [tilespmem:s22+$0x0];
	s12 =	smov.u32 s10  }
0x4e5: {  	s14 =	sor.u32 $0xB00, s14;
	s10 =	sor.u32 s24, s16;
	v8 =	vld.idx.msk [tilespmem:v5+s1+$0x0], $0xffff;
	v10 =	vadd.f32 v14, v6  }
0x4e6: {  	v6 =	vadd.s32 s14, v9;
	v9 =	vld.idx.msk [tilespmem:v13+s1+$0x0], $0xffff  }
0x4e7: {  	s17 =	sadd.s32 $0x40, s17;
	s9 =	sor.u32 s23, s16;
	v5 =	vld [tilespmem:s26+$0x0];
	[tilespmem:s18+$0x0] =	vst v10  }
.LBB2_51:
0x4e8: {  	_ =	sdelay $0x1  }
0x4e9: {  	v10 =	vld [tilespmem:s9+$0x0];
	v3 =	vadd.s32 s14, v3  }
0x4ea: {  	v11 =	vld [tilespmem:s10+$0x0];
	v4 =	vadd.s32 s14, v4  }
0x4eb: {  	s7 =	sor.u32 s7, s16;
	v6 =	vld.idx.msk [tilespmem:v6+s1+$0x0], $0xffff;
	v5 =	vadd.s32 s14, v5  }
0x4ec: {  	s8 =	sor.u32 s8, s16;
	v12 =	vld [tilespmem:s7+$0x0]  }
0x4ed: {  	v13 =	vld [tilespmem:s8+$0x0]  }
0x4ee: {  	v3 =	vld.idx.msk [tilespmem:v3+s1+$0x0], $0xffff  }
0x4ef: {  	v1 =	vadd.f32 @p0 v1, v7;
	v4 =	vld.idx.msk [tilespmem:v4+s1+$0x0], $0xffff  }
0x4f0: {  	v2 =	vadd.f32 @p0 v2, v8;
	v5 =	vld.idx.msk [tilespmem:v5+s1+$0x0], $0xffff  }
0x4f1: {  	[tilespmem:s11+$0x0] =	vst @p0 v1;
	v0 =	vadd.f32 @p0 v0, v9  }
0x4f2: {  	[tilespmem:s12+$0x0] =	vst @p0 v2;
	v60 =	vadd.f32 v13, v6  }
0x4f3: {  	[tilespmem:s13+$0x0] =	vst @p0 v0;
	v61 =	vadd.f32 v12, v3  }
0x4f4: {  	[tilespmem:s8+$0x0] =	vst v60;
	v63 =	vadd.f32 v10, v4  }
0x4f5: {  	[tilespmem:s7+$0x0] =	vst v61;
	v62 =	vadd.f32 v11, v5  }
0x4f6: {  	[tilespmem:s9+$0x0] =	vst v63  }
0x4f7: {  	[tilespmem:s10+$0x0] =	vst v62  }
0x4f8: {  	s6 =	sadd.s32 $0x1, s6;
	s7 =	rddreg [dreg:$0x1a]  }
0x4f9: {  	[hbm4b:s7+s1] =	stream.linear.scatter [tilespmem:s2], [sflag:$0x4], $0xC400, $0x38;
	[tilespmem:$0x1AC80] =	vst v63  }
0x4fa: {  	p0 =	sne.s32 s6, s30;
	_ =	swait.ge [sflag:s4], $0xC400  }
.Ltmp26:
0x4fb: {  	[sflag:s4] =	ssyncset.done $0x0;
	(pc) =	sbr.rel @p0 .LBB2_1-.Ltmp26, $4  }
.Ltmp27:
0x4fc: {  	[sflag:s4] =	ssyncadd.s32 $0xFFFF3C00;
	(pc) =	sbr.rel @!p0 .LBB2_52-.Ltmp27, $4  }
0x4fd: {  	_ =	swait.ge [sflag:s5], $0xC400  }
0x4fe: {  	[sflag:s5] =	ssyncset.done $0x0  }
0x4ff: {  	[sflag:s5] =	ssyncadd.s32 $0xFFFF3C00  }
0x500: {  	_ = 	snop  }
.LBB2_48:
.Ltmp28:
0x501: {  	(pc) =	sbr.rel .LBB2_51-.Ltmp28, $2  }
0x502: {  	_ =	sdelay $0x2  }
0x503: {  	s9 =	smov.u32 s13;
	s10 =	smov.u32 s12  }
.LBB2_52:
0x504: {  	_ =	sfence.sel $0x180000  }
0x505: {  	[bflag:$0x0] =	sbarrier.arrive $0xFFFF  }
0x506: {  	_ =	strace $0x9000004A  }
0x507: {  	s0 =	stileid.u32;
	[bflag:$0x2] =	sbarrier.arrive $0xFFFF  }
0x508: {  	p0 =	sne.s32 s0, $0x0;
	s0 =	rddreg [dreg:$0x2]  }
0x509: {  	s0 =	sadd.s32 @!p0 $0x100000, s0  }
0x50a: {  	[sflag:s0] =	ssyncadd.tile.s32 @!p0 $0x1;
	_ =	shalt  }
.Lfunc_end2:
_tile_overlayer_lowered:
.L_overlay_start_2:
0x50b: {  	(tag) =	ssettag $0x2  }
0x50c: {  	s0 =	rddreg [dreg:$0x0];
	s2 =	stileid.u32  }
0x50d: {  	s1 =	rddreg [dreg:$0x1];
	p0 =	sne.s32 s2, $0x0  }
0x50e: {  	s3 =	rddreg [dreg:$0x2];
	[bflag:$0x3] =	sbarrier.arrive $0xFFFF;
	s2 =	simm.s32 @!p0 $0x1C05  }
0x50f: {  	[timem:s3], [sflag:s2] =	dma.local @!p0 [hbm:s0], s1  }
0x510: {  	s0 =	simm.s32 @!p0 $0x5  }
0x511: {  	_ =	swait.ge @!p0 [sflag:s0], s1  }
0x512: {  	s1 =	ssub.s32 @!p0 $0x0, s1;
	[sflag:s0] =	ssyncset.done @!p0 $0x0  }
0x513: {  	[sflag:s0] =	ssyncadd.s32 @!p0 s1  }
0x514: {  	[bflag:$0x3] =	sbarrier.arrive $0xFFFF  }
0x515: {  	_ =	shalt  }

// kernel: sparse-core-data-format-call.1.cloned.1.call-start
scs
called_computation.1_lowered:
.L_overlay_start_0:
0x0: {  	s2 =	sld [smem:$0x3FD9]  }
0x1: {  	s3 =	sld [smem:$0x3FFE];
	_ =	sdelay $0x1  }
0x2: {  	s1 =	srdreg.scid  }
0x3: {  	s0 =	sand.u32 $0x1, s1  }
0x4: {  	s18 =	sshll.u32 s0, $0xA;
	s2 =	sadd.s32 s3, s2  }
0x5: {  	s2 =	sadd.s32 s2, s18  }
0x6: {  	[smem:$0x3FC6] =	sst s2  }
0x7: {  	_ = 	snop  }
0x8: {  	s2 =	sld [smem:$0x3FD0];
	(tm) =	ssettm $0x1  }
0x9: {  	s19 =	sld [smem:$0x3FFB];
	_ =	sdelay $0x3  }
0xa: {  	_ =	strace s19  }
0xb: {  	s3 =	sld [smem:$0x3FFC];
	_ =	sdelay $0x3  }
0xc: {  	_ =	strace s3  }
0xd: {  	s3 =	sld [smem:$0x3FFD];
	_ =	sdelay $0x3  }
0xe: {  	_ =	strace s3  }
0xf: {  	_ =	strace $0x8FFFFFFF  }
0x10: {  	s20 =	sld [smem:$0x3FDB];
	_ =	sdelay $0x1  }
0x11: {  	s4 =	simm.s32 $_scs_section_size  }
0x12: {  	s5 =	simm.s32 $_size__tile_overlayer_lowered;
	s6 =	simm.s32 $_tile_overlayer_lowered  }
0x13: {  	s23 =	simm.s32 $0x1BFF;
	s22 =	sshll.u32 s6, $0x1;
	s3 =	sadd.s32 s4, s20  }
0x14: {  	s7 =	simm.s32 $0x0;
	s21 =	sshll.u32 s5, $0x1;
	s5 =	sadd.s32 s22, s3  }
0x15: {  	[timem:s7], [sflag:s23] =	dma.local [hbm:s5], s21  }
0x16: {  	_ =	swait.ge [sflag:s23], s21  }
0x17: {  	s4 =	ssub.s32 $0x0, s21;
	[sflag:s23] =	ssyncset.done $0x0  }
0x18: {  	[sflag:s23] =	ssyncadd.s32 s4;
	_ =	sdelay $0x1  }
0x19: {  	s24 =	simm.s32 $0x1B8B  }
0x1a: {  	_ =	swait.ge [sflag:s24], $0x1  }
0x1b: {  	[sflag:s24] =	ssyncset.done $0x0  }
0x1c: {  	s26 =	simm.s32 $0x1B8E;
	s25 =	sld [smem:$0x3FFE];
	[sflag:s24] =	ssyncadd.s32 $0xFFFFFFFF  }
0x1d: {  	s27 =	simm.s32 $execute0_lowered;
	[smem:$0x3FD2] =	sst s26  }
0x1e: {  	s5 =	sshll.u32 s27, $0x1;
	_ =	strace $0x80000046;
	[dreg:$0x1] =	wrdreg $0xFFFFFFFF  }
0x1f: {  	s28 =	simm.s32 $_size_execute0_lowered;
	s3 =	sadd.s32 s3, s5;
	[dreg:$0x0] =	wrdreg $0x0  }
0x20: {  	s5 =	sshll.u32 s28, $0x1;
	[dreg:$0x2] =	wrdreg s3  }
0x21: {  	[dreg:$0x3] =	wrdreg s5  }
0x22: {  	[dreg:$0x4] =	wrdreg $0xC0  }
0x23: {  	_ =	task [dreg:s7], $0x5FFFF  }
0x24: {  	[dreg:$0x1] =	wrdreg $0xFFFFFFFF  }
0x25: {  	[dreg:$0x0] =	wrdreg $0x60  }
0x26: {  	[dreg:$0x2] =	wrdreg s2  }
0x27: {  	[dreg:$0x3] =	wrdreg s25  }
0x28: {  	[dreg:$0x4] =	wrdreg $0x9  }
0x29: {  	_ =	task.clear_ibuf [dreg:s7], $0x5FFFF;
	_ =	strace $0x90000046  }
0x2a: {  	s29 =	simm.s32 $0x9;
	_ =	strace $0x80000048  }
0x2b: {  	_ =	swait.ge [sflag:s29], $0x1  }
0x2c: {  	[sflag:s29] =	ssyncadd.s32 $0xFFFFFFFF  }
0x2d: {  	_ =	strace $0x90000048  }
0x2e: {  	_ =	sfence  }
0x2f: {  	s30 =	sld [smem:$0x0];
	_ =	sdelay $0x2  }
0x30: {  	s31 =	sshll.u32 s1, $0xD;
	s1 =	sshrl.u32 s1, $0x2  }
0x31: {  	s3 =	sand.u32 $0x4000, s31;
	s1 =	sadd.s32 s1, s30  }
0x32: {  	s0 =	sor.u32 s3, s0;
	s1 =	sshll.u32 s1, $0x11  }
0x33: {  	s0 =	sor.u32 s1, s0  }
0x34: {  	s0 =	sadd.s32 $0x8F2B, s0  }
0x35: {  	[sflag:s0] =	ssyncadd.remote.s32 $0x1  }
0x36: {  	_ =	sfence.sel $0xFFFF  }
0x37: {  	[dreg:$0x0] =	wrdreg $0xFFFFFFFF;
	(pc) =	sbr.abs _section_cstart, $3  }
0x38: {  	[dreg:$0x1] =	wrdreg $0xFFFFFFFF  }
0x39: {  	_ =	task.clear_ibuf [dreg:s7], $0x2FFFF;
	_ =	strace $0x9FFFFFFF  }
0x3a: {  	(tm) =	ssettm $0x7FFFFFFF  }
0x3b: {  	_ =	shalt  }
tec
execute0_lowered:
.L_overlay_start_1:
0x0: {  	(tag) =	ssettag $0x1  }
0x1: {  	s0 =	srdreg.scid;
	s2 =	rddreg [dreg:$0x0]  }
0x2: {  	s6 =	rddreg [dreg:$0x1];
	s7 =	simm.s32 $0x2;
	s15 =	simm.s32 $0x0  }
0x3: {  	s8 =	simm.s32 $0x400;
	s9 =	simm.s32 $0xC400;
	s1 =	sshll.u32 s0, $0x4  }
0x4: {  	s10 =	simm.s32 $0x0;
	s0 =	stileid.u32;
	s1 =	sand.u32 $0x10, s1  }
0x5: {  	s16 =	simm.s32 $0x0;
	s17 =	simm.s32 $0x0;
	s3 =	sor.u32 s0, s1  }
.Ltmp0:
0x6: {  	s12 =	simm.s32 $0x0;
	s4 =	ssub.s32 $0x50, s3;
	(pc) =	sbr.rel .LBB1_1-.Ltmp0, $4  }
0x7: {  	s13 =	simm.s32 $0x0;
	s1 =	rddreg [dreg:$0x2];
	s5 =	sshrl.u32 s4, $0x5  }
0x8: {  	_ =	strace $0x80000047;
	s4 =	simm.s32 $0x1;
	s5 =	smul.u32 $0x18, s5  }
0x9: {  	s14 =	simm.s32 $0x0;
	s6 =	sadd.s32 $0xE00, s6;
	[sflag:s4] =	ssyncpa.u1 $0x0  }
0xa: {  	s11 =	smov.u32 s3;
	[sflag:s7] =	ssyncpa.u1 $0x0;
	s7 =	sor.u32 $0x1, s5  }
.LBB1_7:
0xb: {  	s18 =	sadd.s32 $0x20, s11  }
0xc: {  	s15 =	sadd.s32 $0x8, s12;
	s19 =	smov.u32 s12;
	p1 =	sgt.s32 s18, $0x30  }
0xd: {  	s19 =	smov.u32 @p1 s15  }
0xe: {  	s21 =	smov.u32 s13;
	s15 =	sadd.s32 $0x10, s13;
	p2 =	sgt.s32 s19, $0x7  }
0xf: {  	s21 =	smov.u32 @p2 s15  }
0x10: {  	s18 =	smov.u32 @p1 s3;
	p1 =	sgt.s32 s21, $0x17F  }
0x11: {  	p0 =	slt.u32 s14, $0x2;
	s21 =	simm.s32 @p1 $0x0;
	p1 =	sne.s32 s14, s7  }
.Ltmp1:
0x12: {  	s20 =	simm.s32 @!p0 $0x2;
	(pc) =	sbr.rel @!p1 .LBB1_8-.Ltmp1, $4  }
0x13: {  	s16 =	smov.u32 s12;
	s17 =	smov.u32 s13;
	_ =	swait.ge @!p0 [sflag:s20], $0x4000  }
0x14: {  	s10 =	sadd.s32 $0x4000, s10;
	[sflag:s20] =	ssyncset.done @!p0 $0x0;
	s19 =	simm.s32 @p2 $0x0  }
0x15: {  	s15 =	smov.u32 s11;
	[sflag:s20] =	ssyncadd.s32 @!p0 $0xFFFFC000;
	s11 =	smov.u32 s18  }
0x16: {  	s12 =	smov.u32 s19;
	s14 =	sadd.s32 $0x1, s14;
	s13 =	smov.u32 s21  }
.LBB1_1:
0x17: {  	p0 =	sge.u32 s14, s5  }
0x18: {  	s18 =	sand.u32 @!p0 $0x1FFFFFF, s11;
	s20 =	smul.u32 @!p0 $0x1C00, s13  }
0x19: {  	s19 =	smulhi.u32 @!p0 $0x4924925, s18  }
0x1a: {  	s22 =	smul.u32 @!p0 $0x380, s12  }
0x1b: {  	s19 =	smul.u32 @!p0 $0x38, s19  }
0x1c: {  	s31 =	sadd.s32 $0xFFFFFFFF, s14;
	s20 =	sadd.s32 @!p0 s2, s20  }
0x1d: {  	s21 =	sxor.u32 @!p0 $0xFFFFFFFF, s14;
	s20 =	sadd.s32 @!p0 s22, s20;
	s18 =	ssub.s32 @!p0 s18, s19  }
0x1e: {  	s19 =	sshll.u32 @!p0 s21, $0xE;
	s21 =	simm.s32 @!p0 $0x1C00;
	s18 =	sshll.u32 @!p0 s18, $0x4  }
0x1f: {  	s19 =	sand.u32 @!p0 $0x4000, s19;
	s18 =	sadd.s32 @!p0 s18, s20;
	s20 =	simm.s32 @!p0 $0x80  }
0x20: {  	[tilespmem:s19], [sflag:$0x1] =	stream.strided.gather @!p0 [hbm4b:s18+s20], $0x4000, s21, s20, $0x38;
	[tilespmem:$0x10000] =	vst v63  }
0x21: {  	p0 =	sge.u32 s31, s5  }
.Ltmp2:
0x22: {  	_ = 	snop;
	(pc) =	sbr.rel @p0 .LBB1_7-.Ltmp2, $1  }
0x23: {  	_ =	sdelay $0x3  }
0x24: {  	s18 =	sand.u32 $0x4000, s10  }
0x25: {  	_ =	swait.ge [sflag:s4], $0x4000;
	s21 =	sshll.u32 s14, $0xE;
	s19 =	sor.u32 $0x70, s18  }
0x26: {  	s20 =	sor.u32 $0x8040, s18;
	[sflag:s4] =	ssyncset.done $0x0;
	s31 =	sand.u32 $0x4000, s21  }
0x27: {  	s21 =	simm.s32 $0x0;
	[sflag:s4] =	ssyncadd.s32 $0xFFFFC000;
	s18 =	sor.u32 $0x8000, s31  }
.LBB1_3:
0x28: {  	v1 =	vmov s19;
	_ =	sdelay $0x3  }
0x29: {  	s22 =	simm.s32 $0x0  }
0x2a: {  	v7 =	vld.idx.msk [tilespmem:v1+s22+$0x0 ss:$0x1], $0xffff  }
0x2b: {  	v0 =	vmov s20;
	v8 =	vld.idx.msk [tilespmem:v1+s22+$0xFFFFFF90 ss:$0x1], $0xffff  }
0x2c: {  	v6 =	vld.idx.msk [tilespmem:v1+s22+$0xFFFFFFA0 ss:$0x1], $0xffff  }
0x2d: {  	v5 =	vld.idx.msk [tilespmem:v1+s22+$0xFFFFFFB0 ss:$0x1], $0xffff  }
0x2e: {  	v4 =	vld.idx.msk [tilespmem:v1+s22+$0xFFFFFFC0 ss:$0x1], $0xffff  }
0x2f: {  	v2 =	vld.idx.msk [tilespmem:v1+s22+$0xFFFFFFD0 ss:$0x1], $0xffff  }
0x30: {  	v3 =	vld.idx.msk [tilespmem:v1+s22+$0xFFFFFFE0 ss:$0x1], $0xffff;
	[tilespmem:v0+s22+$0x30 ss:$0x1] =	vst.idx.msk $0xffff, v7  }
0x31: {  	s23 =	simm.s32 $0x80;
	s24 =	simm.s32 $0x400;
	[tilespmem:v0+s22+$0xFFFFFFC0 ss:$0x1] =	vst.idx.msk $0xffff, v8;
	v7 =	vld.idx.msk [tilespmem:v1+s22+$0xFFFFFFF0 ss:$0x1], $0xffff  }
.LBB1_4:
0x32: {  	p0 =	sne.s32 s24, $0xE00;
	v8 =	vld.idx.msk [tilespmem:v1+s23+$0x0 ss:$0x1], $0xffff;
	[tilespmem:v0+s22+$0xFFFFFFD0 ss:$0x1] =	vst.idx.msk $0xffff, v6  }
0x33: {  	v9 =	vld.idx.msk [tilespmem:v1+s23+$0xFFFFFF90 ss:$0x1], $0xffff;
	[tilespmem:v0+s22+$0xFFFFFFE0 ss:$0x1] =	vst.idx.msk $0xffff, v5  }
0x34: {  	v6 =	vld.idx.msk [tilespmem:v1+s23+$0xFFFFFFA0 ss:$0x1], $0xffff;
	[tilespmem:v0+s22+$0xFFFFFFF0 ss:$0x1] =	vst.idx.msk $0xffff, v4  }
.Ltmp3:
0x35: {  	v5 =	vld.idx.msk [tilespmem:v1+s23+$0xFFFFFFB0 ss:$0x1], $0xffff;
	[tilespmem:v0+s22+$0x0 ss:$0x1] =	vst.idx.msk $0xffff, v2;
	(pc) =	sbr.rel @p0 .LBB1_4-.Ltmp3, $4  }
0x36: {  	v4 =	vld.idx.msk [tilespmem:v1+s23+$0xFFFFFFC0 ss:$0x1], $0xffff;
	[tilespmem:v0+s22+$0x10 ss:$0x1] =	vst.idx.msk $0xffff, v3  }
0x37: {  	v2 =	vld.idx.msk [tilespmem:v1+s23+$0xFFFFFFD0 ss:$0x1], $0xffff;
	[tilespmem:v0+s22+$0x20 ss:$0x1] =	vst.idx.msk $0xffff, v7;
	s22 =	smov.u32 s23  }
0x38: {  	v3 =	vld.idx.msk [tilespmem:v1+s22+$0xFFFFFFE0 ss:$0x1], $0xffff;
	[tilespmem:v0+s22+$0x30 ss:$0x1] =	vst.idx.msk $0xffff, v8  }
0x39: {  	s23 =	sshra.s32 s24, $0x2;
	s24 =	sadd.s32 $0x200, s24;
	[tilespmem:v0+s22+$0xFFFFFFC0 ss:$0x1] =	vst.idx.msk $0xffff, v9;
	v7 =	vld.idx.msk [tilespmem:v1+s22+$0xFFFFFFF0 ss:$0x1], $0xffff  }
0x3a: {  	_ =	sdelay $0x3  }
0x3b: {  	[tilespmem:v0+s22+$0xFFFFFFD0 ss:$0x1] =	vst.idx.msk $0xffff, v6  }
0x3c: {  	v56 =	vld.idx.msk [tilespmem:v1+s23+$0x0 ss:$0x1], $0xffff;
	[tilespmem:v0+s22+$0xFFFFFFE0 ss:$0x1] =	vst.idx.msk $0xffff, v5  }
0x3d: {  	v57 =	vld.idx.msk [tilespmem:v1+s23+$0xFFFFFF90 ss:$0x1], $0xffff;
	[tilespmem:v0+s22+$0xFFFFFFF0 ss:$0x1] =	vst.idx.msk $0xffff, v4  }
0x3e: {  	v58 =	vld.idx.msk [tilespmem:v1+s23+$0xFFFFFFA0 ss:$0x1], $0xffff;
	[tilespmem:v0+s22+$0x0 ss:$0x1] =	vst.idx.msk $0xffff, v2  }
0x3f: {  	v59 =	vld.idx.msk [tilespmem:v1+s23+$0xFFFFFFB0 ss:$0x1], $0xffff;
	[tilespmem:v0+s22+$0x10 ss:$0x1] =	vst.idx.msk $0xffff, v3  }
0x40: {  	v60 =	vld.idx.msk [tilespmem:v1+s23+$0xFFFFFFC0 ss:$0x1], $0xffff;
	[tilespmem:v0+s22+$0x20 ss:$0x1] =	vst.idx.msk $0xffff, v7  }
0x41: {  	v61 =	vld.idx.msk [tilespmem:v1+s23+$0xFFFFFFD0 ss:$0x1], $0xffff;
	[tilespmem:v0+s23+$0x30 ss:$0x1] =	vst.idx.msk $0xffff, v56  }
0x42: {  	v62 =	vld.idx.msk [tilespmem:v1+s23+$0xFFFFFFE0 ss:$0x1], $0xffff;
	s21 =	sadd.s32 $0x1, s21;
	[tilespmem:v0+s23+$0xFFFFFFC0 ss:$0x1] =	vst.idx.msk $0xffff, v57  }
0x43: {  	v63 =	vld.idx.msk [tilespmem:v1+s23+$0xFFFFFFF0 ss:$0x1], $0xffff;
	p0 =	sne.s32 s21, $0x10;
	[tilespmem:v0+s23+$0xFFFFFFD0 ss:$0x1] =	vst.idx.msk $0xffff, v58  }
.Ltmp4:
0x44: {  	[tilespmem:v0+s23+$0xFFFFFFE0 ss:$0x1] =	vst.idx.msk $0xffff, v59;
	(pc) =	sbr.rel @p0 .LBB1_3-.Ltmp4, $4  }
0x45: {  	[tilespmem:v0+s23+$0xFFFFFFF0 ss:$0x1] =	vst.idx.msk $0xffff, v60  }
0x46: {  	[tilespmem:v0+s23+$0x0 ss:$0x1] =	vst.idx.msk $0xffff, v61  }
0x47: {  	[tilespmem:v0+s23+$0x10 ss:$0x1] =	vst.idx.msk $0xffff, v62  }
0x48: {  	s19 =	sadd.s32 $0x400, s19;
	s20 =	sadd.s32 $0x400, s20;
	[tilespmem:v0+s23+$0x20 ss:$0x1] =	vst.idx.msk $0xffff, v63  }
0x49: {  	s17 =	smul.u32 $0x1880, s17  }
.Ltmp5:
0x4a: {  	_ = 	snop;
	(pc) =	sbr.rel .LBB1_7-.Ltmp5, $4  }
0x4b: {  	s15 =	sshll.u32 s15, $0x7;
	s16 =	sshll.u32 s16, $0x4;
	s17 =	sadd.s32 s6, s17  }
0x4c: {  	s16 =	sand.u32 $0x70, s16;
	s15 =	sadd.s32 s15, s17  }
0x4d: {  	s15 =	sadd.s32 s16, s15  }
0x4e: {  	[hbm4b:s15+s8] =	stream.strided.scatter [tilespmem:s18], [sflag:$0x2], $0x4000, s9, s8, $0x38;
	[tilespmem:$0x10000] =	vst v63  }
.LBB1_8:
0x4f: {  	_ =	sfence.sel $0x180000  }
0x50: {  	s2 =	simm.s32 $0x1;
	[bflag:$0x0] =	sbarrier.arrive $0xFFFF  }
0x51: {  	s31 =	simm.s32 $0x2;
	[sflag:s2] =	ssyncpa.u1 $0x1  }
0x52: {  	[sflag:s31] =	ssyncpa.u1 $0x1  }
0x53: {  	p0 =	sne.s32 s0, $0x0;
	_ =	strace $0x90000047  }
0x54: {  	s0 =	sadd.s32 @!p0 $0x100000, s1;
	[bflag:$0x2] =	sbarrier.arrive $0xFFFF  }
0x55: {  	[sflag:s0] =	ssyncadd.tile.s32 @!p0 $0x1;
	_ =	shalt  }
.Lfunc_end1:
_tile_overlayer_lowered:
.L_overlay_start_2:
0x56: {  	(tag) =	ssettag $0x2  }
0x57: {  	s0 =	rddreg [dreg:$0x0];
	s2 =	stileid.u32  }
0x58: {  	s1 =	rddreg [dreg:$0x1];
	p0 =	sne.s32 s2, $0x0  }
0x59: {  	s3 =	rddreg [dreg:$0x2];
	[bflag:$0x3] =	sbarrier.arrive $0xFFFF;
	s2 =	simm.s32 @!p0 $0x1C01  }
0x5a: {  	[timem:s3], [sflag:s2] =	dma.local @!p0 [hbm:s0], s1  }
0x5b: {  	s0 =	simm.s32 @!p0 $0x1  }
0x5c: {  	_ =	swait.ge @!p0 [sflag:s0], s1  }
0x5d: {  	s1 =	ssub.s32 @!p0 $0x0, s1;
	[sflag:s0] =	ssyncset.done @!p0 $0x0  }
0x5e: {  	[sflag:s0] =	ssyncadd.s32 @!p0 s1  }
0x5f: {  	[bflag:$0x3] =	sbarrier.arrive $0xFFFF  }
0x60: {  	_ =	shalt  }

// kernel: sparse-core-data-format-call.cloned.1.call-start
scs
called_computation_lowered:
.L_overlay_start_0:
0x0: {  	s2 =	sld [smem:$0x3FD9]  }
0x1: {  	s3 =	sld [smem:$0x3FFE];
	_ =	sdelay $0x1  }
0x2: {  	s1 =	srdreg.scid  }
0x3: {  	s0 =	sand.u32 $0x1, s1  }
0x4: {  	s18 =	sshll.u32 s0, $0xA;
	s2 =	sadd.s32 s3, s2  }
0x5: {  	s2 =	sadd.s32 s2, s18  }
0x6: {  	[smem:$0x3FC6] =	sst s2  }
0x7: {  	_ = 	snop  }
0x8: {  	s2 =	sld [smem:$0x3FD0];
	(tm) =	ssettm $0x1  }
0x9: {  	s19 =	sld [smem:$0x3FFB];
	_ =	sdelay $0x3  }
0xa: {  	_ =	strace s19  }
0xb: {  	s3 =	sld [smem:$0x3FFC];
	_ =	sdelay $0x3  }
0xc: {  	_ =	strace s3  }
0xd: {  	s3 =	sld [smem:$0x3FFD];
	_ =	sdelay $0x3  }
0xe: {  	_ =	strace s3  }
0xf: {  	_ =	strace $0x8FFFFFFF  }
0x10: {  	s20 =	sld [smem:$0x3FDB];
	_ =	sdelay $0x1  }
0x11: {  	s4 =	simm.s32 $_scs_section_size  }
0x12: {  	s5 =	simm.s32 $_size__tile_overlayer_lowered;
	s6 =	simm.s32 $_tile_overlayer_lowered  }
0x13: {  	s23 =	simm.s32 $0x1BFF;
	s22 =	sshll.u32 s6, $0x1;
	s3 =	sadd.s32 s4, s20  }
0x14: {  	s7 =	simm.s32 $0x0;
	s21 =	sshll.u32 s5, $0x1;
	s5 =	sadd.s32 s22, s3  }
0x15: {  	[timem:s7], [sflag:s23] =	dma.local [hbm:s5], s21  }
0x16: {  	_ =	swait.ge [sflag:s23], s21  }
0x17: {  	s4 =	ssub.s32 $0x0, s21;
	[sflag:s23] =	ssyncset.done $0x0  }
0x18: {  	[sflag:s23] =	ssyncadd.s32 s4;
	_ =	sdelay $0x1  }
0x19: {  	s24 =	simm.s32 $0x1B8B  }
0x1a: {  	_ =	swait.ge [sflag:s24], $0x1  }
0x1b: {  	[sflag:s24] =	ssyncset.done $0x0  }
0x1c: {  	s26 =	simm.s32 $0x1B8E;
	s25 =	sld [smem:$0x3FFE];
	[sflag:s24] =	ssyncadd.s32 $0xFFFFFFFF  }
0x1d: {  	s27 =	simm.s32 $execute0_lowered;
	[smem:$0x3FD2] =	sst s26  }
0x1e: {  	s5 =	sshll.u32 s27, $0x1;
	_ =	strace $0x8000004C;
	[dreg:$0x1] =	wrdreg $0xFFFFFFFF  }
0x1f: {  	s28 =	simm.s32 $_size_execute0_lowered;
	s3 =	sadd.s32 s3, s5;
	[dreg:$0x0] =	wrdreg $0x0  }
0x20: {  	s5 =	sshll.u32 s28, $0x1;
	[dreg:$0x2] =	wrdreg s3  }
0x21: {  	[dreg:$0x3] =	wrdreg s5  }
0x22: {  	[dreg:$0x4] =	wrdreg $0xC0  }
0x23: {  	_ =	task [dreg:s7], $0x5FFFF  }
0x24: {  	[dreg:$0x1] =	wrdreg $0xFFFFFFFF  }
0x25: {  	[dreg:$0x0] =	wrdreg $0x60  }
0x26: {  	[dreg:$0x2] =	wrdreg s2  }
0x27: {  	[dreg:$0x3] =	wrdreg s25  }
0x28: {  	[dreg:$0x4] =	wrdreg $0x9  }
0x29: {  	_ =	task.clear_ibuf [dreg:s7], $0x5FFFF;
	_ =	strace $0x9000004C  }
0x2a: {  	s29 =	simm.s32 $0x9;
	_ =	strace $0x8000004E  }
0x2b: {  	_ =	swait.ge [sflag:s29], $0x1  }
0x2c: {  	[sflag:s29] =	ssyncadd.s32 $0xFFFFFFFF  }
0x2d: {  	_ =	strace $0x9000004E  }
0x2e: {  	_ =	sfence  }
0x2f: {  	s30 =	sld [smem:$0x0];
	_ =	sdelay $0x2  }
0x30: {  	s31 =	sshll.u32 s1, $0xD;
	s1 =	sshrl.u32 s1, $0x2  }
0x31: {  	s3 =	sand.u32 $0x4000, s31;
	s1 =	sadd.s32 s1, s30  }
0x32: {  	s0 =	sor.u32 s3, s0;
	s1 =	sshll.u32 s1, $0x11  }
0x33: {  	s0 =	sor.u32 s1, s0  }
0x34: {  	s0 =	sadd.s32 $0x8F2B, s0  }
0x35: {  	[sflag:s0] =	ssyncadd.remote.s32 $0x1  }
0x36: {  	_ =	sfence.sel $0xFFFF  }
0x37: {  	[dreg:$0x0] =	wrdreg $0xFFFFFFFF;
	(pc) =	sbr.abs _section_cstart, $3  }
0x38: {  	[dreg:$0x1] =	wrdreg $0xFFFFFFFF  }
0x39: {  	_ =	task.clear_ibuf [dreg:s7], $0x2FFFF;
	_ =	strace $0x9FFFFFFF  }
0x3a: {  	(tm) =	ssettm $0x7FFFFFFF  }
0x3b: {  	_ =	shalt  }
tec
execute0_lowered:
.L_overlay_start_1:
0x0: {  	(tag) =	ssettag $0x1  }
0x1: {  	s2 =	rddreg [dreg:$0x0]  }
0x2: {  	s0 =	srdreg.scid;
	s6 =	rddreg [dreg:$0x1]  }
0x3: {  	s7 =	simm.s32 $0x2;
	s14 =	simm.s32 $0x0;
	s1 =	sshll.u32 s0, $0x4  }
0x4: {  	s8 =	simm.s32 $0x80;
	s0 =	stileid.u32;
	s1 =	sand.u32 $0x10, s1  }
0x5: {  	s9 =	simm.s32 $0x1C00;
	s10 =	simm.s32 $0x0;
	s3 =	sor.u32 s0, s1  }
.Ltmp0:
0x6: {  	s15 =	simm.s32 $0x0;
	s4 =	ssub.s32 $0x50, s3;
	(pc) =	sbr.rel .LBB1_1-.Ltmp0, $4  }
0x7: {  	s12 =	simm.s32 $0x0;
	s1 =	rddreg [dreg:$0x2];
	s5 =	sshrl.u32 s4, $0x5  }
0x8: {  	_ =	strace $0x8000004D;
	s4 =	simm.s32 $0x1;
	s5 =	smul.u32 $0x18, s5  }
0x9: {  	s13 =	simm.s32 $0x0;
	s6 =	sadd.s32 $0xE00, s6;
	[sflag:s4] =	ssyncpa.u1 $0x0  }
0xa: {  	s11 =	smov.u32 s3;
	[sflag:s7] =	ssyncpa.u1 $0x0;
	s7 =	sor.u32 $0x1, s5  }
.LBB1_7:
0xb: {  	s16 =	sadd.s32 $0x20, s11  }
0xc: {  	s14 =	sadd.s32 $0x10, s12;
	s18 =	smov.u32 s12;
	p1 =	sgt.s32 s16, $0x30  }
0xd: {  	s18 =	smov.u32 @p1 s14  }
0xe: {  	s16 =	smov.u32 @p1 s3;
	p1 =	sgt.s32 s18, $0x17F  }
0xf: {  	s18 =	simm.s32 @p1 $0x0;
	p1 =	sne.s32 s13, s7  }
.Ltmp1:
0x10: {  	p0 =	slt.u32 s13, $0x2;
	(pc) =	sbr.rel @!p1 .LBB1_8-.Ltmp1, $4  }
0x11: {  	s17 =	simm.s32 @!p0 $0x2  }
0x12: {  	s15 =	smov.u32 s12;
	s10 =	sadd.s32 $0x4000, s10;
	_ =	swait.ge @!p0 [sflag:s17], $0x4000  }
0x13: {  	s14 =	smov.u32 s11;
	[sflag:s17] =	ssyncset.done @!p0 $0x0;
	s11 =	smov.u32 s16  }
0x14: {  	s13 =	sadd.s32 $0x1, s13;
	[sflag:s17] =	ssyncadd.s32 @!p0 $0xFFFFC000;
	s12 =	smov.u32 s18  }
.LBB1_1:
0x15: {  	p0 =	sge.u32 s13, s5  }
0x16: {  	s17 =	smul.u32 @!p0 $0x1880, s12  }
0x17: {  	s31 =	sadd.s32 $0xFFFFFFFF, s13;
	s16 =	sxor.u32 @!p0 $0xFFFFFFFF, s13;
	s18 =	sshll.u32 @!p0 s11, $0x7  }
0x18: {  	s19 =	simm.s32 @!p0 $0xC400;
	s16 =	sshll.u32 @!p0 s16, $0xE;
	s17 =	sadd.s32 @!p0 s2, s17  }
0x19: {  	s16 =	sand.u32 @!p0 $0x4000, s16;
	s17 =	sadd.s32 @!p0 s18, s17;
	s18 =	simm.s32 @!p0 $0x400  }
0x1a: {  	[tilespmem:s16], [sflag:$0x1] =	stream.strided.gather @!p0 [hbm4b:s17+s18], $0x4000, s19, s18, $0x38;
	[tilespmem:$0x10000] =	vst v63  }
0x1b: {  	p0 =	sge.u32 s31, s5  }
.Ltmp2:
0x1c: {  	_ = 	snop;
	(pc) =	sbr.rel @p0 .LBB1_7-.Ltmp2, $1  }
0x1d: {  	_ =	sdelay $0x3  }
0x1e: {  	s16 =	sand.u32 $0x4000, s10  }
0x1f: {  	_ =	swait.ge [sflag:s4], $0x4000;
	s19 =	sshll.u32 s13, $0xE;
	s17 =	sor.u32 $0x70, s16  }
0x20: {  	s18 =	sor.u32 $0x8040, s16;
	[sflag:s4] =	ssyncset.done $0x0;
	s31 =	sand.u32 $0x4000, s19  }
0x21: {  	s19 =	simm.s32 $0x0;
	[sflag:s4] =	ssyncadd.s32 $0xFFFFC000;
	s16 =	sor.u32 $0x8000, s31  }
.LBB1_3:
0x22: {  	v1 =	vmov s17;
	_ =	sdelay $0x3  }
0x23: {  	s20 =	simm.s32 $0x0  }
0x24: {  	v7 =	vld.idx.msk [tilespmem:v1+s20+$0x0 ss:$0x1], $0xffff  }
0x25: {  	v0 =	vmov s18;
	v8 =	vld.idx.msk [tilespmem:v1+s20+$0xFFFFFF90 ss:$0x1], $0xffff  }
0x26: {  	v6 =	vld.idx.msk [tilespmem:v1+s20+$0xFFFFFFA0 ss:$0x1], $0xffff  }
0x27: {  	v5 =	vld.idx.msk [tilespmem:v1+s20+$0xFFFFFFB0 ss:$0x1], $0xffff  }
0x28: {  	v4 =	vld.idx.msk [tilespmem:v1+s20+$0xFFFFFFC0 ss:$0x1], $0xffff  }
0x29: {  	v2 =	vld.idx.msk [tilespmem:v1+s20+$0xFFFFFFD0 ss:$0x1], $0xffff  }
0x2a: {  	v3 =	vld.idx.msk [tilespmem:v1+s20+$0xFFFFFFE0 ss:$0x1], $0xffff;
	[tilespmem:v0+s20+$0x30 ss:$0x1] =	vst.idx.msk $0xffff, v7  }
0x2b: {  	s21 =	simm.s32 $0x80;
	s22 =	simm.s32 $0x400;
	[tilespmem:v0+s20+$0xFFFFFFC0 ss:$0x1] =	vst.idx.msk $0xffff, v8;
	v7 =	vld.idx.msk [tilespmem:v1+s20+$0xFFFFFFF0 ss:$0x1], $0xffff  }
.LBB1_4:
0x2c: {  	p0 =	sne.s32 s22, $0xE00;
	v8 =	vld.idx.msk [tilespmem:v1+s21+$0x0 ss:$0x1], $0xffff;
	[tilespmem:v0+s20+$0xFFFFFFD0 ss:$0x1] =	vst.idx.msk $0xffff, v6  }
0x2d: {  	v9 =	vld.idx.msk [tilespmem:v1+s21+$0xFFFFFF90 ss:$0x1], $0xffff;
	[tilespmem:v0+s20+$0xFFFFFFE0 ss:$0x1] =	vst.idx.msk $0xffff, v5  }
0x2e: {  	v6 =	vld.idx.msk [tilespmem:v1+s21+$0xFFFFFFA0 ss:$0x1], $0xffff;
	[tilespmem:v0+s20+$0xFFFFFFF0 ss:$0x1] =	vst.idx.msk $0xffff, v4  }
.Ltmp3:
0x2f: {  	v5 =	vld.idx.msk [tilespmem:v1+s21+$0xFFFFFFB0 ss:$0x1], $0xffff;
	[tilespmem:v0+s20+$0x0 ss:$0x1] =	vst.idx.msk $0xffff, v2;
	(pc) =	sbr.rel @p0 .LBB1_4-.Ltmp3, $4  }
0x30: {  	v4 =	vld.idx.msk [tilespmem:v1+s21+$0xFFFFFFC0 ss:$0x1], $0xffff;
	[tilespmem:v0+s20+$0x10 ss:$0x1] =	vst.idx.msk $0xffff, v3  }
0x31: {  	v2 =	vld.idx.msk [tilespmem:v1+s21+$0xFFFFFFD0 ss:$0x1], $0xffff;
	[tilespmem:v0+s20+$0x20 ss:$0x1] =	vst.idx.msk $0xffff, v7;
	s20 =	smov.u32 s21  }
0x32: {  	v3 =	vld.idx.msk [tilespmem:v1+s20+$0xFFFFFFE0 ss:$0x1], $0xffff;
	[tilespmem:v0+s20+$0x30 ss:$0x1] =	vst.idx.msk $0xffff, v8  }
0x33: {  	s21 =	sshra.s32 s22, $0x2;
	s22 =	sadd.s32 $0x200, s22;
	[tilespmem:v0+s20+$0xFFFFFFC0 ss:$0x1] =	vst.idx.msk $0xffff, v9;
	v7 =	vld.idx.msk [tilespmem:v1+s20+$0xFFFFFFF0 ss:$0x1], $0xffff  }
0x34: {  	_ =	sdelay $0x3  }
0x35: {  	[tilespmem:v0+s20+$0xFFFFFFD0 ss:$0x1] =	vst.idx.msk $0xffff, v6  }
0x36: {  	v56 =	vld.idx.msk [tilespmem:v1+s21+$0x0 ss:$0x1], $0xffff;
	[tilespmem:v0+s20+$0xFFFFFFE0 ss:$0x1] =	vst.idx.msk $0xffff, v5  }
0x37: {  	v57 =	vld.idx.msk [tilespmem:v1+s21+$0xFFFFFF90 ss:$0x1], $0xffff;
	[tilespmem:v0+s20+$0xFFFFFFF0 ss:$0x1] =	vst.idx.msk $0xffff, v4  }
0x38: {  	v58 =	vld.idx.msk [tilespmem:v1+s21+$0xFFFFFFA0 ss:$0x1], $0xffff;
	[tilespmem:v0+s20+$0x0 ss:$0x1] =	vst.idx.msk $0xffff, v2  }
0x39: {  	v59 =	vld.idx.msk [tilespmem:v1+s21+$0xFFFFFFB0 ss:$0x1], $0xffff;
	[tilespmem:v0+s20+$0x10 ss:$0x1] =	vst.idx.msk $0xffff, v3  }
0x3a: {  	v60 =	vld.idx.msk [tilespmem:v1+s21+$0xFFFFFFC0 ss:$0x1], $0xffff;
	[tilespmem:v0+s20+$0x20 ss:$0x1] =	vst.idx.msk $0xffff, v7  }
0x3b: {  	v61 =	vld.idx.msk [tilespmem:v1+s21+$0xFFFFFFD0 ss:$0x1], $0xffff;
	[tilespmem:v0+s21+$0x30 ss:$0x1] =	vst.idx.msk $0xffff, v56  }
0x3c: {  	v62 =	vld.idx.msk [tilespmem:v1+s21+$0xFFFFFFE0 ss:$0x1], $0xffff;
	s19 =	sadd.s32 $0x1, s19;
	[tilespmem:v0+s21+$0xFFFFFFC0 ss:$0x1] =	vst.idx.msk $0xffff, v57  }
0x3d: {  	v63 =	vld.idx.msk [tilespmem:v1+s21+$0xFFFFFFF0 ss:$0x1], $0xffff;
	p0 =	sne.s32 s19, $0x10;
	[tilespmem:v0+s21+$0xFFFFFFD0 ss:$0x1] =	vst.idx.msk $0xffff, v58  }
.Ltmp4:
0x3e: {  	[tilespmem:v0+s21+$0xFFFFFFE0 ss:$0x1] =	vst.idx.msk $0xffff, v59;
	(pc) =	sbr.rel @p0 .LBB1_3-.Ltmp4, $4  }
0x3f: {  	[tilespmem:v0+s21+$0xFFFFFFF0 ss:$0x1] =	vst.idx.msk $0xffff, v60  }
0x40: {  	[tilespmem:v0+s21+$0x0 ss:$0x1] =	vst.idx.msk $0xffff, v61  }
0x41: {  	[tilespmem:v0+s21+$0x10 ss:$0x1] =	vst.idx.msk $0xffff, v62  }
0x42: {  	s17 =	sadd.s32 $0x400, s17;
	s18 =	sadd.s32 $0x400, s18;
	[tilespmem:v0+s21+$0x20 ss:$0x1] =	vst.idx.msk $0xffff, v63  }
0x43: {  	s14 =	sand.u32 $0x1FFFFFF, s14  }
0x44: {  	s17 =	smulhi.u32 $0x4924925, s14  }
0x45: {  	s15 =	smul.u32 $0x1C00, s15  }
0x46: {  	s17 =	smul.u32 $0x38, s17  }
.Ltmp5:
0x47: {  	_ = 	snop;
	(pc) =	sbr.rel .LBB1_7-.Ltmp5, $4  }
0x48: {  	s14 =	ssub.s32 s14, s17  }
0x49: {  	s15 =	sadd.s32 s6, s15;
	s14 =	sshll.u32 s14, $0x4  }
0x4a: {  	s14 =	sadd.s32 s14, s15  }
0x4b: {  	[hbm4b:s14+s8] =	stream.strided.scatter [tilespmem:s16], [sflag:$0x2], $0x4000, s9, s8, $0x38;
	[tilespmem:$0x10000] =	vst v63  }
.LBB1_8:
0x4c: {  	_ =	sfence.sel $0x180000  }
0x4d: {  	s2 =	simm.s32 $0x1;
	[bflag:$0x0] =	sbarrier.arrive $0xFFFF  }
0x4e: {  	s31 =	simm.s32 $0x2;
	[sflag:s2] =	ssyncpa.u1 $0x1  }
0x4f: {  	[sflag:s31] =	ssyncpa.u1 $0x1  }
0x50: {  	p0 =	sne.s32 s0, $0x0;
	_ =	strace $0x9000004D  }
0x51: {  	s0 =	sadd.s32 @!p0 $0x100000, s1;
	[bflag:$0x2] =	sbarrier.arrive $0xFFFF  }
0x52: {  	[sflag:s0] =	ssyncadd.tile.s32 @!p0 $0x1;
	_ =	shalt  }
.Lfunc_end1:
_tile_overlayer_lowered:
.L_overlay_start_2:
0x53: {  	(tag) =	ssettag $0x2  }
0x54: {  	s0 =	rddreg [dreg:$0x0];
	s2 =	stileid.u32  }
0x55: {  	s1 =	rddreg [dreg:$0x1];
	p0 =	sne.s32 s2, $0x0  }
0x56: {  	s3 =	rddreg [dreg:$0x2];
	[bflag:$0x3] =	sbarrier.arrive $0xFFFF;
	s2 =	simm.s32 @!p0 $0x1C01  }
0x57: {  	[timem:s3], [sflag:s2] =	dma.local @!p0 [hbm:s0], s1  }
0x58: {  	s0 =	simm.s32 @!p0 $0x1  }
0x59: {  	_ =	swait.ge @!p0 [sflag:s0], s1  }
0x5a: {  	s1 =	ssub.s32 @!p0 $0x0, s1;
	[sflag:s0] =	ssyncset.done @!p0 $0x0  }
0x5b: {  	[sflag:s0] =	ssyncadd.s32 @!p0 s1  }
0x5c: {  	[bflag:$0x3] =	sbarrier.arrive $0xFFFF  }
0x5d: {  	_ =	shalt  }

</sc_bundles>
